<compile_context>
chip_gen: v7x
topology: tpu7x:2x2x1
jax: 0.10.2.dev20260603
libtpu: 0.0.44.dev20260713+nightly
codegen_flags: <defaults>
</compile_context>

<pallas_src>
import dataclasses
import functools

import jax
import jax.numpy as jnp
from jax import lax
from jax.experimental import pallas as pl
from jax.experimental.pallas import tpu as pltpu
from jax.experimental.pallas import tpu_sc as plsc

D0, D1 = 2048, 2048
N = D0 * D1
K_KEEP = N // 2
RB = 256
NB = D0 // RB

NC, NS, LANES = 2, 16, 16
NW = NC * NS
CHUNK = N // NW
SUB = 2 * D1
NSUB = CHUNK // SUB
NV = D1 // LANES

L2_BINS = 2048
L3_BINS = 512


def _norm_body(x_ref, norm_ref):
    i = pl.program_id(0)

    @pl.when(i == 0)
    def _():
        norm_ref[...] = jnp.zeros_like(norm_ref)

    xx = x_ref[...]
    norm_ref[...] += jnp.sum(xx * xx, axis=0, keepdims=True)

    @pl.when(i == NB - 1)
    def _():
        norm_ref[...] = jnp.sqrt(norm_ref[...])


def _suffix_select(cnt_ref, nbv, k_needed):

    def step(j, carry):
        cnt_ge, s_hi, tot = carry
        jj = nbv - 1 - j
        v = cnt_ref[pl.ds(jj * 16, 16)]
        suf = lax.rev(lax.cumsum(lax.rev(v, (0,)), axis=0), (0,)) + tot
        ge = suf >= k_needed
        cnt_ge = cnt_ge + jnp.sum(ge.astype(jnp.int32))
        s_hi = s_hi + jnp.sum(jnp.where(ge, jnp.int32(0), v))
        tot = tot + jnp.sum(v)
        return cnt_ge, s_hi, tot

    z = jnp.int32(0)
    cnt_ge, s_hi, _ = lax.fori_loop(0, nbv, step, (z, z, z))
    return cnt_ge - 1, k_needed - s_hi


def _make_sc_pass(level):
    nbins = L3_BINS if level == 3 else L2_BINS
    nbv = nbins // 16
    scratch = [
        pltpu.VMEM((D1,), jnp.float32),
        pltpu.VMEM((SUB,), jnp.float32),
        pltpu.VMEM((SUB,), jnp.float32),
        pltpu.VMEM((16 * nbins,), jnp.int32),
        pltpu.VMEM((nbins,), jnp.int32),
        pltpu.SemaphoreType.DMA,
        pltpu.SemaphoreType.DMA,
    ]
    if level >= 2:
        scratch += [
            pltpu.VMEM((NW * L2_BINS,), jnp.int32),
            pltpu.VMEM((L2_BINS,), jnp.int32),
            pltpu.VMEM((16,), jnp.int32),
        ]
    mesh = plsc.VectorSubcoreMesh(core_axis_name="c", subcore_axis_name="s")
    out_type = jax.ShapeDtypeStruct((NC, NS, nbins), jnp.int32)
    if level == 2:
        out_type = [out_type, jax.ShapeDtypeStruct((16,), jnp.int32)]

    def body(*refs):
        if level == 1:
            (w_hbm, norm_hbm, out_hbm,
             norm_v, buf0, buf1, hist_v, merged_v, sem0, sem1) = refs
        elif level == 2:
            (w_hbm, norm_hbm, h1_hbm, out_hbm, pk_hbm,
             norm_v, buf0, buf1, hist_v, merged_v, sem0, sem1,
             hp_v, cnt_v, pk_v) = refs
        else:
            (w_hbm, norm_hbm, pk_hbm, h2_hbm, out_hbm,
             norm_v, buf0, buf1, hist_v, merged_v, sem0, sem1,
             hp_v, cnt_v, pk_v) = refs

        cid = lax.axis_index("c")
        sid = lax.axis_index("s")
        base = (cid * NS + sid) * CHUNK
        lane_iota = lax.iota(jnp.int32, 16)

        pltpu.sync_copy(norm_hbm, norm_v)

        def reduce_hist(h_hbm):
            pltpu.sync_copy(h_hbm, hp_v)

            @pl.loop(0, L2_BINS // 16)
            def _(j):
                vals = [hp_v[pl.ds(t * L2_BINS + j * 16, 16)]
                        for t in range(NW)]
                while len(vals) > 1:
                    vals = [vals[i] + vals[i + 1]
                            for i in range(0, len(vals), 2)]
                cnt_v[pl.ds(j * 16, 16)] = vals[0]

        if level == 2:
            reduce_hist(h1_hbm)
            p1, k2 = _suffix_select(cnt_v, L2_BINS // 16, jnp.int32(K_KEEP))
            prefix = p1
            pk_v[...] = jnp.where(lane_iota == 0, p1,
                                  jnp.where(lane_iota == 1, k2, 0))

            @pl.when(jnp.logical_and(cid == 0, sid == 0))
            def _():
                pltpu.sync_copy(pk_v, pk_hbm)
        elif level == 3:
            pltpu.sync_copy(pk_hbm, pk_v)
            pk = pk_v[...]
            p1 = jnp.sum(jnp.where(lane_iota == 0, pk, 0))
            k2 = jnp.sum(jnp.where(lane_iota == 1, pk, 0))
            reduce_hist(h2_hbm)
            p2, _ = _suffix_select(cnt_v, L2_BINS // 16, k2)
            prefix = p1 * 2048 + p2

        @pl.loop(0, nbv * 16, step=8)
        def _(i):
            for u in range(8):
                hist_v[pl.ds((i + u) * 16, 16)] = jnp.zeros((16,), jnp.int32)

        lane_base = lax.iota(jnp.int32, 16) * nbins
        ones = jnp.ones((16,), jnp.int32)

        UNROLL = 8
        ROWS = SUB // D1

        def process(buf):
            @pl.loop(0, NV, step=UNROLL)
            def _(c0):
                offs = [(c0 + u) * 16 for u in range(UNROLL)]
                nvs = [norm_v[pl.ds(off, 16)] for off in offs]
                wvs = [buf[pl.ds(r * D1 + off, 16)]
                       for off in offs for r in range(ROWS)]
                bs = [lax.bitcast_convert_type(jnp.abs(wv) * nvs[i // ROWS],
                                               jnp.int32)
                      for i, wv in enumerate(wvs)]
                if level == 1:
                    idxs = [jnp.bitwise_or(lax.shift_right_logical(b, 20),
                                           lane_base)
                            for b in bs]
                    for idx in idxs:
                        plsc.addupdate_scatter(hist_v, [idx], ones)
                elif level == 2:
                    matches = [lax.shift_right_logical(b, 20) == prefix
                               for b in bs]
                    idxs = [jnp.bitwise_and(lax.shift_right_logical(b, 9),
                                            L2_BINS - 1) + lane_base
                            for b in bs]
                    for idx, match in zip(idxs, matches):
                        plsc.addupdate_scatter(hist_v, [idx], ones, mask=match)
                else:
                    matches = [lax.shift_right_logical(b, 9) == prefix
                               for b in bs]
                    idxs = [jnp.bitwise_and(b, L3_BINS - 1) + lane_base
                            for b in bs]
                    for idx, match in zip(idxs, matches):
                        plsc.addupdate_scatter(hist_v, [idx], ones, mask=match)

        pltpu.async_copy(w_hbm.at[pl.ds(base, SUB)], buf0, sem0)
        pltpu.async_copy(w_hbm.at[pl.ds(base + SUB, SUB)], buf1, sem1)

        @pl.loop(0, NSUB // 2)
        def _(s):
            for bi in range(2):
                buf = (buf0, buf1)[bi]
                sem = (sem0, sem1)[bi]
                cur = s * 2 + bi
                pltpu.make_async_copy(
                    w_hbm.at[pl.ds(base + cur * SUB, SUB)], buf, sem).wait()
                process(buf)

                @pl.when(cur + 2 < NSUB)
                def _():
                    pltpu.async_copy(
                        w_hbm.at[pl.ds(base + (cur + 2) * SUB, SUB)], buf, sem)

        @pl.loop(0, nbv, step=2)
        def _(j0):
            for j in (j0, j0 + 1):
                vals = [hist_v[pl.ds(l * nbins + j * 16, 16)]
                        for l in range(16)]
                while len(vals) > 1:
                    vals = [vals[i] + vals[i + 1]
                            for i in range(0, len(vals), 2)]
                merged_v[pl.ds(j * 16, 16)] = vals[0]

        pltpu.sync_copy(merged_v, out_hbm.at[cid, sid])

    cp = pltpu.CompilerParams()
    if "needs_layout_passes" in pltpu.CompilerParams.__dataclass_fields__:
        cp = dataclasses.replace(cp, needs_layout_passes=False)
    return pl.kernel(body, out_type=out_type, mesh=mesh, scratch_types=scratch,
                     compiler_params=cp)


_sc_pass1 = _make_sc_pass(1)
_sc_pass2 = _make_sc_pass(2)
_sc_pass3 = _make_sc_pass(3)


def _tc_level(cnt, nbins, nbits, k_needed):
    iota = lax.broadcasted_iota(jnp.int32, (1, nbins), 1)

    def suffix_at(b):
        return jnp.sum(jnp.where(iota >= b, cnt, 0))

    def st(_, lohi):
        lo, hi = lohi
        mid = hi - (hi - lo) // 2
        feas = suffix_at(mid) >= k_needed
        return (jnp.where(feas, mid, lo), jnp.where(feas, hi, mid - 1))

    p, _ = lax.fori_loop(0, nbits, st, (jnp.int32(0), jnp.int32(nbins - 1)))
    at_p = jnp.sum(jnp.where(iota == p, cnt, 0))
    return p, k_needed - (suffix_at(p) - at_p)


def _mask_body(w_ref, norm_ref, h1_ref, h2_ref, h3_ref, out_ref, t_ref):
    @pl.when(pl.program_id(0) == 0)
    def _():
        cnt1 = jnp.sum(h1_ref[...], axis=0, keepdims=True)
        cnt2 = jnp.sum(h2_ref[...], axis=0, keepdims=True)
        cnt3 = jnp.sum(h3_ref[...], axis=0, keepdims=True)
        p1, k2 = _tc_level(cnt1, L2_BINS, 11, jnp.int32(K_KEEP))
        p2, k3 = _tc_level(cnt2, L2_BINS, 11, k2)
        p3, _ = _tc_level(cnt3, L3_BINS, 9, k3)
        t_ref[0] = p1 * (1 << 20) + p2 * (1 << 9) + p3

    t = t_ref[0]
    bits = lax.bitcast_convert_type(jnp.abs(w_ref[...]) * norm_ref[...],
                                    jnp.int32)
    out_ref[...] = jnp.where(bits >= t, w_ref[...], 0.0)


@jax.jit
def kernel(x, weight):
    norm2d = pl.pallas_call(
        _norm_body,
        grid=(NB,),
        in_specs=[pl.BlockSpec((RB, D1), lambda i: (i, 0))],
        out_specs=pl.BlockSpec((1, D1), lambda i: (0, 0)),
        out_shape=jax.ShapeDtypeStruct((1, D1), jnp.float32),
    )(x)
    norm1d = norm2d.reshape(D1)
    wf = weight.reshape(N)
    h1 = _sc_pass1(wf, norm1d)
    h2, pk = _sc_pass2(wf, norm1d, h1.reshape(NW * L2_BINS))
    h3 = _sc_pass3(wf, norm1d, pk, h2.reshape(NW * L2_BINS))
    out = pl.pallas_call(
        _mask_body,
        grid=(NB,),
        in_specs=[
            pl.BlockSpec((RB, D1), lambda i: (i, 0)),
            pl.BlockSpec((1, D1), lambda i: (0, 0)),
            pl.BlockSpec((NW, L2_BINS), lambda i: (0, 0)),
            pl.BlockSpec((NW, L2_BINS), lambda i: (0, 0)),
            pl.BlockSpec((NW, L3_BINS), lambda i: (0, 0)),
        ],
        out_specs=pl.BlockSpec((RB, D1), lambda i: (i, 0)),
        out_shape=jax.ShapeDtypeStruct((D0, D1), jnp.float32),
        scratch_shapes=[pltpu.SMEM((1,), jnp.int32)],
    )(weight, norm2d, h1.reshape(NW, L2_BINS), h2.reshape(NW, L2_BINS),
      h3.reshape(NW, L3_BINS))
    return out

# --- scband reference (transcript-rebuilt; emitter-appended) ---
"""Pipeline reference for scband-wanda-76699525972490 (READ-ONLY COPY).

The authoritative reference and input builder live on the scoring server;
editing this copy changes nothing except your own understanding.
"""

import jax, jax.numpy as jnp
import numpy as np

SPARSITY = 0.5

def setup_inputs(seed: int = 0) -> dict:
    key = jax.random.key(seed)
    k1, k2 = jax.random.split(key)
    x = jax.random.normal(k1, (2048, 2048), dtype=jnp.float32)
    weight = jax.random.normal(k2, (2048, 2048), dtype=jnp.float32)
    return {"x": x, "weight": weight}


def _get_mask(weight2d, metric2d, sparsity):
    # Faithful port of Wanda.get_mask: argsort metric per row, keep top (1-sparsity)
    # fraction, scatter kept weight values into a zero buffer, mask = nonzero.
    d0, d1 = metric2d.shape
    keep_idxs = jnp.argsort(metric2d, axis=1)[:, int(d1 * sparsity):] + jnp.arange(d0)[:, None] * d1
    keep_idxs = keep_idxs.ravel()
    flat = jnp.zeros((weight2d.size,), dtype=weight2d.dtype)
    flat = flat.at[keep_idxs].set(jnp.take(weight2d.ravel(), keep_idxs))
    kept_values = flat.reshape(weight2d.shape)
    mask = (kept_values != 0).astype(weight2d.dtype)
    return mask


def reference(x, weight):
    # Wanda pipeline for layer_type='linear', N=M=None (unstructured path):
    # collect_input -> prune -> handle_linear builds self.mask, then call(weight)
    # returns self.mask * weight. Inputs averaged over a single collected batch
    # (t_delta=1) so inputs_avg == x.
    norm = jnp.linalg.norm(x, ord=2, axis=0)          # L2 norm over batch dim -> [d_in]
    metric = jnp.abs(weight) * norm                   # Wanda importance metric
    metric_reshaped = metric.reshape(1, -1)
    weight_reshaped = weight.reshape(1, -1)
    mask = _get_mask(weight_reshaped, metric_reshaped, SPARSITY)
    mask = mask.reshape(weight.shape)
    return mask * weight

if __name__ == "__main__":
    import jax
    _d = setup_inputs()
    print(jax.jit(kernel)(*tuple(_d.values())))

</pallas_src>

<mosaic_0001>
#map = affine_map<(d0, d1) -> (0)>
#map1 = affine_map<(d0, d1) -> (0, 0, 0)>
module attributes {stable_mosaic.version = 14 : i64} {
  func.func @body(%arg0: i32, %arg1: i32, %arg2: memref<4194304xf32, #tpu.memory_space<hbm>>, %arg3: memref<2048xf32, #tpu.memory_space<hbm>>, %arg4: memref<65536xi32, #tpu.memory_space<hbm>>, %arg5: memref<2x16x2048xi32, #tpu.memory_space<hbm>>, %arg6: memref<16xi32, #tpu.memory_space<hbm>>, %arg7: memref<2048xf32, #tpu.memory_space<vmem>>, %arg8: memref<4096xf32, #tpu.memory_space<vmem>>, %arg9: memref<4096xf32, #tpu.memory_space<vmem>>, %arg10: memref<32768xi32, #tpu.memory_space<vmem>>, %arg11: memref<2048xi32, #tpu.memory_space<vmem>>, %arg12: memref<!tpu.dma_semaphore, #tpu.memory_space<semaphore_mem>>, %arg13: memref<!tpu.dma_semaphore, #tpu.memory_space<semaphore_mem>>, %arg14: memref<65536xi32, #tpu.memory_space<vmem>>, %arg15: memref<2048xi32, #tpu.memory_space<vmem>>, %arg16: memref<16xi32, #tpu.memory_space<vmem>>) attributes {dimension_semantics = [#tpu.dimension_semantics<core_parallel>, #tpu.dimension_semantics<subcore_parallel>], iteration_bounds = array<i64: 2, 16>, scalar_prefetch = 0 : i64, scratch_operands = 10 : i64, tpu.core_type = #tpu.core_type<sc_vector_subcore>, window_params = [{transform_indices = #map}, {transform_indices = #map}, {transform_indices = #map}, {transform_indices = #map1}, {transform_indices = #map}]} {
    %mul3A = arith.constant 16 : i32
    %mul3A_0 = arith.muli %arg0, %mul3A : i32
    %add3A = arith.addi %mul3A_0, %arg1 : i32
    %mul3A_1 = arith.constant 131072 : i32
    %mul3A_2 = arith.muli %add3A, %mul3A_1 : i32
    %iota3A = tpu.iota {dimensions = array<i32: 0>} : vector<16xi32>
    "tpu.region"() ({
      %run_scoped3A = tpu.sem_alloc : memref<!tpu.dma_semaphore, #tpu.memory_space<semaphore_mem>>
      tpu.enqueue_dma source(%arg3 : memref<2048xf32, #tpu.memory_space<hbm>>) target(%arg7 : memref<2048xf32, #tpu.memory_space<vmem>>) target_semaphore(%run_scoped3A : memref<!tpu.dma_semaphore, #tpu.memory_space<semaphore_mem>>)
      tpu.wait_dma2 semaphore(%run_scoped3A : memref<!tpu.dma_semaphore, #tpu.memory_space<semaphore_mem>>) src(%arg3 : memref<2048xf32, #tpu.memory_space<hbm>>) dst(%arg7 : memref<2048xf32, #tpu.memory_space<vmem>>)
      tpu.yield
    }) : () -> ()
    "tpu.region"() ({
      %run_scoped3A = tpu.sem_alloc : memref<!tpu.dma_semaphore, #tpu.memory_space<semaphore_mem>>
      tpu.enqueue_dma source(%arg4 : memref<65536xi32, #tpu.memory_space<hbm>>) target(%arg14 : memref<65536xi32, #tpu.memory_space<vmem>>) target_semaphore(%run_scoped3A : memref<!tpu.dma_semaphore, #tpu.memory_space<semaphore_mem>>)
      tpu.wait_dma2 semaphore(%run_scoped3A : memref<!tpu.dma_semaphore, #tpu.memory_space<semaphore_mem>>) src(%arg4 : memref<65536xi32, #tpu.memory_space<hbm>>) dst(%arg14 : memref<65536xi32, #tpu.memory_space<vmem>>)
      tpu.yield
    }) : () -> ()
    %scan3A = arith.constant 0 : i32
    %scan3A_3 = arith.constant 128 : i32
    %scan3A_4 = arith.addi %scan3A, %scan3A_3 : i32
    %scan3A_5 = arith.constant 1 : i32
    scf.for %scan3A_60 = %scan3A to %scan3A_4 step %scan3A_5  : i32 {
      %mul3A_61 = arith.constant 1 : i32
      %mul3A_62 = arith.muli %scan3A_60, %mul3A_61 : i32
      %add3A_63 = arith.constant 0 : i32
      %add3A_64 = arith.addi %add3A_63, %mul3A_62 : i32
      %mul3A_65 = arith.constant 16 : i32
      %mul3A_66 = arith.muli %add3A_64, %mul3A_65 : i32
      %add3A_67 = arith.constant 0 : i32
      %add3A_68 = arith.addi %add3A_67, %mul3A_66 : i32
      %get3A = arith.index_cast %add3A_68 : i32 to index
      %get3A_69 = tpu.vector_load %arg14[%get3A] {strides = array<i32>} : memref<65536xi32, #tpu.memory_space<vmem>>, vector<16xi32>,
      %mul3A_70 = arith.constant 16 : i32
      %mul3A_71 = arith.muli %add3A_64, %mul3A_70 : i32
      %add3A_72 = arith.constant 2048 : i32
      %add3A_73 = arith.addi %add3A_72, %mul3A_71 : i32
      %get3A_74 = arith.index_cast %add3A_73 : i32 to index
      %get3A_75 = tpu.vector_load %arg14[%get3A_74] {strides = array<i32>} : memref<65536xi32, #tpu.memory_space<vmem>>, vector<16xi32>,
      %mul3A_76 = arith.constant 16 : i32
      %mul3A_77 = arith.muli %add3A_64, %mul3A_76 : i32
      %add3A_78 = arith.constant 4096 : i32
      %add3A_79 = arith.addi %add3A_78, %mul3A_77 : i32
      %get3A_80 = arith.index_cast %add3A_79 : i32 to index
      %get3A_81 = tpu.vector_load %arg14[%get3A_80] {strides = array<i32>} : memref<65536xi32, #tpu.memory_space<vmem>>, vector<16xi32>,
      %mul3A_82 = arith.constant 16 : i32
      %mul3A_83 = arith.muli %add3A_64, %mul3A_82 : i32
      %add3A_84 = arith.constant 6144 : i32
      %add3A_85 = arith.addi %add3A_84, %mul3A_83 : i32
      %get3A_86 = arith.index_cast %add3A_85 : i32 to index
      %get3A_87 = tpu.vector_load %arg14[%get3A_86] {strides = array<i32>} : memref<65536xi32, #tpu.memory_space<vmem>>, vector<16xi32>,
      %mul3A_88 = arith.constant 16 : i32
      %mul3A_89 = arith.muli %add3A_64, %mul3A_88 : i32
      %add3A_90 = arith.constant 8192 : i32
      %add3A_91 = arith.addi %add3A_90, %mul3A_89 : i32
      %get3A_92 = arith.index_cast %add3A_91 : i32 to index
      %get3A_93 = tpu.vector_load %arg14[%get3A_92] {strides = array<i32>} : memref<65536xi32, #tpu.memory_space<vmem>>, vector<16xi32>,
      %mul3A_94 = arith.constant 16 : i32
      %mul3A_95 = arith.muli %add3A_64, %mul3A_94 : i32
      %add3A_96 = arith.constant 10240 : i32
      %add3A_97 = arith.addi %add3A_96, %mul3A_95 : i32
      %get3A_98 = arith.index_cast %add3A_97 : i32 to index
      %get3A_99 = tpu.vector_load %arg14[%get3A_98] {strides = array<i32>} : memref<65536xi32, #tpu.memory_space<vmem>>, vector<16xi32>,
      %mul3A_100 = arith.constant 16 : i32
      %mul3A_101 = arith.muli %add3A_64, %mul3A_100 : i32
      %add3A_102 = arith.constant 12288 : i32
      %add3A_103 = arith.addi %add3A_102, %mul3A_101 : i32
      %get3A_104 = arith.index_cast %add3A_103 : i32 to index
      %get3A_105 = tpu.vector_load %arg14[%get3A_104] {strides = array<i32>} : memref<65536xi32, #tpu.memory_space<vmem>>, vector<16xi32>,
      %mul3A_106 = arith.constant 16 : i32
      %mul3A_107 = arith.muli %add3A_64, %mul3A_106 : i32
      %add3A_108 = arith.constant 14336 : i32
      %add3A_109 = arith.addi %add3A_108, %mul3A_107 : i32
      %get3A_110 = arith.index_cast %add3A_109 : i32 to index
      %get3A_111 = tpu.vector_load %arg14[%get3A_110] {strides = array<i32>} : memref<65536xi32, #tpu.memory_space<vmem>>, vector<16xi32>,
      %mul3A_112 = arith.constant 16 : i32
      %mul3A_113 = arith.muli %add3A_64, %mul3A_112 : i32
      %add3A_114 = arith.constant 16384 : i32
      %add3A_115 = arith.addi %add3A_114, %mul3A_113 : i32
      %get3A_116 = arith.index_cast %add3A_115 : i32 to index
      %get3A_117 = tpu.vector_load %arg14[%get3A_116] {strides = array<i32>} : memref<65536xi32, #tpu.memory_space<vmem>>, vector<16xi32>,
      %mul3A_118 = arith.constant 16 : i32
      %mul3A_119 = arith.muli %add3A_64, %mul3A_118 : i32
      %add3A_120 = arith.constant 18432 : i32
      %add3A_121 = arith.addi %add3A_120, %mul3A_119 : i32
      %get3A_122 = arith.index_cast %add3A_121 : i32 to index
      %get3A_123 = tpu.vector_load %arg14[%get3A_122] {strides = array<i32>} : memref<65536xi32, #tpu.memory_space<vmem>>, vector<16xi32>,
      %mul3A_124 = arith.constant 16 : i32
      %mul3A_125 = arith.muli %add3A_64, %mul3A_124 : i32
      %add3A_126 = arith.constant 20480 : i32
      %add3A_127 = arith.addi %add3A_126, %mul3A_125 : i32
      %get3A_128 = arith.index_cast %add3A_127 : i32 to index
      %get3A_129 = tpu.vector_load %arg14[%get3A_128] {strides = array<i32>} : memref<65536xi32, #tpu.memory_space<vmem>>, vector<16xi32>,
      %mul3A_130 = arith.constant 16 : i32
      %mul3A_131 = arith.muli %add3A_64, %mul3A_130 : i32
      %add3A_132 = arith.constant 22528 : i32
      %add3A_133 = arith.addi %add3A_132, %mul3A_131 : i32
      %get3A_134 = arith.index_cast %add3A_133 : i32 to index
      %get3A_135 = tpu.vector_load %arg14[%get3A_134] {strides = array<i32>} : memref<65536xi32, #tpu.memory_space<vmem>>, vector<16xi32>,
      %mul3A_136 = arith.constant 16 : i32
      %mul3A_137 = arith.muli %add3A_64, %mul3A_136 : i32
      %add3A_138 = arith.constant 24576 : i32
      %add3A_139 = arith.addi %add3A_138, %mul3A_137 : i32
      %get3A_140 = arith.index_cast %add3A_139 : i32 to index
      %get3A_141 = tpu.vector_load %arg14[%get3A_140] {strides = array<i32>} : memref<65536xi32, #tpu.memory_space<vmem>>, vector<16xi32>,
      %mul3A_142 = arith.constant 16 : i32
      %mul3A_143 = arith.muli %add3A_64, %mul3A_142 : i32
      %add3A_144 = arith.constant 26624 : i32
      %add3A_145 = arith.addi %add3A_144, %mul3A_143 : i32
      %get3A_146 = arith.index_cast %add3A_145 : i32 to index
      %get3A_147 = tpu.vector_load %arg14[%get3A_146] {strides = array<i32>} : memref<65536xi32, #tpu.memory_space<vmem>>, vector<16xi32>,
      %mul3A_148 = arith.constant 16 : i32
      %mul3A_149 = arith.muli %add3A_64, %mul3A_148 : i32
      %add3A_150 = arith.constant 28672 : i32
      %add3A_151 = arith.addi %add3A_150, %mul3A_149 : i32
      %get3A_152 = arith.index_cast %add3A_151 : i32 to index
      %get3A_153 = tpu.vector_load %arg14[%get3A_152] {strides = array<i32>} : memref<65536xi32, #tpu.memory_space<vmem>>, vector<16xi32>,
      %mul3A_154 = arith.constant 16 : i32
      %mul3A_155 = arith.muli %add3A_64, %mul3A_154 : i32
      %add3A_156 = arith.constant 30720 : i32
      %add3A_157 = arith.addi %add3A_156, %mul3A_155 : i32
      %get3A_158 = arith.index_cast %add3A_157 : i32 to index
      %get3A_159 = tpu.vector_load %arg14[%get3A_158] {strides = array<i32>} : memref<65536xi32, #tpu.memory_space<vmem>>, vector<16xi32>,
      %mul3A_160 = arith.constant 16 : i32
      %mul3A_161 = arith.muli %add3A_64, %mul3A_160 : i32
      %add3A_162 = arith.constant 32768 : i32
      %add3A_163 = arith.addi %add3A_162, %mul3A_161 : i32
      %get3A_164 = arith.index_cast %add3A_163 : i32 to index
      %get3A_165 = tpu.vector_load %arg14[%get3A_164] {strides = array<i32>} : memref<65536xi32, #tpu.memory_space<vmem>>, vector<16xi32>,
      %mul3A_166 = arith.constant 16 : i32
      %mul3A_167 = arith.muli %add3A_64, %mul3A_166 : i32
      %add3A_168 = arith.constant 34816 : i32
      %add3A_169 = arith.addi %add3A_168, %mul3A_167 : i32
      %get3A_170 = arith.index_cast %add3A_169 : i32 to index
      %get3A_171 = tpu.vector_load %arg14[%get3A_170] {strides = array<i32>} : memref<65536xi32, #tpu.memory_space<vmem>>, vector<16xi32>,
      %mul3A_172 = arith.constant 16 : i32
      %mul3A_173 = arith.muli %add3A_64, %mul3A_172 : i32
      %add3A_174 = arith.constant 36864 : i32
      %add3A_175 = arith.addi %add3A_174, %mul3A_173 : i32
      %get3A_176 = arith.index_cast %add3A_175 : i32 to index
      %get3A_177 = tpu.vector_load %arg14[%get3A_176] {strides = array<i32>} : memref<65536xi32, #tpu.memory_space<vmem>>, vector<16xi32>,
      %mul3A_178 = arith.constant 16 : i32
      %mul3A_179 = arith.muli %add3A_64, %mul3A_178 : i32
      %add3A_180 = arith.constant 38912 : i32
      %add3A_181 = arith.addi %add3A_180, %mul3A_179 : i32
      %get3A_182 = arith.index_cast %add3A_181 : i32 to index
      %get3A_183 = tpu.vector_load %arg14[%get3A_182] {strides = array<i32>} : memref<65536xi32, #tpu.memory_space<vmem>>, vector<16xi32>,
      %mul3A_184 = arith.constant 16 : i32
      %mul3A_185 = arith.muli %add3A_64, %mul3A_184 : i32
      %add3A_186 = arith.constant 40960 : i32
      %add3A_187 = arith.addi %add3A_186, %mul3A_185 : i32
      %get3A_188 = arith.index_cast %add3A_187 : i32 to index
      %get3A_189 = tpu.vector_load %arg14[%get3A_188] {strides = array<i32>} : memref<65536xi32, #tpu.memory_space<vmem>>, vector<16xi32>,
      %mul3A_190 = arith.constant 16 : i32
      %mul3A_191 = arith.muli %add3A_64, %mul3A_190 : i32
      %add3A_192 = arith.constant 43008 : i32
      %add3A_193 = arith.addi %add3A_192, %mul3A_191 : i32
      %get3A_194 = arith.index_cast %add3A_193 : i32 to index
      %get3A_195 = tpu.vector_load %arg14[%get3A_194] {strides = array<i32>} : memref<65536xi32, #tpu.memory_space<vmem>>, vector<16xi32>,
      %mul3A_196 = arith.constant 16 : i32
      %mul3A_197 = arith.muli %add3A_64, %mul3A_196 : i32
      %add3A_198 = arith.constant 45056 : i32
      %add3A_199 = arith.addi %add3A_198, %mul3A_197 : i32
      %get3A_200 = arith.index_cast %add3A_199 : i32 to index
      %get3A_201 = tpu.vector_load %arg14[%get3A_200] {strides = array<i32>} : memref<65536xi32, #tpu.memory_space<vmem>>, vector<16xi32>,
      %mul3A_202 = arith.constant 16 : i32
      %mul3A_203 = arith.muli %add3A_64, %mul3A_202 : i32
      %add3A_204 = arith.constant 47104 : i32
      %add3A_205 = arith.addi %add3A_204, %mul3A_203 : i32
      %get3A_206 = arith.index_cast %add3A_205 : i32 to index
      %get3A_207 = tpu.vector_load %arg14[%get3A_206] {strides = array<i32>} : memref<65536xi32, #tpu.memory_space<vmem>>, vector<16xi32>,
      %mul3A_208 = arith.constant 16 : i32
      %mul3A_209 = arith.muli %add3A_64, %mul3A_208 : i32
      %add3A_210 = arith.constant 49152 : i32
      %add3A_211 = arith.addi %add3A_210, %mul3A_209 : i32
      %get3A_212 = arith.index_cast %add3A_211 : i32 to index
      %get3A_213 = tpu.vector_load %arg14[%get3A_212] {strides = array<i32>} : memref<65536xi32, #tpu.memory_space<vmem>>, vector<16xi32>,
      %mul3A_214 = arith.constant 16 : i32
      %mul3A_215 = arith.muli %add3A_64, %mul3A_214 : i32
      %add3A_216 = arith.constant 51200 : i32
      %add3A_217 = arith.addi %add3A_216, %mul3A_215 : i32
      %get3A_218 = arith.index_cast %add3A_217 : i32 to index
      %get3A_219 = tpu.vector_load %arg14[%get3A_218] {strides = array<i32>} : memref<65536xi32, #tpu.memory_space<vmem>>, vector<16xi32>,
      %mul3A_220 = arith.constant 16 : i32
      %mul3A_221 = arith.muli %add3A_64, %mul3A_220 : i32
      %add3A_222 = arith.constant 53248 : i32
      %add3A_223 = arith.addi %add3A_222, %mul3A_221 : i32
      %get3A_224 = arith.index_cast %add3A_223 : i32 to index
      %get3A_225 = tpu.vector_load %arg14[%get3A_224] {strides = array<i32>} : memref<65536xi32, #tpu.memory_space<vmem>>, vector<16xi32>,
      %mul3A_226 = arith.constant 16 : i32
      %mul3A_227 = arith.muli %add3A_64, %mul3A_226 : i32
      %add3A_228 = arith.constant 55296 : i32
      %add3A_229 = arith.addi %add3A_228, %mul3A_227 : i32
      %get3A_230 = arith.index_cast %add3A_229 : i32 to index
      %get3A_231 = tpu.vector_load %arg14[%get3A_230] {strides = array<i32>} : memref<65536xi32, #tpu.memory_space<vmem>>, vector<16xi32>,
      %mul3A_232 = arith.constant 16 : i32
      %mul3A_233 = arith.muli %add3A_64, %mul3A_232 : i32
      %add3A_234 = arith.constant 57344 : i32
      %add3A_235 = arith.addi %add3A_234, %mul3A_233 : i32
      %get3A_236 = arith.index_cast %add3A_235 : i32 to index
      %get3A_237 = tpu.vector_load %arg14[%get3A_236] {strides = array<i32>} : memref<65536xi32, #tpu.memory_space<vmem>>, vector<16xi32>,
      %mul3A_238 = arith.constant 16 : i32
      %mul3A_239 = arith.muli %add3A_64, %mul3A_238 : i32
      %add3A_240 = arith.constant 59392 : i32
      %add3A_241 = arith.addi %add3A_240, %mul3A_239 : i32
      %get3A_242 = arith.index_cast %add3A_241 : i32 to index
      %get3A_243 = tpu.vector_load %arg14[%get3A_242] {strides = array<i32>} : memref<65536xi32, #tpu.memory_space<vmem>>, vector<16xi32>,
      %mul3A_244 = arith.constant 16 : i32
      %mul3A_245 = arith.muli %add3A_64, %mul3A_244 : i32
      %add3A_246 = arith.constant 61440 : i32
      %add3A_247 = arith.addi %add3A_246, %mul3A_245 : i32
      %get3A_248 = arith.index_cast %add3A_247 : i32 to index
      %get3A_249 = tpu.vector_load %arg14[%get3A_248] {strides = array<i32>} : memref<65536xi32, #tpu.memory_space<vmem>>, vector<16xi32>,
      %mul3A_250 = arith.constant 16 : i32
      %mul3A_251 = arith.muli %add3A_64, %mul3A_250 : i32
      %add3A_252 = arith.constant 63488 : i32
      %add3A_253 = arith.addi %add3A_252, %mul3A_251 : i32
      %get3A_254 = arith.index_cast %add3A_253 : i32 to index
      %get3A_255 = tpu.vector_load %arg14[%get3A_254] {strides = array<i32>} : memref<65536xi32, #tpu.memory_space<vmem>>, vector<16xi32>,
      %add3A_256 = arith.addi %get3A_69, %get3A_75 : vector<16xi32>
      %add3A_257 = arith.addi %get3A_81, %get3A_87 : vector<16xi32>
      %add3A_258 = arith.addi %get3A_93, %get3A_99 : vector<16xi32>
      %add3A_259 = arith.addi %get3A_105, %get3A_111 : vector<16xi32>
      %add3A_260 = arith.addi %get3A_117, %get3A_123 : vector<16xi32>
      %add3A_261 = arith.addi %get3A_129, %get3A_135 : vector<16xi32>
      %add3A_262 = arith.addi %get3A_141, %get3A_147 : vector<16xi32>
      %add3A_263 = arith.addi %get3A_153, %get3A_159 : vector<16xi32>
      %add3A_264 = arith.addi %get3A_165, %get3A_171 : vector<16xi32>
      %add3A_265 = arith.addi %get3A_177, %get3A_183 : vector<16xi32>
      %add3A_266 = arith.addi %get3A_189, %get3A_195 : vector<16xi32>
      %add3A_267 = arith.addi %get3A_201, %get3A_207 : vector<16xi32>
      %add3A_268 = arith.addi %get3A_213, %get3A_219 : vector<16xi32>
      %add3A_269 = arith.addi %get3A_225, %get3A_231 : vector<16xi32>
      %add3A_270 = arith.addi %get3A_237, %get3A_243 : vector<16xi32>
      %add3A_271 = arith.addi %get3A_249, %get3A_255 : vector<16xi32>
      %add3A_272 = arith.addi %add3A_256, %add3A_257 : vector<16xi32>
      %add3A_273 = arith.addi %add3A_258, %add3A_259 : vector<16xi32>
      %add3A_274 = arith.addi %add3A_260, %add3A_261 : vector<16xi32>
      %add3A_275 = arith.addi %add3A_262, %add3A_263 : vector<16xi32>
      %add3A_276 = arith.addi %add3A_264, %add3A_265 : vector<16xi32>
      %add3A_277 = arith.addi %add3A_266, %add3A_267 : vector<16xi32>
      %add3A_278 = arith.addi %add3A_268, %add3A_269 : vector<16xi32>
      %add3A_279 = arith.addi %add3A_270, %add3A_271 : vector<16xi32>
      %add3A_280 = arith.addi %add3A_272, %add3A_273 : vector<16xi32>
      %add3A_281 = arith.addi %add3A_274, %add3A_275 : vector<16xi32>
      %add3A_282 = arith.addi %add3A_276, %add3A_277 : vector<16xi32>
      %add3A_283 = arith.addi %add3A_278, %add3A_279 : vector<16xi32>
      %add3A_284 = arith.addi %add3A_280, %add3A_281 : vector<16xi32>
      %add3A_285 = arith.addi %add3A_282, %add3A_283 : vector<16xi32>
      %add3A_286 = arith.addi %add3A_284, %add3A_285 : vector<16xi32>
      %mul3A_287 = arith.constant 16 : i32
      %mul3A_288 = arith.muli %add3A_64, %mul3A_287 : i32
      %swap3A_289 = arith.index_cast %mul3A_288 : i32 to index
      %swap3A_290 = tpu.vector_load %arg15[%swap3A_289] {strides = array<i32>} : memref<2048xi32, #tpu.memory_space<vmem>>, vector<16xi32>,
      tpu.vector_store %arg15[%swap3A_289], %add3A_286 {strides = array<i32>} : memref<2048xi32, #tpu.memory_space<vmem>>, vector<16xi32>,
    }
    %scan3A_6 = arith.constant 128 : i32
    %scan3A_7 = arith.constant 2097152 : i32
    %scan3A_8 = arith.constant 0 : i32
    %scan3A_9 = arith.constant 0 : i32
    %scan3A_10 = arith.constant 0 : i32
    %scan3A_11 = arith.constant 0 : i32
    %scan3A_12 = arith.constant 128 : i32
    %scan3A_13 = arith.addi %scan3A_11, %scan3A_12 : i32
    %scan3A_14 = arith.constant 1 : i32
    %scan3A_15:3 = scf.for %scan3A_60 = %scan3A_11 to %scan3A_13 step %scan3A_14 iter_args(%scan3A_61 = %scan3A_8, %scan3A_62 = %scan3A_9, %scan3A_63 = %scan3A_10) -> (i32, i32, i32)  : i32 {
      %sub3A_64 = arith.constant 127 : i32
      %sub3A_65 = arith.subi %sub3A_64, %scan3A_60 : i32
      %mul3A_66 = arith.constant 16 : i32
      %mul3A_67 = arith.muli %sub3A_65, %mul3A_66 : i32
      %get3A = arith.index_cast %mul3A_67 : i32 to index
      %get3A_68 = tpu.vector_load %arg15[%get3A] {strides = array<i32>} : memref<2048xi32, #tpu.memory_space<vmem>>, vector<16xi32>,
      %rev3A = arith.constant 15 : i32
      %rev3A_69 = vector.broadcast %rev3A : i32 to vector<16xi32>
      %rev3A_70 = tpu.iota {dimensions = array<i32: 0>} : vector<16xi32>
      %rev3A_71 = arith.subi %rev3A_69, %rev3A_70 : vector<16xi32>
      %rev3A_72 = tpu.dynamic_gather %get3A_68[%rev3A_71] in [0] : vector<16xi32>, vector<16xi32> -> vector<16xi32>
      %cumsum3A = arith.constant true
      %cumsum3A_73 = vector.broadcast %cumsum3A : i1 to vector<16xi1>
      %cumsum3A_74 = tpu.scan <sum>, %rev3A_72 masked %cumsum3A_73 : vector<16xi32>, vector<16xi1> -> vector<16xi32>
      %rev3A_75 = arith.constant 15 : i32
      %rev3A_76 = vector.broadcast %rev3A_75 : i32 to vector<16xi32>
      %rev3A_77 = tpu.iota {dimensions = array<i32: 0>} : vector<16xi32>
      %rev3A_78 = arith.subi %rev3A_76, %rev3A_77 : vector<16xi32>
      %rev3A_79 = tpu.dynamic_gather %cumsum3A_74[%rev3A_78] in [0] : vector<16xi32>, vector<16xi32> -> vector<16xi32>
      %add3A_80 = vector.broadcast %scan3A_63 : i32 to vector<16xi32>
      %add3A_81 = arith.addi %rev3A_79, %add3A_80 : vector<16xi32>
      %ge3A = vector.broadcast %scan3A_7 : i32 to vector<16xi32>
      %ge3A_82 = arith.cmpi sge, %add3A_81, %ge3A : vector<16xi32>
      %convert_element_type3A_83 = arith.extui %ge3A_82 : vector<16xi1> to vector<16xi32>
      %reduce_sum3A = arith.constant true
      %reduce_sum3A_84 = vector.broadcast %reduce_sum3A : i1 to vector<16xi1>
      %reduce_sum3A_85 = tpu.scan <sum>, %convert_element_type3A_83 masked %reduce_sum3A_84 : vector<16xi32>, vector<16xi1> -> vector<16xi32>
      %reduce_sum3A_86 = vector.extract %reduce_sum3A_85[15] : i32 from vector<16xi32>
      %add3A_87 = arith.addi %scan3A_61, %reduce_sum3A_86 : i32
      %jit3A_88 = arith.constant 0 : i32
      %broadcast_in_dim3A_89 = vector.broadcast %jit3A_88 : i32 to vector<16xi32>
      %select_n3A_90 = arith.select %ge3A_82, %broadcast_in_dim3A_89, %get3A_68 : vector<16xi1>, vector<16xi32>
      %reduce_sum3A_91 = arith.constant true
      %reduce_sum3A_92 = vector.broadcast %reduce_sum3A_91 : i1 to vector<16xi1>
      %reduce_sum3A_93 = tpu.scan <sum>, %select_n3A_90 masked %reduce_sum3A_92 : vector<16xi32>, vector<16xi1> -> vector<16xi32>
      %reduce_sum3A_94 = vector.extract %reduce_sum3A_93[15] : i32 from vector<16xi32>
      %add3A_95 = arith.addi %scan3A_62, %reduce_sum3A_94 : i32
      %reduce_sum3A_96 = arith.constant true
      %reduce_sum3A_97 = vector.broadcast %reduce_sum3A_96 : i1 to vector<16xi1>
      %reduce_sum3A_98 = tpu.scan <sum>, %get3A_68 masked %reduce_sum3A_97 : vector<16xi32>, vector<16xi1> -> vector<16xi32>
      %reduce_sum3A_99 = vector.extract %reduce_sum3A_98[15] : i32 from vector<16xi32>
      %add3A_100 = arith.addi %scan3A_63, %reduce_sum3A_99 : i32
      scf.yield %add3A_87, %add3A_95, %add3A_100 : i32, i32, i32
    }
    %scan3A_16 = arith.constant 128 : i32
    %sub3A = arith.constant 1 : i32
    %sub3A_17 = arith.subi %scan3A_15#0, %sub3A : i32
    %sub3A_18 = arith.constant 2097152 : i32
    %sub3A_19 = arith.subi %sub3A_18, %scan3A_15#1 : i32
    %eq3A = arith.constant 0 : i32
    %eq3A_20 = vector.broadcast %eq3A : i32 to vector<16xi32>
    %eq3A_21 = arith.cmpi eq, %iota3A, %eq3A_20 : vector<16xi32>
    %eq3A_22 = arith.constant 1 : i32
    %eq3A_23 = vector.broadcast %eq3A_22 : i32 to vector<16xi32>
    %eq3A_24 = arith.cmpi eq, %iota3A, %eq3A_23 : vector<16xi32>
    %jit3A = arith.constant 0 : i32
    %broadcast_in_dim3A = vector.broadcast %sub3A_19 : i32 to vector<16xi32>
    %broadcast_in_dim3A_25 = vector.broadcast %jit3A : i32 to vector<16xi32>
    %select_n3A = arith.select %eq3A_24, %broadcast_in_dim3A, %broadcast_in_dim3A_25 : vector<16xi1>, vector<16xi32>
    %broadcast_in_dim3A_26 = vector.broadcast %sub3A_17 : i32 to vector<16xi32>
    %select_n3A_27 = arith.select %eq3A_21, %broadcast_in_dim3A_26, %select_n3A : vector<16xi1>, vector<16xi32>
    %swap3A = arith.constant 0 : index
    %swap3A_28 = tpu.vector_load %arg16[%swap3A] {strides = array<i32>} : memref<16xi32, #tpu.memory_space<vmem>>, vector<16xi32>,
    tpu.vector_store %arg16[%swap3A], %select_n3A_27 {strides = array<i32>} : memref<16xi32, #tpu.memory_space<vmem>>, vector<16xi32>,
    %eq3A_29 = arith.constant 0 : i32
    %eq3A_30 = arith.cmpi eq, %arg0, %eq3A_29 : i32
    %eq3A_31 = arith.constant 0 : i32
    %eq3A_32 = arith.cmpi eq, %arg1, %eq3A_31 : i32
    %and3A = arith.andi %eq3A_30, %eq3A_32 : i1
    %convert_element_type3A = arith.extui %and3A : i1 to i32
    %cond3A = arith.constant 0 : i32
    %cond3A_33 = arith.cmpi ne, %convert_element_type3A, %cond3A : i32
    scf.if %cond3A_33 {
      "tpu.region"() ({
        %run_scoped3A = tpu.sem_alloc : memref<!tpu.dma_semaphore, #tpu.memory_space<semaphore_mem>>
        tpu.enqueue_dma source(%arg16 : memref<16xi32, #tpu.memory_space<vmem>>) target(%arg6 : memref<16xi32, #tpu.memory_space<hbm>>) target_semaphore(%run_scoped3A : memref<!tpu.dma_semaphore, #tpu.memory_space<semaphore_mem>>)
        tpu.wait_dma2 semaphore(%run_scoped3A : memref<!tpu.dma_semaphore, #tpu.memory_space<semaphore_mem>>) src(%arg16 : memref<16xi32, #tpu.memory_space<vmem>>) dst(%arg6 : memref<16xi32, #tpu.memory_space<hbm>>)
        tpu.yield
      }) : () -> ()
    } else {
    }
    %scan3A_34 = arith.constant 0 : i32
    %scan3A_35 = arith.constant 256 : i32
    %scan3A_36 = arith.addi %scan3A_34, %scan3A_35 : i32
    %scan3A_37 = arith.constant 1 : i32
    scf.for %scan3A_60 = %scan3A_34 to %scan3A_36 step %scan3A_37  : i32 {
      %mul3A_61 = arith.constant 8 : i32
      %mul3A_62 = arith.muli %scan3A_60, %mul3A_61 : i32
      %add3A_63 = arith.constant 0 : i32
      %add3A_64 = arith.addi %add3A_63, %mul3A_62 : i32
      %broadcast_in_dim3A_65 = arith.constant 0 : i32
      %broadcast_in_dim3A_66 = vector.broadcast %broadcast_in_dim3A_65 : i32 to vector<16xi32>
      %add3A_67 = arith.constant 0 : i32
      %add3A_68 = arith.addi %add3A_64, %add3A_67 : i32
      %mul3A_69 = arith.constant 16 : i32
      %mul3A_70 = arith.muli %add3A_68, %mul3A_69 : i32
      %swap3A_71 = arith.index_cast %mul3A_70 : i32 to index
      %swap3A_72 = tpu.vector_load %arg10[%swap3A_71] {strides = array<i32>} : memref<32768xi32, #tpu.memory_space<vmem>>, vector<16xi32>,
      tpu.vector_store %arg10[%swap3A_71], %broadcast_in_dim3A_66 {strides = array<i32>} : memref<32768xi32, #tpu.memory_space<vmem>>, vector<16xi32>,
      %broadcast_in_dim3A_73 = arith.constant 0 : i32
      %broadcast_in_dim3A_74 = vector.broadcast %broadcast_in_dim3A_73 : i32 to vector<16xi32>
      %add3A_75 = arith.constant 1 : i32
      %add3A_76 = arith.addi %add3A_64, %add3A_75 : i32
      %mul3A_77 = arith.constant 16 : i32
      %mul3A_78 = arith.muli %add3A_76, %mul3A_77 : i32
      %swap3A_79 = arith.index_cast %mul3A_78 : i32 to index
      %swap3A_80 = tpu.vector_load %arg10[%swap3A_79] {strides = array<i32>} : memref<32768xi32, #tpu.memory_space<vmem>>, vector<16xi32>,
      tpu.vector_store %arg10[%swap3A_79], %broadcast_in_dim3A_74 {strides = array<i32>} : memref<32768xi32, #tpu.memory_space<vmem>>, vector<16xi32>,
      %broadcast_in_dim3A_81 = arith.constant 0 : i32
      %broadcast_in_dim3A_82 = vector.broadcast %broadcast_in_dim3A_81 : i32 to vector<16xi32>
      %add3A_83 = arith.constant 2 : i32
      %add3A_84 = arith.addi %add3A_64, %add3A_83 : i32
      %mul3A_85 = arith.constant 16 : i32
      %mul3A_86 = arith.muli %add3A_84, %mul3A_85 : i32
      %swap3A_87 = arith.index_cast %mul3A_86 : i32 to index
      %swap3A_88 = tpu.vector_load %arg10[%swap3A_87] {strides = array<i32>} : memref<32768xi32, #tpu.memory_space<vmem>>, vector<16xi32>,
      tpu.vector_store %arg10[%swap3A_87], %broadcast_in_dim3A_82 {strides = array<i32>} : memref<32768xi32, #tpu.memory_space<vmem>>, vector<16xi32>,
      %broadcast_in_dim3A_89 = arith.constant 0 : i32
      %broadcast_in_dim3A_90 = vector.broadcast %broadcast_in_dim3A_89 : i32 to vector<16xi32>
      %add3A_91 = arith.constant 3 : i32
      %add3A_92 = arith.addi %add3A_64, %add3A_91 : i32
      %mul3A_93 = arith.constant 16 : i32
      %mul3A_94 = arith.muli %add3A_92, %mul3A_93 : i32
      %swap3A_95 = arith.index_cast %mul3A_94 : i32 to index
      %swap3A_96 = tpu.vector_load %arg10[%swap3A_95] {strides = array<i32>} : memref<32768xi32, #tpu.memory_space<vmem>>, vector<16xi32>,
      tpu.vector_store %arg10[%swap3A_95], %broadcast_in_dim3A_90 {strides = array<i32>} : memref<32768xi32, #tpu.memory_space<vmem>>, vector<16xi32>,
      %broadcast_in_dim3A_97 = arith.constant 0 : i32
      %broadcast_in_dim3A_98 = vector.broadcast %broadcast_in_dim3A_97 : i32 to vector<16xi32>
      %add3A_99 = arith.constant 4 : i32
      %add3A_100 = arith.addi %add3A_64, %add3A_99 : i32
      %mul3A_101 = arith.constant 16 : i32
      %mul3A_102 = arith.muli %add3A_100, %mul3A_101 : i32
      %swap3A_103 = arith.index_cast %mul3A_102 : i32 to index
      %swap3A_104 = tpu.vector_load %arg10[%swap3A_103] {strides = array<i32>} : memref<32768xi32, #tpu.memory_space<vmem>>, vector<16xi32>,
      tpu.vector_store %arg10[%swap3A_103], %broadcast_in_dim3A_98 {strides = array<i32>} : memref<32768xi32, #tpu.memory_space<vmem>>, vector<16xi32>,
      %broadcast_in_dim3A_105 = arith.constant 0 : i32
      %broadcast_in_dim3A_106 = vector.broadcast %broadcast_in_dim3A_105 : i32 to vector<16xi32>
      %add3A_107 = arith.constant 5 : i32
      %add3A_108 = arith.addi %add3A_64, %add3A_107 : i32
      %mul3A_109 = arith.constant 16 : i32
      %mul3A_110 = arith.muli %add3A_108, %mul3A_109 : i32
      %swap3A_111 = arith.index_cast %mul3A_110 : i32 to index
      %swap3A_112 = tpu.vector_load %arg10[%swap3A_111] {strides = array<i32>} : memref<32768xi32, #tpu.memory_space<vmem>>, vector<16xi32>,
      tpu.vector_store %arg10[%swap3A_111], %broadcast_in_dim3A_106 {strides = array<i32>} : memref<32768xi32, #tpu.memory_space<vmem>>, vector<16xi32>,
      %broadcast_in_dim3A_113 = arith.constant 0 : i32
      %broadcast_in_dim3A_114 = vector.broadcast %broadcast_in_dim3A_113 : i32 to vector<16xi32>
      %add3A_115 = arith.constant 6 : i32
      %add3A_116 = arith.addi %add3A_64, %add3A_115 : i32
      %mul3A_117 = arith.constant 16 : i32
      %mul3A_118 = arith.muli %add3A_116, %mul3A_117 : i32
      %swap3A_119 = arith.index_cast %mul3A_118 : i32 to index
      %swap3A_120 = tpu.vector_load %arg10[%swap3A_119] {strides = array<i32>} : memref<32768xi32, #tpu.memory_space<vmem>>, vector<16xi32>,
      tpu.vector_store %arg10[%swap3A_119], %broadcast_in_dim3A_114 {strides = array<i32>} : memref<32768xi32, #tpu.memory_space<vmem>>, vector<16xi32>,
      %broadcast_in_dim3A_121 = arith.constant 0 : i32
      %broadcast_in_dim3A_122 = vector.broadcast %broadcast_in_dim3A_121 : i32 to vector<16xi32>
      %add3A_123 = arith.constant 7 : i32
      %add3A_124 = arith.addi %add3A_64, %add3A_123 : i32
      %mul3A_125 = arith.constant 16 : i32
      %mul3A_126 = arith.muli %add3A_124, %mul3A_125 : i32
      %swap3A_127 = arith.index_cast %mul3A_126 : i32 to index
      %swap3A_128 = tpu.vector_load %arg10[%swap3A_127] {strides = array<i32>} : memref<32768xi32, #tpu.memory_space<vmem>>, vector<16xi32>,
      tpu.vector_store %arg10[%swap3A_127], %broadcast_in_dim3A_122 {strides = array<i32>} : memref<32768xi32, #tpu.memory_space<vmem>>, vector<16xi32>,
    }
    %scan3A_38 = arith.constant 256 : i32
    %iota3A_39 = tpu.iota {dimensions = array<i32: 0>} : vector<16xi32>
    %mul3A_40 = arith.constant 2048 : i32
    %mul3A_41 = vector.broadcast %mul3A_40 : i32 to vector<16xi32>
    %mul3A_42 = arith.muli %iota3A_39, %mul3A_41 : vector<16xi32>
    %broadcast_in_dim3A_43 = arith.constant 1 : i32
    %broadcast_in_dim3A_44 = vector.broadcast %broadcast_in_dim3A_43 : i32 to vector<16xi32>
    %dma_start3A = tpu.memref_slice %arg2[%mul3A_2] : memref<4194304xf32, #tpu.memory_space<hbm>> -> memref<4096xf32, #tpu.memory_space<hbm>>
    %dma_start3A_45 = tpu.memref_slice %arg2[%mul3A_2] : memref<4194304xf32, #tpu.memory_space<hbm>> -> memref<4096xf32, #tpu.memory_space<hbm>>
    tpu.enqueue_dma source(%dma_start3A_45 : memref<4096xf32, #tpu.memory_space<hbm>>) target(%arg8 : memref<4096xf32, #tpu.memory_space<vmem>>) target_semaphore(%arg12 : memref<!tpu.dma_semaphore, #tpu.memory_space<semaphore_mem>>)
    %add3A_46 = arith.constant 4096 : i32
    %add3A_47 = arith.addi %mul3A_2, %add3A_46 : i32
    %dma_start3A_48 = tpu.memref_slice %arg2[%add3A_47] : memref<4194304xf32, #tpu.memory_space<hbm>> -> memref<4096xf32, #tpu.memory_space<hbm>>
    %dma_start3A_49 = tpu.memref_slice %arg2[%add3A_47] : memref<4194304xf32, #tpu.memory_space<hbm>> -> memref<4096xf32, #tpu.memory_space<hbm>>
    tpu.enqueue_dma source(%dma_start3A_49 : memref<4096xf32, #tpu.memory_space<hbm>>) target(%arg9 : memref<4096xf32, #tpu.memory_space<vmem>>) target_semaphore(%arg13 : memref<!tpu.dma_semaphore, #tpu.memory_space<semaphore_mem>>)
    %scan3A_50 = arith.constant 0 : i32
    %scan3A_51 = arith.constant 16 : i32
    %scan3A_52 = arith.addi %scan3A_50, %scan3A_51 : i32
    %scan3A_53 = arith.constant 1 : i32
    scf.for %scan3A_60 = %scan3A_50 to %scan3A_52 step %scan3A_53  : i32 {
      %mul3A_61 = arith.constant 1 : i32
      %mul3A_62 = arith.muli %scan3A_60, %mul3A_61 : i32
      %add3A_63 = arith.constant 0 : i32
      %add3A_64 = arith.addi %add3A_63, %mul3A_62 : i32
      %mul3A_65 = arith.constant 2 : i32
      %mul3A_66 = arith.muli %add3A_64, %mul3A_65 : i32
      %add3A_67 = arith.constant 0 : i32
      %add3A_68 = arith.addi %mul3A_66, %add3A_67 : i32
      %mul3A_69 = arith.constant 4096 : i32
      %mul3A_70 = arith.muli %add3A_68, %mul3A_69 : i32
      %add3A_71 = arith.addi %mul3A_2, %mul3A_70 : i32
      %dma_wait3A = tpu.memref_slice %arg2[%add3A_71] : memref<4194304xf32, #tpu.memory_space<hbm>> -> memref<4096xf32, #tpu.memory_space<hbm>>
      %dma_wait3A_72 = tpu.memref_slice %arg2[%add3A_71] : memref<4194304xf32, #tpu.memory_space<hbm>> -> memref<4096xf32, #tpu.memory_space<hbm>>
      tpu.wait_dma2 semaphore(%arg12 : memref<!tpu.dma_semaphore, #tpu.memory_space<semaphore_mem>>) src(%dma_wait3A_72 : memref<4096xf32, #tpu.memory_space<hbm>>) dst(%arg8 : memref<4096xf32, #tpu.memory_space<vmem>>)
      %scan3A_73 = arith.constant 0 : i32
      %scan3A_74 = arith.constant 16 : i32
      %scan3A_75 = arith.addi %scan3A_73, %scan3A_74 : i32
      %scan3A_76 = arith.constant 1 : i32
      scf.for %scan3A_105 = %scan3A_73 to %scan3A_75 step %scan3A_76  : i32 {
        %mul3A_106 = arith.constant 8 : i32
        %mul3A_107 = arith.muli %scan3A_105, %mul3A_106 : i32
        %add3A_108 = arith.constant 0 : i32
        %add3A_109 = arith.addi %add3A_108, %mul3A_107 : i32
        %add3A_110 = arith.constant 0 : i32
        %add3A_111 = arith.addi %add3A_109, %add3A_110 : i32
        %mul3A_112 = arith.constant 16 : i32
        %mul3A_113 = arith.muli %add3A_111, %mul3A_112 : i32
        %add3A_114 = arith.constant 1 : i32
        %add3A_115 = arith.addi %add3A_109, %add3A_114 : i32
        %mul3A_116 = arith.constant 16 : i32
        %mul3A_117 = arith.muli %add3A_115, %mul3A_116 : i32
        %add3A_118 = arith.constant 2 : i32
        %add3A_119 = arith.addi %add3A_109, %add3A_118 : i32
        %mul3A_120 = arith.constant 16 : i32
        %mul3A_121 = arith.muli %add3A_119, %mul3A_120 : i32
        %add3A_122 = arith.constant 3 : i32
        %add3A_123 = arith.addi %add3A_109, %add3A_122 : i32
        %mul3A_124 = arith.constant 16 : i32
        %mul3A_125 = arith.muli %add3A_123, %mul3A_124 : i32
        %add3A_126 = arith.constant 4 : i32
        %add3A_127 = arith.addi %add3A_109, %add3A_126 : i32
        %mul3A_128 = arith.constant 16 : i32
        %mul3A_129 = arith.muli %add3A_127, %mul3A_128 : i32
        %add3A_130 = arith.constant 5 : i32
        %add3A_131 = arith.addi %add3A_109, %add3A_130 : i32
        %mul3A_132 = arith.constant 16 : i32
        %mul3A_133 = arith.muli %add3A_131, %mul3A_132 : i32
        %add3A_134 = arith.constant 6 : i32
        %add3A_135 = arith.addi %add3A_109, %add3A_134 : i32
        %mul3A_136 = arith.constant 16 : i32
        %mul3A_137 = arith.muli %add3A_135, %mul3A_136 : i32
        %add3A_138 = arith.constant 7 : i32
        %add3A_139 = arith.addi %add3A_109, %add3A_138 : i32
        %mul3A_140 = arith.constant 16 : i32
        %mul3A_141 = arith.muli %add3A_139, %mul3A_140 : i32
        %get3A = arith.index_cast %mul3A_113 : i32 to index
        %get3A_142 = tpu.vector_load %arg7[%get3A] {strides = array<i32>} : memref<2048xf32, #tpu.memory_space<vmem>>, vector<16xf32>,
        %get3A_143 = arith.index_cast %mul3A_117 : i32 to index
        %get3A_144 = tpu.vector_load %arg7[%get3A_143] {strides = array<i32>} : memref<2048xf32, #tpu.memory_space<vmem>>, vector<16xf32>,
        %get3A_145 = arith.index_cast %mul3A_121 : i32 to index
        %get3A_146 = tpu.vector_load %arg7[%get3A_145] {strides = array<i32>} : memref<2048xf32, #tpu.memory_space<vmem>>, vector<16xf32>,
        %get3A_147 = arith.index_cast %mul3A_125 : i32 to index
        %get3A_148 = tpu.vector_load %arg7[%get3A_147] {strides = array<i32>} : memref<2048xf32, #tpu.memory_space<vmem>>, vector<16xf32>,
        %get3A_149 = arith.index_cast %mul3A_129 : i32 to index
        %get3A_150 = tpu.vector_load %arg7[%get3A_149] {strides = array<i32>} : memref<2048xf32, #tpu.memory_space<vmem>>, vector<16xf32>,
        %get3A_151 = arith.index_cast %mul3A_133 : i32 to index
        %get3A_152 = tpu.vector_load %arg7[%get3A_151] {strides = array<i32>} : memref<2048xf32, #tpu.memory_space<vmem>>, vector<16xf32>,
        %get3A_153 = arith.index_cast %mul3A_137 : i32 to index
        %get3A_154 = tpu.vector_load %arg7[%get3A_153] {strides = array<i32>} : memref<2048xf32, #tpu.memory_space<vmem>>, vector<16xf32>,
        %get3A_155 = arith.index_cast %mul3A_141 : i32 to index
        %get3A_156 = tpu.vector_load %arg7[%get3A_155] {strides = array<i32>} : memref<2048xf32, #tpu.memory_space<vmem>>, vector<16xf32>,
        %add3A_157 = arith.constant 0 : i32
        %add3A_158 = arith.addi %add3A_157, %mul3A_113 : i32
        %get3A_159 = arith.index_cast %add3A_158 : i32 to index
        %get3A_160 = tpu.vector_load %arg8[%get3A_159] {strides = array<i32>} : memref<4096xf32, #tpu.memory_space<vmem>>, vector<16xf32>,
        %add3A_161 = arith.constant 2048 : i32
        %add3A_162 = arith.addi %add3A_161, %mul3A_113 : i32
        %get3A_163 = arith.index_cast %add3A_162 : i32 to index
        %get3A_164 = tpu.vector_load %arg8[%get3A_163] {strides = array<i32>} : memref<4096xf32, #tpu.memory_space<vmem>>, vector<16xf32>,
        %add3A_165 = arith.constant 0 : i32
        %add3A_166 = arith.addi %add3A_165, %mul3A_117 : i32
        %get3A_167 = arith.index_cast %add3A_166 : i32 to index
        %get3A_168 = tpu.vector_load %arg8[%get3A_167] {strides = array<i32>} : memref<4096xf32, #tpu.memory_space<vmem>>, vector<16xf32>,
        %add3A_169 = arith.constant 2048 : i32
        %add3A_170 = arith.addi %add3A_169, %mul3A_117 : i32
        %get3A_171 = arith.index_cast %add3A_170 : i32 to index
        %get3A_172 = tpu.vector_load %arg8[%get3A_171] {strides = array<i32>} : memref<4096xf32, #tpu.memory_space<vmem>>, vector<16xf32>,
        %add3A_173 = arith.constant 0 : i32
        %add3A_174 = arith.addi %add3A_173, %mul3A_121 : i32
        %get3A_175 = arith.index_cast %add3A_174 : i32 to index
        %get3A_176 = tpu.vector_load %arg8[%get3A_175] {strides = array<i32>} : memref<4096xf32, #tpu.memory_space<vmem>>, vector<16xf32>,
        %add3A_177 = arith.constant 2048 : i32
        %add3A_178 = arith.addi %add3A_177, %mul3A_121 : i32
        %get3A_179 = arith.index_cast %add3A_178 : i32 to index
        %get3A_180 = tpu.vector_load %arg8[%get3A_179] {strides = array<i32>} : memref<4096xf32, #tpu.memory_space<vmem>>, vector<16xf32>,
        %add3A_181 = arith.constant 0 : i32
        %add3A_182 = arith.addi %add3A_181, %mul3A_125 : i32
        %get3A_183 = arith.index_cast %add3A_182 : i32 to index
        %get3A_184 = tpu.vector_load %arg8[%get3A_183] {strides = array<i32>} : memref<4096xf32, #tpu.memory_space<vmem>>, vector<16xf32>,
        %add3A_185 = arith.constant 2048 : i32
        %add3A_186 = arith.addi %add3A_185, %mul3A_125 : i32
        %get3A_187 = arith.index_cast %add3A_186 : i32 to index
        %get3A_188 = tpu.vector_load %arg8[%get3A_187] {strides = array<i32>} : memref<4096xf32, #tpu.memory_space<vmem>>, vector<16xf32>,
        %add3A_189 = arith.constant 0 : i32
        %add3A_190 = arith.addi %add3A_189, %mul3A_129 : i32
        %get3A_191 = arith.index_cast %add3A_190 : i32 to index
        %get3A_192 = tpu.vector_load %arg8[%get3A_191] {strides = array<i32>} : memref<4096xf32, #tpu.memory_space<vmem>>, vector<16xf32>,
        %add3A_193 = arith.constant 2048 : i32
        %add3A_194 = arith.addi %add3A_193, %mul3A_129 : i32
        %get3A_195 = arith.index_cast %add3A_194 : i32 to index
        %get3A_196 = tpu.vector_load %arg8[%get3A_195] {strides = array<i32>} : memref<4096xf32, #tpu.memory_space<vmem>>, vector<16xf32>,
        %add3A_197 = arith.constant 0 : i32
        %add3A_198 = arith.addi %add3A_197, %mul3A_133 : i32
        %get3A_199 = arith.index_cast %add3A_198 : i32 to index
        %get3A_200 = tpu.vector_load %arg8[%get3A_199] {strides = array<i32>} : memref<4096xf32, #tpu.memory_space<vmem>>, vector<16xf32>,
        %add3A_201 = arith.constant 2048 : i32
        %add3A_202 = arith.addi %add3A_201, %mul3A_133 : i32
        %get3A_203 = arith.index_cast %add3A_202 : i32 to index
        %get3A_204 = tpu.vector_load %arg8[%get3A_203] {strides = array<i32>} : memref<4096xf32, #tpu.memory_space<vmem>>, vector<16xf32>,
        %add3A_205 = arith.constant 0 : i32
        %add3A_206 = arith.addi %add3A_205, %mul3A_137 : i32
        %get3A_207 = arith.index_cast %add3A_206 : i32 to index
        %get3A_208 = tpu.vector_load %arg8[%get3A_207] {strides = array<i32>} : memref<4096xf32, #tpu.memory_space<vmem>>, vector<16xf32>,
        %add3A_209 = arith.constant 2048 : i32
        %add3A_210 = arith.addi %add3A_209, %mul3A_137 : i32
        %get3A_211 = arith.index_cast %add3A_210 : i32 to index
        %get3A_212 = tpu.vector_load %arg8[%get3A_211] {strides = array<i32>} : memref<4096xf32, #tpu.memory_space<vmem>>, vector<16xf32>,
        %add3A_213 = arith.constant 0 : i32
        %add3A_214 = arith.addi %add3A_213, %mul3A_141 : i32
        %get3A_215 = arith.index_cast %add3A_214 : i32 to index
        %get3A_216 = tpu.vector_load %arg8[%get3A_215] {strides = array<i32>} : memref<4096xf32, #tpu.memory_space<vmem>>, vector<16xf32>,
        %add3A_217 = arith.constant 2048 : i32
        %add3A_218 = arith.addi %add3A_217, %mul3A_141 : i32
        %get3A_219 = arith.index_cast %add3A_218 : i32 to index
        %get3A_220 = tpu.vector_load %arg8[%get3A_219] {strides = array<i32>} : memref<4096xf32, #tpu.memory_space<vmem>>, vector<16xf32>,
        %abs3A = math.absf %get3A_160 : vector<16xf32>
        %mul3A_221 = arith.mulf %abs3A, %get3A_142 : vector<16xf32>
        %bitcast_convert_type3A = tpu.bitcast %mul3A_221 : vector<16xf32> -> vector<16xi32>
        %abs3A_222 = math.absf %get3A_164 : vector<16xf32>
        %mul3A_223 = arith.mulf %abs3A_222, %get3A_142 : vector<16xf32>
        %bitcast_convert_type3A_224 = tpu.bitcast %mul3A_223 : vector<16xf32> -> vector<16xi32>
        %abs3A_225 = math.absf %get3A_168 : vector<16xf32>
        %mul3A_226 = arith.mulf %abs3A_225, %get3A_144 : vector<16xf32>
        %bitcast_convert_type3A_227 = tpu.bitcast %mul3A_226 : vector<16xf32> -> vector<16xi32>
        %abs3A_228 = math.absf %get3A_172 : vector<16xf32>
        %mul3A_229 = arith.mulf %abs3A_228, %get3A_144 : vector<16xf32>
        %bitcast_convert_type3A_230 = tpu.bitcast %mul3A_229 : vector<16xf32> -> vector<16xi32>
        %abs3A_231 = math.absf %get3A_176 : vector<16xf32>
        %mul3A_232 = arith.mulf %abs3A_231, %get3A_146 : vector<16xf32>
        %bitcast_convert_type3A_233 = tpu.bitcast %mul3A_232 : vector<16xf32> -> vector<16xi32>
        %abs3A_234 = math.absf %get3A_180 : vector<16xf32>
        %mul3A_235 = arith.mulf %abs3A_234, %get3A_146 : vector<16xf32>
        %bitcast_convert_type3A_236 = tpu.bitcast %mul3A_235 : vector<16xf32> -> vector<16xi32>
        %abs3A_237 = math.absf %get3A_184 : vector<16xf32>
        %mul3A_238 = arith.mulf %abs3A_237, %get3A_148 : vector<16xf32>
        %bitcast_convert_type3A_239 = tpu.bitcast %mul3A_238 : vector<16xf32> -> vector<16xi32>
        %abs3A_240 = math.absf %get3A_188 : vector<16xf32>
        %mul3A_241 = arith.mulf %abs3A_240, %get3A_148 : vector<16xf32>
        %bitcast_convert_type3A_242 = tpu.bitcast %mul3A_241 : vector<16xf32> -> vector<16xi32>
        %abs3A_243 = math.absf %get3A_192 : vector<16xf32>
        %mul3A_244 = arith.mulf %abs3A_243, %get3A_150 : vector<16xf32>
        %bitcast_convert_type3A_245 = tpu.bitcast %mul3A_244 : vector<16xf32> -> vector<16xi32>
        %abs3A_246 = math.absf %get3A_196 : vector<16xf32>
        %mul3A_247 = arith.mulf %abs3A_246, %get3A_150 : vector<16xf32>
        %bitcast_convert_type3A_248 = tpu.bitcast %mul3A_247 : vector<16xf32> -> vector<16xi32>
        %abs3A_249 = math.absf %get3A_200 : vector<16xf32>
        %mul3A_250 = arith.mulf %abs3A_249, %get3A_152 : vector<16xf32>
        %bitcast_convert_type3A_251 = tpu.bitcast %mul3A_250 : vector<16xf32> -> vector<16xi32>
        %abs3A_252 = math.absf %get3A_204 : vector<16xf32>
        %mul3A_253 = arith.mulf %abs3A_252, %get3A_152 : vector<16xf32>
        %bitcast_convert_type3A_254 = tpu.bitcast %mul3A_253 : vector<16xf32> -> vector<16xi32>
        %abs3A_255 = math.absf %get3A_208 : vector<16xf32>
        %mul3A_256 = arith.mulf %abs3A_255, %get3A_154 : vector<16xf32>
        %bitcast_convert_type3A_257 = tpu.bitcast %mul3A_256 : vector<16xf32> -> vector<16xi32>
        %abs3A_258 = math.absf %get3A_212 : vector<16xf32>
        %mul3A_259 = arith.mulf %abs3A_258, %get3A_154 : vector<16xf32>
        %bitcast_convert_type3A_260 = tpu.bitcast %mul3A_259 : vector<16xf32> -> vector<16xi32>
        %abs3A_261 = math.absf %get3A_216 : vector<16xf32>
        %mul3A_262 = arith.mulf %abs3A_261, %get3A_156 : vector<16xf32>
        %bitcast_convert_type3A_263 = tpu.bitcast %mul3A_262 : vector<16xf32> -> vector<16xi32>
        %abs3A_264 = math.absf %get3A_220 : vector<16xf32>
        %mul3A_265 = arith.mulf %abs3A_264, %get3A_156 : vector<16xf32>
        %bitcast_convert_type3A_266 = tpu.bitcast %mul3A_265 : vector<16xf32> -> vector<16xi32>
        %shift_right_logical3A = arith.constant 20 : i32
        %shift_right_logical3A_267 = vector.broadcast %shift_right_logical3A : i32 to vector<16xi32>
        %shift_right_logical3A_268 = arith.shrui %bitcast_convert_type3A, %shift_right_logical3A_267 : vector<16xi32>
        %eq3A_269 = vector.broadcast %sub3A_17 : i32 to vector<16xi32>
        %eq3A_270 = arith.cmpi eq, %shift_right_logical3A_268, %eq3A_269 : vector<16xi32>
        %shift_right_logical3A_271 = arith.constant 20 : i32
        %shift_right_logical3A_272 = vector.broadcast %shift_right_logical3A_271 : i32 to vector<16xi32>
        %shift_right_logical3A_273 = arith.shrui %bitcast_convert_type3A_224, %shift_right_logical3A_272 : vector<16xi32>
        %eq3A_274 = vector.broadcast %sub3A_17 : i32 to vector<16xi32>
        %eq3A_275 = arith.cmpi eq, %shift_right_logical3A_273, %eq3A_274 : vector<16xi32>
        %shift_right_logical3A_276 = arith.constant 20 : i32
        %shift_right_logical3A_277 = vector.broadcast %shift_right_logical3A_276 : i32 to vector<16xi32>
        %shift_right_logical3A_278 = arith.shrui %bitcast_convert_type3A_227, %shift_right_logical3A_277 : vector<16xi32>
        %eq3A_279 = vector.broadcast %sub3A_17 : i32 to vector<16xi32>
        %eq3A_280 = arith.cmpi eq, %shift_right_logical3A_278, %eq3A_279 : vector<16xi32>
        %shift_right_logical3A_281 = arith.constant 20 : i32
        %shift_right_logical3A_282 = vector.broadcast %shift_right_logical3A_281 : i32 to vector<16xi32>
        %shift_right_logical3A_283 = arith.shrui %bitcast_convert_type3A_230, %shift_right_logical3A_282 : vector<16xi32>
        %eq3A_284 = vector.broadcast %sub3A_17 : i32 to vector<16xi32>
        %eq3A_285 = arith.cmpi eq, %shift_right_logical3A_283, %eq3A_284 : vector<16xi32>
        %shift_right_logical3A_286 = arith.constant 20 : i32
        %shift_right_logical3A_287 = vector.broadcast %shift_right_logical3A_286 : i32 to vector<16xi32>
        %shift_right_logical3A_288 = arith.shrui %bitcast_convert_type3A_233, %shift_right_logical3A_287 : vector<16xi32>
        %eq3A_289 = vector.broadcast %sub3A_17 : i32 to vector<16xi32>
        %eq3A_290 = arith.cmpi eq, %shift_right_logical3A_288, %eq3A_289 : vector<16xi32>
        %shift_right_logical3A_291 = arith.constant 20 : i32
        %shift_right_logical3A_292 = vector.broadcast %shift_right_logical3A_291 : i32 to vector<16xi32>
        %shift_right_logical3A_293 = arith.shrui %bitcast_convert_type3A_236, %shift_right_logical3A_292 : vector<16xi32>
        %eq3A_294 = vector.broadcast %sub3A_17 : i32 to vector<16xi32>
        %eq3A_295 = arith.cmpi eq, %shift_right_logical3A_293, %eq3A_294 : vector<16xi32>
        %shift_right_logical3A_296 = arith.constant 20 : i32
        %shift_right_logical3A_297 = vector.broadcast %shift_right_logical3A_296 : i32 to vector<16xi32>
        %shift_right_logical3A_298 = arith.shrui %bitcast_convert_type3A_239, %shift_right_logical3A_297 : vector<16xi32>
        %eq3A_299 = vector.broadcast %sub3A_17 : i32 to vector<16xi32>
        %eq3A_300 = arith.cmpi eq, %shift_right_logical3A_298, %eq3A_299 : vector<16xi32>
        %shift_right_logical3A_301 = arith.constant 20 : i32
        %shift_right_logical3A_302 = vector.broadcast %shift_right_logical3A_301 : i32 to vector<16xi32>
        %shift_right_logical3A_303 = arith.shrui %bitcast_convert_type3A_242, %shift_right_logical3A_302 : vector<16xi32>
        %eq3A_304 = vector.broadcast %sub3A_17 : i32 to vector<16xi32>
        %eq3A_305 = arith.cmpi eq, %shift_right_logical3A_303, %eq3A_304 : vector<16xi32>
        %shift_right_logical3A_306 = arith.constant 20 : i32
        %shift_right_logical3A_307 = vector.broadcast %shift_right_logical3A_306 : i32 to vector<16xi32>
        %shift_right_logical3A_308 = arith.shrui %bitcast_convert_type3A_245, %shift_right_logical3A_307 : vector<16xi32>
        %eq3A_309 = vector.broadcast %sub3A_17 : i32 to vector<16xi32>
        %eq3A_310 = arith.cmpi eq, %shift_right_logical3A_308, %eq3A_309 : vector<16xi32>
        %shift_right_logical3A_311 = arith.constant 20 : i32
        %shift_right_logical3A_312 = vector.broadcast %shift_right_logical3A_311 : i32 to vector<16xi32>
        %shift_right_logical3A_313 = arith.shrui %bitcast_convert_type3A_248, %shift_right_logical3A_312 : vector<16xi32>
        %eq3A_314 = vector.broadcast %sub3A_17 : i32 to vector<16xi32>
        %eq3A_315 = arith.cmpi eq, %shift_right_logical3A_313, %eq3A_314 : vector<16xi32>
        %shift_right_logical3A_316 = arith.constant 20 : i32
        %shift_right_logical3A_317 = vector.broadcast %shift_right_logical3A_316 : i32 to vector<16xi32>
        %shift_right_logical3A_318 = arith.shrui %bitcast_convert_type3A_251, %shift_right_logical3A_317 : vector<16xi32>
        %eq3A_319 = vector.broadcast %sub3A_17 : i32 to vector<16xi32>
        %eq3A_320 = arith.cmpi eq, %shift_right_logical3A_318, %eq3A_319 : vector<16xi32>
        %shift_right_logical3A_321 = arith.constant 20 : i32
        %shift_right_logical3A_322 = vector.broadcast %shift_right_logical3A_321 : i32 to vector<16xi32>
        %shift_right_logical3A_323 = arith.shrui %bitcast_convert_type3A_254, %shift_right_logical3A_322 : vector<16xi32>
        %eq3A_324 = vector.broadcast %sub3A_17 : i32 to vector<16xi32>
        %eq3A_325 = arith.cmpi eq, %shift_right_logical3A_323, %eq3A_324 : vector<16xi32>
        %shift_right_logical3A_326 = arith.constant 20 : i32
        %shift_right_logical3A_327 = vector.broadcast %shift_right_logical3A_326 : i32 to vector<16xi32>
        %shift_right_logical3A_328 = arith.shrui %bitcast_convert_type3A_257, %shift_right_logical3A_327 : vector<16xi32>
        %eq3A_329 = vector.broadcast %sub3A_17 : i32 to vector<16xi32>
        %eq3A_330 = arith.cmpi eq, %shift_right_logical3A_328, %eq3A_329 : vector<16xi32>
        %shift_right_logical3A_331 = arith.constant 20 : i32
        %shift_right_logical3A_332 = vector.broadcast %shift_right_logical3A_331 : i32 to vector<16xi32>
        %shift_right_logical3A_333 = arith.shrui %bitcast_convert_type3A_260, %shift_right_logical3A_332 : vector<16xi32>
        %eq3A_334 = vector.broadcast %sub3A_17 : i32 to vector<16xi32>
        %eq3A_335 = arith.cmpi eq, %shift_right_logical3A_333, %eq3A_334 : vector<16xi32>
        %shift_right_logical3A_336 = arith.constant 20 : i32
        %shift_right_logical3A_337 = vector.broadcast %shift_right_logical3A_336 : i32 to vector<16xi32>
        %shift_right_logical3A_338 = arith.shrui %bitcast_convert_type3A_263, %shift_right_logical3A_337 : vector<16xi32>
        %eq3A_339 = vector.broadcast %sub3A_17 : i32 to vector<16xi32>
        %eq3A_340 = arith.cmpi eq, %shift_right_logical3A_338, %eq3A_339 : vector<16xi32>
        %shift_right_logical3A_341 = arith.constant 20 : i32
        %shift_right_logical3A_342 = vector.broadcast %shift_right_logical3A_341 : i32 to vector<16xi32>
        %shift_right_logical3A_343 = arith.shrui %bitcast_convert_type3A_266, %shift_right_logical3A_342 : vector<16xi32>
        %eq3A_344 = vector.broadcast %sub3A_17 : i32 to vector<16xi32>
        %eq3A_345 = arith.cmpi eq, %shift_right_logical3A_343, %eq3A_344 : vector<16xi32>
        %shift_right_logical3A_346 = arith.constant 9 : i32
        %shift_right_logical3A_347 = vector.broadcast %shift_right_logical3A_346 : i32 to vector<16xi32>
        %shift_right_logical3A_348 = arith.shrui %bitcast_convert_type3A, %shift_right_logical3A_347 : vector<16xi32>
        %and3A_349 = arith.constant 2047 : i32
        %and3A_350 = vector.broadcast %and3A_349 : i32 to vector<16xi32>
        %and3A_351 = arith.andi %shift_right_logical3A_348, %and3A_350 : vector<16xi32>
        %add3A_352 = arith.addi %and3A_351, %mul3A_42 : vector<16xi32>
        %shift_right_logical3A_353 = arith.constant 9 : i32
        %shift_right_logical3A_354 = vector.broadcast %shift_right_logical3A_353 : i32 to vector<16xi32>
        %shift_right_logical3A_355 = arith.shrui %bitcast_convert_type3A_224, %shift_right_logical3A_354 : vector<16xi32>
        %and3A_356 = arith.constant 2047 : i32
        %and3A_357 = vector.broadcast %and3A_356 : i32 to vector<16xi32>
        %and3A_358 = arith.andi %shift_right_logical3A_355, %and3A_357 : vector<16xi32>
        %add3A_359 = arith.addi %and3A_358, %mul3A_42 : vector<16xi32>
        %shift_right_logical3A_360 = arith.constant 9 : i32
        %shift_right_logical3A_361 = vector.broadcast %shift_right_logical3A_360 : i32 to vector<16xi32>
        %shift_right_logical3A_362 = arith.shrui %bitcast_convert_type3A_227, %shift_right_logical3A_361 : vector<16xi32>
        %and3A_363 = arith.constant 2047 : i32
        %and3A_364 = vector.broadcast %and3A_363 : i32 to vector<16xi32>
        %and3A_365 = arith.andi %shift_right_logical3A_362, %and3A_364 : vector<16xi32>
        %add3A_366 = arith.addi %and3A_365, %mul3A_42 : vector<16xi32>
        %shift_right_logical3A_367 = arith.constant 9 : i32
        %shift_right_logical3A_368 = vector.broadcast %shift_right_logical3A_367 : i32 to vector<16xi32>
        %shift_right_logical3A_369 = arith.shrui %bitcast_convert_type3A_230, %shift_right_logical3A_368 : vector<16xi32>
        %and3A_370 = arith.constant 2047 : i32
        %and3A_371 = vector.broadcast %and3A_370 : i32 to vector<16xi32>
        %and3A_372 = arith.andi %shift_right_logical3A_369, %and3A_371 : vector<16xi32>
        %add3A_373 = arith.addi %and3A_372, %mul3A_42 : vector<16xi32>
        %shift_right_logical3A_374 = arith.constant 9 : i32
        %shift_right_logical3A_375 = vector.broadcast %shift_right_logical3A_374 : i32 to vector<16xi32>
        %shift_right_logical3A_376 = arith.shrui %bitcast_convert_type3A_233, %shift_right_logical3A_375 : vector<16xi32>
        %and3A_377 = arith.constant 2047 : i32
        %and3A_378 = vector.broadcast %and3A_377 : i32 to vector<16xi32>
        %and3A_379 = arith.andi %shift_right_logical3A_376, %and3A_378 : vector<16xi32>
        %add3A_380 = arith.addi %and3A_379, %mul3A_42 : vector<16xi32>
        %shift_right_logical3A_381 = arith.constant 9 : i32
        %shift_right_logical3A_382 = vector.broadcast %shift_right_logical3A_381 : i32 to vector<16xi32>
        %shift_right_logical3A_383 = arith.shrui %bitcast_convert_type3A_236, %shift_right_logical3A_382 : vector<16xi32>
        %and3A_384 = arith.constant 2047 : i32
        %and3A_385 = vector.broadcast %and3A_384 : i32 to vector<16xi32>
        %and3A_386 = arith.andi %shift_right_logical3A_383, %and3A_385 : vector<16xi32>
        %add3A_387 = arith.addi %and3A_386, %mul3A_42 : vector<16xi32>
        %shift_right_logical3A_388 = arith.constant 9 : i32
        %shift_right_logical3A_389 = vector.broadcast %shift_right_logical3A_388 : i32 to vector<16xi32>
        %shift_right_logical3A_390 = arith.shrui %bitcast_convert_type3A_239, %shift_right_logical3A_389 : vector<16xi32>
        %and3A_391 = arith.constant 2047 : i32
        %and3A_392 = vector.broadcast %and3A_391 : i32 to vector<16xi32>
        %and3A_393 = arith.andi %shift_right_logical3A_390, %and3A_392 : vector<16xi32>
        %add3A_394 = arith.addi %and3A_393, %mul3A_42 : vector<16xi32>
        %shift_right_logical3A_395 = arith.constant 9 : i32
        %shift_right_logical3A_396 = vector.broadcast %shift_right_logical3A_395 : i32 to vector<16xi32>
        %shift_right_logical3A_397 = arith.shrui %bitcast_convert_type3A_242, %shift_right_logical3A_396 : vector<16xi32>
        %and3A_398 = arith.constant 2047 : i32
        %and3A_399 = vector.broadcast %and3A_398 : i32 to vector<16xi32>
        %and3A_400 = arith.andi %shift_right_logical3A_397, %and3A_399 : vector<16xi32>
        %add3A_401 = arith.addi %and3A_400, %mul3A_42 : vector<16xi32>
        %shift_right_logical3A_402 = arith.constant 9 : i32
        %shift_right_logical3A_403 = vector.broadcast %shift_right_logical3A_402 : i32 to vector<16xi32>
        %shift_right_logical3A_404 = arith.shrui %bitcast_convert_type3A_245, %shift_right_logical3A_403 : vector<16xi32>
        %and3A_405 = arith.constant 2047 : i32
        %and3A_406 = vector.broadcast %and3A_405 : i32 to vector<16xi32>
        %and3A_407 = arith.andi %shift_right_logical3A_404, %and3A_406 : vector<16xi32>
        %add3A_408 = arith.addi %and3A_407, %mul3A_42 : vector<16xi32>
        %shift_right_logical3A_409 = arith.constant 9 : i32
        %shift_right_logical3A_410 = vector.broadcast %shift_right_logical3A_409 : i32 to vector<16xi32>
        %shift_right_logical3A_411 = arith.shrui %bitcast_convert_type3A_248, %shift_right_logical3A_410 : vector<16xi32>
        %and3A_412 = arith.constant 2047 : i32
        %and3A_413 = vector.broadcast %and3A_412 : i32 to vector<16xi32>
        %and3A_414 = arith.andi %shift_right_logical3A_411, %and3A_413 : vector<16xi32>
        %add3A_415 = arith.addi %and3A_414, %mul3A_42 : vector<16xi32>
        %shift_right_logical3A_416 = arith.constant 9 : i32
        %shift_right_logical3A_417 = vector.broadcast %shift_right_logical3A_416 : i32 to vector<16xi32>
        %shift_right_logical3A_418 = arith.shrui %bitcast_convert_type3A_251, %shift_right_logical3A_417 : vector<16xi32>
        %and3A_419 = arith.constant 2047 : i32
        %and3A_420 = vector.broadcast %and3A_419 : i32 to vector<16xi32>
        %and3A_421 = arith.andi %shift_right_logical3A_418, %and3A_420 : vector<16xi32>
        %add3A_422 = arith.addi %and3A_421, %mul3A_42 : vector<16xi32>
        %shift_right_logical3A_423 = arith.constant 9 : i32
        %shift_right_logical3A_424 = vector.broadcast %shift_right_logical3A_423 : i32 to vector<16xi32>
        %shift_right_logical3A_425 = arith.shrui %bitcast_convert_type3A_254, %shift_right_logical3A_424 : vector<16xi32>
        %and3A_426 = arith.constant 2047 : i32
        %and3A_427 = vector.broadcast %and3A_426 : i32 to vector<16xi32>
        %and3A_428 = arith.andi %shift_right_logical3A_425, %and3A_427 : vector<16xi32>
        %add3A_429 = arith.addi %and3A_428, %mul3A_42 : vector<16xi32>
        %shift_right_logical3A_430 = arith.constant 9 : i32
        %shift_right_logical3A_431 = vector.broadcast %shift_right_logical3A_430 : i32 to vector<16xi32>
        %shift_right_logical3A_432 = arith.shrui %bitcast_convert_type3A_257, %shift_right_logical3A_431 : vector<16xi32>
        %and3A_433 = arith.constant 2047 : i32
        %and3A_434 = vector.broadcast %and3A_433 : i32 to vector<16xi32>
        %and3A_435 = arith.andi %shift_right_logical3A_432, %and3A_434 : vector<16xi32>
        %add3A_436 = arith.addi %and3A_435, %mul3A_42 : vector<16xi32>
        %shift_right_logical3A_437 = arith.constant 9 : i32
        %shift_right_logical3A_438 = vector.broadcast %shift_right_logical3A_437 : i32 to vector<16xi32>
        %shift_right_logical3A_439 = arith.shrui %bitcast_convert_type3A_260, %shift_right_logical3A_438 : vector<16xi32>
        %and3A_440 = arith.constant 2047 : i32
        %and3A_441 = vector.broadcast %and3A_440 : i32 to vector<16xi32>
        %and3A_442 = arith.andi %shift_right_logical3A_439, %and3A_441 : vector<16xi32>
        %add3A_443 = arith.addi %and3A_442, %mul3A_42 : vector<16xi32>
        %shift_right_logical3A_444 = arith.constant 9 : i32
        %shift_right_logical3A_445 = vector.broadcast %shift_right_logical3A_444 : i32 to vector<16xi32>
        %shift_right_logical3A_446 = arith.shrui %bitcast_convert_type3A_263, %shift_right_logical3A_445 : vector<16xi32>
        %and3A_447 = arith.constant 2047 : i32
        %and3A_448 = vector.broadcast %and3A_447 : i32 to vector<16xi32>
        %and3A_449 = arith.andi %shift_right_logical3A_446, %and3A_448 : vector<16xi32>
        %add3A_450 = arith.addi %and3A_449, %mul3A_42 : vector<16xi32>
        %shift_right_logical3A_451 = arith.constant 9 : i32
        %shift_right_logical3A_452 = vector.broadcast %shift_right_logical3A_451 : i32 to vector<16xi32>
        %shift_right_logical3A_453 = arith.shrui %bitcast_convert_type3A_266, %shift_right_logical3A_452 : vector<16xi32>
        %and3A_454 = arith.constant 2047 : i32
        %and3A_455 = vector.broadcast %and3A_454 : i32 to vector<16xi32>
        %and3A_456 = arith.andi %shift_right_logical3A_453, %and3A_455 : vector<16xi32>
        %add3A_457 = arith.addi %and3A_456, %mul3A_42 : vector<16xi32>
        tpu.vector_store_idx %arg10[%add3A_352], %broadcast_in_dim3A_44 masked %eq3A_270 {add = true} : memref<32768xi32, #tpu.memory_space<vmem>>[vector<16xi32>], vector<16xi32>, vector<16xi1>
        tpu.vector_store_idx %arg10[%add3A_359], %broadcast_in_dim3A_44 masked %eq3A_275 {add = true} : memref<32768xi32, #tpu.memory_space<vmem>>[vector<16xi32>], vector<16xi32>, vector<16xi1>
        tpu.vector_store_idx %arg10[%add3A_366], %broadcast_in_dim3A_44 masked %eq3A_280 {add = true} : memref<32768xi32, #tpu.memory_space<vmem>>[vector<16xi32>], vector<16xi32>, vector<16xi1>
        tpu.vector_store_idx %arg10[%add3A_373], %broadcast_in_dim3A_44 masked %eq3A_285 {add = true} : memref<32768xi32, #tpu.memory_space<vmem>>[vector<16xi32>], vector<16xi32>, vector<16xi1>
        tpu.vector_store_idx %arg10[%add3A_380], %broadcast_in_dim3A_44 masked %eq3A_290 {add = true} : memref<32768xi32, #tpu.memory_space<vmem>>[vector<16xi32>], vector<16xi32>, vector<16xi1>
        tpu.vector_store_idx %arg10[%add3A_387], %broadcast_in_dim3A_44 masked %eq3A_295 {add = true} : memref<32768xi32, #tpu.memory_space<vmem>>[vector<16xi32>], vector<16xi32>, vector<16xi1>
        tpu.vector_store_idx %arg10[%add3A_394], %broadcast_in_dim3A_44 masked %eq3A_300 {add = true} : memref<32768xi32, #tpu.memory_space<vmem>>[vector<16xi32>], vector<16xi32>, vector<16xi1>
        tpu.vector_store_idx %arg10[%add3A_401], %broadcast_in_dim3A_44 masked %eq3A_305 {add = true} : memref<32768xi32, #tpu.memory_space<vmem>>[vector<16xi32>], vector<16xi32>, vector<16xi1>
        tpu.vector_store_idx %arg10[%add3A_408], %broadcast_in_dim3A_44 masked %eq3A_310 {add = true} : memref<32768xi32, #tpu.memory_space<vmem>>[vector<16xi32>], vector<16xi32>, vector<16xi1>
        tpu.vector_store_idx %arg10[%add3A_415], %broadcast_in_dim3A_44 masked %eq3A_315 {add = true} : memref<32768xi32, #tpu.memory_space<vmem>>[vector<16xi32>], vector<16xi32>, vector<16xi1>
        tpu.vector_store_idx %arg10[%add3A_422], %broadcast_in_dim3A_44 masked %eq3A_320 {add = true} : memref<32768xi32, #tpu.memory_space<vmem>>[vector<16xi32>], vector<16xi32>, vector<16xi1>
        tpu.vector_store_idx %arg10[%add3A_429], %broadcast_in_dim3A_44 masked %eq3A_325 {add = true} : memref<32768xi32, #tpu.memory_space<vmem>>[vector<16xi32>], vector<16xi32>, vector<16xi1>
        tpu.vector_store_idx %arg10[%add3A_436], %broadcast_in_dim3A_44 masked %eq3A_330 {add = true} : memref<32768xi32, #tpu.memory_space<vmem>>[vector<16xi32>], vector<16xi32>, vector<16xi1>
        tpu.vector_store_idx %arg10[%add3A_443], %broadcast_in_dim3A_44 masked %eq3A_335 {add = true} : memref<32768xi32, #tpu.memory_space<vmem>>[vector<16xi32>], vector<16xi32>, vector<16xi1>
        tpu.vector_store_idx %arg10[%add3A_450], %broadcast_in_dim3A_44 masked %eq3A_340 {add = true} : memref<32768xi32, #tpu.memory_space<vmem>>[vector<16xi32>], vector<16xi32>, vector<16xi1>
        tpu.vector_store_idx %arg10[%add3A_457], %broadcast_in_dim3A_44 masked %eq3A_345 {add = true} : memref<32768xi32, #tpu.memory_space<vmem>>[vector<16xi32>], vector<16xi32>, vector<16xi1>
      }
      %scan3A_77 = arith.constant 16 : i32
      %add3A_78 = arith.constant 2 : i32
      %add3A_79 = arith.addi %add3A_68, %add3A_78 : i32
      %lt3A = arith.constant 32 : i32
      %lt3A_80 = arith.cmpi slt, %add3A_79, %lt3A : i32
      %convert_element_type3A_81 = arith.extui %lt3A_80 : i1 to i32
      %cond3A_82 = arith.constant 0 : i32
      %cond3A_83 = arith.cmpi ne, %convert_element_type3A_81, %cond3A_82 : i32
      scf.if %cond3A_83 {
        %add3A_105 = arith.constant 2 : i32
        %add3A_106 = arith.addi %add3A_68, %add3A_105 : i32
        %mul3A_107 = arith.constant 4096 : i32
        %mul3A_108 = arith.muli %add3A_106, %mul3A_107 : i32
        %add3A_109 = arith.addi %mul3A_2, %mul3A_108 : i32
        %dma_start3A_110 = tpu.memref_slice %arg2[%add3A_109] : memref<4194304xf32, #tpu.memory_space<hbm>> -> memref<4096xf32, #tpu.memory_space<hbm>>
        %dma_start3A_111 = tpu.memref_slice %arg2[%add3A_109] : memref<4194304xf32, #tpu.memory_space<hbm>> -> memref<4096xf32, #tpu.memory_space<hbm>>
        tpu.enqueue_dma source(%dma_start3A_111 : memref<4096xf32, #tpu.memory_space<hbm>>) target(%arg8 : memref<4096xf32, #tpu.memory_space<vmem>>) target_semaphore(%arg12 : memref<!tpu.dma_semaphore, #tpu.memory_space<semaphore_mem>>)
      } else {
      }
      %mul3A_84 = arith.constant 2 : i32
      %mul3A_85 = arith.muli %add3A_64, %mul3A_84 : i32
      %add3A_86 = arith.constant 1 : i32
      %add3A_87 = arith.addi %mul3A_85, %add3A_86 : i32
      %mul3A_88 = arith.constant 4096 : i32
      %mul3A_89 = arith.muli %add3A_87, %mul3A_88 : i32
      %add3A_90 = arith.addi %mul3A_2, %mul3A_89 : i32
      %dma_wait3A_91 = tpu.memref_slice %arg2[%add3A_90] : memref<4194304xf32, #tpu.memory_space<hbm>> -> memref<4096xf32, #tpu.memory_space<hbm>>
      %dma_wait3A_92 = tpu.memref_slice %arg2[%add3A_90] : memref<4194304xf32, #tpu.memory_space<hbm>> -> memref<4096xf32, #tpu.memory_space<hbm>>
      tpu.wait_dma2 semaphore(%arg13 : memref<!tpu.dma_semaphore, #tpu.memory_space<semaphore_mem>>) src(%dma_wait3A_92 : memref<4096xf32, #tpu.memory_space<hbm>>) dst(%arg9 : memref<4096xf32, #tpu.memory_space<vmem>>)
      %scan3A_93 = arith.constant 0 : i32
      %scan3A_94 = arith.constant 16 : i32
      %scan3A_95 = arith.addi %scan3A_93, %scan3A_94 : i32
      %scan3A_96 = arith.constant 1 : i32
      scf.for %scan3A_105 = %scan3A_93 to %scan3A_95 step %scan3A_96  : i32 {
        %mul3A_106 = arith.constant 8 : i32
        %mul3A_107 = arith.muli %scan3A_105, %mul3A_106 : i32
        %add3A_108 = arith.constant 0 : i32
        %add3A_109 = arith.addi %add3A_108, %mul3A_107 : i32
        %add3A_110 = arith.constant 0 : i32
        %add3A_111 = arith.addi %add3A_109, %add3A_110 : i32
        %mul3A_112 = arith.constant 16 : i32
        %mul3A_113 = arith.muli %add3A_111, %mul3A_112 : i32
        %add3A_114 = arith.constant 1 : i32
        %add3A_115 = arith.addi %add3A_109, %add3A_114 : i32
        %mul3A_116 = arith.constant 16 : i32
        %mul3A_117 = arith.muli %add3A_115, %mul3A_116 : i32
        %add3A_118 = arith.constant 2 : i32
        %add3A_119 = arith.addi %add3A_109, %add3A_118 : i32
        %mul3A_120 = arith.constant 16 : i32
        %mul3A_121 = arith.muli %add3A_119, %mul3A_120 : i32
        %add3A_122 = arith.constant 3 : i32
        %add3A_123 = arith.addi %add3A_109, %add3A_122 : i32
        %mul3A_124 = arith.constant 16 : i32
        %mul3A_125 = arith.muli %add3A_123, %mul3A_124 : i32
        %add3A_126 = arith.constant 4 : i32
        %add3A_127 = arith.addi %add3A_109, %add3A_126 : i32
        %mul3A_128 = arith.constant 16 : i32
        %mul3A_129 = arith.muli %add3A_127, %mul3A_128 : i32
        %add3A_130 = arith.constant 5 : i32
        %add3A_131 = arith.addi %add3A_109, %add3A_130 : i32
        %mul3A_132 = arith.constant 16 : i32
        %mul3A_133 = arith.muli %add3A_131, %mul3A_132 : i32
        %add3A_134 = arith.constant 6 : i32
        %add3A_135 = arith.addi %add3A_109, %add3A_134 : i32
        %mul3A_136 = arith.constant 16 : i32
        %mul3A_137 = arith.muli %add3A_135, %mul3A_136 : i32
        %add3A_138 = arith.constant 7 : i32
        %add3A_139 = arith.addi %add3A_109, %add3A_138 : i32
        %mul3A_140 = arith.constant 16 : i32
        %mul3A_141 = arith.muli %add3A_139, %mul3A_140 : i32
        %get3A = arith.index_cast %mul3A_113 : i32 to index
        %get3A_142 = tpu.vector_load %arg7[%get3A] {strides = array<i32>} : memref<2048xf32, #tpu.memory_space<vmem>>, vector<16xf32>,
        %get3A_143 = arith.index_cast %mul3A_117 : i32 to index
        %get3A_144 = tpu.vector_load %arg7[%get3A_143] {strides = array<i32>} : memref<2048xf32, #tpu.memory_space<vmem>>, vector<16xf32>,
        %get3A_145 = arith.index_cast %mul3A_121 : i32 to index
        %get3A_146 = tpu.vector_load %arg7[%get3A_145] {strides = array<i32>} : memref<2048xf32, #tpu.memory_space<vmem>>, vector<16xf32>,
        %get3A_147 = arith.index_cast %mul3A_125 : i32 to index
        %get3A_148 = tpu.vector_load %arg7[%get3A_147] {strides = array<i32>} : memref<2048xf32, #tpu.memory_space<vmem>>, vector<16xf32>,
        %get3A_149 = arith.index_cast %mul3A_129 : i32 to index
        %get3A_150 = tpu.vector_load %arg7[%get3A_149] {strides = array<i32>} : memref<2048xf32, #tpu.memory_space<vmem>>, vector<16xf32>,
        %get3A_151 = arith.index_cast %mul3A_133 : i32 to index
        %get3A_152 = tpu.vector_load %arg7[%get3A_151] {strides = array<i32>} : memref<2048xf32, #tpu.memory_space<vmem>>, vector<16xf32>,
        %get3A_153 = arith.index_cast %mul3A_137 : i32 to index
        %get3A_154 = tpu.vector_load %arg7[%get3A_153] {strides = array<i32>} : memref<2048xf32, #tpu.memory_space<vmem>>, vector<16xf32>,
        %get3A_155 = arith.index_cast %mul3A_141 : i32 to index
        %get3A_156 = tpu.vector_load %arg7[%get3A_155] {strides = array<i32>} : memref<2048xf32, #tpu.memory_space<vmem>>, vector<16xf32>,
        %add3A_157 = arith.constant 0 : i32
        %add3A_158 = arith.addi %add3A_157, %mul3A_113 : i32
        %get3A_159 = arith.index_cast %add3A_158 : i32 to index
        %get3A_160 = tpu.vector_load %arg9[%get3A_159] {strides = array<i32>} : memref<4096xf32, #tpu.memory_space<vmem>>, vector<16xf32>,
        %add3A_161 = arith.constant 2048 : i32
        %add3A_162 = arith.addi %add3A_161, %mul3A_113 : i32
        %get3A_163 = arith.index_cast %add3A_162 : i32 to index
        %get3A_164 = tpu.vector_load %arg9[%get3A_163] {strides = array<i32>} : memref<4096xf32, #tpu.memory_space<vmem>>, vector<16xf32>,
        %add3A_165 = arith.constant 0 : i32
        %add3A_166 = arith.addi %add3A_165, %mul3A_117 : i32
        %get3A_167 = arith.index_cast %add3A_166 : i32 to index
        %get3A_168 = tpu.vector_load %arg9[%get3A_167] {strides = array<i32>} : memref<4096xf32, #tpu.memory_space<vmem>>, vector<16xf32>,
        %add3A_169 = arith.constant 2048 : i32
        %add3A_170 = arith.addi %add3A_169, %mul3A_117 : i32
        %get3A_171 = arith.index_cast %add3A_170 : i32 to index
        %get3A_172 = tpu.vector_load %arg9[%get3A_171] {strides = array<i32>} : memref<4096xf32, #tpu.memory_space<vmem>>, vector<16xf32>,
        %add3A_173 = arith.constant 0 : i32
        %add3A_174 = arith.addi %add3A_173, %mul3A_121 : i32
        %get3A_175 = arith.index_cast %add3A_174 : i32 to index
        %get3A_176 = tpu.vector_load %arg9[%get3A_175] {strides = array<i32>} : memref<4096xf32, #tpu.memory_space<vmem>>, vector<16xf32>,
        %add3A_177 = arith.constant 2048 : i32
        %add3A_178 = arith.addi %add3A_177, %mul3A_121 : i32
        %get3A_179 = arith.index_cast %add3A_178 : i32 to index
        %get3A_180 = tpu.vector_load %arg9[%get3A_179] {strides = array<i32>} : memref<4096xf32, #tpu.memory_space<vmem>>, vector<16xf32>,
        %add3A_181 = arith.constant 0 : i32
        %add3A_182 = arith.addi %add3A_181, %mul3A_125 : i32
        %get3A_183 = arith.index_cast %add3A_182 : i32 to index
        %get3A_184 = tpu.vector_load %arg9[%get3A_183] {strides = array<i32>} : memref<4096xf32, #tpu.memory_space<vmem>>, vector<16xf32>,
        %add3A_185 = arith.constant 2048 : i32
        %add3A_186 = arith.addi %add3A_185, %mul3A_125 : i32
        %get3A_187 = arith.index_cast %add3A_186 : i32 to index
        %get3A_188 = tpu.vector_load %arg9[%get3A_187] {strides = array<i32>} : memref<4096xf32, #tpu.memory_space<vmem>>, vector<16xf32>,
        %add3A_189 = arith.constant 0 : i32
        %add3A_190 = arith.addi %add3A_189, %mul3A_129 : i32
        %get3A_191 = arith.index_cast %add3A_190 : i32 to index
        %get3A_192 = tpu.vector_load %arg9[%get3A_191] {strides = array<i32>} : memref<4096xf32, #tpu.memory_space<vmem>>, vector<16xf32>,
        %add3A_193 = arith.constant 2048 : i32
        %add3A_194 = arith.addi %add3A_193, %mul3A_129 : i32
        %get3A_195 = arith.index_cast %add3A_194 : i32 to index
        %get3A_196 = tpu.vector_load %arg9[%get3A_195] {strides = array<i32>} : memref<4096xf32, #tpu.memory_space<vmem>>, vector<16xf32>,
        %add3A_197 = arith.constant 0 : i32
        %add3A_198 = arith.addi %add3A_197, %mul3A_133 : i32
        %get3A_199 = arith.index_cast %add3A_198 : i32 to index
        %get3A_200 = tpu.vector_load %arg9[%get3A_199] {strides = array<i32>} : memref<4096xf32, #tpu.memory_space<vmem>>, vector<16xf32>,
        %add3A_201 = arith.constant 2048 : i32
        %add3A_202 = arith.addi %add3A_201, %mul3A_133 : i32
        %get3A_203 = arith.index_cast %add3A_202 : i32 to index
        %get3A_204 = tpu.vector_load %arg9[%get3A_203] {strides = array<i32>} : memref<4096xf32, #tpu.memory_space<vmem>>, vector<16xf32>,
        %add3A_205 = arith.constant 0 : i32
        %add3A_206 = arith.addi %add3A_205, %mul3A_137 : i32
        %get3A_207 = arith.index_cast %add3A_206 : i32 to index
        %get3A_208 = tpu.vector_load %arg9[%get3A_207] {strides = array<i32>} : memref<4096xf32, #tpu.memory_space<vmem>>, vector<16xf32>,
        %add3A_209 = arith.constant 2048 : i32
        %add3A_210 = arith.addi %add3A_209, %mul3A_137 : i32
        %get3A_211 = arith.index_cast %add3A_210 : i32 to index
        %get3A_212 = tpu.vector_load %arg9[%get3A_211] {strides = array<i32>} : memref<4096xf32, #tpu.memory_space<vmem>>, vector<16xf32>,
        %add3A_213 = arith.constant 0 : i32
        %add3A_214 = arith.addi %add3A_213, %mul3A_141 : i32
        %get3A_215 = arith.index_cast %add3A_214 : i32 to index
        %get3A_216 = tpu.vector_load %arg9[%get3A_215] {strides = array<i32>} : memref<4096xf32, #tpu.memory_space<vmem>>, vector<16xf32>,
        %add3A_217 = arith.constant 2048 : i32
        %add3A_218 = arith.addi %add3A_217, %mul3A_141 : i32
        %get3A_219 = arith.index_cast %add3A_218 : i32 to index
        %get3A_220 = tpu.vector_load %arg9[%get3A_219] {strides = array<i32>} : memref<4096xf32, #tpu.memory_space<vmem>>, vector<16xf32>,
        %abs3A = math.absf %get3A_160 : vector<16xf32>
        %mul3A_221 = arith.mulf %abs3A, %get3A_142 : vector<16xf32>
        %bitcast_convert_type3A = tpu.bitcast %mul3A_221 : vector<16xf32> -> vector<16xi32>
        %abs3A_222 = math.absf %get3A_164 : vector<16xf32>
        %mul3A_223 = arith.mulf %abs3A_222, %get3A_142 : vector<16xf32>
        %bitcast_convert_type3A_224 = tpu.bitcast %mul3A_223 : vector<16xf32> -> vector<16xi32>
        %abs3A_225 = math.absf %get3A_168 : vector<16xf32>
        %mul3A_226 = arith.mulf %abs3A_225, %get3A_144 : vector<16xf32>
        %bitcast_convert_type3A_227 = tpu.bitcast %mul3A_226 : vector<16xf32> -> vector<16xi32>
        %abs3A_228 = math.absf %get3A_172 : vector<16xf32>
        %mul3A_229 = arith.mulf %abs3A_228, %get3A_144 : vector<16xf32>
        %bitcast_convert_type3A_230 = tpu.bitcast %mul3A_229 : vector<16xf32> -> vector<16xi32>
        %abs3A_231 = math.absf %get3A_176 : vector<16xf32>
        %mul3A_232 = arith.mulf %abs3A_231, %get3A_146 : vector<16xf32>
        %bitcast_convert_type3A_233 = tpu.bitcast %mul3A_232 : vector<16xf32> -> vector<16xi32>
        %abs3A_234 = math.absf %get3A_180 : vector<16xf32>
        %mul3A_235 = arith.mulf %abs3A_234, %get3A_146 : vector<16xf32>
        %bitcast_convert_type3A_236 = tpu.bitcast %mul3A_235 : vector<16xf32> -> vector<16xi32>
        %abs3A_237 = math.absf %get3A_184 : vector<16xf32>
        %mul3A_238 = arith.mulf %abs3A_237, %get3A_148 : vector<16xf32>
        %bitcast_convert_type3A_239 = tpu.bitcast %mul3A_238 : vector<16xf32> -> vector<16xi32>
        %abs3A_240 = math.absf %get3A_188 : vector<16xf32>
        %mul3A_241 = arith.mulf %abs3A_240, %get3A_148 : vector<16xf32>
        %bitcast_convert_type3A_242 = tpu.bitcast %mul3A_241 : vector<16xf32> -> vector<16xi32>
        %abs3A_243 = math.absf %get3A_192 : vector<16xf32>
        %mul3A_244 = arith.mulf %abs3A_243, %get3A_150 : vector<16xf32>
        %bitcast_convert_type3A_245 = tpu.bitcast %mul3A_244 : vector<16xf32> -> vector<16xi32>
        %abs3A_246 = math.absf %get3A_196 : vector<16xf32>
        %mul3A_247 = arith.mulf %abs3A_246, %get3A_150 : vector<16xf32>
        %bitcast_convert_type3A_248 = tpu.bitcast %mul3A_247 : vector<16xf32> -> vector<16xi32>
        %abs3A_249 = math.absf %get3A_200 : vector<16xf32>
        %mul3A_250 = arith.mulf %abs3A_249, %get3A_152 : vector<16xf32>
        %bitcast_convert_type3A_251 = tpu.bitcast %mul3A_250 : vector<16xf32> -> vector<16xi32>
        %abs3A_252 = math.absf %get3A_204 : vector<16xf32>
        %mul3A_253 = arith.mulf %abs3A_252, %get3A_152 : vector<16xf32>
        %bitcast_convert_type3A_254 = tpu.bitcast %mul3A_253 : vector<16xf32> -> vector<16xi32>
        %abs3A_255 = math.absf %get3A_208 : vector<16xf32>
        %mul3A_256 = arith.mulf %abs3A_255, %get3A_154 : vector<16xf32>
        %bitcast_convert_type3A_257 = tpu.bitcast %mul3A_256 : vector<16xf32> -> vector<16xi32>
        %abs3A_258 = math.absf %get3A_212 : vector<16xf32>
        %mul3A_259 = arith.mulf %abs3A_258, %get3A_154 : vector<16xf32>
        %bitcast_convert_type3A_260 = tpu.bitcast %mul3A_259 : vector<16xf32> -> vector<16xi32>
        %abs3A_261 = math.absf %get3A_216 : vector<16xf32>
        %mul3A_262 = arith.mulf %abs3A_261, %get3A_156 : vector<16xf32>
        %bitcast_convert_type3A_263 = tpu.bitcast %mul3A_262 : vector<16xf32> -> vector<16xi32>
        %abs3A_264 = math.absf %get3A_220 : vector<16xf32>
        %mul3A_265 = arith.mulf %abs3A_264, %get3A_156 : vector<16xf32>
        %bitcast_convert_type3A_266 = tpu.bitcast %mul3A_265 : vector<16xf32> -> vector<16xi32>
        %shift_right_logical3A = arith.constant 20 : i32
        %shift_right_logical3A_267 = vector.broadcast %shift_right_logical3A : i32 to vector<16xi32>
        %shift_right_logical3A_268 = arith.shrui %bitcast_convert_type3A, %shift_right_logical3A_267 : vector<16xi32>
        %eq3A_269 = vector.broadcast %sub3A_17 : i32 to vector<16xi32>
        %eq3A_270 = arith.cmpi eq, %shift_right_logical3A_268, %eq3A_269 : vector<16xi32>
        %shift_right_logical3A_271 = arith.constant 20 : i32
        %shift_right_logical3A_272 = vector.broadcast %shift_right_logical3A_271 : i32 to vector<16xi32>
        %shift_right_logical3A_273 = arith.shrui %bitcast_convert_type3A_224, %shift_right_logical3A_272 : vector<16xi32>
        %eq3A_274 = vector.broadcast %sub3A_17 : i32 to vector<16xi32>
        %eq3A_275 = arith.cmpi eq, %shift_right_logical3A_273, %eq3A_274 : vector<16xi32>
        %shift_right_logical3A_276 = arith.constant 20 : i32
        %shift_right_logical3A_277 = vector.broadcast %shift_right_logical3A_276 : i32 to vector<16xi32>
        %shift_right_logical3A_278 = arith.shrui %bitcast_convert_type3A_227, %shift_right_logical3A_277 : vector<16xi32>
        %eq3A_279 = vector.broadcast %sub3A_17 : i32 to vector<16xi32>
        %eq3A_280 = arith.cmpi eq, %shift_right_logical3A_278, %eq3A_279 : vector<16xi32>
        %shift_right_logical3A_281 = arith.constant 20 : i32
        %shift_right_logical3A_282 = vector.broadcast %shift_right_logical3A_281 : i32 to vector<16xi32>
        %shift_right_logical3A_283 = arith.shrui %bitcast_convert_type3A_230, %shift_right_logical3A_282 : vector<16xi32>
        %eq3A_284 = vector.broadcast %sub3A_17 : i32 to vector<16xi32>
        %eq3A_285 = arith.cmpi eq, %shift_right_logical3A_283, %eq3A_284 : vector<16xi32>
        %shift_right_logical3A_286 = arith.constant 20 : i32
        %shift_right_logical3A_287 = vector.broadcast %shift_right_logical3A_286 : i32 to vector<16xi32>
        %shift_right_logical3A_288 = arith.shrui %bitcast_convert_type3A_233, %shift_right_logical3A_287 : vector<16xi32>
        %eq3A_289 = vector.broadcast %sub3A_17 : i32 to vector<16xi32>
        %eq3A_290 = arith.cmpi eq, %shift_right_logical3A_288, %eq3A_289 : vector<16xi32>
        %shift_right_logical3A_291 = arith.constant 20 : i32
        %shift_right_logical3A_292 = vector.broadcast %shift_right_logical3A_291 : i32 to vector<16xi32>
        %shift_right_logical3A_293 = arith.shrui %bitcast_convert_type3A_236, %shift_right_logical3A_292 : vector<16xi32>
        %eq3A_294 = vector.broadcast %sub3A_17 : i32 to vector<16xi32>
        %eq3A_295 = arith.cmpi eq, %shift_right_logical3A_293, %eq3A_294 : vector<16xi32>
        %shift_right_logical3A_296 = arith.constant 20 : i32
        %shift_right_logical3A_297 = vector.broadcast %shift_right_logical3A_296 : i32 to vector<16xi32>
        %shift_right_logical3A_298 = arith.shrui %bitcast_convert_type3A_239, %shift_right_logical3A_297 : vector<16xi32>
        %eq3A_299 = vector.broadcast %sub3A_17 : i32 to vector<16xi32>
        %eq3A_300 = arith.cmpi eq, %shift_right_logical3A_298, %eq3A_299 : vector<16xi32>
        %shift_right_logical3A_301 = arith.constant 20 : i32
        %shift_right_logical3A_302 = vector.broadcast %shift_right_logical3A_301 : i32 to vector<16xi32>
        %shift_right_logical3A_303 = arith.shrui %bitcast_convert_type3A_242, %shift_right_logical3A_302 : vector<16xi32>
        %eq3A_304 = vector.broadcast %sub3A_17 : i32 to vector<16xi32>
        %eq3A_305 = arith.cmpi eq, %shift_right_logical3A_303, %eq3A_304 : vector<16xi32>
        %shift_right_logical3A_306 = arith.constant 20 : i32
        %shift_right_logical3A_307 = vector.broadcast %shift_right_logical3A_306 : i32 to vector<16xi32>
        %shift_right_logical3A_308 = arith.shrui %bitcast_convert_type3A_245, %shift_right_logical3A_307 : vector<16xi32>
        %eq3A_309 = vector.broadcast %sub3A_17 : i32 to vector<16xi32>
        %eq3A_310 = arith.cmpi eq, %shift_right_logical3A_308, %eq3A_309 : vector<16xi32>
        %shift_right_logical3A_311 = arith.constant 20 : i32
        %shift_right_logical3A_312 = vector.broadcast %shift_right_logical3A_311 : i32 to vector<16xi32>
        %shift_right_logical3A_313 = arith.shrui %bitcast_convert_type3A_248, %shift_right_logical3A_312 : vector<16xi32>
        %eq3A_314 = vector.broadcast %sub3A_17 : i32 to vector<16xi32>
        %eq3A_315 = arith.cmpi eq, %shift_right_logical3A_313, %eq3A_314 : vector<16xi32>
        %shift_right_logical3A_316 = arith.constant 20 : i32
        %shift_right_logical3A_317 = vector.broadcast %shift_right_logical3A_316 : i32 to vector<16xi32>
        %shift_right_logical3A_318 = arith.shrui %bitcast_convert_type3A_251, %shift_right_logical3A_317 : vector<16xi32>
        %eq3A_319 = vector.broadcast %sub3A_17 : i32 to vector<16xi32>
        %eq3A_320 = arith.cmpi eq, %shift_right_logical3A_318, %eq3A_319 : vector<16xi32>
        %shift_right_logical3A_321 = arith.constant 20 : i32
        %shift_right_logical3A_322 = vector.broadcast %shift_right_logical3A_321 : i32 to vector<16xi32>
        %shift_right_logical3A_323 = arith.shrui %bitcast_convert_type3A_254, %shift_right_logical3A_322 : vector<16xi32>
        %eq3A_324 = vector.broadcast %sub3A_17 : i32 to vector<16xi32>
        %eq3A_325 = arith.cmpi eq, %shift_right_logical3A_323, %eq3A_324 : vector<16xi32>
        %shift_right_logical3A_326 = arith.constant 20 : i32
        %shift_right_logical3A_327 = vector.broadcast %shift_right_logical3A_326 : i32 to vector<16xi32>
        %shift_right_logical3A_328 = arith.shrui %bitcast_convert_type3A_257, %shift_right_logical3A_327 : vector<16xi32>
        %eq3A_329 = vector.broadcast %sub3A_17 : i32 to vector<16xi32>
        %eq3A_330 = arith.cmpi eq, %shift_right_logical3A_328, %eq3A_329 : vector<16xi32>
        %shift_right_logical3A_331 = arith.constant 20 : i32
        %shift_right_logical3A_332 = vector.broadcast %shift_right_logical3A_331 : i32 to vector<16xi32>
        %shift_right_logical3A_333 = arith.shrui %bitcast_convert_type3A_260, %shift_right_logical3A_332 : vector<16xi32>
        %eq3A_334 = vector.broadcast %sub3A_17 : i32 to vector<16xi32>
        %eq3A_335 = arith.cmpi eq, %shift_right_logical3A_333, %eq3A_334 : vector<16xi32>
        %shift_right_logical3A_336 = arith.constant 20 : i32
        %shift_right_logical3A_337 = vector.broadcast %shift_right_logical3A_336 : i32 to vector<16xi32>
        %shift_right_logical3A_338 = arith.shrui %bitcast_convert_type3A_263, %shift_right_logical3A_337 : vector<16xi32>
        %eq3A_339 = vector.broadcast %sub3A_17 : i32 to vector<16xi32>
        %eq3A_340 = arith.cmpi eq, %shift_right_logical3A_338, %eq3A_339 : vector<16xi32>
        %shift_right_logical3A_341 = arith.constant 20 : i32
        %shift_right_logical3A_342 = vector.broadcast %shift_right_logical3A_341 : i32 to vector<16xi32>
        %shift_right_logical3A_343 = arith.shrui %bitcast_convert_type3A_266, %shift_right_logical3A_342 : vector<16xi32>
        %eq3A_344 = vector.broadcast %sub3A_17 : i32 to vector<16xi32>
        %eq3A_345 = arith.cmpi eq, %shift_right_logical3A_343, %eq3A_344 : vector<16xi32>
        %shift_right_logical3A_346 = arith.constant 9 : i32
        %shift_right_logical3A_347 = vector.broadcast %shift_right_logical3A_346 : i32 to vector<16xi32>
        %shift_right_logical3A_348 = arith.shrui %bitcast_convert_type3A, %shift_right_logical3A_347 : vector<16xi32>
        %and3A_349 = arith.constant 2047 : i32
        %and3A_350 = vector.broadcast %and3A_349 : i32 to vector<16xi32>
        %and3A_351 = arith.andi %shift_right_logical3A_348, %and3A_350 : vector<16xi32>
        %add3A_352 = arith.addi %and3A_351, %mul3A_42 : vector<16xi32>
        %shift_right_logical3A_353 = arith.constant 9 : i32
        %shift_right_logical3A_354 = vector.broadcast %shift_right_logical3A_353 : i32 to vector<16xi32>
        %shift_right_logical3A_355 = arith.shrui %bitcast_convert_type3A_224, %shift_right_logical3A_354 : vector<16xi32>
        %and3A_356 = arith.constant 2047 : i32
        %and3A_357 = vector.broadcast %and3A_356 : i32 to vector<16xi32>
        %and3A_358 = arith.andi %shift_right_logical3A_355, %and3A_357 : vector<16xi32>
        %add3A_359 = arith.addi %and3A_358, %mul3A_42 : vector<16xi32>
        %shift_right_logical3A_360 = arith.constant 9 : i32
        %shift_right_logical3A_361 = vector.broadcast %shift_right_logical3A_360 : i32 to vector<16xi32>
        %shift_right_logical3A_362 = arith.shrui %bitcast_convert_type3A_227, %shift_right_logical3A_361 : vector<16xi32>
        %and3A_363 = arith.constant 2047 : i32
        %and3A_364 = vector.broadcast %and3A_363 : i32 to vector<16xi32>
        %and3A_365 = arith.andi %shift_right_logical3A_362, %and3A_364 : vector<16xi32>
        %add3A_366 = arith.addi %and3A_365, %mul3A_42 : vector<16xi32>
        %shift_right_logical3A_367 = arith.constant 9 : i32
        %shift_right_logical3A_368 = vector.broadcast %shift_right_logical3A_367 : i32 to vector<16xi32>
        %shift_right_logical3A_369 = arith.shrui %bitcast_convert_type3A_230, %shift_right_logical3A_368 : vector<16xi32>
        %and3A_370 = arith.constant 2047 : i32
        %and3A_371 = vector.broadcast %and3A_370 : i32 to vector<16xi32>
        %and3A_372 = arith.andi %shift_right_logical3A_369, %and3A_371 : vector<16xi32>
        %add3A_373 = arith.addi %and3A_372, %mul3A_42 : vector<16xi32>
        %shift_right_logical3A_374 = arith.constant 9 : i32
        %shift_right_logical3A_375 = vector.broadcast %shift_right_logical3A_374 : i32 to vector<16xi32>
        %shift_right_logical3A_376 = arith.shrui %bitcast_convert_type3A_233, %shift_right_logical3A_375 : vector<16xi32>
        %and3A_377 = arith.constant 2047 : i32
        %and3A_378 = vector.broadcast %and3A_377 : i32 to vector<16xi32>
        %and3A_379 = arith.andi %shift_right_logical3A_376, %and3A_378 : vector<16xi32>
        %add3A_380 = arith.addi %and3A_379, %mul3A_42 : vector<16xi32>
        %shift_right_logical3A_381 = arith.constant 9 : i32
        %shift_right_logical3A_382 = vector.broadcast %shift_right_logical3A_381 : i32 to vector<16xi32>
        %shift_right_logical3A_383 = arith.shrui %bitcast_convert_type3A_236, %shift_right_logical3A_382 : vector<16xi32>
        %and3A_384 = arith.constant 2047 : i32
        %and3A_385 = vector.broadcast %and3A_384 : i32 to vector<16xi32>
        %and3A_386 = arith.andi %shift_right_logical3A_383, %and3A_385 : vector<16xi32>
        %add3A_387 = arith.addi %and3A_386, %mul3A_42 : vector<16xi32>
        %shift_right_logical3A_388 = arith.constant 9 : i32
        %shift_right_logical3A_389 = vector.broadcast %shift_right_logical3A_388 : i32 to vector<16xi32>
        %shift_right_logical3A_390 = arith.shrui %bitcast_convert_type3A_239, %shift_right_logical3A_389 : vector<16xi32>
        %and3A_391 = arith.constant 2047 : i32
        %and3A_392 = vector.broadcast %and3A_391 : i32 to vector<16xi32>
        %and3A_393 = arith.andi %shift_right_logical3A_390, %and3A_392 : vector<16xi32>
        %add3A_394 = arith.addi %and3A_393, %mul3A_42 : vector<16xi32>
        %shift_right_logical3A_395 = arith.constant 9 : i32
        %shift_right_logical3A_396 = vector.broadcast %shift_right_logical3A_395 : i32 to vector<16xi32>
        %shift_right_logical3A_397 = arith.shrui %bitcast_convert_type3A_242, %shift_right_logical3A_396 : vector<16xi32>
        %and3A_398 = arith.constant 2047 : i32
        %and3A_399 = vector.broadcast %and3A_398 : i32 to vector<16xi32>
        %and3A_400 = arith.andi %shift_right_logical3A_397, %and3A_399 : vector<16xi32>
        %add3A_401 = arith.addi %and3A_400, %mul3A_42 : vector<16xi32>
        %shift_right_logical3A_402 = arith.constant 9 : i32
        %shift_right_logical3A_403 = vector.broadcast %shift_right_logical3A_402 : i32 to vector<16xi32>
        %shift_right_logical3A_404 = arith.shrui %bitcast_convert_type3A_245, %shift_right_logical3A_403 : vector<16xi32>
        %and3A_405 = arith.constant 2047 : i32
        %and3A_406 = vector.broadcast %and3A_405 : i32 to vector<16xi32>
        %and3A_407 = arith.andi %shift_right_logical3A_404, %and3A_406 : vector<16xi32>
        %add3A_408 = arith.addi %and3A_407, %mul3A_42 : vector<16xi32>
        %shift_right_logical3A_409 = arith.constant 9 : i32
        %shift_right_logical3A_410 = vector.broadcast %shift_right_logical3A_409 : i32 to vector<16xi32>
        %shift_right_logical3A_411 = arith.shrui %bitcast_convert_type3A_248, %shift_right_logical3A_410 : vector<16xi32>
        %and3A_412 = arith.constant 2047 : i32
        %and3A_413 = vector.broadcast %and3A_412 : i32 to vector<16xi32>
        %and3A_414 = arith.andi %shift_right_logical3A_411, %and3A_413 : vector<16xi32>
        %add3A_415 = arith.addi %and3A_414, %mul3A_42 : vector<16xi32>
        %shift_right_logical3A_416 = arith.constant 9 : i32
        %shift_right_logical3A_417 = vector.broadcast %shift_right_logical3A_416 : i32 to vector<16xi32>
        %shift_right_logical3A_418 = arith.shrui %bitcast_convert_type3A_251, %shift_right_logical3A_417 : vector<16xi32>
        %and3A_419 = arith.constant 2047 : i32
        %and3A_420 = vector.broadcast %and3A_419 : i32 to vector<16xi32>
        %and3A_421 = arith.andi %shift_right_logical3A_418, %and3A_420 : vector<16xi32>
        %add3A_422 = arith.addi %and3A_421, %mul3A_42 : vector<16xi32>
        %shift_right_logical3A_423 = arith.constant 9 : i32
        %shift_right_logical3A_424 = vector.broadcast %shift_right_logical3A_423 : i32 to vector<16xi32>
        %shift_right_logical3A_425 = arith.shrui %bitcast_convert_type3A_254, %shift_right_logical3A_424 : vector<16xi32>
        %and3A_426 = arith.constant 2047 : i32
        %and3A_427 = vector.broadcast %and3A_426 : i32 to vector<16xi32>
        %and3A_428 = arith.andi %shift_right_logical3A_425, %and3A_427 : vector<16xi32>
        %add3A_429 = arith.addi %and3A_428, %mul3A_42 : vector<16xi32>
        %shift_right_logical3A_430 = arith.constant 9 : i32
        %shift_right_logical3A_431 = vector.broadcast %shift_right_logical3A_430 : i32 to vector<16xi32>
        %shift_right_logical3A_432 = arith.shrui %bitcast_convert_type3A_257, %shift_right_logical3A_431 : vector<16xi32>
        %and3A_433 = arith.constant 2047 : i32
        %and3A_434 = vector.broadcast %and3A_433 : i32 to vector<16xi32>
        %and3A_435 = arith.andi %shift_right_logical3A_432, %and3A_434 : vector<16xi32>
        %add3A_436 = arith.addi %and3A_435, %mul3A_42 : vector<16xi32>
        %shift_right_logical3A_437 = arith.constant 9 : i32
        %shift_right_logical3A_438 = vector.broadcast %shift_right_logical3A_437 : i32 to vector<16xi32>
        %shift_right_logical3A_439 = arith.shrui %bitcast_convert_type3A_260, %shift_right_logical3A_438 : vector<16xi32>
        %and3A_440 = arith.constant 2047 : i32
        %and3A_441 = vector.broadcast %and3A_440 : i32 to vector<16xi32>
        %and3A_442 = arith.andi %shift_right_logical3A_439, %and3A_441 : vector<16xi32>
        %add3A_443 = arith.addi %and3A_442, %mul3A_42 : vector<16xi32>
        %shift_right_logical3A_444 = arith.constant 9 : i32
        %shift_right_logical3A_445 = vector.broadcast %shift_right_logical3A_444 : i32 to vector<16xi32>
        %shift_right_logical3A_446 = arith.shrui %bitcast_convert_type3A_263, %shift_right_logical3A_445 : vector<16xi32>
        %and3A_447 = arith.constant 2047 : i32
        %and3A_448 = vector.broadcast %and3A_447 : i32 to vector<16xi32>
        %and3A_449 = arith.andi %shift_right_logical3A_446, %and3A_448 : vector<16xi32>
        %add3A_450 = arith.addi %and3A_449, %mul3A_42 : vector<16xi32>
        %shift_right_logical3A_451 = arith.constant 9 : i32
        %shift_right_logical3A_452 = vector.broadcast %shift_right_logical3A_451 : i32 to vector<16xi32>
        %shift_right_logical3A_453 = arith.shrui %bitcast_convert_type3A_266, %shift_right_logical3A_452 : vector<16xi32>
        %and3A_454 = arith.constant 2047 : i32
        %and3A_455 = vector.broadcast %and3A_454 : i32 to vector<16xi32>
        %and3A_456 = arith.andi %shift_right_logical3A_453, %and3A_455 : vector<16xi32>
        %add3A_457 = arith.addi %and3A_456, %mul3A_42 : vector<16xi32>
        tpu.vector_store_idx %arg10[%add3A_352], %broadcast_in_dim3A_44 masked %eq3A_270 {add = true} : memref<32768xi32, #tpu.memory_space<vmem>>[vector<16xi32>], vector<16xi32>, vector<16xi1>
        tpu.vector_store_idx %arg10[%add3A_359], %broadcast_in_dim3A_44 masked %eq3A_275 {add = true} : memref<32768xi32, #tpu.memory_space<vmem>>[vector<16xi32>], vector<16xi32>, vector<16xi1>
        tpu.vector_store_idx %arg10[%add3A_366], %broadcast_in_dim3A_44 masked %eq3A_280 {add = true} : memref<32768xi32, #tpu.memory_space<vmem>>[vector<16xi32>], vector<16xi32>, vector<16xi1>
        tpu.vector_store_idx %arg10[%add3A_373], %broadcast_in_dim3A_44 masked %eq3A_285 {add = true} : memref<32768xi32, #tpu.memory_space<vmem>>[vector<16xi32>], vector<16xi32>, vector<16xi1>
        tpu.vector_store_idx %arg10[%add3A_380], %broadcast_in_dim3A_44 masked %eq3A_290 {add = true} : memref<32768xi32, #tpu.memory_space<vmem>>[vector<16xi32>], vector<16xi32>, vector<16xi1>
        tpu.vector_store_idx %arg10[%add3A_387], %broadcast_in_dim3A_44 masked %eq3A_295 {add = true} : memref<32768xi32, #tpu.memory_space<vmem>>[vector<16xi32>], vector<16xi32>, vector<16xi1>
        tpu.vector_store_idx %arg10[%add3A_394], %broadcast_in_dim3A_44 masked %eq3A_300 {add = true} : memref<32768xi32, #tpu.memory_space<vmem>>[vector<16xi32>], vector<16xi32>, vector<16xi1>
        tpu.vector_store_idx %arg10[%add3A_401], %broadcast_in_dim3A_44 masked %eq3A_305 {add = true} : memref<32768xi32, #tpu.memory_space<vmem>>[vector<16xi32>], vector<16xi32>, vector<16xi1>
        tpu.vector_store_idx %arg10[%add3A_408], %broadcast_in_dim3A_44 masked %eq3A_310 {add = true} : memref<32768xi32, #tpu.memory_space<vmem>>[vector<16xi32>], vector<16xi32>, vector<16xi1>
        tpu.vector_store_idx %arg10[%add3A_415], %broadcast_in_dim3A_44 masked %eq3A_315 {add = true} : memref<32768xi32, #tpu.memory_space<vmem>>[vector<16xi32>], vector<16xi32>, vector<16xi1>
        tpu.vector_store_idx %arg10[%add3A_422], %broadcast_in_dim3A_44 masked %eq3A_320 {add = true} : memref<32768xi32, #tpu.memory_space<vmem>>[vector<16xi32>], vector<16xi32>, vector<16xi1>
        tpu.vector_store_idx %arg10[%add3A_429], %broadcast_in_dim3A_44 masked %eq3A_325 {add = true} : memref<32768xi32, #tpu.memory_space<vmem>>[vector<16xi32>], vector<16xi32>, vector<16xi1>
        tpu.vector_store_idx %arg10[%add3A_436], %broadcast_in_dim3A_44 masked %eq3A_330 {add = true} : memref<32768xi32, #tpu.memory_space<vmem>>[vector<16xi32>], vector<16xi32>, vector<16xi1>
        tpu.vector_store_idx %arg10[%add3A_443], %broadcast_in_dim3A_44 masked %eq3A_335 {add = true} : memref<32768xi32, #tpu.memory_space<vmem>>[vector<16xi32>], vector<16xi32>, vector<16xi1>
        tpu.vector_store_idx %arg10[%add3A_450], %broadcast_in_dim3A_44 masked %eq3A_340 {add = true} : memref<32768xi32, #tpu.memory_space<vmem>>[vector<16xi32>], vector<16xi32>, vector<16xi1>
        tpu.vector_store_idx %arg10[%add3A_457], %broadcast_in_dim3A_44 masked %eq3A_345 {add = true} : memref<32768xi32, #tpu.memory_space<vmem>>[vector<16xi32>], vector<16xi32>, vector<16xi1>
      }
      %scan3A_97 = arith.constant 16 : i32
      %add3A_98 = arith.constant 2 : i32
      %add3A_99 = arith.addi %add3A_87, %add3A_98 : i32
      %lt3A_100 = arith.constant 32 : i32
      %lt3A_101 = arith.cmpi slt, %add3A_99, %lt3A_100 : i32
      %convert_element_type3A_102 = arith.extui %lt3A_101 : i1 to i32
      %cond3A_103 = arith.constant 0 : i32
      %cond3A_104 = arith.cmpi ne, %convert_element_type3A_102, %cond3A_103 : i32
      scf.if %cond3A_104 {
        %add3A_105 = arith.constant 2 : i32
        %add3A_106 = arith.addi %add3A_87, %add3A_105 : i32
        %mul3A_107 = arith.constant 4096 : i32
        %mul3A_108 = arith.muli %add3A_106, %mul3A_107 : i32
        %add3A_109 = arith.addi %mul3A_2, %mul3A_108 : i32
        %dma_start3A_110 = tpu.memref_slice %arg2[%add3A_109] : memref<4194304xf32, #tpu.memory_space<hbm>> -> memref<4096xf32, #tpu.memory_space<hbm>>
        %dma_start3A_111 = tpu.memref_slice %arg2[%add3A_109] : memref<4194304xf32, #tpu.memory_space<hbm>> -> memref<4096xf32, #tpu.memory_space<hbm>>
        tpu.enqueue_dma source(%dma_start3A_111 : memref<4096xf32, #tpu.memory_space<hbm>>) target(%arg9 : memref<4096xf32, #tpu.memory_space<vmem>>) target_semaphore(%arg13 : memref<!tpu.dma_semaphore, #tpu.memory_space<semaphore_mem>>)
      } else {
      }
    }
    %scan3A_54 = arith.constant 16 : i32
    %scan3A_55 = arith.constant 0 : i32
    %scan3A_56 = arith.constant 64 : i32
    %scan3A_57 = arith.addi %scan3A_55, %scan3A_56 : i32
    %scan3A_58 = arith.constant 1 : i32
    scf.for %scan3A_60 = %scan3A_55 to %scan3A_57 step %scan3A_58  : i32 {
      %mul3A_61 = arith.constant 2 : i32
      %mul3A_62 = arith.muli %scan3A_60, %mul3A_61 : i32
      %add3A_63 = arith.constant 0 : i32
      %add3A_64 = arith.addi %add3A_63, %mul3A_62 : i32
      %add3A_65 = arith.constant 1 : i32
      %add3A_66 = arith.addi %add3A_64, %add3A_65 : i32
      %mul3A_67 = arith.constant 16 : i32
      %mul3A_68 = arith.muli %add3A_64, %mul3A_67 : i32
      %add3A_69 = arith.constant 0 : i32
      %add3A_70 = arith.addi %add3A_69, %mul3A_68 : i32
      %get3A = arith.index_cast %add3A_70 : i32 to index
      %get3A_71 = tpu.vector_load %arg10[%get3A] {strides = array<i32>} : memref<32768xi32, #tpu.memory_space<vmem>>, vector<16xi32>,
      %mul3A_72 = arith.constant 16 : i32
      %mul3A_73 = arith.muli %add3A_64, %mul3A_72 : i32
      %add3A_74 = arith.constant 2048 : i32
      %add3A_75 = arith.addi %add3A_74, %mul3A_73 : i32
      %get3A_76 = arith.index_cast %add3A_75 : i32 to index
      %get3A_77 = tpu.vector_load %arg10[%get3A_76] {strides = array<i32>} : memref<32768xi32, #tpu.memory_space<vmem>>, vector<16xi32>,
      %mul3A_78 = arith.constant 16 : i32
      %mul3A_79 = arith.muli %add3A_64, %mul3A_78 : i32
      %add3A_80 = arith.constant 4096 : i32
      %add3A_81 = arith.addi %add3A_80, %mul3A_79 : i32
      %get3A_82 = arith.index_cast %add3A_81 : i32 to index
      %get3A_83 = tpu.vector_load %arg10[%get3A_82] {strides = array<i32>} : memref<32768xi32, #tpu.memory_space<vmem>>, vector<16xi32>,
      %mul3A_84 = arith.constant 16 : i32
      %mul3A_85 = arith.muli %add3A_64, %mul3A_84 : i32
      %add3A_86 = arith.constant 6144 : i32
      %add3A_87 = arith.addi %add3A_86, %mul3A_85 : i32
      %get3A_88 = arith.index_cast %add3A_87 : i32 to index
      %get3A_89 = tpu.vector_load %arg10[%get3A_88] {strides = array<i32>} : memref<32768xi32, #tpu.memory_space<vmem>>, vector<16xi32>,
      %mul3A_90 = arith.constant 16 : i32
      %mul3A_91 = arith.muli %add3A_64, %mul3A_90 : i32
      %add3A_92 = arith.constant 8192 : i32
      %add3A_93 = arith.addi %add3A_92, %mul3A_91 : i32
      %get3A_94 = arith.index_cast %add3A_93 : i32 to index
      %get3A_95 = tpu.vector_load %arg10[%get3A_94] {strides = array<i32>} : memref<32768xi32, #tpu.memory_space<vmem>>, vector<16xi32>,
      %mul3A_96 = arith.constant 16 : i32
      %mul3A_97 = arith.muli %add3A_64, %mul3A_96 : i32
      %add3A_98 = arith.constant 10240 : i32
      %add3A_99 = arith.addi %add3A_98, %mul3A_97 : i32
      %get3A_100 = arith.index_cast %add3A_99 : i32 to index
      %get3A_101 = tpu.vector_load %arg10[%get3A_100] {strides = array<i32>} : memref<32768xi32, #tpu.memory_space<vmem>>, vector<16xi32>,
      %mul3A_102 = arith.constant 16 : i32
      %mul3A_103 = arith.muli %add3A_64, %mul3A_102 : i32
      %add3A_104 = arith.constant 12288 : i32
      %add3A_105 = arith.addi %add3A_104, %mul3A_103 : i32
      %get3A_106 = arith.index_cast %add3A_105 : i32 to index
      %get3A_107 = tpu.vector_load %arg10[%get3A_106] {strides = array<i32>} : memref<32768xi32, #tpu.memory_space<vmem>>, vector<16xi32>,
      %mul3A_108 = arith.constant 16 : i32
      %mul3A_109 = arith.muli %add3A_64, %mul3A_108 : i32
      %add3A_110 = arith.constant 14336 : i32
      %add3A_111 = arith.addi %add3A_110, %mul3A_109 : i32
      %get3A_112 = arith.index_cast %add3A_111 : i32 to index
      %get3A_113 = tpu.vector_load %arg10[%get3A_112] {strides = array<i32>} : memref<32768xi32, #tpu.memory_space<vmem>>, vector<16xi32>,
      %mul3A_114 = arith.constant 16 : i32
      %mul3A_115 = arith.muli %add3A_64, %mul3A_114 : i32
      %add3A_116 = arith.constant 16384 : i32
      %add3A_117 = arith.addi %add3A_116, %mul3A_115 : i32
      %get3A_118 = arith.index_cast %add3A_117 : i32 to index
      %get3A_119 = tpu.vector_load %arg10[%get3A_118] {strides = array<i32>} : memref<32768xi32, #tpu.memory_space<vmem>>, vector<16xi32>,
      %mul3A_120 = arith.constant 16 : i32
      %mul3A_121 = arith.muli %add3A_64, %mul3A_120 : i32
      %add3A_122 = arith.constant 18432 : i32
      %add3A_123 = arith.addi %add3A_122, %mul3A_121 : i32
      %get3A_124 = arith.index_cast %add3A_123 : i32 to index
      %get3A_125 = tpu.vector_load %arg10[%get3A_124] {strides = array<i32>} : memref<32768xi32, #tpu.memory_space<vmem>>, vector<16xi32>,
      %mul3A_126 = arith.constant 16 : i32
      %mul3A_127 = arith.muli %add3A_64, %mul3A_126 : i32
      %add3A_128 = arith.constant 20480 : i32
      %add3A_129 = arith.addi %add3A_128, %mul3A_127 : i32
      %get3A_130 = arith.index_cast %add3A_129 : i32 to index
      %get3A_131 = tpu.vector_load %arg10[%get3A_130] {strides = array<i32>} : memref<32768xi32, #tpu.memory_space<vmem>>, vector<16xi32>,
      %mul3A_132 = arith.constant 16 : i32
      %mul3A_133 = arith.muli %add3A_64, %mul3A_132 : i32
      %add3A_134 = arith.constant 22528 : i32
      %add3A_135 = arith.addi %add3A_134, %mul3A_133 : i32
      %get3A_136 = arith.index_cast %add3A_135 : i32 to index
      %get3A_137 = tpu.vector_load %arg10[%get3A_136] {strides = array<i32>} : memref<32768xi32, #tpu.memory_space<vmem>>, vector<16xi32>,
      %mul3A_138 = arith.constant 16 : i32
      %mul3A_139 = arith.muli %add3A_64, %mul3A_138 : i32
      %add3A_140 = arith.constant 24576 : i32
      %add3A_141 = arith.addi %add3A_140, %mul3A_139 : i32
      %get3A_142 = arith.index_cast %add3A_141 : i32 to index
      %get3A_143 = tpu.vector_load %arg10[%get3A_142] {strides = array<i32>} : memref<32768xi32, #tpu.memory_space<vmem>>, vector<16xi32>,
      %mul3A_144 = arith.constant 16 : i32
      %mul3A_145 = arith.muli %add3A_64, %mul3A_144 : i32
      %add3A_146 = arith.constant 26624 : i32
      %add3A_147 = arith.addi %add3A_146, %mul3A_145 : i32
      %get3A_148 = arith.index_cast %add3A_147 : i32 to index
      %get3A_149 = tpu.vector_load %arg10[%get3A_148] {strides = array<i32>} : memref<32768xi32, #tpu.memory_space<vmem>>, vector<16xi32>,
      %mul3A_150 = arith.constant 16 : i32
      %mul3A_151 = arith.muli %add3A_64, %mul3A_150 : i32
      %add3A_152 = arith.constant 28672 : i32
      %add3A_153 = arith.addi %add3A_152, %mul3A_151 : i32
      %get3A_154 = arith.index_cast %add3A_153 : i32 to index
      %get3A_155 = tpu.vector_load %arg10[%get3A_154] {strides = array<i32>} : memref<32768xi32, #tpu.memory_space<vmem>>, vector<16xi32>,
      %mul3A_156 = arith.constant 16 : i32
      %mul3A_157 = arith.muli %add3A_64, %mul3A_156 : i32
      %add3A_158 = arith.constant 30720 : i32
      %add3A_159 = arith.addi %add3A_158, %mul3A_157 : i32
      %get3A_160 = arith.index_cast %add3A_159 : i32 to index
      %get3A_161 = tpu.vector_load %arg10[%get3A_160] {strides = array<i32>} : memref<32768xi32, #tpu.memory_space<vmem>>, vector<16xi32>,
      %add3A_162 = arith.addi %get3A_71, %get3A_77 : vector<16xi32>
      %add3A_163 = arith.addi %get3A_83, %get3A_89 : vector<16xi32>
      %add3A_164 = arith.addi %get3A_95, %get3A_101 : vector<16xi32>
      %add3A_165 = arith.addi %get3A_107, %get3A_113 : vector<16xi32>
      %add3A_166 = arith.addi %get3A_119, %get3A_125 : vector<16xi32>
      %add3A_167 = arith.addi %get3A_131, %get3A_137 : vector<16xi32>
      %add3A_168 = arith.addi %get3A_143, %get3A_149 : vector<16xi32>
      %add3A_169 = arith.addi %get3A_155, %get3A_161 : vector<16xi32>
      %add3A_170 = arith.addi %add3A_162, %add3A_163 : vector<16xi32>
      %add3A_171 = arith.addi %add3A_164, %add3A_165 : vector<16xi32>
      %add3A_172 = arith.addi %add3A_166, %add3A_167 : vector<16xi32>
      %add3A_173 = arith.addi %add3A_168, %add3A_169 : vector<16xi32>
      %add3A_174 = arith.addi %add3A_170, %add3A_171 : vector<16xi32>
      %add3A_175 = arith.addi %add3A_172, %add3A_173 : vector<16xi32>
      %add3A_176 = arith.addi %add3A_174, %add3A_175 : vector<16xi32>
      %mul3A_177 = arith.constant 16 : i32
      %mul3A_178 = arith.muli %add3A_64, %mul3A_177 : i32
      %swap3A_179 = arith.index_cast %mul3A_178 : i32 to index
      %swap3A_180 = tpu.vector_load %arg11[%swap3A_179] {strides = array<i32>} : memref<2048xi32, #tpu.memory_space<vmem>>, vector<16xi32>,
      tpu.vector_store %arg11[%swap3A_179], %add3A_176 {strides = array<i32>} : memref<2048xi32, #tpu.memory_space<vmem>>, vector<16xi32>,
      %mul3A_181 = arith.constant 16 : i32
      %mul3A_182 = arith.muli %add3A_66, %mul3A_181 : i32
      %add3A_183 = arith.constant 0 : i32
      %add3A_184 = arith.addi %add3A_183, %mul3A_182 : i32
      %get3A_185 = arith.index_cast %add3A_184 : i32 to index
      %get3A_186 = tpu.vector_load %arg10[%get3A_185] {strides = array<i32>} : memref<32768xi32, #tpu.memory_space<vmem>>, vector<16xi32>,
      %mul3A_187 = arith.constant 16 : i32
      %mul3A_188 = arith.muli %add3A_66, %mul3A_187 : i32
      %add3A_189 = arith.constant 2048 : i32
      %add3A_190 = arith.addi %add3A_189, %mul3A_188 : i32
      %get3A_191 = arith.index_cast %add3A_190 : i32 to index
      %get3A_192 = tpu.vector_load %arg10[%get3A_191] {strides = array<i32>} : memref<32768xi32, #tpu.memory_space<vmem>>, vector<16xi32>,
      %mul3A_193 = arith.constant 16 : i32
      %mul3A_194 = arith.muli %add3A_66, %mul3A_193 : i32
      %add3A_195 = arith.constant 4096 : i32
      %add3A_196 = arith.addi %add3A_195, %mul3A_194 : i32
      %get3A_197 = arith.index_cast %add3A_196 : i32 to index
      %get3A_198 = tpu.vector_load %arg10[%get3A_197] {strides = array<i32>} : memref<32768xi32, #tpu.memory_space<vmem>>, vector<16xi32>,
      %mul3A_199 = arith.constant 16 : i32
      %mul3A_200 = arith.muli %add3A_66, %mul3A_199 : i32
      %add3A_201 = arith.constant 6144 : i32
      %add3A_202 = arith.addi %add3A_201, %mul3A_200 : i32
      %get3A_203 = arith.index_cast %add3A_202 : i32 to index
      %get3A_204 = tpu.vector_load %arg10[%get3A_203] {strides = array<i32>} : memref<32768xi32, #tpu.memory_space<vmem>>, vector<16xi32>,
      %mul3A_205 = arith.constant 16 : i32
      %mul3A_206 = arith.muli %add3A_66, %mul3A_205 : i32
      %add3A_207 = arith.constant 8192 : i32
      %add3A_208 = arith.addi %add3A_207, %mul3A_206 : i32
      %get3A_209 = arith.index_cast %add3A_208 : i32 to index
      %get3A_210 = tpu.vector_load %arg10[%get3A_209] {strides = array<i32>} : memref<32768xi32, #tpu.memory_space<vmem>>, vector<16xi32>,
      %mul3A_211 = arith.constant 16 : i32
      %mul3A_212 = arith.muli %add3A_66, %mul3A_211 : i32
      %add3A_213 = arith.constant 10240 : i32
      %add3A_214 = arith.addi %add3A_213, %mul3A_212 : i32
      %get3A_215 = arith.index_cast %add3A_214 : i32 to index
      %get3A_216 = tpu.vector_load %arg10[%get3A_215] {strides = array<i32>} : memref<32768xi32, #tpu.memory_space<vmem>>, vector<16xi32>,
      %mul3A_217 = arith.constant 16 : i32
      %mul3A_218 = arith.muli %add3A_66, %mul3A_217 : i32
      %add3A_219 = arith.constant 12288 : i32
      %add3A_220 = arith.addi %add3A_219, %mul3A_218 : i32
      %get3A_221 = arith.index_cast %add3A_220 : i32 to index
      %get3A_222 = tpu.vector_load %arg10[%get3A_221] {strides = array<i32>} : memref<32768xi32, #tpu.memory_space<vmem>>, vector<16xi32>,
      %mul3A_223 = arith.constant 16 : i32
      %mul3A_224 = arith.muli %add3A_66, %mul3A_223 : i32
      %add3A_225 = arith.constant 14336 : i32
      %add3A_226 = arith.addi %add3A_225, %mul3A_224 : i32
      %get3A_227 = arith.index_cast %add3A_226 : i32 to index
      %get3A_228 = tpu.vector_load %arg10[%get3A_227] {strides = array<i32>} : memref<32768xi32, #tpu.memory_space<vmem>>, vector<16xi32>,
      %mul3A_229 = arith.constant 16 : i32
      %mul3A_230 = arith.muli %add3A_66, %mul3A_229 : i32
      %add3A_231 = arith.constant 16384 : i32
      %add3A_232 = arith.addi %add3A_231, %mul3A_230 : i32
      %get3A_233 = arith.index_cast %add3A_232 : i32 to index
      %get3A_234 = tpu.vector_load %arg10[%get3A_233] {strides = array<i32>} : memref<32768xi32, #tpu.memory_space<vmem>>, vector<16xi32>,
      %mul3A_235 = arith.constant 16 : i32
      %mul3A_236 = arith.muli %add3A_66, %mul3A_235 : i32
      %add3A_237 = arith.constant 18432 : i32
      %add3A_238 = arith.addi %add3A_237, %mul3A_236 : i32
      %get3A_239 = arith.index_cast %add3A_238 : i32 to index
      %get3A_240 = tpu.vector_load %arg10[%get3A_239] {strides = array<i32>} : memref<32768xi32, #tpu.memory_space<vmem>>, vector<16xi32>,
      %mul3A_241 = arith.constant 16 : i32
      %mul3A_242 = arith.muli %add3A_66, %mul3A_241 : i32
      %add3A_243 = arith.constant 20480 : i32
      %add3A_244 = arith.addi %add3A_243, %mul3A_242 : i32
      %get3A_245 = arith.index_cast %add3A_244 : i32 to index
      %get3A_246 = tpu.vector_load %arg10[%get3A_245] {strides = array<i32>} : memref<32768xi32, #tpu.memory_space<vmem>>, vector<16xi32>,
      %mul3A_247 = arith.constant 16 : i32
      %mul3A_248 = arith.muli %add3A_66, %mul3A_247 : i32
      %add3A_249 = arith.constant 22528 : i32
      %add3A_250 = arith.addi %add3A_249, %mul3A_248 : i32
      %get3A_251 = arith.index_cast %add3A_250 : i32 to index
      %get3A_252 = tpu.vector_load %arg10[%get3A_251] {strides = array<i32>} : memref<32768xi32, #tpu.memory_space<vmem>>, vector<16xi32>,
      %mul3A_253 = arith.constant 16 : i32
      %mul3A_254 = arith.muli %add3A_66, %mul3A_253 : i32
      %add3A_255 = arith.constant 24576 : i32
      %add3A_256 = arith.addi %add3A_255, %mul3A_254 : i32
      %get3A_257 = arith.index_cast %add3A_256 : i32 to index
      %get3A_258 = tpu.vector_load %arg10[%get3A_257] {strides = array<i32>} : memref<32768xi32, #tpu.memory_space<vmem>>, vector<16xi32>,
      %mul3A_259 = arith.constant 16 : i32
      %mul3A_260 = arith.muli %add3A_66, %mul3A_259 : i32
      %add3A_261 = arith.constant 26624 : i32
      %add3A_262 = arith.addi %add3A_261, %mul3A_260 : i32
      %get3A_263 = arith.index_cast %add3A_262 : i32 to index
      %get3A_264 = tpu.vector_load %arg10[%get3A_263] {strides = array<i32>} : memref<32768xi32, #tpu.memory_space<vmem>>, vector<16xi32>,
      %mul3A_265 = arith.constant 16 : i32
      %mul3A_266 = arith.muli %add3A_66, %mul3A_265 : i32
      %add3A_267 = arith.constant 28672 : i32
      %add3A_268 = arith.addi %add3A_267, %mul3A_266 : i32
      %get3A_269 = arith.index_cast %add3A_268 : i32 to index
      %get3A_270 = tpu.vector_load %arg10[%get3A_269] {strides = array<i32>} : memref<32768xi32, #tpu.memory_space<vmem>>, vector<16xi32>,
      %mul3A_271 = arith.constant 16 : i32
      %mul3A_272 = arith.muli %add3A_66, %mul3A_271 : i32
      %add3A_273 = arith.constant 30720 : i32
      %add3A_274 = arith.addi %add3A_273, %mul3A_272 : i32
      %get3A_275 = arith.index_cast %add3A_274 : i32 to index
      %get3A_276 = tpu.vector_load %arg10[%get3A_275] {strides = array<i32>} : memref<32768xi32, #tpu.memory_space<vmem>>, vector<16xi32>,
      %add3A_277 = arith.addi %get3A_186, %get3A_192 : vector<16xi32>
      %add3A_278 = arith.addi %get3A_198, %get3A_204 : vector<16xi32>
      %add3A_279 = arith.addi %get3A_210, %get3A_216 : vector<16xi32>
      %add3A_280 = arith.addi %get3A_222, %get3A_228 : vector<16xi32>
      %add3A_281 = arith.addi %get3A_234, %get3A_240 : vector<16xi32>
      %add3A_282 = arith.addi %get3A_246, %get3A_252 : vector<16xi32>
      %add3A_283 = arith.addi %get3A_258, %get3A_264 : vector<16xi32>
      %add3A_284 = arith.addi %get3A_270, %get3A_276 : vector<16xi32>
      %add3A_285 = arith.addi %add3A_277, %add3A_278 : vector<16xi32>
      %add3A_286 = arith.addi %add3A_279, %add3A_280 : vector<16xi32>
      %add3A_287 = arith.addi %add3A_281, %add3A_282 : vector<16xi32>
      %add3A_288 = arith.addi %add3A_283, %add3A_284 : vector<16xi32>
      %add3A_289 = arith.addi %add3A_285, %add3A_286 : vector<16xi32>
      %add3A_290 = arith.addi %add3A_287, %add3A_288 : vector<16xi32>
      %add3A_291 = arith.addi %add3A_289, %add3A_290 : vector<16xi32>
      %mul3A_292 = arith.constant 16 : i32
      %mul3A_293 = arith.muli %add3A_66, %mul3A_292 : i32
      %swap3A_294 = arith.index_cast %mul3A_293 : i32 to index
      %swap3A_295 = tpu.vector_load %arg11[%swap3A_294] {strides = array<i32>} : memref<2048xi32, #tpu.memory_space<vmem>>, vector<16xi32>,
      tpu.vector_store %arg11[%swap3A_294], %add3A_291 {strides = array<i32>} : memref<2048xi32, #tpu.memory_space<vmem>>, vector<16xi32>,
    }
    %scan3A_59 = arith.constant 64 : i32
    "tpu.region"() ({
      %run_scoped3A = tpu.sem_alloc : memref<!tpu.dma_semaphore, #tpu.memory_space<semaphore_mem>>
      %dma_start3A_60 = arith.constant 0 : i32
      %dma_start3A_61 = tpu.memref_slice %arg5[%arg0, %arg1, %dma_start3A_60] : memref<2x16x2048xi32, #tpu.memory_space<hbm>> -> memref<1x1x2048xi32, #tpu.memory_space<hbm>>
      %dma_start3A_62 = tpu.memref_squeeze %dma_start3A_61 : memref<1x1x2048xi32, #tpu.memory_space<hbm>> -> memref<2048xi32, #tpu.memory_space<hbm>>
      %dma_start3A_63 = arith.constant 0 : i32
      %dma_start3A_64 = tpu.memref_slice %arg5[%arg0, %arg1, %dma_start3A_63] : memref<2x16x2048xi32, #tpu.memory_space<hbm>> -> memref<1x1x2048xi32, #tpu.memory_space<hbm>>
      %dma_start3A_65 = tpu.memref_squeeze %dma_start3A_64 : memref<1x1x2048xi32, #tpu.memory_space<hbm>> -> memref<2048xi32, #tpu.memory_space<hbm>>
      tpu.enqueue_dma source(%arg11 : memref<2048xi32, #tpu.memory_space<vmem>>) target(%dma_start3A_65 : memref<2048xi32, #tpu.memory_space<hbm>>) target_semaphore(%run_scoped3A : memref<!tpu.dma_semaphore, #tpu.memory_space<semaphore_mem>>)
      %dma_wait3A = arith.constant 0 : i32
      %dma_wait3A_66 = tpu.memref_slice %arg5[%arg0, %arg1, %dma_wait3A] : memref<2x16x2048xi32, #tpu.memory_space<hbm>> -> memref<1x1x2048xi32, #tpu.memory_space<hbm>>
      %dma_wait3A_67 = tpu.memref_squeeze %dma_wait3A_66 : memref<1x1x2048xi32, #tpu.memory_space<hbm>> -> memref<2048xi32, #tpu.memory_space<hbm>>
      %dma_wait3A_68 = arith.constant 0 : i32
      %dma_wait3A_69 = tpu.memref_slice %arg5[%arg0, %arg1, %dma_wait3A_68] : memref<2x16x2048xi32, #tpu.memory_space<hbm>> -> memref<1x1x2048xi32, #tpu.memory_space<hbm>>
      %dma_wait3A_70 = tpu.memref_squeeze %dma_wait3A_69 : memref<1x1x2048xi32, #tpu.memory_space<hbm>> -> memref<2048xi32, #tpu.memory_space<hbm>>
      tpu.wait_dma2 semaphore(%run_scoped3A : memref<!tpu.dma_semaphore, #tpu.memory_space<semaphore_mem>>) src(%arg11 : memref<2048xi32, #tpu.memory_space<vmem>>) dst(%dma_wait3A_70 : memref<2048xi32, #tpu.memory_space<hbm>>)
      tpu.yield
    }) : () -> ()
    return
  }
}

#map = affine_map<(d0, d1) -> (0)>
#map1 = affine_map<(d0, d1) -> (0, 0, 0)>
module attributes {stable_mosaic.version = 14 : i64} {
  func.func @body(%arg0: i32, %arg1: i32, %arg2: memref<4194304xf32, #tpu.memory_space<hbm>>, %arg3: memref<2048xf32, #tpu.memory_space<hbm>>, %arg4: memref<16xi32, #tpu.memory_space<hbm>>, %arg5: memref<65536xi32, #tpu.memory_space<hbm>>, %arg6: memref<2x16x512xi32, #tpu.memory_space<hbm>>, %arg7: memref<2048xf32, #tpu.memory_space<vmem>>, %arg8: memref<4096xf32, #tpu.memory_space<vmem>>, %arg9: memref<4096xf32, #tpu.memory_space<vmem>>, %arg10: memref<8192xi32, #tpu.memory_space<vmem>>, %arg11: memref<512xi32, #tpu.memory_space<vmem>>, %arg12: memref<!tpu.dma_semaphore, #tpu.memory_space<semaphore_mem>>, %arg13: memref<!tpu.dma_semaphore, #tpu.memory_space<semaphore_mem>>, %arg14: memref<65536xi32, #tpu.memory_space<vmem>>, %arg15: memref<2048xi32, #tpu.memory_space<vmem>>, %arg16: memref<16xi32, #tpu.memory_space<vmem>>) attributes {dimension_semantics = [#tpu.dimension_semantics<core_parallel>, #tpu.dimension_semantics<subcore_parallel>], iteration_bounds = array<i64: 2, 16>, scalar_prefetch = 0 : i64, scratch_operands = 10 : i64, tpu.core_type = #tpu.core_type<sc_vector_subcore>, window_params = [{transform_indices = #map}, {transform_indices = #map}, {transform_indices = #map}, {transform_indices = #map}, {transform_indices = #map1}]} {
    %mul3A = arith.constant 16 : i32
    %mul3A_0 = arith.muli %arg0, %mul3A : i32
    %add3A = arith.addi %mul3A_0, %arg1 : i32
    %mul3A_1 = arith.constant 131072 : i32
    %mul3A_2 = arith.muli %add3A, %mul3A_1 : i32
    %iota3A = tpu.iota {dimensions = array<i32: 0>} : vector<16xi32>
    "tpu.region"() ({
      %run_scoped3A = tpu.sem_alloc : memref<!tpu.dma_semaphore, #tpu.memory_space<semaphore_mem>>
      tpu.enqueue_dma source(%arg3 : memref<2048xf32, #tpu.memory_space<hbm>>) target(%arg7 : memref<2048xf32, #tpu.memory_space<vmem>>) target_semaphore(%run_scoped3A : memref<!tpu.dma_semaphore, #tpu.memory_space<semaphore_mem>>)
      tpu.wait_dma2 semaphore(%run_scoped3A : memref<!tpu.dma_semaphore, #tpu.memory_space<semaphore_mem>>) src(%arg3 : memref<2048xf32, #tpu.memory_space<hbm>>) dst(%arg7 : memref<2048xf32, #tpu.memory_space<vmem>>)
      tpu.yield
    }) : () -> ()
    "tpu.region"() ({
      %run_scoped3A = tpu.sem_alloc : memref<!tpu.dma_semaphore, #tpu.memory_space<semaphore_mem>>
      tpu.enqueue_dma source(%arg4 : memref<16xi32, #tpu.memory_space<hbm>>) target(%arg16 : memref<16xi32, #tpu.memory_space<vmem>>) target_semaphore(%run_scoped3A : memref<!tpu.dma_semaphore, #tpu.memory_space<semaphore_mem>>)
      tpu.wait_dma2 semaphore(%run_scoped3A : memref<!tpu.dma_semaphore, #tpu.memory_space<semaphore_mem>>) src(%arg4 : memref<16xi32, #tpu.memory_space<hbm>>) dst(%arg16 : memref<16xi32, #tpu.memory_space<vmem>>)
      tpu.yield
    }) : () -> ()
    %get3A = arith.constant 0 : index
    %get3A_3 = tpu.vector_load %arg16[%get3A] {strides = array<i32>} : memref<16xi32, #tpu.memory_space<vmem>>, vector<16xi32>,
    %eq3A = arith.constant 0 : i32
    %eq3A_4 = vector.broadcast %eq3A : i32 to vector<16xi32>
    %eq3A_5 = arith.cmpi eq, %iota3A, %eq3A_4 : vector<16xi32>
    %jit3A = arith.constant 0 : i32
    %broadcast_in_dim3A = vector.broadcast %jit3A : i32 to vector<16xi32>
    %select_n3A = arith.select %eq3A_5, %get3A_3, %broadcast_in_dim3A : vector<16xi1>, vector<16xi32>
    %reduce_sum3A = arith.constant true
    %reduce_sum3A_6 = vector.broadcast %reduce_sum3A : i1 to vector<16xi1>
    %reduce_sum3A_7 = tpu.scan <sum>, %select_n3A masked %reduce_sum3A_6 : vector<16xi32>, vector<16xi1> -> vector<16xi32>
    %reduce_sum3A_8 = vector.extract %reduce_sum3A_7[15] : i32 from vector<16xi32>
    %eq3A_9 = arith.constant 1 : i32
    %eq3A_10 = vector.broadcast %eq3A_9 : i32 to vector<16xi32>
    %eq3A_11 = arith.cmpi eq, %iota3A, %eq3A_10 : vector<16xi32>
    %jit3A_12 = arith.constant 0 : i32
    %broadcast_in_dim3A_13 = vector.broadcast %jit3A_12 : i32 to vector<16xi32>
    %select_n3A_14 = arith.select %eq3A_11, %get3A_3, %broadcast_in_dim3A_13 : vector<16xi1>, vector<16xi32>
    %reduce_sum3A_15 = arith.constant true
    %reduce_sum3A_16 = vector.broadcast %reduce_sum3A_15 : i1 to vector<16xi1>
    %reduce_sum3A_17 = tpu.scan <sum>, %select_n3A_14 masked %reduce_sum3A_16 : vector<16xi32>, vector<16xi1> -> vector<16xi32>
    %reduce_sum3A_18 = vector.extract %reduce_sum3A_17[15] : i32 from vector<16xi32>
    "tpu.region"() ({
      %run_scoped3A = tpu.sem_alloc : memref<!tpu.dma_semaphore, #tpu.memory_space<semaphore_mem>>
      tpu.enqueue_dma source(%arg5 : memref<65536xi32, #tpu.memory_space<hbm>>) target(%arg14 : memref<65536xi32, #tpu.memory_space<vmem>>) target_semaphore(%run_scoped3A : memref<!tpu.dma_semaphore, #tpu.memory_space<semaphore_mem>>)
      tpu.wait_dma2 semaphore(%run_scoped3A : memref<!tpu.dma_semaphore, #tpu.memory_space<semaphore_mem>>) src(%arg5 : memref<65536xi32, #tpu.memory_space<hbm>>) dst(%arg14 : memref<65536xi32, #tpu.memory_space<vmem>>)
      tpu.yield
    }) : () -> ()
    %scan3A = arith.constant 0 : i32
    %scan3A_19 = arith.constant 128 : i32
    %scan3A_20 = arith.addi %scan3A, %scan3A_19 : i32
    %scan3A_21 = arith.constant 1 : i32
    scf.for %scan3A_63 = %scan3A to %scan3A_20 step %scan3A_21  : i32 {
      %mul3A_64 = arith.constant 1 : i32
      %mul3A_65 = arith.muli %scan3A_63, %mul3A_64 : i32
      %add3A_66 = arith.constant 0 : i32
      %add3A_67 = arith.addi %add3A_66, %mul3A_65 : i32
      %mul3A_68 = arith.constant 16 : i32
      %mul3A_69 = arith.muli %add3A_67, %mul3A_68 : i32
      %add3A_70 = arith.constant 0 : i32
      %add3A_71 = arith.addi %add3A_70, %mul3A_69 : i32
      %get3A_72 = arith.index_cast %add3A_71 : i32 to index
      %get3A_73 = tpu.vector_load %arg14[%get3A_72] {strides = array<i32>} : memref<65536xi32, #tpu.memory_space<vmem>>, vector<16xi32>,
      %mul3A_74 = arith.constant 16 : i32
      %mul3A_75 = arith.muli %add3A_67, %mul3A_74 : i32
      %add3A_76 = arith.constant 2048 : i32
      %add3A_77 = arith.addi %add3A_76, %mul3A_75 : i32
      %get3A_78 = arith.index_cast %add3A_77 : i32 to index
      %get3A_79 = tpu.vector_load %arg14[%get3A_78] {strides = array<i32>} : memref<65536xi32, #tpu.memory_space<vmem>>, vector<16xi32>,
      %mul3A_80 = arith.constant 16 : i32
      %mul3A_81 = arith.muli %add3A_67, %mul3A_80 : i32
      %add3A_82 = arith.constant 4096 : i32
      %add3A_83 = arith.addi %add3A_82, %mul3A_81 : i32
      %get3A_84 = arith.index_cast %add3A_83 : i32 to index
      %get3A_85 = tpu.vector_load %arg14[%get3A_84] {strides = array<i32>} : memref<65536xi32, #tpu.memory_space<vmem>>, vector<16xi32>,
      %mul3A_86 = arith.constant 16 : i32
      %mul3A_87 = arith.muli %add3A_67, %mul3A_86 : i32
      %add3A_88 = arith.constant 6144 : i32
      %add3A_89 = arith.addi %add3A_88, %mul3A_87 : i32
      %get3A_90 = arith.index_cast %add3A_89 : i32 to index
      %get3A_91 = tpu.vector_load %arg14[%get3A_90] {strides = array<i32>} : memref<65536xi32, #tpu.memory_space<vmem>>, vector<16xi32>,
      %mul3A_92 = arith.constant 16 : i32
      %mul3A_93 = arith.muli %add3A_67, %mul3A_92 : i32
      %add3A_94 = arith.constant 8192 : i32
      %add3A_95 = arith.addi %add3A_94, %mul3A_93 : i32
      %get3A_96 = arith.index_cast %add3A_95 : i32 to index
      %get3A_97 = tpu.vector_load %arg14[%get3A_96] {strides = array<i32>} : memref<65536xi32, #tpu.memory_space<vmem>>, vector<16xi32>,
      %mul3A_98 = arith.constant 16 : i32
      %mul3A_99 = arith.muli %add3A_67, %mul3A_98 : i32
      %add3A_100 = arith.constant 10240 : i32
      %add3A_101 = arith.addi %add3A_100, %mul3A_99 : i32
      %get3A_102 = arith.index_cast %add3A_101 : i32 to index
      %get3A_103 = tpu.vector_load %arg14[%get3A_102] {strides = array<i32>} : memref<65536xi32, #tpu.memory_space<vmem>>, vector<16xi32>,
      %mul3A_104 = arith.constant 16 : i32
      %mul3A_105 = arith.muli %add3A_67, %mul3A_104 : i32
      %add3A_106 = arith.constant 12288 : i32
      %add3A_107 = arith.addi %add3A_106, %mul3A_105 : i32
      %get3A_108 = arith.index_cast %add3A_107 : i32 to index
      %get3A_109 = tpu.vector_load %arg14[%get3A_108] {strides = array<i32>} : memref<65536xi32, #tpu.memory_space<vmem>>, vector<16xi32>,
      %mul3A_110 = arith.constant 16 : i32
      %mul3A_111 = arith.muli %add3A_67, %mul3A_110 : i32
      %add3A_112 = arith.constant 14336 : i32
      %add3A_113 = arith.addi %add3A_112, %mul3A_111 : i32
      %get3A_114 = arith.index_cast %add3A_113 : i32 to index
      %get3A_115 = tpu.vector_load %arg14[%get3A_114] {strides = array<i32>} : memref<65536xi32, #tpu.memory_space<vmem>>, vector<16xi32>,
      %mul3A_116 = arith.constant 16 : i32
      %mul3A_117 = arith.muli %add3A_67, %mul3A_116 : i32
      %add3A_118 = arith.constant 16384 : i32
      %add3A_119 = arith.addi %add3A_118, %mul3A_117 : i32
      %get3A_120 = arith.index_cast %add3A_119 : i32 to index
      %get3A_121 = tpu.vector_load %arg14[%get3A_120] {strides = array<i32>} : memref<65536xi32, #tpu.memory_space<vmem>>, vector<16xi32>,
      %mul3A_122 = arith.constant 16 : i32
      %mul3A_123 = arith.muli %add3A_67, %mul3A_122 : i32
      %add3A_124 = arith.constant 18432 : i32
      %add3A_125 = arith.addi %add3A_124, %mul3A_123 : i32
      %get3A_126 = arith.index_cast %add3A_125 : i32 to index
      %get3A_127 = tpu.vector_load %arg14[%get3A_126] {strides = array<i32>} : memref<65536xi32, #tpu.memory_space<vmem>>, vector<16xi32>,
      %mul3A_128 = arith.constant 16 : i32
      %mul3A_129 = arith.muli %add3A_67, %mul3A_128 : i32
      %add3A_130 = arith.constant 20480 : i32
      %add3A_131 = arith.addi %add3A_130, %mul3A_129 : i32
      %get3A_132 = arith.index_cast %add3A_131 : i32 to index
      %get3A_133 = tpu.vector_load %arg14[%get3A_132] {strides = array<i32>} : memref<65536xi32, #tpu.memory_space<vmem>>, vector<16xi32>,
      %mul3A_134 = arith.constant 16 : i32
      %mul3A_135 = arith.muli %add3A_67, %mul3A_134 : i32
      %add3A_136 = arith.constant 22528 : i32
      %add3A_137 = arith.addi %add3A_136, %mul3A_135 : i32
      %get3A_138 = arith.index_cast %add3A_137 : i32 to index
      %get3A_139 = tpu.vector_load %arg14[%get3A_138] {strides = array<i32>} : memref<65536xi32, #tpu.memory_space<vmem>>, vector<16xi32>,
      %mul3A_140 = arith.constant 16 : i32
      %mul3A_141 = arith.muli %add3A_67, %mul3A_140 : i32
      %add3A_142 = arith.constant 24576 : i32
      %add3A_143 = arith.addi %add3A_142, %mul3A_141 : i32
      %get3A_144 = arith.index_cast %add3A_143 : i32 to index
      %get3A_145 = tpu.vector_load %arg14[%get3A_144] {strides = array<i32>} : memref<65536xi32, #tpu.memory_space<vmem>>, vector<16xi32>,
      %mul3A_146 = arith.constant 16 : i32
      %mul3A_147 = arith.muli %add3A_67, %mul3A_146 : i32
      %add3A_148 = arith.constant 26624 : i32
      %add3A_149 = arith.addi %add3A_148, %mul3A_147 : i32
      %get3A_150 = arith.index_cast %add3A_149 : i32 to index
      %get3A_151 = tpu.vector_load %arg14[%get3A_150] {strides = array<i32>} : memref<65536xi32, #tpu.memory_space<vmem>>, vector<16xi32>,
      %mul3A_152 = arith.constant 16 : i32
      %mul3A_153 = arith.muli %add3A_67, %mul3A_152 : i32
      %add3A_154 = arith.constant 28672 : i32
      %add3A_155 = arith.addi %add3A_154, %mul3A_153 : i32
      %get3A_156 = arith.index_cast %add3A_155 : i32 to index
      %get3A_157 = tpu.vector_load %arg14[%get3A_156] {strides = array<i32>} : memref<65536xi32, #tpu.memory_space<vmem>>, vector<16xi32>,
      %mul3A_158 = arith.constant 16 : i32
      %mul3A_159 = arith.muli %add3A_67, %mul3A_158 : i32
      %add3A_160 = arith.constant 30720 : i32
      %add3A_161 = arith.addi %add3A_160, %mul3A_159 : i32
      %get3A_162 = arith.index_cast %add3A_161 : i32 to index
      %get3A_163 = tpu.vector_load %arg14[%get3A_162] {strides = array<i32>} : memref<65536xi32, #tpu.memory_space<vmem>>, vector<16xi32>,
      %mul3A_164 = arith.constant 16 : i32
      %mul3A_165 = arith.muli %add3A_67, %mul3A_164 : i32
      %add3A_166 = arith.constant 32768 : i32
      %add3A_167 = arith.addi %add3A_166, %mul3A_165 : i32
      %get3A_168 = arith.index_cast %add3A_167 : i32 to index
      %get3A_169 = tpu.vector_load %arg14[%get3A_168] {strides = array<i32>} : memref<65536xi32, #tpu.memory_space<vmem>>, vector<16xi32>,
      %mul3A_170 = arith.constant 16 : i32
      %mul3A_171 = arith.muli %add3A_67, %mul3A_170 : i32
      %add3A_172 = arith.constant 34816 : i32
      %add3A_173 = arith.addi %add3A_172, %mul3A_171 : i32
      %get3A_174 = arith.index_cast %add3A_173 : i32 to index
      %get3A_175 = tpu.vector_load %arg14[%get3A_174] {strides = array<i32>} : memref<65536xi32, #tpu.memory_space<vmem>>, vector<16xi32>,
      %mul3A_176 = arith.constant 16 : i32
      %mul3A_177 = arith.muli %add3A_67, %mul3A_176 : i32
      %add3A_178 = arith.constant 36864 : i32
      %add3A_179 = arith.addi %add3A_178, %mul3A_177 : i32
      %get3A_180 = arith.index_cast %add3A_179 : i32 to index
      %get3A_181 = tpu.vector_load %arg14[%get3A_180] {strides = array<i32>} : memref<65536xi32, #tpu.memory_space<vmem>>, vector<16xi32>,
      %mul3A_182 = arith.constant 16 : i32
      %mul3A_183 = arith.muli %add3A_67, %mul3A_182 : i32
      %add3A_184 = arith.constant 38912 : i32
      %add3A_185 = arith.addi %add3A_184, %mul3A_183 : i32
      %get3A_186 = arith.index_cast %add3A_185 : i32 to index
      %get3A_187 = tpu.vector_load %arg14[%get3A_186] {strides = array<i32>} : memref<65536xi32, #tpu.memory_space<vmem>>, vector<16xi32>,
      %mul3A_188 = arith.constant 16 : i32
      %mul3A_189 = arith.muli %add3A_67, %mul3A_188 : i32
      %add3A_190 = arith.constant 40960 : i32
      %add3A_191 = arith.addi %add3A_190, %mul3A_189 : i32
      %get3A_192 = arith.index_cast %add3A_191 : i32 to index
      %get3A_193 = tpu.vector_load %arg14[%get3A_192] {strides = array<i32>} : memref<65536xi32, #tpu.memory_space<vmem>>, vector<16xi32>,
      %mul3A_194 = arith.constant 16 : i32
      %mul3A_195 = arith.muli %add3A_67, %mul3A_194 : i32
      %add3A_196 = arith.constant 43008 : i32
      %add3A_197 = arith.addi %add3A_196, %mul3A_195 : i32
      %get3A_198 = arith.index_cast %add3A_197 : i32 to index
      %get3A_199 = tpu.vector_load %arg14[%get3A_198] {strides = array<i32>} : memref<65536xi32, #tpu.memory_space<vmem>>, vector<16xi32>,
      %mul3A_200 = arith.constant 16 : i32
      %mul3A_201 = arith.muli %add3A_67, %mul3A_200 : i32
      %add3A_202 = arith.constant 45056 : i32
      %add3A_203 = arith.addi %add3A_202, %mul3A_201 : i32
      %get3A_204 = arith.index_cast %add3A_203 : i32 to index
      %get3A_205 = tpu.vector_load %arg14[%get3A_204] {strides = array<i32>} : memref<65536xi32, #tpu.memory_space<vmem>>, vector<16xi32>,
      %mul3A_206 = arith.constant 16 : i32
      %mul3A_207 = arith.muli %add3A_67, %mul3A_206 : i32
      %add3A_208 = arith.constant 47104 : i32
      %add3A_209 = arith.addi %add3A_208, %mul3A_207 : i32
      %get3A_210 = arith.index_cast %add3A_209 : i32 to index
      %get3A_211 = tpu.vector_load %arg14[%get3A_210] {strides = array<i32>} : memref<65536xi32, #tpu.memory_space<vmem>>, vector<16xi32>,
      %mul3A_212 = arith.constant 16 : i32
      %mul3A_213 = arith.muli %add3A_67, %mul3A_212 : i32
      %add3A_214 = arith.constant 49152 : i32
      %add3A_215 = arith.addi %add3A_214, %mul3A_213 : i32
      %get3A_216 = arith.index_cast %add3A_215 : i32 to index
      %get3A_217 = tpu.vector_load %arg14[%get3A_216] {strides = array<i32>} : memref<65536xi32, #tpu.memory_space<vmem>>, vector<16xi32>,
      %mul3A_218 = arith.constant 16 : i32
      %mul3A_219 = arith.muli %add3A_67, %mul3A_218 : i32
      %add3A_220 = arith.constant 51200 : i32
      %add3A_221 = arith.addi %add3A_220, %mul3A_219 : i32
      %get3A_222 = arith.index_cast %add3A_221 : i32 to index
      %get3A_223 = tpu.vector_load %arg14[%get3A_222] {strides = array<i32>} : memref<65536xi32, #tpu.memory_space<vmem>>, vector<16xi32>,
      %mul3A_224 = arith.constant 16 : i32
      %mul3A_225 = arith.muli %add3A_67, %mul3A_224 : i32
      %add3A_226 = arith.constant 53248 : i32
      %add3A_227 = arith.addi %add3A_226, %mul3A_225 : i32
      %get3A_228 = arith.index_cast %add3A_227 : i32 to index
      %get3A_229 = tpu.vector_load %arg14[%get3A_228] {strides = array<i32>} : memref<65536xi32, #tpu.memory_space<vmem>>, vector<16xi32>,
      %mul3A_230 = arith.constant 16 : i32
      %mul3A_231 = arith.muli %add3A_67, %mul3A_230 : i32
      %add3A_232 = arith.constant 55296 : i32
      %add3A_233 = arith.addi %add3A_232, %mul3A_231 : i32
      %get3A_234 = arith.index_cast %add3A_233 : i32 to index
      %get3A_235 = tpu.vector_load %arg14[%get3A_234] {strides = array<i32>} : memref<65536xi32, #tpu.memory_space<vmem>>, vector<16xi32>,
      %mul3A_236 = arith.constant 16 : i32
      %mul3A_237 = arith.muli %add3A_67, %mul3A_236 : i32
      %add3A_238 = arith.constant 57344 : i32
      %add3A_239 = arith.addi %add3A_238, %mul3A_237 : i32
      %get3A_240 = arith.index_cast %add3A_239 : i32 to index
      %get3A_241 = tpu.vector_load %arg14[%get3A_240] {strides = array<i32>} : memref<65536xi32, #tpu.memory_space<vmem>>, vector<16xi32>,
      %mul3A_242 = arith.constant 16 : i32
      %mul3A_243 = arith.muli %add3A_67, %mul3A_242 : i32
      %add3A_244 = arith.constant 59392 : i32
      %add3A_245 = arith.addi %add3A_244, %mul3A_243 : i32
      %get3A_246 = arith.index_cast %add3A_245 : i32 to index
      %get3A_247 = tpu.vector_load %arg14[%get3A_246] {strides = array<i32>} : memref<65536xi32, #tpu.memory_space<vmem>>, vector<16xi32>,
      %mul3A_248 = arith.constant 16 : i32
      %mul3A_249 = arith.muli %add3A_67, %mul3A_248 : i32
      %add3A_250 = arith.constant 61440 : i32
      %add3A_251 = arith.addi %add3A_250, %mul3A_249 : i32
      %get3A_252 = arith.index_cast %add3A_251 : i32 to index
      %get3A_253 = tpu.vector_load %arg14[%get3A_252] {strides = array<i32>} : memref<65536xi32, #tpu.memory_space<vmem>>, vector<16xi32>,
      %mul3A_254 = arith.constant 16 : i32
      %mul3A_255 = arith.muli %add3A_67, %mul3A_254 : i32
      %add3A_256 = arith.constant 63488 : i32
      %add3A_257 = arith.addi %add3A_256, %mul3A_255 : i32
      %get3A_258 = arith.index_cast %add3A_257 : i32 to index
      %get3A_259 = tpu.vector_load %arg14[%get3A_258] {strides = array<i32>} : memref<65536xi32, #tpu.memory_space<vmem>>, vector<16xi32>,
      %add3A_260 = arith.addi %get3A_73, %get3A_79 : vector<16xi32>
      %add3A_261 = arith.addi %get3A_85, %get3A_91 : vector<16xi32>
      %add3A_262 = arith.addi %get3A_97, %get3A_103 : vector<16xi32>
      %add3A_263 = arith.addi %get3A_109, %get3A_115 : vector<16xi32>
      %add3A_264 = arith.addi %get3A_121, %get3A_127 : vector<16xi32>
      %add3A_265 = arith.addi %get3A_133, %get3A_139 : vector<16xi32>
      %add3A_266 = arith.addi %get3A_145, %get3A_151 : vector<16xi32>
      %add3A_267 = arith.addi %get3A_157, %get3A_163 : vector<16xi32>
      %add3A_268 = arith.addi %get3A_169, %get3A_175 : vector<16xi32>
      %add3A_269 = arith.addi %get3A_181, %get3A_187 : vector<16xi32>
      %add3A_270 = arith.addi %get3A_193, %get3A_199 : vector<16xi32>
      %add3A_271 = arith.addi %get3A_205, %get3A_211 : vector<16xi32>
      %add3A_272 = arith.addi %get3A_217, %get3A_223 : vector<16xi32>
      %add3A_273 = arith.addi %get3A_229, %get3A_235 : vector<16xi32>
      %add3A_274 = arith.addi %get3A_241, %get3A_247 : vector<16xi32>
      %add3A_275 = arith.addi %get3A_253, %get3A_259 : vector<16xi32>
      %add3A_276 = arith.addi %add3A_260, %add3A_261 : vector<16xi32>
      %add3A_277 = arith.addi %add3A_262, %add3A_263 : vector<16xi32>
      %add3A_278 = arith.addi %add3A_264, %add3A_265 : vector<16xi32>
      %add3A_279 = arith.addi %add3A_266, %add3A_267 : vector<16xi32>
      %add3A_280 = arith.addi %add3A_268, %add3A_269 : vector<16xi32>
      %add3A_281 = arith.addi %add3A_270, %add3A_271 : vector<16xi32>
      %add3A_282 = arith.addi %add3A_272, %add3A_273 : vector<16xi32>
      %add3A_283 = arith.addi %add3A_274, %add3A_275 : vector<16xi32>
      %add3A_284 = arith.addi %add3A_276, %add3A_277 : vector<16xi32>
      %add3A_285 = arith.addi %add3A_278, %add3A_279 : vector<16xi32>
      %add3A_286 = arith.addi %add3A_280, %add3A_281 : vector<16xi32>
      %add3A_287 = arith.addi %add3A_282, %add3A_283 : vector<16xi32>
      %add3A_288 = arith.addi %add3A_284, %add3A_285 : vector<16xi32>
      %add3A_289 = arith.addi %add3A_286, %add3A_287 : vector<16xi32>
      %add3A_290 = arith.addi %add3A_288, %add3A_289 : vector<16xi32>
      %mul3A_291 = arith.constant 16 : i32
      %mul3A_292 = arith.muli %add3A_67, %mul3A_291 : i32
      %swap3A = arith.index_cast %mul3A_292 : i32 to index
      %swap3A_293 = tpu.vector_load %arg15[%swap3A] {strides = array<i32>} : memref<2048xi32, #tpu.memory_space<vmem>>, vector<16xi32>,
      tpu.vector_store %arg15[%swap3A], %add3A_290 {strides = array<i32>} : memref<2048xi32, #tpu.memory_space<vmem>>, vector<16xi32>,
    }
    %scan3A_22 = arith.constant 128 : i32
    %scan3A_23 = arith.constant 0 : i32
    %scan3A_24 = arith.constant 0 : i32
    %scan3A_25 = arith.constant 0 : i32
    %scan3A_26 = arith.constant 0 : i32
    %scan3A_27 = arith.constant 128 : i32
    %scan3A_28 = arith.addi %scan3A_26, %scan3A_27 : i32
    %scan3A_29 = arith.constant 1 : i32
    %scan3A_30:3 = scf.for %scan3A_63 = %scan3A_26 to %scan3A_28 step %scan3A_29 iter_args(%scan3A_64 = %scan3A_23, %scan3A_65 = %scan3A_24, %scan3A_66 = %scan3A_25) -> (i32, i32, i32)  : i32 {
      %sub3A_67 = arith.constant 127 : i32
      %sub3A_68 = arith.subi %sub3A_67, %scan3A_63 : i32
      %mul3A_69 = arith.constant 16 : i32
      %mul3A_70 = arith.muli %sub3A_68, %mul3A_69 : i32
      %get3A_71 = arith.index_cast %mul3A_70 : i32 to index
      %get3A_72 = tpu.vector_load %arg15[%get3A_71] {strides = array<i32>} : memref<2048xi32, #tpu.memory_space<vmem>>, vector<16xi32>,
      %rev3A = arith.constant 15 : i32
      %rev3A_73 = vector.broadcast %rev3A : i32 to vector<16xi32>
      %rev3A_74 = tpu.iota {dimensions = array<i32: 0>} : vector<16xi32>
      %rev3A_75 = arith.subi %rev3A_73, %rev3A_74 : vector<16xi32>
      %rev3A_76 = tpu.dynamic_gather %get3A_72[%rev3A_75] in [0] : vector<16xi32>, vector<16xi32> -> vector<16xi32>
      %cumsum3A = arith.constant true
      %cumsum3A_77 = vector.broadcast %cumsum3A : i1 to vector<16xi1>
      %cumsum3A_78 = tpu.scan <sum>, %rev3A_76 masked %cumsum3A_77 : vector<16xi32>, vector<16xi1> -> vector<16xi32>
      %rev3A_79 = arith.constant 15 : i32
      %rev3A_80 = vector.broadcast %rev3A_79 : i32 to vector<16xi32>
      %rev3A_81 = tpu.iota {dimensions = array<i32: 0>} : vector<16xi32>
      %rev3A_82 = arith.subi %rev3A_80, %rev3A_81 : vector<16xi32>
      %rev3A_83 = tpu.dynamic_gather %cumsum3A_78[%rev3A_82] in [0] : vector<16xi32>, vector<16xi32> -> vector<16xi32>
      %add3A_84 = vector.broadcast %scan3A_66 : i32 to vector<16xi32>
      %add3A_85 = arith.addi %rev3A_83, %add3A_84 : vector<16xi32>
      %ge3A = vector.broadcast %reduce_sum3A_18 : i32 to vector<16xi32>
      %ge3A_86 = arith.cmpi sge, %add3A_85, %ge3A : vector<16xi32>
      %convert_element_type3A = arith.extui %ge3A_86 : vector<16xi1> to vector<16xi32>
      %reduce_sum3A_87 = arith.constant true
      %reduce_sum3A_88 = vector.broadcast %reduce_sum3A_87 : i1 to vector<16xi1>
      %reduce_sum3A_89 = tpu.scan <sum>, %convert_element_type3A masked %reduce_sum3A_88 : vector<16xi32>, vector<16xi1> -> vector<16xi32>
      %reduce_sum3A_90 = vector.extract %reduce_sum3A_89[15] : i32 from vector<16xi32>
      %add3A_91 = arith.addi %scan3A_64, %reduce_sum3A_90 : i32
      %jit3A_92 = arith.constant 0 : i32
      %broadcast_in_dim3A_93 = vector.broadcast %jit3A_92 : i32 to vector<16xi32>
      %select_n3A_94 = arith.select %ge3A_86, %broadcast_in_dim3A_93, %get3A_72 : vector<16xi1>, vector<16xi32>
      %reduce_sum3A_95 = arith.constant true
      %reduce_sum3A_96 = vector.broadcast %reduce_sum3A_95 : i1 to vector<16xi1>
      %reduce_sum3A_97 = tpu.scan <sum>, %select_n3A_94 masked %reduce_sum3A_96 : vector<16xi32>, vector<16xi1> -> vector<16xi32>
      %reduce_sum3A_98 = vector.extract %reduce_sum3A_97[15] : i32 from vector<16xi32>
      %add3A_99 = arith.addi %scan3A_65, %reduce_sum3A_98 : i32
      %reduce_sum3A_100 = arith.constant true
      %reduce_sum3A_101 = vector.broadcast %reduce_sum3A_100 : i1 to vector<16xi1>
      %reduce_sum3A_102 = tpu.scan <sum>, %get3A_72 masked %reduce_sum3A_101 : vector<16xi32>, vector<16xi1> -> vector<16xi32>
      %reduce_sum3A_103 = vector.extract %reduce_sum3A_102[15] : i32 from vector<16xi32>
      %add3A_104 = arith.addi %scan3A_66, %reduce_sum3A_103 : i32
      scf.yield %add3A_91, %add3A_99, %add3A_104 : i32, i32, i32
    }
    %scan3A_31 = arith.constant 128 : i32
    %sub3A = arith.constant 1 : i32
    %sub3A_32 = arith.subi %scan3A_30#0, %sub3A : i32
    %sub3A_33 = arith.subi %reduce_sum3A_18, %scan3A_30#1 : i32
    %mul3A_34 = arith.constant 2048 : i32
    %mul3A_35 = arith.muli %reduce_sum3A_8, %mul3A_34 : i32
    %add3A_36 = arith.addi %mul3A_35, %sub3A_32 : i32
    %scan3A_37 = arith.constant 0 : i32
    %scan3A_38 = arith.constant 64 : i32
    %scan3A_39 = arith.addi %scan3A_37, %scan3A_38 : i32
    %scan3A_40 = arith.constant 1 : i32
    scf.for %scan3A_63 = %scan3A_37 to %scan3A_39 step %scan3A_40  : i32 {
      %mul3A_64 = arith.constant 8 : i32
      %mul3A_65 = arith.muli %scan3A_63, %mul3A_64 : i32
      %add3A_66 = arith.constant 0 : i32
      %add3A_67 = arith.addi %add3A_66, %mul3A_65 : i32
      %broadcast_in_dim3A_68 = arith.constant 0 : i32
      %broadcast_in_dim3A_69 = vector.broadcast %broadcast_in_dim3A_68 : i32 to vector<16xi32>
      %add3A_70 = arith.constant 0 : i32
      %add3A_71 = arith.addi %add3A_67, %add3A_70 : i32
      %mul3A_72 = arith.constant 16 : i32
      %mul3A_73 = arith.muli %add3A_71, %mul3A_72 : i32
      %swap3A = arith.index_cast %mul3A_73 : i32 to index
      %swap3A_74 = tpu.vector_load %arg10[%swap3A] {strides = array<i32>} : memref<8192xi32, #tpu.memory_space<vmem>>, vector<16xi32>,
      tpu.vector_store %arg10[%swap3A], %broadcast_in_dim3A_69 {strides = array<i32>} : memref<8192xi32, #tpu.memory_space<vmem>>, vector<16xi32>,
      %broadcast_in_dim3A_75 = arith.constant 0 : i32
      %broadcast_in_dim3A_76 = vector.broadcast %broadcast_in_dim3A_75 : i32 to vector<16xi32>
      %add3A_77 = arith.constant 1 : i32
      %add3A_78 = arith.addi %add3A_67, %add3A_77 : i32
      %mul3A_79 = arith.constant 16 : i32
      %mul3A_80 = arith.muli %add3A_78, %mul3A_79 : i32
      %swap3A_81 = arith.index_cast %mul3A_80 : i32 to index
      %swap3A_82 = tpu.vector_load %arg10[%swap3A_81] {strides = array<i32>} : memref<8192xi32, #tpu.memory_space<vmem>>, vector<16xi32>,
      tpu.vector_store %arg10[%swap3A_81], %broadcast_in_dim3A_76 {strides = array<i32>} : memref<8192xi32, #tpu.memory_space<vmem>>, vector<16xi32>,
      %broadcast_in_dim3A_83 = arith.constant 0 : i32
      %broadcast_in_dim3A_84 = vector.broadcast %broadcast_in_dim3A_83 : i32 to vector<16xi32>
      %add3A_85 = arith.constant 2 : i32
      %add3A_86 = arith.addi %add3A_67, %add3A_85 : i32
      %mul3A_87 = arith.constant 16 : i32
      %mul3A_88 = arith.muli %add3A_86, %mul3A_87 : i32
      %swap3A_89 = arith.index_cast %mul3A_88 : i32 to index
      %swap3A_90 = tpu.vector_load %arg10[%swap3A_89] {strides = array<i32>} : memref<8192xi32, #tpu.memory_space<vmem>>, vector<16xi32>,
      tpu.vector_store %arg10[%swap3A_89], %broadcast_in_dim3A_84 {strides = array<i32>} : memref<8192xi32, #tpu.memory_space<vmem>>, vector<16xi32>,
      %broadcast_in_dim3A_91 = arith.constant 0 : i32
      %broadcast_in_dim3A_92 = vector.broadcast %broadcast_in_dim3A_91 : i32 to vector<16xi32>
      %add3A_93 = arith.constant 3 : i32
      %add3A_94 = arith.addi %add3A_67, %add3A_93 : i32
      %mul3A_95 = arith.constant 16 : i32
      %mul3A_96 = arith.muli %add3A_94, %mul3A_95 : i32
      %swap3A_97 = arith.index_cast %mul3A_96 : i32 to index
      %swap3A_98 = tpu.vector_load %arg10[%swap3A_97] {strides = array<i32>} : memref<8192xi32, #tpu.memory_space<vmem>>, vector<16xi32>,
      tpu.vector_store %arg10[%swap3A_97], %broadcast_in_dim3A_92 {strides = array<i32>} : memref<8192xi32, #tpu.memory_space<vmem>>, vector<16xi32>,
      %broadcast_in_dim3A_99 = arith.constant 0 : i32
      %broadcast_in_dim3A_100 = vector.broadcast %broadcast_in_dim3A_99 : i32 to vector<16xi32>
      %add3A_101 = arith.constant 4 : i32
      %add3A_102 = arith.addi %add3A_67, %add3A_101 : i32
      %mul3A_103 = arith.constant 16 : i32
      %mul3A_104 = arith.muli %add3A_102, %mul3A_103 : i32
      %swap3A_105 = arith.index_cast %mul3A_104 : i32 to index
      %swap3A_106 = tpu.vector_load %arg10[%swap3A_105] {strides = array<i32>} : memref<8192xi32, #tpu.memory_space<vmem>>, vector<16xi32>,
      tpu.vector_store %arg10[%swap3A_105], %broadcast_in_dim3A_100 {strides = array<i32>} : memref<8192xi32, #tpu.memory_space<vmem>>, vector<16xi32>,
      %broadcast_in_dim3A_107 = arith.constant 0 : i32
      %broadcast_in_dim3A_108 = vector.broadcast %broadcast_in_dim3A_107 : i32 to vector<16xi32>
      %add3A_109 = arith.constant 5 : i32
      %add3A_110 = arith.addi %add3A_67, %add3A_109 : i32
      %mul3A_111 = arith.constant 16 : i32
      %mul3A_112 = arith.muli %add3A_110, %mul3A_111 : i32
      %swap3A_113 = arith.index_cast %mul3A_112 : i32 to index
      %swap3A_114 = tpu.vector_load %arg10[%swap3A_113] {strides = array<i32>} : memref<8192xi32, #tpu.memory_space<vmem>>, vector<16xi32>,
      tpu.vector_store %arg10[%swap3A_113], %broadcast_in_dim3A_108 {strides = array<i32>} : memref<8192xi32, #tpu.memory_space<vmem>>, vector<16xi32>,
      %broadcast_in_dim3A_115 = arith.constant 0 : i32
      %broadcast_in_dim3A_116 = vector.broadcast %broadcast_in_dim3A_115 : i32 to vector<16xi32>
      %add3A_117 = arith.constant 6 : i32
      %add3A_118 = arith.addi %add3A_67, %add3A_117 : i32
      %mul3A_119 = arith.constant 16 : i32
      %mul3A_120 = arith.muli %add3A_118, %mul3A_119 : i32
      %swap3A_121 = arith.index_cast %mul3A_120 : i32 to index
      %swap3A_122 = tpu.vector_load %arg10[%swap3A_121] {strides = array<i32>} : memref<8192xi32, #tpu.memory_space<vmem>>, vector<16xi32>,
      tpu.vector_store %arg10[%swap3A_121], %broadcast_in_dim3A_116 {strides = array<i32>} : memref<8192xi32, #tpu.memory_space<vmem>>, vector<16xi32>,
      %broadcast_in_dim3A_123 = arith.constant 0 : i32
      %broadcast_in_dim3A_124 = vector.broadcast %broadcast_in_dim3A_123 : i32 to vector<16xi32>
      %add3A_125 = arith.constant 7 : i32
      %add3A_126 = arith.addi %add3A_67, %add3A_125 : i32
      %mul3A_127 = arith.constant 16 : i32
      %mul3A_128 = arith.muli %add3A_126, %mul3A_127 : i32
      %swap3A_129 = arith.index_cast %mul3A_128 : i32 to index
      %swap3A_130 = tpu.vector_load %arg10[%swap3A_129] {strides = array<i32>} : memref<8192xi32, #tpu.memory_space<vmem>>, vector<16xi32>,
      tpu.vector_store %arg10[%swap3A_129], %broadcast_in_dim3A_124 {strides = array<i32>} : memref<8192xi32, #tpu.memory_space<vmem>>, vector<16xi32>,
    }
    %scan3A_41 = arith.constant 64 : i32
    %iota3A_42 = tpu.iota {dimensions = array<i32: 0>} : vector<16xi32>
    %mul3A_43 = arith.constant 512 : i32
    %mul3A_44 = vector.broadcast %mul3A_43 : i32 to vector<16xi32>
    %mul3A_45 = arith.muli %iota3A_42, %mul3A_44 : vector<16xi32>
    %broadcast_in_dim3A_46 = arith.constant 1 : i32
    %broadcast_in_dim3A_47 = vector.broadcast %broadcast_in_dim3A_46 : i32 to vector<16xi32>
    %dma_start3A = tpu.memref_slice %arg2[%mul3A_2] : memref<4194304xf32, #tpu.memory_space<hbm>> -> memref<4096xf32, #tpu.memory_space<hbm>>
    %dma_start3A_48 = tpu.memref_slice %arg2[%mul3A_2] : memref<4194304xf32, #tpu.memory_space<hbm>> -> memref<4096xf32, #tpu.memory_space<hbm>>
    tpu.enqueue_dma source(%dma_start3A_48 : memref<4096xf32, #tpu.memory_space<hbm>>) target(%arg8 : memref<4096xf32, #tpu.memory_space<vmem>>) target_semaphore(%arg12 : memref<!tpu.dma_semaphore, #tpu.memory_space<semaphore_mem>>)
    %add3A_49 = arith.constant 4096 : i32
    %add3A_50 = arith.addi %mul3A_2, %add3A_49 : i32
    %dma_start3A_51 = tpu.memref_slice %arg2[%add3A_50] : memref<4194304xf32, #tpu.memory_space<hbm>> -> memref<4096xf32, #tpu.memory_space<hbm>>
    %dma_start3A_52 = tpu.memref_slice %arg2[%add3A_50] : memref<4194304xf32, #tpu.memory_space<hbm>> -> memref<4096xf32, #tpu.memory_space<hbm>>
    tpu.enqueue_dma source(%dma_start3A_52 : memref<4096xf32, #tpu.memory_space<hbm>>) target(%arg9 : memref<4096xf32, #tpu.memory_space<vmem>>) target_semaphore(%arg13 : memref<!tpu.dma_semaphore, #tpu.memory_space<semaphore_mem>>)
    %scan3A_53 = arith.constant 0 : i32
    %scan3A_54 = arith.constant 16 : i32
    %scan3A_55 = arith.addi %scan3A_53, %scan3A_54 : i32
    %scan3A_56 = arith.constant 1 : i32
    scf.for %scan3A_63 = %scan3A_53 to %scan3A_55 step %scan3A_56  : i32 {
      %mul3A_64 = arith.constant 1 : i32
      %mul3A_65 = arith.muli %scan3A_63, %mul3A_64 : i32
      %add3A_66 = arith.constant 0 : i32
      %add3A_67 = arith.addi %add3A_66, %mul3A_65 : i32
      %mul3A_68 = arith.constant 2 : i32
      %mul3A_69 = arith.muli %add3A_67, %mul3A_68 : i32
      %add3A_70 = arith.constant 0 : i32
      %add3A_71 = arith.addi %mul3A_69, %add3A_70 : i32
      %mul3A_72 = arith.constant 4096 : i32
      %mul3A_73 = arith.muli %add3A_71, %mul3A_72 : i32
      %add3A_74 = arith.addi %mul3A_2, %mul3A_73 : i32
      %dma_wait3A = tpu.memref_slice %arg2[%add3A_74] : memref<4194304xf32, #tpu.memory_space<hbm>> -> memref<4096xf32, #tpu.memory_space<hbm>>
      %dma_wait3A_75 = tpu.memref_slice %arg2[%add3A_74] : memref<4194304xf32, #tpu.memory_space<hbm>> -> memref<4096xf32, #tpu.memory_space<hbm>>
      tpu.wait_dma2 semaphore(%arg12 : memref<!tpu.dma_semaphore, #tpu.memory_space<semaphore_mem>>) src(%dma_wait3A_75 : memref<4096xf32, #tpu.memory_space<hbm>>) dst(%arg8 : memref<4096xf32, #tpu.memory_space<vmem>>)
      %scan3A_76 = arith.constant 0 : i32
      %scan3A_77 = arith.constant 16 : i32
      %scan3A_78 = arith.addi %scan3A_76, %scan3A_77 : i32
      %scan3A_79 = arith.constant 1 : i32
      scf.for %scan3A_106 = %scan3A_76 to %scan3A_78 step %scan3A_79  : i32 {
        %mul3A_107 = arith.constant 8 : i32
        %mul3A_108 = arith.muli %scan3A_106, %mul3A_107 : i32
        %add3A_109 = arith.constant 0 : i32
        %add3A_110 = arith.addi %add3A_109, %mul3A_108 : i32
        %add3A_111 = arith.constant 0 : i32
        %add3A_112 = arith.addi %add3A_110, %add3A_111 : i32
        %mul3A_113 = arith.constant 16 : i32
        %mul3A_114 = arith.muli %add3A_112, %mul3A_113 : i32
        %add3A_115 = arith.constant 1 : i32
        %add3A_116 = arith.addi %add3A_110, %add3A_115 : i32
        %mul3A_117 = arith.constant 16 : i32
        %mul3A_118 = arith.muli %add3A_116, %mul3A_117 : i32
        %add3A_119 = arith.constant 2 : i32
        %add3A_120 = arith.addi %add3A_110, %add3A_119 : i32
        %mul3A_121 = arith.constant 16 : i32
        %mul3A_122 = arith.muli %add3A_120, %mul3A_121 : i32
        %add3A_123 = arith.constant 3 : i32
        %add3A_124 = arith.addi %add3A_110, %add3A_123 : i32
        %mul3A_125 = arith.constant 16 : i32
        %mul3A_126 = arith.muli %add3A_124, %mul3A_125 : i32
        %add3A_127 = arith.constant 4 : i32
        %add3A_128 = arith.addi %add3A_110, %add3A_127 : i32
        %mul3A_129 = arith.constant 16 : i32
        %mul3A_130 = arith.muli %add3A_128, %mul3A_129 : i32
        %add3A_131 = arith.constant 5 : i32
        %add3A_132 = arith.addi %add3A_110, %add3A_131 : i32
        %mul3A_133 = arith.constant 16 : i32
        %mul3A_134 = arith.muli %add3A_132, %mul3A_133 : i32
        %add3A_135 = arith.constant 6 : i32
        %add3A_136 = arith.addi %add3A_110, %add3A_135 : i32
        %mul3A_137 = arith.constant 16 : i32
        %mul3A_138 = arith.muli %add3A_136, %mul3A_137 : i32
        %add3A_139 = arith.constant 7 : i32
        %add3A_140 = arith.addi %add3A_110, %add3A_139 : i32
        %mul3A_141 = arith.constant 16 : i32
        %mul3A_142 = arith.muli %add3A_140, %mul3A_141 : i32
        %get3A_143 = arith.index_cast %mul3A_114 : i32 to index
        %get3A_144 = tpu.vector_load %arg7[%get3A_143] {strides = array<i32>} : memref<2048xf32, #tpu.memory_space<vmem>>, vector<16xf32>,
        %get3A_145 = arith.index_cast %mul3A_118 : i32 to index
        %get3A_146 = tpu.vector_load %arg7[%get3A_145] {strides = array<i32>} : memref<2048xf32, #tpu.memory_space<vmem>>, vector<16xf32>,
        %get3A_147 = arith.index_cast %mul3A_122 : i32 to index
        %get3A_148 = tpu.vector_load %arg7[%get3A_147] {strides = array<i32>} : memref<2048xf32, #tpu.memory_space<vmem>>, vector<16xf32>,
        %get3A_149 = arith.index_cast %mul3A_126 : i32 to index
        %get3A_150 = tpu.vector_load %arg7[%get3A_149] {strides = array<i32>} : memref<2048xf32, #tpu.memory_space<vmem>>, vector<16xf32>,
        %get3A_151 = arith.index_cast %mul3A_130 : i32 to index
        %get3A_152 = tpu.vector_load %arg7[%get3A_151] {strides = array<i32>} : memref<2048xf32, #tpu.memory_space<vmem>>, vector<16xf32>,
        %get3A_153 = arith.index_cast %mul3A_134 : i32 to index
        %get3A_154 = tpu.vector_load %arg7[%get3A_153] {strides = array<i32>} : memref<2048xf32, #tpu.memory_space<vmem>>, vector<16xf32>,
        %get3A_155 = arith.index_cast %mul3A_138 : i32 to index
        %get3A_156 = tpu.vector_load %arg7[%get3A_155] {strides = array<i32>} : memref<2048xf32, #tpu.memory_space<vmem>>, vector<16xf32>,
        %get3A_157 = arith.index_cast %mul3A_142 : i32 to index
        %get3A_158 = tpu.vector_load %arg7[%get3A_157] {strides = array<i32>} : memref<2048xf32, #tpu.memory_space<vmem>>, vector<16xf32>,
        %add3A_159 = arith.constant 0 : i32
        %add3A_160 = arith.addi %add3A_159, %mul3A_114 : i32
        %get3A_161 = arith.index_cast %add3A_160 : i32 to index
        %get3A_162 = tpu.vector_load %arg8[%get3A_161] {strides = array<i32>} : memref<4096xf32, #tpu.memory_space<vmem>>, vector<16xf32>,
        %add3A_163 = arith.constant 2048 : i32
        %add3A_164 = arith.addi %add3A_163, %mul3A_114 : i32
        %get3A_165 = arith.index_cast %add3A_164 : i32 to index
        %get3A_166 = tpu.vector_load %arg8[%get3A_165] {strides = array<i32>} : memref<4096xf32, #tpu.memory_space<vmem>>, vector<16xf32>,
        %add3A_167 = arith.constant 0 : i32
        %add3A_168 = arith.addi %add3A_167, %mul3A_118 : i32
        %get3A_169 = arith.index_cast %add3A_168 : i32 to index
        %get3A_170 = tpu.vector_load %arg8[%get3A_169] {strides = array<i32>} : memref<4096xf32, #tpu.memory_space<vmem>>, vector<16xf32>,
        %add3A_171 = arith.constant 2048 : i32
        %add3A_172 = arith.addi %add3A_171, %mul3A_118 : i32
        %get3A_173 = arith.index_cast %add3A_172 : i32 to index
        %get3A_174 = tpu.vector_load %arg8[%get3A_173] {strides = array<i32>} : memref<4096xf32, #tpu.memory_space<vmem>>, vector<16xf32>,
        %add3A_175 = arith.constant 0 : i32
        %add3A_176 = arith.addi %add3A_175, %mul3A_122 : i32
        %get3A_177 = arith.index_cast %add3A_176 : i32 to index
        %get3A_178 = tpu.vector_load %arg8[%get3A_177] {strides = array<i32>} : memref<4096xf32, #tpu.memory_space<vmem>>, vector<16xf32>,
        %add3A_179 = arith.constant 2048 : i32
        %add3A_180 = arith.addi %add3A_179, %mul3A_122 : i32
        %get3A_181 = arith.index_cast %add3A_180 : i32 to index
        %get3A_182 = tpu.vector_load %arg8[%get3A_181] {strides = array<i32>} : memref<4096xf32, #tpu.memory_space<vmem>>, vector<16xf32>,
        %add3A_183 = arith.constant 0 : i32
        %add3A_184 = arith.addi %add3A_183, %mul3A_126 : i32
        %get3A_185 = arith.index_cast %add3A_184 : i32 to index
        %get3A_186 = tpu.vector_load %arg8[%get3A_185] {strides = array<i32>} : memref<4096xf32, #tpu.memory_space<vmem>>, vector<16xf32>,
        %add3A_187 = arith.constant 2048 : i32
        %add3A_188 = arith.addi %add3A_187, %mul3A_126 : i32
        %get3A_189 = arith.index_cast %add3A_188 : i32 to index
        %get3A_190 = tpu.vector_load %arg8[%get3A_189] {strides = array<i32>} : memref<4096xf32, #tpu.memory_space<vmem>>, vector<16xf32>,
        %add3A_191 = arith.constant 0 : i32
        %add3A_192 = arith.addi %add3A_191, %mul3A_130 : i32
        %get3A_193 = arith.index_cast %add3A_192 : i32 to index
        %get3A_194 = tpu.vector_load %arg8[%get3A_193] {strides = array<i32>} : memref<4096xf32, #tpu.memory_space<vmem>>, vector<16xf32>,
        %add3A_195 = arith.constant 2048 : i32
        %add3A_196 = arith.addi %add3A_195, %mul3A_130 : i32
        %get3A_197 = arith.index_cast %add3A_196 : i32 to index
        %get3A_198 = tpu.vector_load %arg8[%get3A_197] {strides = array<i32>} : memref<4096xf32, #tpu.memory_space<vmem>>, vector<16xf32>,
        %add3A_199 = arith.constant 0 : i32
        %add3A_200 = arith.addi %add3A_199, %mul3A_134 : i32
        %get3A_201 = arith.index_cast %add3A_200 : i32 to index
        %get3A_202 = tpu.vector_load %arg8[%get3A_201] {strides = array<i32>} : memref<4096xf32, #tpu.memory_space<vmem>>, vector<16xf32>,
        %add3A_203 = arith.constant 2048 : i32
        %add3A_204 = arith.addi %add3A_203, %mul3A_134 : i32
        %get3A_205 = arith.index_cast %add3A_204 : i32 to index
        %get3A_206 = tpu.vector_load %arg8[%get3A_205] {strides = array<i32>} : memref<4096xf32, #tpu.memory_space<vmem>>, vector<16xf32>,
        %add3A_207 = arith.constant 0 : i32
        %add3A_208 = arith.addi %add3A_207, %mul3A_138 : i32
        %get3A_209 = arith.index_cast %add3A_208 : i32 to index
        %get3A_210 = tpu.vector_load %arg8[%get3A_209] {strides = array<i32>} : memref<4096xf32, #tpu.memory_space<vmem>>, vector<16xf32>,
        %add3A_211 = arith.constant 2048 : i32
        %add3A_212 = arith.addi %add3A_211, %mul3A_138 : i32
        %get3A_213 = arith.index_cast %add3A_212 : i32 to index
        %get3A_214 = tpu.vector_load %arg8[%get3A_213] {strides = array<i32>} : memref<4096xf32, #tpu.memory_space<vmem>>, vector<16xf32>,
        %add3A_215 = arith.constant 0 : i32
        %add3A_216 = arith.addi %add3A_215, %mul3A_142 : i32
        %get3A_217 = arith.index_cast %add3A_216 : i32 to index
        %get3A_218 = tpu.vector_load %arg8[%get3A_217] {strides = array<i32>} : memref<4096xf32, #tpu.memory_space<vmem>>, vector<16xf32>,
        %add3A_219 = arith.constant 2048 : i32
        %add3A_220 = arith.addi %add3A_219, %mul3A_142 : i32
        %get3A_221 = arith.index_cast %add3A_220 : i32 to index
        %get3A_222 = tpu.vector_load %arg8[%get3A_221] {strides = array<i32>} : memref<4096xf32, #tpu.memory_space<vmem>>, vector<16xf32>,
        %abs3A = math.absf %get3A_162 : vector<16xf32>
        %mul3A_223 = arith.mulf %abs3A, %get3A_144 : vector<16xf32>
        %bitcast_convert_type3A = tpu.bitcast %mul3A_223 : vector<16xf32> -> vector<16xi32>
        %abs3A_224 = math.absf %get3A_166 : vector<16xf32>
        %mul3A_225 = arith.mulf %abs3A_224, %get3A_144 : vector<16xf32>
        %bitcast_convert_type3A_226 = tpu.bitcast %mul3A_225 : vector<16xf32> -> vector<16xi32>
        %abs3A_227 = math.absf %get3A_170 : vector<16xf32>
        %mul3A_228 = arith.mulf %abs3A_227, %get3A_146 : vector<16xf32>
        %bitcast_convert_type3A_229 = tpu.bitcast %mul3A_228 : vector<16xf32> -> vector<16xi32>
        %abs3A_230 = math.absf %get3A_174 : vector<16xf32>
        %mul3A_231 = arith.mulf %abs3A_230, %get3A_146 : vector<16xf32>
        %bitcast_convert_type3A_232 = tpu.bitcast %mul3A_231 : vector<16xf32> -> vector<16xi32>
        %abs3A_233 = math.absf %get3A_178 : vector<16xf32>
        %mul3A_234 = arith.mulf %abs3A_233, %get3A_148 : vector<16xf32>
        %bitcast_convert_type3A_235 = tpu.bitcast %mul3A_234 : vector<16xf32> -> vector<16xi32>
        %abs3A_236 = math.absf %get3A_182 : vector<16xf32>
        %mul3A_237 = arith.mulf %abs3A_236, %get3A_148 : vector<16xf32>
        %bitcast_convert_type3A_238 = tpu.bitcast %mul3A_237 : vector<16xf32> -> vector<16xi32>
        %abs3A_239 = math.absf %get3A_186 : vector<16xf32>
        %mul3A_240 = arith.mulf %abs3A_239, %get3A_150 : vector<16xf32>
        %bitcast_convert_type3A_241 = tpu.bitcast %mul3A_240 : vector<16xf32> -> vector<16xi32>
        %abs3A_242 = math.absf %get3A_190 : vector<16xf32>
        %mul3A_243 = arith.mulf %abs3A_242, %get3A_150 : vector<16xf32>
        %bitcast_convert_type3A_244 = tpu.bitcast %mul3A_243 : vector<16xf32> -> vector<16xi32>
        %abs3A_245 = math.absf %get3A_194 : vector<16xf32>
        %mul3A_246 = arith.mulf %abs3A_245, %get3A_152 : vector<16xf32>
        %bitcast_convert_type3A_247 = tpu.bitcast %mul3A_246 : vector<16xf32> -> vector<16xi32>
        %abs3A_248 = math.absf %get3A_198 : vector<16xf32>
        %mul3A_249 = arith.mulf %abs3A_248, %get3A_152 : vector<16xf32>
        %bitcast_convert_type3A_250 = tpu.bitcast %mul3A_249 : vector<16xf32> -> vector<16xi32>
        %abs3A_251 = math.absf %get3A_202 : vector<16xf32>
        %mul3A_252 = arith.mulf %abs3A_251, %get3A_154 : vector<16xf32>
        %bitcast_convert_type3A_253 = tpu.bitcast %mul3A_252 : vector<16xf32> -> vector<16xi32>
        %abs3A_254 = math.absf %get3A_206 : vector<16xf32>
        %mul3A_255 = arith.mulf %abs3A_254, %get3A_154 : vector<16xf32>
        %bitcast_convert_type3A_256 = tpu.bitcast %mul3A_255 : vector<16xf32> -> vector<16xi32>
        %abs3A_257 = math.absf %get3A_210 : vector<16xf32>
        %mul3A_258 = arith.mulf %abs3A_257, %get3A_156 : vector<16xf32>
        %bitcast_convert_type3A_259 = tpu.bitcast %mul3A_258 : vector<16xf32> -> vector<16xi32>
        %abs3A_260 = math.absf %get3A_214 : vector<16xf32>
        %mul3A_261 = arith.mulf %abs3A_260, %get3A_156 : vector<16xf32>
        %bitcast_convert_type3A_262 = tpu.bitcast %mul3A_261 : vector<16xf32> -> vector<16xi32>
        %abs3A_263 = math.absf %get3A_218 : vector<16xf32>
        %mul3A_264 = arith.mulf %abs3A_263, %get3A_158 : vector<16xf32>
        %bitcast_convert_type3A_265 = tpu.bitcast %mul3A_264 : vector<16xf32> -> vector<16xi32>
        %abs3A_266 = math.absf %get3A_222 : vector<16xf32>
        %mul3A_267 = arith.mulf %abs3A_266, %get3A_158 : vector<16xf32>
        %bitcast_convert_type3A_268 = tpu.bitcast %mul3A_267 : vector<16xf32> -> vector<16xi32>
        %shift_right_logical3A = arith.constant 9 : i32
        %shift_right_logical3A_269 = vector.broadcast %shift_right_logical3A : i32 to vector<16xi32>
        %shift_right_logical3A_270 = arith.shrui %bitcast_convert_type3A, %shift_right_logical3A_269 : vector<16xi32>
        %eq3A_271 = vector.broadcast %add3A_36 : i32 to vector<16xi32>
        %eq3A_272 = arith.cmpi eq, %shift_right_logical3A_270, %eq3A_271 : vector<16xi32>
        %shift_right_logical3A_273 = arith.constant 9 : i32
        %shift_right_logical3A_274 = vector.broadcast %shift_right_logical3A_273 : i32 to vector<16xi32>
        %shift_right_logical3A_275 = arith.shrui %bitcast_convert_type3A_226, %shift_right_logical3A_274 : vector<16xi32>
        %eq3A_276 = vector.broadcast %add3A_36 : i32 to vector<16xi32>
        %eq3A_277 = arith.cmpi eq, %shift_right_logical3A_275, %eq3A_276 : vector<16xi32>
        %shift_right_logical3A_278 = arith.constant 9 : i32
        %shift_right_logical3A_279 = vector.broadcast %shift_right_logical3A_278 : i32 to vector<16xi32>
        %shift_right_logical3A_280 = arith.shrui %bitcast_convert_type3A_229, %shift_right_logical3A_279 : vector<16xi32>
        %eq3A_281 = vector.broadcast %add3A_36 : i32 to vector<16xi32>
        %eq3A_282 = arith.cmpi eq, %shift_right_logical3A_280, %eq3A_281 : vector<16xi32>
        %shift_right_logical3A_283 = arith.constant 9 : i32
        %shift_right_logical3A_284 = vector.broadcast %shift_right_logical3A_283 : i32 to vector<16xi32>
        %shift_right_logical3A_285 = arith.shrui %bitcast_convert_type3A_232, %shift_right_logical3A_284 : vector<16xi32>
        %eq3A_286 = vector.broadcast %add3A_36 : i32 to vector<16xi32>
        %eq3A_287 = arith.cmpi eq, %shift_right_logical3A_285, %eq3A_286 : vector<16xi32>
        %shift_right_logical3A_288 = arith.constant 9 : i32
        %shift_right_logical3A_289 = vector.broadcast %shift_right_logical3A_288 : i32 to vector<16xi32>
        %shift_right_logical3A_290 = arith.shrui %bitcast_convert_type3A_235, %shift_right_logical3A_289 : vector<16xi32>
        %eq3A_291 = vector.broadcast %add3A_36 : i32 to vector<16xi32>
        %eq3A_292 = arith.cmpi eq, %shift_right_logical3A_290, %eq3A_291 : vector<16xi32>
        %shift_right_logical3A_293 = arith.constant 9 : i32
        %shift_right_logical3A_294 = vector.broadcast %shift_right_logical3A_293 : i32 to vector<16xi32>
        %shift_right_logical3A_295 = arith.shrui %bitcast_convert_type3A_238, %shift_right_logical3A_294 : vector<16xi32>
        %eq3A_296 = vector.broadcast %add3A_36 : i32 to vector<16xi32>
        %eq3A_297 = arith.cmpi eq, %shift_right_logical3A_295, %eq3A_296 : vector<16xi32>
        %shift_right_logical3A_298 = arith.constant 9 : i32
        %shift_right_logical3A_299 = vector.broadcast %shift_right_logical3A_298 : i32 to vector<16xi32>
        %shift_right_logical3A_300 = arith.shrui %bitcast_convert_type3A_241, %shift_right_logical3A_299 : vector<16xi32>
        %eq3A_301 = vector.broadcast %add3A_36 : i32 to vector<16xi32>
        %eq3A_302 = arith.cmpi eq, %shift_right_logical3A_300, %eq3A_301 : vector<16xi32>
        %shift_right_logical3A_303 = arith.constant 9 : i32
        %shift_right_logical3A_304 = vector.broadcast %shift_right_logical3A_303 : i32 to vector<16xi32>
        %shift_right_logical3A_305 = arith.shrui %bitcast_convert_type3A_244, %shift_right_logical3A_304 : vector<16xi32>
        %eq3A_306 = vector.broadcast %add3A_36 : i32 to vector<16xi32>
        %eq3A_307 = arith.cmpi eq, %shift_right_logical3A_305, %eq3A_306 : vector<16xi32>
        %shift_right_logical3A_308 = arith.constant 9 : i32
        %shift_right_logical3A_309 = vector.broadcast %shift_right_logical3A_308 : i32 to vector<16xi32>
        %shift_right_logical3A_310 = arith.shrui %bitcast_convert_type3A_247, %shift_right_logical3A_309 : vector<16xi32>
        %eq3A_311 = vector.broadcast %add3A_36 : i32 to vector<16xi32>
        %eq3A_312 = arith.cmpi eq, %shift_right_logical3A_310, %eq3A_311 : vector<16xi32>
        %shift_right_logical3A_313 = arith.constant 9 : i32
        %shift_right_logical3A_314 = vector.broadcast %shift_right_logical3A_313 : i32 to vector<16xi32>
        %shift_right_logical3A_315 = arith.shrui %bitcast_convert_type3A_250, %shift_right_logical3A_314 : vector<16xi32>
        %eq3A_316 = vector.broadcast %add3A_36 : i32 to vector<16xi32>
        %eq3A_317 = arith.cmpi eq, %shift_right_logical3A_315, %eq3A_316 : vector<16xi32>
        %shift_right_logical3A_318 = arith.constant 9 : i32
        %shift_right_logical3A_319 = vector.broadcast %shift_right_logical3A_318 : i32 to vector<16xi32>
        %shift_right_logical3A_320 = arith.shrui %bitcast_convert_type3A_253, %shift_right_logical3A_319 : vector<16xi32>
        %eq3A_321 = vector.broadcast %add3A_36 : i32 to vector<16xi32>
        %eq3A_322 = arith.cmpi eq, %shift_right_logical3A_320, %eq3A_321 : vector<16xi32>
        %shift_right_logical3A_323 = arith.constant 9 : i32
        %shift_right_logical3A_324 = vector.broadcast %shift_right_logical3A_323 : i32 to vector<16xi32>
        %shift_right_logical3A_325 = arith.shrui %bitcast_convert_type3A_256, %shift_right_logical3A_324 : vector<16xi32>
        %eq3A_326 = vector.broadcast %add3A_36 : i32 to vector<16xi32>
        %eq3A_327 = arith.cmpi eq, %shift_right_logical3A_325, %eq3A_326 : vector<16xi32>
        %shift_right_logical3A_328 = arith.constant 9 : i32
        %shift_right_logical3A_329 = vector.broadcast %shift_right_logical3A_328 : i32 to vector<16xi32>
        %shift_right_logical3A_330 = arith.shrui %bitcast_convert_type3A_259, %shift_right_logical3A_329 : vector<16xi32>
        %eq3A_331 = vector.broadcast %add3A_36 : i32 to vector<16xi32>
        %eq3A_332 = arith.cmpi eq, %shift_right_logical3A_330, %eq3A_331 : vector<16xi32>
        %shift_right_logical3A_333 = arith.constant 9 : i32
        %shift_right_logical3A_334 = vector.broadcast %shift_right_logical3A_333 : i32 to vector<16xi32>
        %shift_right_logical3A_335 = arith.shrui %bitcast_convert_type3A_262, %shift_right_logical3A_334 : vector<16xi32>
        %eq3A_336 = vector.broadcast %add3A_36 : i32 to vector<16xi32>
        %eq3A_337 = arith.cmpi eq, %shift_right_logical3A_335, %eq3A_336 : vector<16xi32>
        %shift_right_logical3A_338 = arith.constant 9 : i32
        %shift_right_logical3A_339 = vector.broadcast %shift_right_logical3A_338 : i32 to vector<16xi32>
        %shift_right_logical3A_340 = arith.shrui %bitcast_convert_type3A_265, %shift_right_logical3A_339 : vector<16xi32>
        %eq3A_341 = vector.broadcast %add3A_36 : i32 to vector<16xi32>
        %eq3A_342 = arith.cmpi eq, %shift_right_logical3A_340, %eq3A_341 : vector<16xi32>
        %shift_right_logical3A_343 = arith.constant 9 : i32
        %shift_right_logical3A_344 = vector.broadcast %shift_right_logical3A_343 : i32 to vector<16xi32>
        %shift_right_logical3A_345 = arith.shrui %bitcast_convert_type3A_268, %shift_right_logical3A_344 : vector<16xi32>
        %eq3A_346 = vector.broadcast %add3A_36 : i32 to vector<16xi32>
        %eq3A_347 = arith.cmpi eq, %shift_right_logical3A_345, %eq3A_346 : vector<16xi32>
        %and3A = arith.constant 511 : i32
        %and3A_348 = vector.broadcast %and3A : i32 to vector<16xi32>
        %and3A_349 = arith.andi %bitcast_convert_type3A, %and3A_348 : vector<16xi32>
        %add3A_350 = arith.addi %and3A_349, %mul3A_45 : vector<16xi32>
        %and3A_351 = arith.constant 511 : i32
        %and3A_352 = vector.broadcast %and3A_351 : i32 to vector<16xi32>
        %and3A_353 = arith.andi %bitcast_convert_type3A_226, %and3A_352 : vector<16xi32>
        %add3A_354 = arith.addi %and3A_353, %mul3A_45 : vector<16xi32>
        %and3A_355 = arith.constant 511 : i32
        %and3A_356 = vector.broadcast %and3A_355 : i32 to vector<16xi32>
        %and3A_357 = arith.andi %bitcast_convert_type3A_229, %and3A_356 : vector<16xi32>
        %add3A_358 = arith.addi %and3A_357, %mul3A_45 : vector<16xi32>
        %and3A_359 = arith.constant 511 : i32
        %and3A_360 = vector.broadcast %and3A_359 : i32 to vector<16xi32>
        %and3A_361 = arith.andi %bitcast_convert_type3A_232, %and3A_360 : vector<16xi32>
        %add3A_362 = arith.addi %and3A_361, %mul3A_45 : vector<16xi32>
        %and3A_363 = arith.constant 511 : i32
        %and3A_364 = vector.broadcast %and3A_363 : i32 to vector<16xi32>
        %and3A_365 = arith.andi %bitcast_convert_type3A_235, %and3A_364 : vector<16xi32>
        %add3A_366 = arith.addi %and3A_365, %mul3A_45 : vector<16xi32>
        %and3A_367 = arith.constant 511 : i32
        %and3A_368 = vector.broadcast %and3A_367 : i32 to vector<16xi32>
        %and3A_369 = arith.andi %bitcast_convert_type3A_238, %and3A_368 : vector<16xi32>
        %add3A_370 = arith.addi %and3A_369, %mul3A_45 : vector<16xi32>
        %and3A_371 = arith.constant 511 : i32
        %and3A_372 = vector.broadcast %and3A_371 : i32 to vector<16xi32>
        %and3A_373 = arith.andi %bitcast_convert_type3A_241, %and3A_372 : vector<16xi32>
        %add3A_374 = arith.addi %and3A_373, %mul3A_45 : vector<16xi32>
        %and3A_375 = arith.constant 511 : i32
        %and3A_376 = vector.broadcast %and3A_375 : i32 to vector<16xi32>
        %and3A_377 = arith.andi %bitcast_convert_type3A_244, %and3A_376 : vector<16xi32>
        %add3A_378 = arith.addi %and3A_377, %mul3A_45 : vector<16xi32>
        %and3A_379 = arith.constant 511 : i32
        %and3A_380 = vector.broadcast %and3A_379 : i32 to vector<16xi32>
        %and3A_381 = arith.andi %bitcast_convert_type3A_247, %and3A_380 : vector<16xi32>
        %add3A_382 = arith.addi %and3A_381, %mul3A_45 : vector<16xi32>
        %and3A_383 = arith.constant 511 : i32
        %and3A_384 = vector.broadcast %and3A_383 : i32 to vector<16xi32>
        %and3A_385 = arith.andi %bitcast_convert_type3A_250, %and3A_384 : vector<16xi32>
        %add3A_386 = arith.addi %and3A_385, %mul3A_45 : vector<16xi32>
        %and3A_387 = arith.constant 511 : i32
        %and3A_388 = vector.broadcast %and3A_387 : i32 to vector<16xi32>
        %and3A_389 = arith.andi %bitcast_convert_type3A_253, %and3A_388 : vector<16xi32>
        %add3A_390 = arith.addi %and3A_389, %mul3A_45 : vector<16xi32>
        %and3A_391 = arith.constant 511 : i32
        %and3A_392 = vector.broadcast %and3A_391 : i32 to vector<16xi32>
        %and3A_393 = arith.andi %bitcast_convert_type3A_256, %and3A_392 : vector<16xi32>
        %add3A_394 = arith.addi %and3A_393, %mul3A_45 : vector<16xi32>
        %and3A_395 = arith.constant 511 : i32
        %and3A_396 = vector.broadcast %and3A_395 : i32 to vector<16xi32>
        %and3A_397 = arith.andi %bitcast_convert_type3A_259, %and3A_396 : vector<16xi32>
        %add3A_398 = arith.addi %and3A_397, %mul3A_45 : vector<16xi32>
        %and3A_399 = arith.constant 511 : i32
        %and3A_400 = vector.broadcast %and3A_399 : i32 to vector<16xi32>
        %and3A_401 = arith.andi %bitcast_convert_type3A_262, %and3A_400 : vector<16xi32>
        %add3A_402 = arith.addi %and3A_401, %mul3A_45 : vector<16xi32>
        %and3A_403 = arith.constant 511 : i32
        %and3A_404 = vector.broadcast %and3A_403 : i32 to vector<16xi32>
        %and3A_405 = arith.andi %bitcast_convert_type3A_265, %and3A_404 : vector<16xi32>
        %add3A_406 = arith.addi %and3A_405, %mul3A_45 : vector<16xi32>
        %and3A_407 = arith.constant 511 : i32
        %and3A_408 = vector.broadcast %and3A_407 : i32 to vector<16xi32>
        %and3A_409 = arith.andi %bitcast_convert_type3A_268, %and3A_408 : vector<16xi32>
        %add3A_410 = arith.addi %and3A_409, %mul3A_45 : vector<16xi32>
        tpu.vector_store_idx %arg10[%add3A_350], %broadcast_in_dim3A_47 masked %eq3A_272 {add = true} : memref<8192xi32, #tpu.memory_space<vmem>>[vector<16xi32>], vector<16xi32>, vector<16xi1>
        tpu.vector_store_idx %arg10[%add3A_354], %broadcast_in_dim3A_47 masked %eq3A_277 {add = true} : memref<8192xi32, #tpu.memory_space<vmem>>[vector<16xi32>], vector<16xi32>, vector<16xi1>
        tpu.vector_store_idx %arg10[%add3A_358], %broadcast_in_dim3A_47 masked %eq3A_282 {add = true} : memref<8192xi32, #tpu.memory_space<vmem>>[vector<16xi32>], vector<16xi32>, vector<16xi1>
        tpu.vector_store_idx %arg10[%add3A_362], %broadcast_in_dim3A_47 masked %eq3A_287 {add = true} : memref<8192xi32, #tpu.memory_space<vmem>>[vector<16xi32>], vector<16xi32>, vector<16xi1>
        tpu.vector_store_idx %arg10[%add3A_366], %broadcast_in_dim3A_47 masked %eq3A_292 {add = true} : memref<8192xi32, #tpu.memory_space<vmem>>[vector<16xi32>], vector<16xi32>, vector<16xi1>
        tpu.vector_store_idx %arg10[%add3A_370], %broadcast_in_dim3A_47 masked %eq3A_297 {add = true} : memref<8192xi32, #tpu.memory_space<vmem>>[vector<16xi32>], vector<16xi32>, vector<16xi1>
        tpu.vector_store_idx %arg10[%add3A_374], %broadcast_in_dim3A_47 masked %eq3A_302 {add = true} : memref<8192xi32, #tpu.memory_space<vmem>>[vector<16xi32>], vector<16xi32>, vector<16xi1>
        tpu.vector_store_idx %arg10[%add3A_378], %broadcast_in_dim3A_47 masked %eq3A_307 {add = true} : memref<8192xi32, #tpu.memory_space<vmem>>[vector<16xi32>], vector<16xi32>, vector<16xi1>
        tpu.vector_store_idx %arg10[%add3A_382], %broadcast_in_dim3A_47 masked %eq3A_312 {add = true} : memref<8192xi32, #tpu.memory_space<vmem>>[vector<16xi32>], vector<16xi32>, vector<16xi1>
        tpu.vector_store_idx %arg10[%add3A_386], %broadcast_in_dim3A_47 masked %eq3A_317 {add = true} : memref<8192xi32, #tpu.memory_space<vmem>>[vector<16xi32>], vector<16xi32>, vector<16xi1>
        tpu.vector_store_idx %arg10[%add3A_390], %broadcast_in_dim3A_47 masked %eq3A_322 {add = true} : memref<8192xi32, #tpu.memory_space<vmem>>[vector<16xi32>], vector<16xi32>, vector<16xi1>
        tpu.vector_store_idx %arg10[%add3A_394], %broadcast_in_dim3A_47 masked %eq3A_327 {add = true} : memref<8192xi32, #tpu.memory_space<vmem>>[vector<16xi32>], vector<16xi32>, vector<16xi1>
        tpu.vector_store_idx %arg10[%add3A_398], %broadcast_in_dim3A_47 masked %eq3A_332 {add = true} : memref<8192xi32, #tpu.memory_space<vmem>>[vector<16xi32>], vector<16xi32>, vector<16xi1>
        tpu.vector_store_idx %arg10[%add3A_402], %broadcast_in_dim3A_47 masked %eq3A_337 {add = true} : memref<8192xi32, #tpu.memory_space<vmem>>[vector<16xi32>], vector<16xi32>, vector<16xi1>
        tpu.vector_store_idx %arg10[%add3A_406], %broadcast_in_dim3A_47 masked %eq3A_342 {add = true} : memref<8192xi32, #tpu.memory_space<vmem>>[vector<16xi32>], vector<16xi32>, vector<16xi1>
        tpu.vector_store_idx %arg10[%add3A_410], %broadcast_in_dim3A_47 masked %eq3A_347 {add = true} : memref<8192xi32, #tpu.memory_space<vmem>>[vector<16xi32>], vector<16xi32>, vector<16xi1>
      }
      %scan3A_80 = arith.constant 16 : i32
      %add3A_81 = arith.constant 2 : i32
      %add3A_82 = arith.addi %add3A_71, %add3A_81 : i32
      %lt3A = arith.constant 32 : i32
      %lt3A_83 = arith.cmpi slt, %add3A_82, %lt3A : i32
      %convert_element_type3A = arith.extui %lt3A_83 : i1 to i32
      %cond3A = arith.constant 0 : i32
      %cond3A_84 = arith.cmpi ne, %convert_element_type3A, %cond3A : i32
      scf.if %cond3A_84 {
        %add3A_106 = arith.constant 2 : i32
        %add3A_107 = arith.addi %add3A_71, %add3A_106 : i32
        %mul3A_108 = arith.constant 4096 : i32
        %mul3A_109 = arith.muli %add3A_107, %mul3A_108 : i32
        %add3A_110 = arith.addi %mul3A_2, %mul3A_109 : i32
        %dma_start3A_111 = tpu.memref_slice %arg2[%add3A_110] : memref<4194304xf32, #tpu.memory_space<hbm>> -> memref<4096xf32, #tpu.memory_space<hbm>>
        %dma_start3A_112 = tpu.memref_slice %arg2[%add3A_110] : memref<4194304xf32, #tpu.memory_space<hbm>> -> memref<4096xf32, #tpu.memory_space<hbm>>
        tpu.enqueue_dma source(%dma_start3A_112 : memref<4096xf32, #tpu.memory_space<hbm>>) target(%arg8 : memref<4096xf32, #tpu.memory_space<vmem>>) target_semaphore(%arg12 : memref<!tpu.dma_semaphore, #tpu.memory_space<semaphore_mem>>)
      } else {
      }
      %mul3A_85 = arith.constant 2 : i32
      %mul3A_86 = arith.muli %add3A_67, %mul3A_85 : i32
      %add3A_87 = arith.constant 1 : i32
      %add3A_88 = arith.addi %mul3A_86, %add3A_87 : i32
      %mul3A_89 = arith.constant 4096 : i32
      %mul3A_90 = arith.muli %add3A_88, %mul3A_89 : i32
      %add3A_91 = arith.addi %mul3A_2, %mul3A_90 : i32
      %dma_wait3A_92 = tpu.memref_slice %arg2[%add3A_91] : memref<4194304xf32, #tpu.memory_space<hbm>> -> memref<4096xf32, #tpu.memory_space<hbm>>
      %dma_wait3A_93 = tpu.memref_slice %arg2[%add3A_91] : memref<4194304xf32, #tpu.memory_space<hbm>> -> memref<4096xf32, #tpu.memory_space<hbm>>
      tpu.wait_dma2 semaphore(%arg13 : memref<!tpu.dma_semaphore, #tpu.memory_space<semaphore_mem>>) src(%dma_wait3A_93 : memref<4096xf32, #tpu.memory_space<hbm>>) dst(%arg9 : memref<4096xf32, #tpu.memory_space<vmem>>)
      %scan3A_94 = arith.constant 0 : i32
      %scan3A_95 = arith.constant 16 : i32
      %scan3A_96 = arith.addi %scan3A_94, %scan3A_95 : i32
      %scan3A_97 = arith.constant 1 : i32
      scf.for %scan3A_106 = %scan3A_94 to %scan3A_96 step %scan3A_97  : i32 {
        %mul3A_107 = arith.constant 8 : i32
        %mul3A_108 = arith.muli %scan3A_106, %mul3A_107 : i32
        %add3A_109 = arith.constant 0 : i32
        %add3A_110 = arith.addi %add3A_109, %mul3A_108 : i32
        %add3A_111 = arith.constant 0 : i32
        %add3A_112 = arith.addi %add3A_110, %add3A_111 : i32
        %mul3A_113 = arith.constant 16 : i32
        %mul3A_114 = arith.muli %add3A_112, %mul3A_113 : i32
        %add3A_115 = arith.constant 1 : i32
        %add3A_116 = arith.addi %add3A_110, %add3A_115 : i32
        %mul3A_117 = arith.constant 16 : i32
        %mul3A_118 = arith.muli %add3A_116, %mul3A_117 : i32
        %add3A_119 = arith.constant 2 : i32
        %add3A_120 = arith.addi %add3A_110, %add3A_119 : i32
        %mul3A_121 = arith.constant 16 : i32
        %mul3A_122 = arith.muli %add3A_120, %mul3A_121 : i32
        %add3A_123 = arith.constant 3 : i32
        %add3A_124 = arith.addi %add3A_110, %add3A_123 : i32
        %mul3A_125 = arith.constant 16 : i32
        %mul3A_126 = arith.muli %add3A_124, %mul3A_125 : i32
        %add3A_127 = arith.constant 4 : i32
        %add3A_128 = arith.addi %add3A_110, %add3A_127 : i32
        %mul3A_129 = arith.constant 16 : i32
        %mul3A_130 = arith.muli %add3A_128, %mul3A_129 : i32
        %add3A_131 = arith.constant 5 : i32
        %add3A_132 = arith.addi %add3A_110, %add3A_131 : i32
        %mul3A_133 = arith.constant 16 : i32
        %mul3A_134 = arith.muli %add3A_132, %mul3A_133 : i32
        %add3A_135 = arith.constant 6 : i32
        %add3A_136 = arith.addi %add3A_110, %add3A_135 : i32
        %mul3A_137 = arith.constant 16 : i32
        %mul3A_138 = arith.muli %add3A_136, %mul3A_137 : i32
        %add3A_139 = arith.constant 7 : i32
        %add3A_140 = arith.addi %add3A_110, %add3A_139 : i32
        %mul3A_141 = arith.constant 16 : i32
        %mul3A_142 = arith.muli %add3A_140, %mul3A_141 : i32
        %get3A_143 = arith.index_cast %mul3A_114 : i32 to index
        %get3A_144 = tpu.vector_load %arg7[%get3A_143] {strides = array<i32>} : memref<2048xf32, #tpu.memory_space<vmem>>, vector<16xf32>,
        %get3A_145 = arith.index_cast %mul3A_118 : i32 to index
        %get3A_146 = tpu.vector_load %arg7[%get3A_145] {strides = array<i32>} : memref<2048xf32, #tpu.memory_space<vmem>>, vector<16xf32>,
        %get3A_147 = arith.index_cast %mul3A_122 : i32 to index
        %get3A_148 = tpu.vector_load %arg7[%get3A_147] {strides = array<i32>} : memref<2048xf32, #tpu.memory_space<vmem>>, vector<16xf32>,
        %get3A_149 = arith.index_cast %mul3A_126 : i32 to index
        %get3A_150 = tpu.vector_load %arg7[%get3A_149] {strides = array<i32>} : memref<2048xf32, #tpu.memory_space<vmem>>, vector<16xf32>,
        %get3A_151 = arith.index_cast %mul3A_130 : i32 to index
        %get3A_152 = tpu.vector_load %arg7[%get3A_151] {strides = array<i32>} : memref<2048xf32, #tpu.memory_space<vmem>>, vector<16xf32>,
        %get3A_153 = arith.index_cast %mul3A_134 : i32 to index
        %get3A_154 = tpu.vector_load %arg7[%get3A_153] {strides = array<i32>} : memref<2048xf32, #tpu.memory_space<vmem>>, vector<16xf32>,
        %get3A_155 = arith.index_cast %mul3A_138 : i32 to index
        %get3A_156 = tpu.vector_load %arg7[%get3A_155] {strides = array<i32>} : memref<2048xf32, #tpu.memory_space<vmem>>, vector<16xf32>,
        %get3A_157 = arith.index_cast %mul3A_142 : i32 to index
        %get3A_158 = tpu.vector_load %arg7[%get3A_157] {strides = array<i32>} : memref<2048xf32, #tpu.memory_space<vmem>>, vector<16xf32>,
        %add3A_159 = arith.constant 0 : i32
        %add3A_160 = arith.addi %add3A_159, %mul3A_114 : i32
        %get3A_161 = arith.index_cast %add3A_160 : i32 to index
        %get3A_162 = tpu.vector_load %arg9[%get3A_161] {strides = array<i32>} : memref<4096xf32, #tpu.memory_space<vmem>>, vector<16xf32>,
        %add3A_163 = arith.constant 2048 : i32
        %add3A_164 = arith.addi %add3A_163, %mul3A_114 : i32
        %get3A_165 = arith.index_cast %add3A_164 : i32 to index
        %get3A_166 = tpu.vector_load %arg9[%get3A_165] {strides = array<i32>} : memref<4096xf32, #tpu.memory_space<vmem>>, vector<16xf32>,
        %add3A_167 = arith.constant 0 : i32
        %add3A_168 = arith.addi %add3A_167, %mul3A_118 : i32
        %get3A_169 = arith.index_cast %add3A_168 : i32 to index
        %get3A_170 = tpu.vector_load %arg9[%get3A_169] {strides = array<i32>} : memref<4096xf32, #tpu.memory_space<vmem>>, vector<16xf32>,
        %add3A_171 = arith.constant 2048 : i32
        %add3A_172 = arith.addi %add3A_171, %mul3A_118 : i32
        %get3A_173 = arith.index_cast %add3A_172 : i32 to index
        %get3A_174 = tpu.vector_load %arg9[%get3A_173] {strides = array<i32>} : memref<4096xf32, #tpu.memory_space<vmem>>, vector<16xf32>,
        %add3A_175 = arith.constant 0 : i32
        %add3A_176 = arith.addi %add3A_175, %mul3A_122 : i32
        %get3A_177 = arith.index_cast %add3A_176 : i32 to index
        %get3A_178 = tpu.vector_load %arg9[%get3A_177] {strides = array<i32>} : memref<4096xf32, #tpu.memory_space<vmem>>, vector<16xf32>,
        %add3A_179 = arith.constant 2048 : i32
        %add3A_180 = arith.addi %add3A_179, %mul3A_122 : i32
        %get3A_181 = arith.index_cast %add3A_180 : i32 to index
        %get3A_182 = tpu.vector_load %arg9[%get3A_181] {strides = array<i32>} : memref<4096xf32, #tpu.memory_space<vmem>>, vector<16xf32>,
        %add3A_183 = arith.constant 0 : i32
        %add3A_184 = arith.addi %add3A_183, %mul3A_126 : i32
        %get3A_185 = arith.index_cast %add3A_184 : i32 to index
        %get3A_186 = tpu.vector_load %arg9[%get3A_185] {strides = array<i32>} : memref<4096xf32, #tpu.memory_space<vmem>>, vector<16xf32>,
        %add3A_187 = arith.constant 2048 : i32
        %add3A_188 = arith.addi %add3A_187, %mul3A_126 : i32
        %get3A_189 = arith.index_cast %add3A_188 : i32 to index
        %get3A_190 = tpu.vector_load %arg9[%get3A_189] {strides = array<i32>} : memref<4096xf32, #tpu.memory_space<vmem>>, vector<16xf32>,
        %add3A_191 = arith.constant 0 : i32
        %add3A_192 = arith.addi %add3A_191, %mul3A_130 : i32
        %get3A_193 = arith.index_cast %add3A_192 : i32 to index
        %get3A_194 = tpu.vector_load %arg9[%get3A_193] {strides = array<i32>} : memref<4096xf32, #tpu.memory_space<vmem>>, vector<16xf32>,
        %add3A_195 = arith.constant 2048 : i32
        %add3A_196 = arith.addi %add3A_195, %mul3A_130 : i32
        %get3A_197 = arith.index_cast %add3A_196 : i32 to index
        %get3A_198 = tpu.vector_load %arg9[%get3A_197] {strides = array<i32>} : memref<4096xf32, #tpu.memory_space<vmem>>, vector<16xf32>,
        %add3A_199 = arith.constant 0 : i32
        %add3A_200 = arith.addi %add3A_199, %mul3A_134 : i32
        %get3A_201 = arith.index_cast %add3A_200 : i32 to index
        %get3A_202 = tpu.vector_load %arg9[%get3A_201] {strides = array<i32>} : memref<4096xf32, #tpu.memory_space<vmem>>, vector<16xf32>,
        %add3A_203 = arith.constant 2048 : i32
        %add3A_204 = arith.addi %add3A_203, %mul3A_134 : i32
        %get3A_205 = arith.index_cast %add3A_204 : i32 to index
        %get3A_206 = tpu.vector_load %arg9[%get3A_205] {strides = array<i32>} : memref<4096xf32, #tpu.memory_space<vmem>>, vector<16xf32>,
        %add3A_207 = arith.constant 0 : i32
        %add3A_208 = arith.addi %add3A_207, %mul3A_138 : i32
        %get3A_209 = arith.index_cast %add3A_208 : i32 to index
        %get3A_210 = tpu.vector_load %arg9[%get3A_209] {strides = array<i32>} : memref<4096xf32, #tpu.memory_space<vmem>>, vector<16xf32>,
        %add3A_211 = arith.constant 2048 : i32
        %add3A_212 = arith.addi %add3A_211, %mul3A_138 : i32
        %get3A_213 = arith.index_cast %add3A_212 : i32 to index
        %get3A_214 = tpu.vector_load %arg9[%get3A_213] {strides = array<i32>} : memref<4096xf32, #tpu.memory_space<vmem>>, vector<16xf32>,
        %add3A_215 = arith.constant 0 : i32
        %add3A_216 = arith.addi %add3A_215, %mul3A_142 : i32
        %get3A_217 = arith.index_cast %add3A_216 : i32 to index
        %get3A_218 = tpu.vector_load %arg9[%get3A_217] {strides = array<i32>} : memref<4096xf32, #tpu.memory_space<vmem>>, vector<16xf32>,
        %add3A_219 = arith.constant 2048 : i32
        %add3A_220 = arith.addi %add3A_219, %mul3A_142 : i32
        %get3A_221 = arith.index_cast %add3A_220 : i32 to index
        %get3A_222 = tpu.vector_load %arg9[%get3A_221] {strides = array<i32>} : memref<4096xf32, #tpu.memory_space<vmem>>, vector<16xf32>,
        %abs3A = math.absf %get3A_162 : vector<16xf32>
        %mul3A_223 = arith.mulf %abs3A, %get3A_144 : vector<16xf32>
        %bitcast_convert_type3A = tpu.bitcast %mul3A_223 : vector<16xf32> -> vector<16xi32>
        %abs3A_224 = math.absf %get3A_166 : vector<16xf32>
        %mul3A_225 = arith.mulf %abs3A_224, %get3A_144 : vector<16xf32>
        %bitcast_convert_type3A_226 = tpu.bitcast %mul3A_225 : vector<16xf32> -> vector<16xi32>
        %abs3A_227 = math.absf %get3A_170 : vector<16xf32>
        %mul3A_228 = arith.mulf %abs3A_227, %get3A_146 : vector<16xf32>
        %bitcast_convert_type3A_229 = tpu.bitcast %mul3A_228 : vector<16xf32> -> vector<16xi32>
        %abs3A_230 = math.absf %get3A_174 : vector<16xf32>
        %mul3A_231 = arith.mulf %abs3A_230, %get3A_146 : vector<16xf32>
        %bitcast_convert_type3A_232 = tpu.bitcast %mul3A_231 : vector<16xf32> -> vector<16xi32>
        %abs3A_233 = math.absf %get3A_178 : vector<16xf32>
        %mul3A_234 = arith.mulf %abs3A_233, %get3A_148 : vector<16xf32>
        %bitcast_convert_type3A_235 = tpu.bitcast %mul3A_234 : vector<16xf32> -> vector<16xi32>
        %abs3A_236 = math.absf %get3A_182 : vector<16xf32>
        %mul3A_237 = arith.mulf %abs3A_236, %get3A_148 : vector<16xf32>
        %bitcast_convert_type3A_238 = tpu.bitcast %mul3A_237 : vector<16xf32> -> vector<16xi32>
        %abs3A_239 = math.absf %get3A_186 : vector<16xf32>
        %mul3A_240 = arith.mulf %abs3A_239, %get3A_150 : vector<16xf32>
        %bitcast_convert_type3A_241 = tpu.bitcast %mul3A_240 : vector<16xf32> -> vector<16xi32>
        %abs3A_242 = math.absf %get3A_190 : vector<16xf32>
        %mul3A_243 = arith.mulf %abs3A_242, %get3A_150 : vector<16xf32>
        %bitcast_convert_type3A_244 = tpu.bitcast %mul3A_243 : vector<16xf32> -> vector<16xi32>
        %abs3A_245 = math.absf %get3A_194 : vector<16xf32>
        %mul3A_246 = arith.mulf %abs3A_245, %get3A_152 : vector<16xf32>
        %bitcast_convert_type3A_247 = tpu.bitcast %mul3A_246 : vector<16xf32> -> vector<16xi32>
        %abs3A_248 = math.absf %get3A_198 : vector<16xf32>
        %mul3A_249 = arith.mulf %abs3A_248, %get3A_152 : vector<16xf32>
        %bitcast_convert_type3A_250 = tpu.bitcast %mul3A_249 : vector<16xf32> -> vector<16xi32>
        %abs3A_251 = math.absf %get3A_202 : vector<16xf32>
        %mul3A_252 = arith.mulf %abs3A_251, %get3A_154 : vector<16xf32>
        %bitcast_convert_type3A_253 = tpu.bitcast %mul3A_252 : vector<16xf32> -> vector<16xi32>
        %abs3A_254 = math.absf %get3A_206 : vector<16xf32>
        %mul3A_255 = arith.mulf %abs3A_254, %get3A_154 : vector<16xf32>
        %bitcast_convert_type3A_256 = tpu.bitcast %mul3A_255 : vector<16xf32> -> vector<16xi32>
        %abs3A_257 = math.absf %get3A_210 : vector<16xf32>
        %mul3A_258 = arith.mulf %abs3A_257, %get3A_156 : vector<16xf32>
        %bitcast_convert_type3A_259 = tpu.bitcast %mul3A_258 : vector<16xf32> -> vector<16xi32>
        %abs3A_260 = math.absf %get3A_214 : vector<16xf32>
        %mul3A_261 = arith.mulf %abs3A_260, %get3A_156 : vector<16xf32>
        %bitcast_convert_type3A_262 = tpu.bitcast %mul3A_261 : vector<16xf32> -> vector<16xi32>
        %abs3A_263 = math.absf %get3A_218 : vector<16xf32>
        %mul3A_264 = arith.mulf %abs3A_263, %get3A_158 : vector<16xf32>
        %bitcast_convert_type3A_265 = tpu.bitcast %mul3A_264 : vector<16xf32> -> vector<16xi32>
        %abs3A_266 = math.absf %get3A_222 : vector<16xf32>
        %mul3A_267 = arith.mulf %abs3A_266, %get3A_158 : vector<16xf32>
        %bitcast_convert_type3A_268 = tpu.bitcast %mul3A_267 : vector<16xf32> -> vector<16xi32>
        %shift_right_logical3A = arith.constant 9 : i32
        %shift_right_logical3A_269 = vector.broadcast %shift_right_logical3A : i32 to vector<16xi32>
        %shift_right_logical3A_270 = arith.shrui %bitcast_convert_type3A, %shift_right_logical3A_269 : vector<16xi32>
        %eq3A_271 = vector.broadcast %add3A_36 : i32 to vector<16xi32>
        %eq3A_272 = arith.cmpi eq, %shift_right_logical3A_270, %eq3A_271 : vector<16xi32>
        %shift_right_logical3A_273 = arith.constant 9 : i32
        %shift_right_logical3A_274 = vector.broadcast %shift_right_logical3A_273 : i32 to vector<16xi32>
        %shift_right_logical3A_275 = arith.shrui %bitcast_convert_type3A_226, %shift_right_logical3A_274 : vector<16xi32>
        %eq3A_276 = vector.broadcast %add3A_36 : i32 to vector<16xi32>
        %eq3A_277 = arith.cmpi eq, %shift_right_logical3A_275, %eq3A_276 : vector<16xi32>
        %shift_right_logical3A_278 = arith.constant 9 : i32
        %shift_right_logical3A_279 = vector.broadcast %shift_right_logical3A_278 : i32 to vector<16xi32>
        %shift_right_logical3A_280 = arith.shrui %bitcast_convert_type3A_229, %shift_right_logical3A_279 : vector<16xi32>
        %eq3A_281 = vector.broadcast %add3A_36 : i32 to vector<16xi32>
        %eq3A_282 = arith.cmpi eq, %shift_right_logical3A_280, %eq3A_281 : vector<16xi32>
        %shift_right_logical3A_283 = arith.constant 9 : i32
        %shift_right_logical3A_284 = vector.broadcast %shift_right_logical3A_283 : i32 to vector<16xi32>
        %shift_right_logical3A_285 = arith.shrui %bitcast_convert_type3A_232, %shift_right_logical3A_284 : vector<16xi32>
        %eq3A_286 = vector.broadcast %add3A_36 : i32 to vector<16xi32>
        %eq3A_287 = arith.cmpi eq, %shift_right_logical3A_285, %eq3A_286 : vector<16xi32>
        %shift_right_logical3A_288 = arith.constant 9 : i32
        %shift_right_logical3A_289 = vector.broadcast %shift_right_logical3A_288 : i32 to vector<16xi32>
        %shift_right_logical3A_290 = arith.shrui %bitcast_convert_type3A_235, %shift_right_logical3A_289 : vector<16xi32>
        %eq3A_291 = vector.broadcast %add3A_36 : i32 to vector<16xi32>
        %eq3A_292 = arith.cmpi eq, %shift_right_logical3A_290, %eq3A_291 : vector<16xi32>
        %shift_right_logical3A_293 = arith.constant 9 : i32
        %shift_right_logical3A_294 = vector.broadcast %shift_right_logical3A_293 : i32 to vector<16xi32>
        %shift_right_logical3A_295 = arith.shrui %bitcast_convert_type3A_238, %shift_right_logical3A_294 : vector<16xi32>
        %eq3A_296 = vector.broadcast %add3A_36 : i32 to vector<16xi32>
        %eq3A_297 = arith.cmpi eq, %shift_right_logical3A_295, %eq3A_296 : vector<16xi32>
        %shift_right_logical3A_298 = arith.constant 9 : i32
        %shift_right_logical3A_299 = vector.broadcast %shift_right_logical3A_298 : i32 to vector<16xi32>
        %shift_right_logical3A_300 = arith.shrui %bitcast_convert_type3A_241, %shift_right_logical3A_299 : vector<16xi32>
        %eq3A_301 = vector.broadcast %add3A_36 : i32 to vector<16xi32>
        %eq3A_302 = arith.cmpi eq, %shift_right_logical3A_300, %eq3A_301 : vector<16xi32>
        %shift_right_logical3A_303 = arith.constant 9 : i32
        %shift_right_logical3A_304 = vector.broadcast %shift_right_logical3A_303 : i32 to vector<16xi32>
        %shift_right_logical3A_305 = arith.shrui %bitcast_convert_type3A_244, %shift_right_logical3A_304 : vector<16xi32>
        %eq3A_306 = vector.broadcast %add3A_36 : i32 to vector<16xi32>
        %eq3A_307 = arith.cmpi eq, %shift_right_logical3A_305, %eq3A_306 : vector<16xi32>
        %shift_right_logical3A_308 = arith.constant 9 : i32
        %shift_right_logical3A_309 = vector.broadcast %shift_right_logical3A_308 : i32 to vector<16xi32>
        %shift_right_logical3A_310 = arith.shrui %bitcast_convert_type3A_247, %shift_right_logical3A_309 : vector<16xi32>
        %eq3A_311 = vector.broadcast %add3A_36 : i32 to vector<16xi32>
        %eq3A_312 = arith.cmpi eq, %shift_right_logical3A_310, %eq3A_311 : vector<16xi32>
        %shift_right_logical3A_313 = arith.constant 9 : i32
        %shift_right_logical3A_314 = vector.broadcast %shift_right_logical3A_313 : i32 to vector<16xi32>
        %shift_right_logical3A_315 = arith.shrui %bitcast_convert_type3A_250, %shift_right_logical3A_314 : vector<16xi32>
        %eq3A_316 = vector.broadcast %add3A_36 : i32 to vector<16xi32>
        %eq3A_317 = arith.cmpi eq, %shift_right_logical3A_315, %eq3A_316 : vector<16xi32>
        %shift_right_logical3A_318 = arith.constant 9 : i32
        %shift_right_logical3A_319 = vector.broadcast %shift_right_logical3A_318 : i32 to vector<16xi32>
        %shift_right_logical3A_320 = arith.shrui %bitcast_convert_type3A_253, %shift_right_logical3A_319 : vector<16xi32>
        %eq3A_321 = vector.broadcast %add3A_36 : i32 to vector<16xi32>
        %eq3A_322 = arith.cmpi eq, %shift_right_logical3A_320, %eq3A_321 : vector<16xi32>
        %shift_right_logical3A_323 = arith.constant 9 : i32
        %shift_right_logical3A_324 = vector.broadcast %shift_right_logical3A_323 : i32 to vector<16xi32>
        %shift_right_logical3A_325 = arith.shrui %bitcast_convert_type3A_256, %shift_right_logical3A_324 : vector<16xi32>
        %eq3A_326 = vector.broadcast %add3A_36 : i32 to vector<16xi32>
        %eq3A_327 = arith.cmpi eq, %shift_right_logical3A_325, %eq3A_326 : vector<16xi32>
        %shift_right_logical3A_328 = arith.constant 9 : i32
        %shift_right_logical3A_329 = vector.broadcast %shift_right_logical3A_328 : i32 to vector<16xi32>
        %shift_right_logical3A_330 = arith.shrui %bitcast_convert_type3A_259, %shift_right_logical3A_329 : vector<16xi32>
        %eq3A_331 = vector.broadcast %add3A_36 : i32 to vector<16xi32>
        %eq3A_332 = arith.cmpi eq, %shift_right_logical3A_330, %eq3A_331 : vector<16xi32>
        %shift_right_logical3A_333 = arith.constant 9 : i32
        %shift_right_logical3A_334 = vector.broadcast %shift_right_logical3A_333 : i32 to vector<16xi32>
        %shift_right_logical3A_335 = arith.shrui %bitcast_convert_type3A_262, %shift_right_logical3A_334 : vector<16xi32>
        %eq3A_336 = vector.broadcast %add3A_36 : i32 to vector<16xi32>
        %eq3A_337 = arith.cmpi eq, %shift_right_logical3A_335, %eq3A_336 : vector<16xi32>
        %shift_right_logical3A_338 = arith.constant 9 : i32
        %shift_right_logical3A_339 = vector.broadcast %shift_right_logical3A_338 : i32 to vector<16xi32>
        %shift_right_logical3A_340 = arith.shrui %bitcast_convert_type3A_265, %shift_right_logical3A_339 : vector<16xi32>
        %eq3A_341 = vector.broadcast %add3A_36 : i32 to vector<16xi32>
        %eq3A_342 = arith.cmpi eq, %shift_right_logical3A_340, %eq3A_341 : vector<16xi32>
        %shift_right_logical3A_343 = arith.constant 9 : i32
        %shift_right_logical3A_344 = vector.broadcast %shift_right_logical3A_343 : i32 to vector<16xi32>
        %shift_right_logical3A_345 = arith.shrui %bitcast_convert_type3A_268, %shift_right_logical3A_344 : vector<16xi32>
        %eq3A_346 = vector.broadcast %add3A_36 : i32 to vector<16xi32>
        %eq3A_347 = arith.cmpi eq, %shift_right_logical3A_345, %eq3A_346 : vector<16xi32>
        %and3A = arith.constant 511 : i32
        %and3A_348 = vector.broadcast %and3A : i32 to vector<16xi32>
        %and3A_349 = arith.andi %bitcast_convert_type3A, %and3A_348 : vector<16xi32>
        %add3A_350 = arith.addi %and3A_349, %mul3A_45 : vector<16xi32>
        %and3A_351 = arith.constant 511 : i32
        %and3A_352 = vector.broadcast %and3A_351 : i32 to vector<16xi32>
        %and3A_353 = arith.andi %bitcast_convert_type3A_226, %and3A_352 : vector<16xi32>
        %add3A_354 = arith.addi %and3A_353, %mul3A_45 : vector<16xi32>
        %and3A_355 = arith.constant 511 : i32
        %and3A_356 = vector.broadcast %and3A_355 : i32 to vector<16xi32>
        %and3A_357 = arith.andi %bitcast_convert_type3A_229, %and3A_356 : vector<16xi32>
        %add3A_358 = arith.addi %and3A_357, %mul3A_45 : vector<16xi32>
        %and3A_359 = arith.constant 511 : i32
        %and3A_360 = vector.broadcast %and3A_359 : i32 to vector<16xi32>
        %and3A_361 = arith.andi %bitcast_convert_type3A_232, %and3A_360 : vector<16xi32>
        %add3A_362 = arith.addi %and3A_361, %mul3A_45 : vector<16xi32>
        %and3A_363 = arith.constant 511 : i32
        %and3A_364 = vector.broadcast %and3A_363 : i32 to vector<16xi32>
        %and3A_365 = arith.andi %bitcast_convert_type3A_235, %and3A_364 : vector<16xi32>
        %add3A_366 = arith.addi %and3A_365, %mul3A_45 : vector<16xi32>
        %and3A_367 = arith.constant 511 : i32
        %and3A_368 = vector.broadcast %and3A_367 : i32 to vector<16xi32>
        %and3A_369 = arith.andi %bitcast_convert_type3A_238, %and3A_368 : vector<16xi32>
        %add3A_370 = arith.addi %and3A_369, %mul3A_45 : vector<16xi32>
        %and3A_371 = arith.constant 511 : i32
        %and3A_372 = vector.broadcast %and3A_371 : i32 to vector<16xi32>
        %and3A_373 = arith.andi %bitcast_convert_type3A_241, %and3A_372 : vector<16xi32>
        %add3A_374 = arith.addi %and3A_373, %mul3A_45 : vector<16xi32>
        %and3A_375 = arith.constant 511 : i32
        %and3A_376 = vector.broadcast %and3A_375 : i32 to vector<16xi32>
        %and3A_377 = arith.andi %bitcast_convert_type3A_244, %and3A_376 : vector<16xi32>
        %add3A_378 = arith.addi %and3A_377, %mul3A_45 : vector<16xi32>
        %and3A_379 = arith.constant 511 : i32
        %and3A_380 = vector.broadcast %and3A_379 : i32 to vector<16xi32>
        %and3A_381 = arith.andi %bitcast_convert_type3A_247, %and3A_380 : vector<16xi32>
        %add3A_382 = arith.addi %and3A_381, %mul3A_45 : vector<16xi32>
        %and3A_383 = arith.constant 511 : i32
        %and3A_384 = vector.broadcast %and3A_383 : i32 to vector<16xi32>
        %and3A_385 = arith.andi %bitcast_convert_type3A_250, %and3A_384 : vector<16xi32>
        %add3A_386 = arith.addi %and3A_385, %mul3A_45 : vector<16xi32>
        %and3A_387 = arith.constant 511 : i32
        %and3A_388 = vector.broadcast %and3A_387 : i32 to vector<16xi32>
        %and3A_389 = arith.andi %bitcast_convert_type3A_253, %and3A_388 : vector<16xi32>
        %add3A_390 = arith.addi %and3A_389, %mul3A_45 : vector<16xi32>
        %and3A_391 = arith.constant 511 : i32
        %and3A_392 = vector.broadcast %and3A_391 : i32 to vector<16xi32>
        %and3A_393 = arith.andi %bitcast_convert_type3A_256, %and3A_392 : vector<16xi32>
        %add3A_394 = arith.addi %and3A_393, %mul3A_45 : vector<16xi32>
        %and3A_395 = arith.constant 511 : i32
        %and3A_396 = vector.broadcast %and3A_395 : i32 to vector<16xi32>
        %and3A_397 = arith.andi %bitcast_convert_type3A_259, %and3A_396 : vector<16xi32>
        %add3A_398 = arith.addi %and3A_397, %mul3A_45 : vector<16xi32>
        %and3A_399 = arith.constant 511 : i32
        %and3A_400 = vector.broadcast %and3A_399 : i32 to vector<16xi32>
        %and3A_401 = arith.andi %bitcast_convert_type3A_262, %and3A_400 : vector<16xi32>
        %add3A_402 = arith.addi %and3A_401, %mul3A_45 : vector<16xi32>
        %and3A_403 = arith.constant 511 : i32
        %and3A_404 = vector.broadcast %and3A_403 : i32 to vector<16xi32>
        %and3A_405 = arith.andi %bitcast_convert_type3A_265, %and3A_404 : vector<16xi32>
        %add3A_406 = arith.addi %and3A_405, %mul3A_45 : vector<16xi32>
        %and3A_407 = arith.constant 511 : i32
        %and3A_408 = vector.broadcast %and3A_407 : i32 to vector<16xi32>
        %and3A_409 = arith.andi %bitcast_convert_type3A_268, %and3A_408 : vector<16xi32>
        %add3A_410 = arith.addi %and3A_409, %mul3A_45 : vector<16xi32>
        tpu.vector_store_idx %arg10[%add3A_350], %broadcast_in_dim3A_47 masked %eq3A_272 {add = true} : memref<8192xi32, #tpu.memory_space<vmem>>[vector<16xi32>], vector<16xi32>, vector<16xi1>
        tpu.vector_store_idx %arg10[%add3A_354], %broadcast_in_dim3A_47 masked %eq3A_277 {add = true} : memref<8192xi32, #tpu.memory_space<vmem>>[vector<16xi32>], vector<16xi32>, vector<16xi1>
        tpu.vector_store_idx %arg10[%add3A_358], %broadcast_in_dim3A_47 masked %eq3A_282 {add = true} : memref<8192xi32, #tpu.memory_space<vmem>>[vector<16xi32>], vector<16xi32>, vector<16xi1>
        tpu.vector_store_idx %arg10[%add3A_362], %broadcast_in_dim3A_47 masked %eq3A_287 {add = true} : memref<8192xi32, #tpu.memory_space<vmem>>[vector<16xi32>], vector<16xi32>, vector<16xi1>
        tpu.vector_store_idx %arg10[%add3A_366], %broadcast_in_dim3A_47 masked %eq3A_292 {add = true} : memref<8192xi32, #tpu.memory_space<vmem>>[vector<16xi32>], vector<16xi32>, vector<16xi1>
        tpu.vector_store_idx %arg10[%add3A_370], %broadcast_in_dim3A_47 masked %eq3A_297 {add = true} : memref<8192xi32, #tpu.memory_space<vmem>>[vector<16xi32>], vector<16xi32>, vector<16xi1>
        tpu.vector_store_idx %arg10[%add3A_374], %broadcast_in_dim3A_47 masked %eq3A_302 {add = true} : memref<8192xi32, #tpu.memory_space<vmem>>[vector<16xi32>], vector<16xi32>, vector<16xi1>
        tpu.vector_store_idx %arg10[%add3A_378], %broadcast_in_dim3A_47 masked %eq3A_307 {add = true} : memref<8192xi32, #tpu.memory_space<vmem>>[vector<16xi32>], vector<16xi32>, vector<16xi1>
        tpu.vector_store_idx %arg10[%add3A_382], %broadcast_in_dim3A_47 masked %eq3A_312 {add = true} : memref<8192xi32, #tpu.memory_space<vmem>>[vector<16xi32>], vector<16xi32>, vector<16xi1>
        tpu.vector_store_idx %arg10[%add3A_386], %broadcast_in_dim3A_47 masked %eq3A_317 {add = true} : memref<8192xi32, #tpu.memory_space<vmem>>[vector<16xi32>], vector<16xi32>, vector<16xi1>
        tpu.vector_store_idx %arg10[%add3A_390], %broadcast_in_dim3A_47 masked %eq3A_322 {add = true} : memref<8192xi32, #tpu.memory_space<vmem>>[vector<16xi32>], vector<16xi32>, vector<16xi1>
        tpu.vector_store_idx %arg10[%add3A_394], %broadcast_in_dim3A_47 masked %eq3A_327 {add = true} : memref<8192xi32, #tpu.memory_space<vmem>>[vector<16xi32>], vector<16xi32>, vector<16xi1>
        tpu.vector_store_idx %arg10[%add3A_398], %broadcast_in_dim3A_47 masked %eq3A_332 {add = true} : memref<8192xi32, #tpu.memory_space<vmem>>[vector<16xi32>], vector<16xi32>, vector<16xi1>
        tpu.vector_store_idx %arg10[%add3A_402], %broadcast_in_dim3A_47 masked %eq3A_337 {add = true} : memref<8192xi32, #tpu.memory_space<vmem>>[vector<16xi32>], vector<16xi32>, vector<16xi1>
        tpu.vector_store_idx %arg10[%add3A_406], %broadcast_in_dim3A_47 masked %eq3A_342 {add = true} : memref<8192xi32, #tpu.memory_space<vmem>>[vector<16xi32>], vector<16xi32>, vector<16xi1>
        tpu.vector_store_idx %arg10[%add3A_410], %broadcast_in_dim3A_47 masked %eq3A_347 {add = true} : memref<8192xi32, #tpu.memory_space<vmem>>[vector<16xi32>], vector<16xi32>, vector<16xi1>
      }
      %scan3A_98 = arith.constant 16 : i32
      %add3A_99 = arith.constant 2 : i32
      %add3A_100 = arith.addi %add3A_88, %add3A_99 : i32
      %lt3A_101 = arith.constant 32 : i32
      %lt3A_102 = arith.cmpi slt, %add3A_100, %lt3A_101 : i32
      %convert_element_type3A_103 = arith.extui %lt3A_102 : i1 to i32
      %cond3A_104 = arith.constant 0 : i32
      %cond3A_105 = arith.cmpi ne, %convert_element_type3A_103, %cond3A_104 : i32
      scf.if %cond3A_105 {
        %add3A_106 = arith.constant 2 : i32
        %add3A_107 = arith.addi %add3A_88, %add3A_106 : i32
        %mul3A_108 = arith.constant 4096 : i32
        %mul3A_109 = arith.muli %add3A_107, %mul3A_108 : i32
        %add3A_110 = arith.addi %mul3A_2, %mul3A_109 : i32
        %dma_start3A_111 = tpu.memref_slice %arg2[%add3A_110] : memref<4194304xf32, #tpu.memory_space<hbm>> -> memref<4096xf32, #tpu.memory_space<hbm>>
        %dma_start3A_112 = tpu.memref_slice %arg2[%add3A_110] : memref<4194304xf32, #tpu.memory_space<hbm>> -> memref<4096xf32, #tpu.memory_space<hbm>>
        tpu.enqueue_dma source(%dma_start3A_112 : memref<4096xf32, #tpu.memory_space<hbm>>) target(%arg9 : memref<4096xf32, #tpu.memory_space<vmem>>) target_semaphore(%arg13 : memref<!tpu.dma_semaphore, #tpu.memory_space<semaphore_mem>>)
      } else {
      }
    }
    %scan3A_57 = arith.constant 16 : i32
    %scan3A_58 = arith.constant 0 : i32
    %scan3A_59 = arith.constant 16 : i32
    %scan3A_60 = arith.addi %scan3A_58, %scan3A_59 : i32
    %scan3A_61 = arith.constant 1 : i32
    scf.for %scan3A_63 = %scan3A_58 to %scan3A_60 step %scan3A_61  : i32 {
      %mul3A_64 = arith.constant 2 : i32
      %mul3A_65 = arith.muli %scan3A_63, %mul3A_64 : i32
      %add3A_66 = arith.constant 0 : i32
      %add3A_67 = arith.addi %add3A_66, %mul3A_65 : i32
      %add3A_68 = arith.constant 1 : i32
      %add3A_69 = arith.addi %add3A_67, %add3A_68 : i32
      %mul3A_70 = arith.constant 16 : i32
      %mul3A_71 = arith.muli %add3A_67, %mul3A_70 : i32
      %add3A_72 = arith.constant 0 : i32
      %add3A_73 = arith.addi %add3A_72, %mul3A_71 : i32
      %get3A_74 = arith.index_cast %add3A_73 : i32 to index
      %get3A_75 = tpu.vector_load %arg10[%get3A_74] {strides = array<i32>} : memref<8192xi32, #tpu.memory_space<vmem>>, vector<16xi32>,
      %mul3A_76 = arith.constant 16 : i32
      %mul3A_77 = arith.muli %add3A_67, %mul3A_76 : i32
      %add3A_78 = arith.constant 512 : i32
      %add3A_79 = arith.addi %add3A_78, %mul3A_77 : i32
      %get3A_80 = arith.index_cast %add3A_79 : i32 to index
      %get3A_81 = tpu.vector_load %arg10[%get3A_80] {strides = array<i32>} : memref<8192xi32, #tpu.memory_space<vmem>>, vector<16xi32>,
      %mul3A_82 = arith.constant 16 : i32
      %mul3A_83 = arith.muli %add3A_67, %mul3A_82 : i32
      %add3A_84 = arith.constant 1024 : i32
      %add3A_85 = arith.addi %add3A_84, %mul3A_83 : i32
      %get3A_86 = arith.index_cast %add3A_85 : i32 to index
      %get3A_87 = tpu.vector_load %arg10[%get3A_86] {strides = array<i32>} : memref<8192xi32, #tpu.memory_space<vmem>>, vector<16xi32>,
      %mul3A_88 = arith.constant 16 : i32
      %mul3A_89 = arith.muli %add3A_67, %mul3A_88 : i32
      %add3A_90 = arith.constant 1536 : i32
      %add3A_91 = arith.addi %add3A_90, %mul3A_89 : i32
      %get3A_92 = arith.index_cast %add3A_91 : i32 to index
      %get3A_93 = tpu.vector_load %arg10[%get3A_92] {strides = array<i32>} : memref<8192xi32, #tpu.memory_space<vmem>>, vector<16xi32>,
      %mul3A_94 = arith.constant 16 : i32
      %mul3A_95 = arith.muli %add3A_67, %mul3A_94 : i32
      %add3A_96 = arith.constant 2048 : i32
      %add3A_97 = arith.addi %add3A_96, %mul3A_95 : i32
      %get3A_98 = arith.index_cast %add3A_97 : i32 to index
      %get3A_99 = tpu.vector_load %arg10[%get3A_98] {strides = array<i32>} : memref<8192xi32, #tpu.memory_space<vmem>>, vector<16xi32>,
      %mul3A_100 = arith.constant 16 : i32
      %mul3A_101 = arith.muli %add3A_67, %mul3A_100 : i32
      %add3A_102 = arith.constant 2560 : i32
      %add3A_103 = arith.addi %add3A_102, %mul3A_101 : i32
      %get3A_104 = arith.index_cast %add3A_103 : i32 to index
      %get3A_105 = tpu.vector_load %arg10[%get3A_104] {strides = array<i32>} : memref<8192xi32, #tpu.memory_space<vmem>>, vector<16xi32>,
      %mul3A_106 = arith.constant 16 : i32
      %mul3A_107 = arith.muli %add3A_67, %mul3A_106 : i32
      %add3A_108 = arith.constant 3072 : i32
      %add3A_109 = arith.addi %add3A_108, %mul3A_107 : i32
      %get3A_110 = arith.index_cast %add3A_109 : i32 to index
      %get3A_111 = tpu.vector_load %arg10[%get3A_110] {strides = array<i32>} : memref<8192xi32, #tpu.memory_space<vmem>>, vector<16xi32>,
      %mul3A_112 = arith.constant 16 : i32
      %mul3A_113 = arith.muli %add3A_67, %mul3A_112 : i32
      %add3A_114 = arith.constant 3584 : i32
      %add3A_115 = arith.addi %add3A_114, %mul3A_113 : i32
      %get3A_116 = arith.index_cast %add3A_115 : i32 to index
      %get3A_117 = tpu.vector_load %arg10[%get3A_116] {strides = array<i32>} : memref<8192xi32, #tpu.memory_space<vmem>>, vector<16xi32>,
      %mul3A_118 = arith.constant 16 : i32
      %mul3A_119 = arith.muli %add3A_67, %mul3A_118 : i32
      %add3A_120 = arith.constant 4096 : i32
      %add3A_121 = arith.addi %add3A_120, %mul3A_119 : i32
      %get3A_122 = arith.index_cast %add3A_121 : i32 to index
      %get3A_123 = tpu.vector_load %arg10[%get3A_122] {strides = array<i32>} : memref<8192xi32, #tpu.memory_space<vmem>>, vector<16xi32>,
      %mul3A_124 = arith.constant 16 : i32
      %mul3A_125 = arith.muli %add3A_67, %mul3A_124 : i32
      %add3A_126 = arith.constant 4608 : i32
      %add3A_127 = arith.addi %add3A_126, %mul3A_125 : i32
      %get3A_128 = arith.index_cast %add3A_127 : i32 to index
      %get3A_129 = tpu.vector_load %arg10[%get3A_128] {strides = array<i32>} : memref<8192xi32, #tpu.memory_space<vmem>>, vector<16xi32>,
      %mul3A_130 = arith.constant 16 : i32
      %mul3A_131 = arith.muli %add3A_67, %mul3A_130 : i32
      %add3A_132 = arith.constant 5120 : i32
      %add3A_133 = arith.addi %add3A_132, %mul3A_131 : i32
      %get3A_134 = arith.index_cast %add3A_133 : i32 to index
      %get3A_135 = tpu.vector_load %arg10[%get3A_134] {strides = array<i32>} : memref<8192xi32, #tpu.memory_space<vmem>>, vector<16xi32>,
      %mul3A_136 = arith.constant 16 : i32
      %mul3A_137 = arith.muli %add3A_67, %mul3A_136 : i32
      %add3A_138 = arith.constant 5632 : i32
      %add3A_139 = arith.addi %add3A_138, %mul3A_137 : i32
      %get3A_140 = arith.index_cast %add3A_139 : i32 to index
      %get3A_141 = tpu.vector_load %arg10[%get3A_140] {strides = array<i32>} : memref<8192xi32, #tpu.memory_space<vmem>>, vector<16xi32>,
      %mul3A_142 = arith.constant 16 : i32
      %mul3A_143 = arith.muli %add3A_67, %mul3A_142 : i32
      %add3A_144 = arith.constant 6144 : i32
      %add3A_145 = arith.addi %add3A_144, %mul3A_143 : i32
      %get3A_146 = arith.index_cast %add3A_145 : i32 to index
      %get3A_147 = tpu.vector_load %arg10[%get3A_146] {strides = array<i32>} : memref<8192xi32, #tpu.memory_space<vmem>>, vector<16xi32>,
      %mul3A_148 = arith.constant 16 : i32
      %mul3A_149 = arith.muli %add3A_67, %mul3A_148 : i32
      %add3A_150 = arith.constant 6656 : i32
      %add3A_151 = arith.addi %add3A_150, %mul3A_149 : i32
      %get3A_152 = arith.index_cast %add3A_151 : i32 to index
      %get3A_153 = tpu.vector_load %arg10[%get3A_152] {strides = array<i32>} : memref<8192xi32, #tpu.memory_space<vmem>>, vector<16xi32>,
      %mul3A_154 = arith.constant 16 : i32
      %mul3A_155 = arith.muli %add3A_67, %mul3A_154 : i32
      %add3A_156 = arith.constant 7168 : i32
      %add3A_157 = arith.addi %add3A_156, %mul3A_155 : i32
      %get3A_158 = arith.index_cast %add3A_157 : i32 to index
      %get3A_159 = tpu.vector_load %arg10[%get3A_158] {strides = array<i32>} : memref<8192xi32, #tpu.memory_space<vmem>>, vector<16xi32>,
      %mul3A_160 = arith.constant 16 : i32
      %mul3A_161 = arith.muli %add3A_67, %mul3A_160 : i32
      %add3A_162 = arith.constant 7680 : i32
      %add3A_163 = arith.addi %add3A_162, %mul3A_161 : i32
      %get3A_164 = arith.index_cast %add3A_163 : i32 to index
      %get3A_165 = tpu.vector_load %arg10[%get3A_164] {strides = array<i32>} : memref<8192xi32, #tpu.memory_space<vmem>>, vector<16xi32>,
      %add3A_166 = arith.addi %get3A_75, %get3A_81 : vector<16xi32>
      %add3A_167 = arith.addi %get3A_87, %get3A_93 : vector<16xi32>
      %add3A_168 = arith.addi %get3A_99, %get3A_105 : vector<16xi32>
      %add3A_169 = arith.addi %get3A_111, %get3A_117 : vector<16xi32>
      %add3A_170 = arith.addi %get3A_123, %get3A_129 : vector<16xi32>
      %add3A_171 = arith.addi %get3A_135, %get3A_141 : vector<16xi32>
      %add3A_172 = arith.addi %get3A_147, %get3A_153 : vector<16xi32>
      %add3A_173 = arith.addi %get3A_159, %get3A_165 : vector<16xi32>
      %add3A_174 = arith.addi %add3A_166, %add3A_167 : vector<16xi32>
      %add3A_175 = arith.addi %add3A_168, %add3A_169 : vector<16xi32>
      %add3A_176 = arith.addi %add3A_170, %add3A_171 : vector<16xi32>
      %add3A_177 = arith.addi %add3A_172, %add3A_173 : vector<16xi32>
      %add3A_178 = arith.addi %add3A_174, %add3A_175 : vector<16xi32>
      %add3A_179 = arith.addi %add3A_176, %add3A_177 : vector<16xi32>
      %add3A_180 = arith.addi %add3A_178, %add3A_179 : vector<16xi32>
      %mul3A_181 = arith.constant 16 : i32
      %mul3A_182 = arith.muli %add3A_67, %mul3A_181 : i32
      %swap3A = arith.index_cast %mul3A_182 : i32 to index
      %swap3A_183 = tpu.vector_load %arg11[%swap3A] {strides = array<i32>} : memref<512xi32, #tpu.memory_space<vmem>>, vector<16xi32>,
      tpu.vector_store %arg11[%swap3A], %add3A_180 {strides = array<i32>} : memref<512xi32, #tpu.memory_space<vmem>>, vector<16xi32>,
      %mul3A_184 = arith.constant 16 : i32
      %mul3A_185 = arith.muli %add3A_69, %mul3A_184 : i32
      %add3A_186 = arith.constant 0 : i32
      %add3A_187 = arith.addi %add3A_186, %mul3A_185 : i32
      %get3A_188 = arith.index_cast %add3A_187 : i32 to index
      %get3A_189 = tpu.vector_load %arg10[%get3A_188] {strides = array<i32>} : memref<8192xi32, #tpu.memory_space<vmem>>, vector<16xi32>,
      %mul3A_190 = arith.constant 16 : i32
      %mul3A_191 = arith.muli %add3A_69, %mul3A_190 : i32
      %add3A_192 = arith.constant 512 : i32
      %add3A_193 = arith.addi %add3A_192, %mul3A_191 : i32
      %get3A_194 = arith.index_cast %add3A_193 : i32 to index
      %get3A_195 = tpu.vector_load %arg10[%get3A_194] {strides = array<i32>} : memref<8192xi32, #tpu.memory_space<vmem>>, vector<16xi32>,
      %mul3A_196 = arith.constant 16 : i32
      %mul3A_197 = arith.muli %add3A_69, %mul3A_196 : i32
      %add3A_198 = arith.constant 1024 : i32
      %add3A_199 = arith.addi %add3A_198, %mul3A_197 : i32
      %get3A_200 = arith.index_cast %add3A_199 : i32 to index
      %get3A_201 = tpu.vector_load %arg10[%get3A_200] {strides = array<i32>} : memref<8192xi32, #tpu.memory_space<vmem>>, vector<16xi32>,
      %mul3A_202 = arith.constant 16 : i32
      %mul3A_203 = arith.muli %add3A_69, %mul3A_202 : i32
      %add3A_204 = arith.constant 1536 : i32
      %add3A_205 = arith.addi %add3A_204, %mul3A_203 : i32
      %get3A_206 = arith.index_cast %add3A_205 : i32 to index
      %get3A_207 = tpu.vector_load %arg10[%get3A_206] {strides = array<i32>} : memref<8192xi32, #tpu.memory_space<vmem>>, vector<16xi32>,
      %mul3A_208 = arith.constant 16 : i32
      %mul3A_209 = arith.muli %add3A_69, %mul3A_208 : i32
      %add3A_210 = arith.constant 2048 : i32
      %add3A_211 = arith.addi %add3A_210, %mul3A_209 : i32
      %get3A_212 = arith.index_cast %add3A_211 : i32 to index
      %get3A_213 = tpu.vector_load %arg10[%get3A_212] {strides = array<i32>} : memref<8192xi32, #tpu.memory_space<vmem>>, vector<16xi32>,
      %mul3A_214 = arith.constant 16 : i32
      %mul3A_215 = arith.muli %add3A_69, %mul3A_214 : i32
      %add3A_216 = arith.constant 2560 : i32
      %add3A_217 = arith.addi %add3A_216, %mul3A_215 : i32
      %get3A_218 = arith.index_cast %add3A_217 : i32 to index
      %get3A_219 = tpu.vector_load %arg10[%get3A_218] {strides = array<i32>} : memref<8192xi32, #tpu.memory_space<vmem>>, vector<16xi32>,
      %mul3A_220 = arith.constant 16 : i32
      %mul3A_221 = arith.muli %add3A_69, %mul3A_220 : i32
      %add3A_222 = arith.constant 3072 : i32
      %add3A_223 = arith.addi %add3A_222, %mul3A_221 : i32
      %get3A_224 = arith.index_cast %add3A_223 : i32 to index
      %get3A_225 = tpu.vector_load %arg10[%get3A_224] {strides = array<i32>} : memref<8192xi32, #tpu.memory_space<vmem>>, vector<16xi32>,
      %mul3A_226 = arith.constant 16 : i32
      %mul3A_227 = arith.muli %add3A_69, %mul3A_226 : i32
      %add3A_228 = arith.constant 3584 : i32
      %add3A_229 = arith.addi %add3A_228, %mul3A_227 : i32
      %get3A_230 = arith.index_cast %add3A_229 : i32 to index
      %get3A_231 = tpu.vector_load %arg10[%get3A_230] {strides = array<i32>} : memref<8192xi32, #tpu.memory_space<vmem>>, vector<16xi32>,
      %mul3A_232 = arith.constant 16 : i32
      %mul3A_233 = arith.muli %add3A_69, %mul3A_232 : i32
      %add3A_234 = arith.constant 4096 : i32
      %add3A_235 = arith.addi %add3A_234, %mul3A_233 : i32
      %get3A_236 = arith.index_cast %add3A_235 : i32 to index
      %get3A_237 = tpu.vector_load %arg10[%get3A_236] {strides = array<i32>} : memref<8192xi32, #tpu.memory_space<vmem>>, vector<16xi32>,
      %mul3A_238 = arith.constant 16 : i32
      %mul3A_239 = arith.muli %add3A_69, %mul3A_238 : i32
      %add3A_240 = arith.constant 4608 : i32
      %add3A_241 = arith.addi %add3A_240, %mul3A_239 : i32
      %get3A_242 = arith.index_cast %add3A_241 : i32 to index
      %get3A_243 = tpu.vector_load %arg10[%get3A_242] {strides = array<i32>} : memref<8192xi32, #tpu.memory_space<vmem>>, vector<16xi32>,
      %mul3A_244 = arith.constant 16 : i32
      %mul3A_245 = arith.muli %add3A_69, %mul3A_244 : i32
      %add3A_246 = arith.constant 5120 : i32
      %add3A_247 = arith.addi %add3A_246, %mul3A_245 : i32
      %get3A_248 = arith.index_cast %add3A_247 : i32 to index
      %get3A_249 = tpu.vector_load %arg10[%get3A_248] {strides = array<i32>} : memref<8192xi32, #tpu.memory_space<vmem>>, vector<16xi32>,
      %mul3A_250 = arith.constant 16 : i32
      %mul3A_251 = arith.muli %add3A_69, %mul3A_250 : i32
      %add3A_252 = arith.constant 5632 : i32
      %add3A_253 = arith.addi %add3A_252, %mul3A_251 : i32
      %get3A_254 = arith.index_cast %add3A_253 : i32 to index
      %get3A_255 = tpu.vector_load %arg10[%get3A_254] {strides = array<i32>} : memref<8192xi32, #tpu.memory_space<vmem>>, vector<16xi32>,
      %mul3A_256 = arith.constant 16 : i32
      %mul3A_257 = arith.muli %add3A_69, %mul3A_256 : i32
      %add3A_258 = arith.constant 6144 : i32
      %add3A_259 = arith.addi %add3A_258, %mul3A_257 : i32
      %get3A_260 = arith.index_cast %add3A_259 : i32 to index
      %get3A_261 = tpu.vector_load %arg10[%get3A_260] {strides = array<i32>} : memref<8192xi32, #tpu.memory_space<vmem>>, vector<16xi32>,
      %mul3A_262 = arith.constant 16 : i32
      %mul3A_263 = arith.muli %add3A_69, %mul3A_262 : i32
      %add3A_264 = arith.constant 6656 : i32
      %add3A_265 = arith.addi %add3A_264, %mul3A_263 : i32
      %get3A_266 = arith.index_cast %add3A_265 : i32 to index
      %get3A_267 = tpu.vector_load %arg10[%get3A_266] {strides = array<i32>} : memref<8192xi32, #tpu.memory_space<vmem>>, vector<16xi32>,
      %mul3A_268 = arith.constant 16 : i32
      %mul3A_269 = arith.muli %add3A_69, %mul3A_268 : i32
      %add3A_270 = arith.constant 7168 : i32
      %add3A_271 = arith.addi %add3A_270, %mul3A_269 : i32
      %get3A_272 = arith.index_cast %add3A_271 : i32 to index
      %get3A_273 = tpu.vector_load %arg10[%get3A_272] {strides = array<i32>} : memref<8192xi32, #tpu.memory_space<vmem>>, vector<16xi32>,
      %mul3A_274 = arith.constant 16 : i32
      %mul3A_275 = arith.muli %add3A_69, %mul3A_274 : i32
      %add3A_276 = arith.constant 7680 : i32
      %add3A_277 = arith.addi %add3A_276, %mul3A_275 : i32
      %get3A_278 = arith.index_cast %add3A_277 : i32 to index
      %get3A_279 = tpu.vector_load %arg10[%get3A_278] {strides = array<i32>} : memref<8192xi32, #tpu.memory_space<vmem>>, vector<16xi32>,
      %add3A_280 = arith.addi %get3A_189, %get3A_195 : vector<16xi32>
      %add3A_281 = arith.addi %get3A_201, %get3A_207 : vector<16xi32>
      %add3A_282 = arith.addi %get3A_213, %get3A_219 : vector<16xi32>
      %add3A_283 = arith.addi %get3A_225, %get3A_231 : vector<16xi32>
      %add3A_284 = arith.addi %get3A_237, %get3A_243 : vector<16xi32>
      %add3A_285 = arith.addi %get3A_249, %get3A_255 : vector<16xi32>
      %add3A_286 = arith.addi %get3A_261, %get3A_267 : vector<16xi32>
      %add3A_287 = arith.addi %get3A_273, %get3A_279 : vector<16xi32>
      %add3A_288 = arith.addi %add3A_280, %add3A_281 : vector<16xi32>
      %add3A_289 = arith.addi %add3A_282, %add3A_283 : vector<16xi32>
      %add3A_290 = arith.addi %add3A_284, %add3A_285 : vector<16xi32>
      %add3A_291 = arith.addi %add3A_286, %add3A_287 : vector<16xi32>
      %add3A_292 = arith.addi %add3A_288, %add3A_289 : vector<16xi32>
      %add3A_293 = arith.addi %add3A_290, %add3A_291 : vector<16xi32>
      %add3A_294 = arith.addi %add3A_292, %add3A_293 : vector<16xi32>
      %mul3A_295 = arith.constant 16 : i32
      %mul3A_296 = arith.muli %add3A_69, %mul3A_295 : i32
      %swap3A_297 = arith.index_cast %mul3A_296 : i32 to index
      %swap3A_298 = tpu.vector_load %arg11[%swap3A_297] {strides = array<i32>} : memref<512xi32, #tpu.memory_space<vmem>>, vector<16xi32>,
      tpu.vector_store %arg11[%swap3A_297], %add3A_294 {strides = array<i32>} : memref<512xi32, #tpu.memory_space<vmem>>, vector<16xi32>,
    }
    %scan3A_62 = arith.constant 16 : i32
    "tpu.region"() ({
      %run_scoped3A = tpu.sem_alloc : memref<!tpu.dma_semaphore, #tpu.memory_space<semaphore_mem>>
      %dma_start3A_63 = arith.constant 0 : i32
      %dma_start3A_64 = tpu.memref_slice %arg6[%arg0, %arg1, %dma_start3A_63] : memref<2x16x512xi32, #tpu.memory_space<hbm>> -> memref<1x1x512xi32, #tpu.memory_space<hbm>>
      %dma_start3A_65 = tpu.memref_squeeze %dma_start3A_64 : memref<1x1x512xi32, #tpu.memory_space<hbm>> -> memref<512xi32, #tpu.memory_space<hbm>>
      %dma_start3A_66 = arith.constant 0 : i32
      %dma_start3A_67 = tpu.memref_slice %arg6[%arg0, %arg1, %dma_start3A_66] : memref<2x16x512xi32, #tpu.memory_space<hbm>> -> memref<1x1x512xi32, #tpu.memory_space<hbm>>
      %dma_start3A_68 = tpu.memref_squeeze %dma_start3A_67 : memref<1x1x512xi32, #tpu.memory_space<hbm>> -> memref<512xi32, #tpu.memory_space<hbm>>
      tpu.enqueue_dma source(%arg11 : memref<512xi32, #tpu.memory_space<vmem>>) target(%dma_start3A_68 : memref<512xi32, #tpu.memory_space<hbm>>) target_semaphore(%run_scoped3A : memref<!tpu.dma_semaphore, #tpu.memory_space<semaphore_mem>>)
      %dma_wait3A = arith.constant 0 : i32
      %dma_wait3A_69 = tpu.memref_slice %arg6[%arg0, %arg1, %dma_wait3A] : memref<2x16x512xi32, #tpu.memory_space<hbm>> -> memref<1x1x512xi32, #tpu.memory_space<hbm>>
      %dma_wait3A_70 = tpu.memref_squeeze %dma_wait3A_69 : memref<1x1x512xi32, #tpu.memory_space<hbm>> -> memref<512xi32, #tpu.memory_space<hbm>>
      %dma_wait3A_71 = arith.constant 0 : i32
      %dma_wait3A_72 = tpu.memref_slice %arg6[%arg0, %arg1, %dma_wait3A_71] : memref<2x16x512xi32, #tpu.memory_space<hbm>> -> memref<1x1x512xi32, #tpu.memory_space<hbm>>
      %dma_wait3A_73 = tpu.memref_squeeze %dma_wait3A_72 : memref<1x1x512xi32, #tpu.memory_space<hbm>> -> memref<512xi32, #tpu.memory_space<hbm>>
      tpu.wait_dma2 semaphore(%run_scoped3A : memref<!tpu.dma_semaphore, #tpu.memory_space<semaphore_mem>>) src(%arg11 : memref<512xi32, #tpu.memory_space<vmem>>) dst(%dma_wait3A_73 : memref<512xi32, #tpu.memory_space<hbm>>)
      tpu.yield
    }) : () -> ()
    return
  }
}

#map = affine_map<(d0, d1) -> (0)>
#map1 = affine_map<(d0, d1) -> (0, 0, 0)>
module attributes {stable_mosaic.version = 14 : i64} {
  func.func @body(%arg0: i32, %arg1: i32, %arg2: memref<4194304xf32, #tpu.memory_space<hbm>>, %arg3: memref<2048xf32, #tpu.memory_space<hbm>>, %arg4: memref<2x16x2048xi32, #tpu.memory_space<hbm>>, %arg5: memref<2048xf32, #tpu.memory_space<vmem>>, %arg6: memref<4096xf32, #tpu.memory_space<vmem>>, %arg7: memref<4096xf32, #tpu.memory_space<vmem>>, %arg8: memref<32768xi32, #tpu.memory_space<vmem>>, %arg9: memref<2048xi32, #tpu.memory_space<vmem>>, %arg10: memref<!tpu.dma_semaphore, #tpu.memory_space<semaphore_mem>>, %arg11: memref<!tpu.dma_semaphore, #tpu.memory_space<semaphore_mem>>) attributes {dimension_semantics = [#tpu.dimension_semantics<core_parallel>, #tpu.dimension_semantics<subcore_parallel>], iteration_bounds = array<i64: 2, 16>, scalar_prefetch = 0 : i64, scratch_operands = 7 : i64, tpu.core_type = #tpu.core_type<sc_vector_subcore>, window_params = [{transform_indices = #map}, {transform_indices = #map}, {transform_indices = #map1}]} {
    %mul3A = arith.constant 16 : i32
    %mul3A_0 = arith.muli %arg0, %mul3A : i32
    %add3A = arith.addi %mul3A_0, %arg1 : i32
    %mul3A_1 = arith.constant 131072 : i32
    %mul3A_2 = arith.muli %add3A, %mul3A_1 : i32
    %iota3A = tpu.iota {dimensions = array<i32: 0>} : vector<16xi32>
    "tpu.region"() ({
      %run_scoped3A = tpu.sem_alloc : memref<!tpu.dma_semaphore, #tpu.memory_space<semaphore_mem>>
      tpu.enqueue_dma source(%arg3 : memref<2048xf32, #tpu.memory_space<hbm>>) target(%arg5 : memref<2048xf32, #tpu.memory_space<vmem>>) target_semaphore(%run_scoped3A : memref<!tpu.dma_semaphore, #tpu.memory_space<semaphore_mem>>)
      tpu.wait_dma2 semaphore(%run_scoped3A : memref<!tpu.dma_semaphore, #tpu.memory_space<semaphore_mem>>) src(%arg3 : memref<2048xf32, #tpu.memory_space<hbm>>) dst(%arg5 : memref<2048xf32, #tpu.memory_space<vmem>>)
      tpu.yield
    }) : () -> ()
    %scan3A = arith.constant 0 : i32
    %scan3A_3 = arith.constant 256 : i32
    %scan3A_4 = arith.addi %scan3A, %scan3A_3 : i32
    %scan3A_5 = arith.constant 1 : i32
    scf.for %scan3A_27 = %scan3A to %scan3A_4 step %scan3A_5  : i32 {
      %mul3A_28 = arith.constant 8 : i32
      %mul3A_29 = arith.muli %scan3A_27, %mul3A_28 : i32
      %add3A_30 = arith.constant 0 : i32
      %add3A_31 = arith.addi %add3A_30, %mul3A_29 : i32
      %broadcast_in_dim3A_32 = arith.constant 0 : i32
      %broadcast_in_dim3A_33 = vector.broadcast %broadcast_in_dim3A_32 : i32 to vector<16xi32>
      %add3A_34 = arith.constant 0 : i32
      %add3A_35 = arith.addi %add3A_31, %add3A_34 : i32
      %mul3A_36 = arith.constant 16 : i32
      %mul3A_37 = arith.muli %add3A_35, %mul3A_36 : i32
      %swap3A = arith.index_cast %mul3A_37 : i32 to index
      %swap3A_38 = tpu.vector_load %arg8[%swap3A] {strides = array<i32>} : memref<32768xi32, #tpu.memory_space<vmem>>, vector<16xi32>,
      tpu.vector_store %arg8[%swap3A], %broadcast_in_dim3A_33 {strides = array<i32>} : memref<32768xi32, #tpu.memory_space<vmem>>, vector<16xi32>,
      %broadcast_in_dim3A_39 = arith.constant 0 : i32
      %broadcast_in_dim3A_40 = vector.broadcast %broadcast_in_dim3A_39 : i32 to vector<16xi32>
      %add3A_41 = arith.constant 1 : i32
      %add3A_42 = arith.addi %add3A_31, %add3A_41 : i32
      %mul3A_43 = arith.constant 16 : i32
      %mul3A_44 = arith.muli %add3A_42, %mul3A_43 : i32
      %swap3A_45 = arith.index_cast %mul3A_44 : i32 to index
      %swap3A_46 = tpu.vector_load %arg8[%swap3A_45] {strides = array<i32>} : memref<32768xi32, #tpu.memory_space<vmem>>, vector<16xi32>,
      tpu.vector_store %arg8[%swap3A_45], %broadcast_in_dim3A_40 {strides = array<i32>} : memref<32768xi32, #tpu.memory_space<vmem>>, vector<16xi32>,
      %broadcast_in_dim3A_47 = arith.constant 0 : i32
      %broadcast_in_dim3A_48 = vector.broadcast %broadcast_in_dim3A_47 : i32 to vector<16xi32>
      %add3A_49 = arith.constant 2 : i32
      %add3A_50 = arith.addi %add3A_31, %add3A_49 : i32
      %mul3A_51 = arith.constant 16 : i32
      %mul3A_52 = arith.muli %add3A_50, %mul3A_51 : i32
      %swap3A_53 = arith.index_cast %mul3A_52 : i32 to index
      %swap3A_54 = tpu.vector_load %arg8[%swap3A_53] {strides = array<i32>} : memref<32768xi32, #tpu.memory_space<vmem>>, vector<16xi32>,
      tpu.vector_store %arg8[%swap3A_53], %broadcast_in_dim3A_48 {strides = array<i32>} : memref<32768xi32, #tpu.memory_space<vmem>>, vector<16xi32>,
      %broadcast_in_dim3A_55 = arith.constant 0 : i32
      %broadcast_in_dim3A_56 = vector.broadcast %broadcast_in_dim3A_55 : i32 to vector<16xi32>
      %add3A_57 = arith.constant 3 : i32
      %add3A_58 = arith.addi %add3A_31, %add3A_57 : i32
      %mul3A_59 = arith.constant 16 : i32
      %mul3A_60 = arith.muli %add3A_58, %mul3A_59 : i32
      %swap3A_61 = arith.index_cast %mul3A_60 : i32 to index
      %swap3A_62 = tpu.vector_load %arg8[%swap3A_61] {strides = array<i32>} : memref<32768xi32, #tpu.memory_space<vmem>>, vector<16xi32>,
      tpu.vector_store %arg8[%swap3A_61], %broadcast_in_dim3A_56 {strides = array<i32>} : memref<32768xi32, #tpu.memory_space<vmem>>, vector<16xi32>,
      %broadcast_in_dim3A_63 = arith.constant 0 : i32
      %broadcast_in_dim3A_64 = vector.broadcast %broadcast_in_dim3A_63 : i32 to vector<16xi32>
      %add3A_65 = arith.constant 4 : i32
      %add3A_66 = arith.addi %add3A_31, %add3A_65 : i32
      %mul3A_67 = arith.constant 16 : i32
      %mul3A_68 = arith.muli %add3A_66, %mul3A_67 : i32
      %swap3A_69 = arith.index_cast %mul3A_68 : i32 to index
      %swap3A_70 = tpu.vector_load %arg8[%swap3A_69] {strides = array<i32>} : memref<32768xi32, #tpu.memory_space<vmem>>, vector<16xi32>,
      tpu.vector_store %arg8[%swap3A_69], %broadcast_in_dim3A_64 {strides = array<i32>} : memref<32768xi32, #tpu.memory_space<vmem>>, vector<16xi32>,
      %broadcast_in_dim3A_71 = arith.constant 0 : i32
      %broadcast_in_dim3A_72 = vector.broadcast %broadcast_in_dim3A_71 : i32 to vector<16xi32>
      %add3A_73 = arith.constant 5 : i32
      %add3A_74 = arith.addi %add3A_31, %add3A_73 : i32
      %mul3A_75 = arith.constant 16 : i32
      %mul3A_76 = arith.muli %add3A_74, %mul3A_75 : i32
      %swap3A_77 = arith.index_cast %mul3A_76 : i32 to index
      %swap3A_78 = tpu.vector_load %arg8[%swap3A_77] {strides = array<i32>} : memref<32768xi32, #tpu.memory_space<vmem>>, vector<16xi32>,
      tpu.vector_store %arg8[%swap3A_77], %broadcast_in_dim3A_72 {strides = array<i32>} : memref<32768xi32, #tpu.memory_space<vmem>>, vector<16xi32>,
      %broadcast_in_dim3A_79 = arith.constant 0 : i32
      %broadcast_in_dim3A_80 = vector.broadcast %broadcast_in_dim3A_79 : i32 to vector<16xi32>
      %add3A_81 = arith.constant 6 : i32
      %add3A_82 = arith.addi %add3A_31, %add3A_81 : i32
      %mul3A_83 = arith.constant 16 : i32
      %mul3A_84 = arith.muli %add3A_82, %mul3A_83 : i32
      %swap3A_85 = arith.index_cast %mul3A_84 : i32 to index
      %swap3A_86 = tpu.vector_load %arg8[%swap3A_85] {strides = array<i32>} : memref<32768xi32, #tpu.memory_space<vmem>>, vector<16xi32>,
      tpu.vector_store %arg8[%swap3A_85], %broadcast_in_dim3A_80 {strides = array<i32>} : memref<32768xi32, #tpu.memory_space<vmem>>, vector<16xi32>,
      %broadcast_in_dim3A_87 = arith.constant 0 : i32
      %broadcast_in_dim3A_88 = vector.broadcast %broadcast_in_dim3A_87 : i32 to vector<16xi32>
      %add3A_89 = arith.constant 7 : i32
      %add3A_90 = arith.addi %add3A_31, %add3A_89 : i32
      %mul3A_91 = arith.constant 16 : i32
      %mul3A_92 = arith.muli %add3A_90, %mul3A_91 : i32
      %swap3A_93 = arith.index_cast %mul3A_92 : i32 to index
      %swap3A_94 = tpu.vector_load %arg8[%swap3A_93] {strides = array<i32>} : memref<32768xi32, #tpu.memory_space<vmem>>, vector<16xi32>,
      tpu.vector_store %arg8[%swap3A_93], %broadcast_in_dim3A_88 {strides = array<i32>} : memref<32768xi32, #tpu.memory_space<vmem>>, vector<16xi32>,
    }
    %scan3A_6 = arith.constant 256 : i32
    %iota3A_7 = tpu.iota {dimensions = array<i32: 0>} : vector<16xi32>
    %mul3A_8 = arith.constant 2048 : i32
    %mul3A_9 = vector.broadcast %mul3A_8 : i32 to vector<16xi32>
    %mul3A_10 = arith.muli %iota3A_7, %mul3A_9 : vector<16xi32>
    %broadcast_in_dim3A = arith.constant 1 : i32
    %broadcast_in_dim3A_11 = vector.broadcast %broadcast_in_dim3A : i32 to vector<16xi32>
    %dma_start3A = tpu.memref_slice %arg2[%mul3A_2] : memref<4194304xf32, #tpu.memory_space<hbm>> -> memref<4096xf32, #tpu.memory_space<hbm>>
    %dma_start3A_12 = tpu.memref_slice %arg2[%mul3A_2] : memref<4194304xf32, #tpu.memory_space<hbm>> -> memref<4096xf32, #tpu.memory_space<hbm>>
    tpu.enqueue_dma source(%dma_start3A_12 : memref<4096xf32, #tpu.memory_space<hbm>>) target(%arg6 : memref<4096xf32, #tpu.memory_space<vmem>>) target_semaphore(%arg10 : memref<!tpu.dma_semaphore, #tpu.memory_space<semaphore_mem>>)
    %add3A_13 = arith.constant 4096 : i32
    %add3A_14 = arith.addi %mul3A_2, %add3A_13 : i32
    %dma_start3A_15 = tpu.memref_slice %arg2[%add3A_14] : memref<4194304xf32, #tpu.memory_space<hbm>> -> memref<4096xf32, #tpu.memory_space<hbm>>
    %dma_start3A_16 = tpu.memref_slice %arg2[%add3A_14] : memref<4194304xf32, #tpu.memory_space<hbm>> -> memref<4096xf32, #tpu.memory_space<hbm>>
    tpu.enqueue_dma source(%dma_start3A_16 : memref<4096xf32, #tpu.memory_space<hbm>>) target(%arg7 : memref<4096xf32, #tpu.memory_space<vmem>>) target_semaphore(%arg11 : memref<!tpu.dma_semaphore, #tpu.memory_space<semaphore_mem>>)
    %scan3A_17 = arith.constant 0 : i32
    %scan3A_18 = arith.constant 16 : i32
    %scan3A_19 = arith.addi %scan3A_17, %scan3A_18 : i32
    %scan3A_20 = arith.constant 1 : i32
    scf.for %scan3A_27 = %scan3A_17 to %scan3A_19 step %scan3A_20  : i32 {
      %mul3A_28 = arith.constant 1 : i32
      %mul3A_29 = arith.muli %scan3A_27, %mul3A_28 : i32
      %add3A_30 = arith.constant 0 : i32
      %add3A_31 = arith.addi %add3A_30, %mul3A_29 : i32
      %mul3A_32 = arith.constant 2 : i32
      %mul3A_33 = arith.muli %add3A_31, %mul3A_32 : i32
      %add3A_34 = arith.constant 0 : i32
      %add3A_35 = arith.addi %mul3A_33, %add3A_34 : i32
      %mul3A_36 = arith.constant 4096 : i32
      %mul3A_37 = arith.muli %add3A_35, %mul3A_36 : i32
      %add3A_38 = arith.addi %mul3A_2, %mul3A_37 : i32
      %dma_wait3A = tpu.memref_slice %arg2[%add3A_38] : memref<4194304xf32, #tpu.memory_space<hbm>> -> memref<4096xf32, #tpu.memory_space<hbm>>
      %dma_wait3A_39 = tpu.memref_slice %arg2[%add3A_38] : memref<4194304xf32, #tpu.memory_space<hbm>> -> memref<4096xf32, #tpu.memory_space<hbm>>
      tpu.wait_dma2 semaphore(%arg10 : memref<!tpu.dma_semaphore, #tpu.memory_space<semaphore_mem>>) src(%dma_wait3A_39 : memref<4096xf32, #tpu.memory_space<hbm>>) dst(%arg6 : memref<4096xf32, #tpu.memory_space<vmem>>)
      %scan3A_40 = arith.constant 0 : i32
      %scan3A_41 = arith.constant 16 : i32
      %scan3A_42 = arith.addi %scan3A_40, %scan3A_41 : i32
      %scan3A_43 = arith.constant 1 : i32
      scf.for %scan3A_70 = %scan3A_40 to %scan3A_42 step %scan3A_43  : i32 {
        %mul3A_71 = arith.constant 8 : i32
        %mul3A_72 = arith.muli %scan3A_70, %mul3A_71 : i32
        %add3A_73 = arith.constant 0 : i32
        %add3A_74 = arith.addi %add3A_73, %mul3A_72 : i32
        %add3A_75 = arith.constant 0 : i32
        %add3A_76 = arith.addi %add3A_74, %add3A_75 : i32
        %mul3A_77 = arith.constant 16 : i32
        %mul3A_78 = arith.muli %add3A_76, %mul3A_77 : i32
        %add3A_79 = arith.constant 1 : i32
        %add3A_80 = arith.addi %add3A_74, %add3A_79 : i32
        %mul3A_81 = arith.constant 16 : i32
        %mul3A_82 = arith.muli %add3A_80, %mul3A_81 : i32
        %add3A_83 = arith.constant 2 : i32
        %add3A_84 = arith.addi %add3A_74, %add3A_83 : i32
        %mul3A_85 = arith.constant 16 : i32
        %mul3A_86 = arith.muli %add3A_84, %mul3A_85 : i32
        %add3A_87 = arith.constant 3 : i32
        %add3A_88 = arith.addi %add3A_74, %add3A_87 : i32
        %mul3A_89 = arith.constant 16 : i32
        %mul3A_90 = arith.muli %add3A_88, %mul3A_89 : i32
        %add3A_91 = arith.constant 4 : i32
        %add3A_92 = arith.addi %add3A_74, %add3A_91 : i32
        %mul3A_93 = arith.constant 16 : i32
        %mul3A_94 = arith.muli %add3A_92, %mul3A_93 : i32
        %add3A_95 = arith.constant 5 : i32
        %add3A_96 = arith.addi %add3A_74, %add3A_95 : i32
        %mul3A_97 = arith.constant 16 : i32
        %mul3A_98 = arith.muli %add3A_96, %mul3A_97 : i32
        %add3A_99 = arith.constant 6 : i32
        %add3A_100 = arith.addi %add3A_74, %add3A_99 : i32
        %mul3A_101 = arith.constant 16 : i32
        %mul3A_102 = arith.muli %add3A_100, %mul3A_101 : i32
        %add3A_103 = arith.constant 7 : i32
        %add3A_104 = arith.addi %add3A_74, %add3A_103 : i32
        %mul3A_105 = arith.constant 16 : i32
        %mul3A_106 = arith.muli %add3A_104, %mul3A_105 : i32
        %get3A = arith.index_cast %mul3A_78 : i32 to index
        %get3A_107 = tpu.vector_load %arg5[%get3A] {strides = array<i32>} : memref<2048xf32, #tpu.memory_space<vmem>>, vector<16xf32>,
        %get3A_108 = arith.index_cast %mul3A_82 : i32 to index
        %get3A_109 = tpu.vector_load %arg5[%get3A_108] {strides = array<i32>} : memref<2048xf32, #tpu.memory_space<vmem>>, vector<16xf32>,
        %get3A_110 = arith.index_cast %mul3A_86 : i32 to index
        %get3A_111 = tpu.vector_load %arg5[%get3A_110] {strides = array<i32>} : memref<2048xf32, #tpu.memory_space<vmem>>, vector<16xf32>,
        %get3A_112 = arith.index_cast %mul3A_90 : i32 to index
        %get3A_113 = tpu.vector_load %arg5[%get3A_112] {strides = array<i32>} : memref<2048xf32, #tpu.memory_space<vmem>>, vector<16xf32>,
        %get3A_114 = arith.index_cast %mul3A_94 : i32 to index
        %get3A_115 = tpu.vector_load %arg5[%get3A_114] {strides = array<i32>} : memref<2048xf32, #tpu.memory_space<vmem>>, vector<16xf32>,
        %get3A_116 = arith.index_cast %mul3A_98 : i32 to index
        %get3A_117 = tpu.vector_load %arg5[%get3A_116] {strides = array<i32>} : memref<2048xf32, #tpu.memory_space<vmem>>, vector<16xf32>,
        %get3A_118 = arith.index_cast %mul3A_102 : i32 to index
        %get3A_119 = tpu.vector_load %arg5[%get3A_118] {strides = array<i32>} : memref<2048xf32, #tpu.memory_space<vmem>>, vector<16xf32>,
        %get3A_120 = arith.index_cast %mul3A_106 : i32 to index
        %get3A_121 = tpu.vector_load %arg5[%get3A_120] {strides = array<i32>} : memref<2048xf32, #tpu.memory_space<vmem>>, vector<16xf32>,
        %add3A_122 = arith.constant 0 : i32
        %add3A_123 = arith.addi %add3A_122, %mul3A_78 : i32
        %get3A_124 = arith.index_cast %add3A_123 : i32 to index
        %get3A_125 = tpu.vector_load %arg6[%get3A_124] {strides = array<i32>} : memref<4096xf32, #tpu.memory_space<vmem>>, vector<16xf32>,
        %add3A_126 = arith.constant 2048 : i32
        %add3A_127 = arith.addi %add3A_126, %mul3A_78 : i32
        %get3A_128 = arith.index_cast %add3A_127 : i32 to index
        %get3A_129 = tpu.vector_load %arg6[%get3A_128] {strides = array<i32>} : memref<4096xf32, #tpu.memory_space<vmem>>, vector<16xf32>,
        %add3A_130 = arith.constant 0 : i32
        %add3A_131 = arith.addi %add3A_130, %mul3A_82 : i32
        %get3A_132 = arith.index_cast %add3A_131 : i32 to index
        %get3A_133 = tpu.vector_load %arg6[%get3A_132] {strides = array<i32>} : memref<4096xf32, #tpu.memory_space<vmem>>, vector<16xf32>,
        %add3A_134 = arith.constant 2048 : i32
        %add3A_135 = arith.addi %add3A_134, %mul3A_82 : i32
        %get3A_136 = arith.index_cast %add3A_135 : i32 to index
        %get3A_137 = tpu.vector_load %arg6[%get3A_136] {strides = array<i32>} : memref<4096xf32, #tpu.memory_space<vmem>>, vector<16xf32>,
        %add3A_138 = arith.constant 0 : i32
        %add3A_139 = arith.addi %add3A_138, %mul3A_86 : i32
        %get3A_140 = arith.index_cast %add3A_139 : i32 to index
        %get3A_141 = tpu.vector_load %arg6[%get3A_140] {strides = array<i32>} : memref<4096xf32, #tpu.memory_space<vmem>>, vector<16xf32>,
        %add3A_142 = arith.constant 2048 : i32
        %add3A_143 = arith.addi %add3A_142, %mul3A_86 : i32
        %get3A_144 = arith.index_cast %add3A_143 : i32 to index
        %get3A_145 = tpu.vector_load %arg6[%get3A_144] {strides = array<i32>} : memref<4096xf32, #tpu.memory_space<vmem>>, vector<16xf32>,
        %add3A_146 = arith.constant 0 : i32
        %add3A_147 = arith.addi %add3A_146, %mul3A_90 : i32
        %get3A_148 = arith.index_cast %add3A_147 : i32 to index
        %get3A_149 = tpu.vector_load %arg6[%get3A_148] {strides = array<i32>} : memref<4096xf32, #tpu.memory_space<vmem>>, vector<16xf32>,
        %add3A_150 = arith.constant 2048 : i32
        %add3A_151 = arith.addi %add3A_150, %mul3A_90 : i32
        %get3A_152 = arith.index_cast %add3A_151 : i32 to index
        %get3A_153 = tpu.vector_load %arg6[%get3A_152] {strides = array<i32>} : memref<4096xf32, #tpu.memory_space<vmem>>, vector<16xf32>,
        %add3A_154 = arith.constant 0 : i32
        %add3A_155 = arith.addi %add3A_154, %mul3A_94 : i32
        %get3A_156 = arith.index_cast %add3A_155 : i32 to index
        %get3A_157 = tpu.vector_load %arg6[%get3A_156] {strides = array<i32>} : memref<4096xf32, #tpu.memory_space<vmem>>, vector<16xf32>,
        %add3A_158 = arith.constant 2048 : i32
        %add3A_159 = arith.addi %add3A_158, %mul3A_94 : i32
        %get3A_160 = arith.index_cast %add3A_159 : i32 to index
        %get3A_161 = tpu.vector_load %arg6[%get3A_160] {strides = array<i32>} : memref<4096xf32, #tpu.memory_space<vmem>>, vector<16xf32>,
        %add3A_162 = arith.constant 0 : i32
        %add3A_163 = arith.addi %add3A_162, %mul3A_98 : i32
        %get3A_164 = arith.index_cast %add3A_163 : i32 to index
        %get3A_165 = tpu.vector_load %arg6[%get3A_164] {strides = array<i32>} : memref<4096xf32, #tpu.memory_space<vmem>>, vector<16xf32>,
        %add3A_166 = arith.constant 2048 : i32
        %add3A_167 = arith.addi %add3A_166, %mul3A_98 : i32
        %get3A_168 = arith.index_cast %add3A_167 : i32 to index
        %get3A_169 = tpu.vector_load %arg6[%get3A_168] {strides = array<i32>} : memref<4096xf32, #tpu.memory_space<vmem>>, vector<16xf32>,
        %add3A_170 = arith.constant 0 : i32
        %add3A_171 = arith.addi %add3A_170, %mul3A_102 : i32
        %get3A_172 = arith.index_cast %add3A_171 : i32 to index
        %get3A_173 = tpu.vector_load %arg6[%get3A_172] {strides = array<i32>} : memref<4096xf32, #tpu.memory_space<vmem>>, vector<16xf32>,
        %add3A_174 = arith.constant 2048 : i32
        %add3A_175 = arith.addi %add3A_174, %mul3A_102 : i32
        %get3A_176 = arith.index_cast %add3A_175 : i32 to index
        %get3A_177 = tpu.vector_load %arg6[%get3A_176] {strides = array<i32>} : memref<4096xf32, #tpu.memory_space<vmem>>, vector<16xf32>,
        %add3A_178 = arith.constant 0 : i32
        %add3A_179 = arith.addi %add3A_178, %mul3A_106 : i32
        %get3A_180 = arith.index_cast %add3A_179 : i32 to index
        %get3A_181 = tpu.vector_load %arg6[%get3A_180] {strides = array<i32>} : memref<4096xf32, #tpu.memory_space<vmem>>, vector<16xf32>,
        %add3A_182 = arith.constant 2048 : i32
        %add3A_183 = arith.addi %add3A_182, %mul3A_106 : i32
        %get3A_184 = arith.index_cast %add3A_183 : i32 to index
        %get3A_185 = tpu.vector_load %arg6[%get3A_184] {strides = array<i32>} : memref<4096xf32, #tpu.memory_space<vmem>>, vector<16xf32>,
        %abs3A = math.absf %get3A_125 : vector<16xf32>
        %mul3A_186 = arith.mulf %abs3A, %get3A_107 : vector<16xf32>
        %bitcast_convert_type3A = tpu.bitcast %mul3A_186 : vector<16xf32> -> vector<16xi32>
        %abs3A_187 = math.absf %get3A_129 : vector<16xf32>
        %mul3A_188 = arith.mulf %abs3A_187, %get3A_107 : vector<16xf32>
        %bitcast_convert_type3A_189 = tpu.bitcast %mul3A_188 : vector<16xf32> -> vector<16xi32>
        %abs3A_190 = math.absf %get3A_133 : vector<16xf32>
        %mul3A_191 = arith.mulf %abs3A_190, %get3A_109 : vector<16xf32>
        %bitcast_convert_type3A_192 = tpu.bitcast %mul3A_191 : vector<16xf32> -> vector<16xi32>
        %abs3A_193 = math.absf %get3A_137 : vector<16xf32>
        %mul3A_194 = arith.mulf %abs3A_193, %get3A_109 : vector<16xf32>
        %bitcast_convert_type3A_195 = tpu.bitcast %mul3A_194 : vector<16xf32> -> vector<16xi32>
        %abs3A_196 = math.absf %get3A_141 : vector<16xf32>
        %mul3A_197 = arith.mulf %abs3A_196, %get3A_111 : vector<16xf32>
        %bitcast_convert_type3A_198 = tpu.bitcast %mul3A_197 : vector<16xf32> -> vector<16xi32>
        %abs3A_199 = math.absf %get3A_145 : vector<16xf32>
        %mul3A_200 = arith.mulf %abs3A_199, %get3A_111 : vector<16xf32>
        %bitcast_convert_type3A_201 = tpu.bitcast %mul3A_200 : vector<16xf32> -> vector<16xi32>
        %abs3A_202 = math.absf %get3A_149 : vector<16xf32>
        %mul3A_203 = arith.mulf %abs3A_202, %get3A_113 : vector<16xf32>
        %bitcast_convert_type3A_204 = tpu.bitcast %mul3A_203 : vector<16xf32> -> vector<16xi32>
        %abs3A_205 = math.absf %get3A_153 : vector<16xf32>
        %mul3A_206 = arith.mulf %abs3A_205, %get3A_113 : vector<16xf32>
        %bitcast_convert_type3A_207 = tpu.bitcast %mul3A_206 : vector<16xf32> -> vector<16xi32>
        %abs3A_208 = math.absf %get3A_157 : vector<16xf32>
        %mul3A_209 = arith.mulf %abs3A_208, %get3A_115 : vector<16xf32>
        %bitcast_convert_type3A_210 = tpu.bitcast %mul3A_209 : vector<16xf32> -> vector<16xi32>
        %abs3A_211 = math.absf %get3A_161 : vector<16xf32>
        %mul3A_212 = arith.mulf %abs3A_211, %get3A_115 : vector<16xf32>
        %bitcast_convert_type3A_213 = tpu.bitcast %mul3A_212 : vector<16xf32> -> vector<16xi32>
        %abs3A_214 = math.absf %get3A_165 : vector<16xf32>
        %mul3A_215 = arith.mulf %abs3A_214, %get3A_117 : vector<16xf32>
        %bitcast_convert_type3A_216 = tpu.bitcast %mul3A_215 : vector<16xf32> -> vector<16xi32>
        %abs3A_217 = math.absf %get3A_169 : vector<16xf32>
        %mul3A_218 = arith.mulf %abs3A_217, %get3A_117 : vector<16xf32>
        %bitcast_convert_type3A_219 = tpu.bitcast %mul3A_218 : vector<16xf32> -> vector<16xi32>
        %abs3A_220 = math.absf %get3A_173 : vector<16xf32>
        %mul3A_221 = arith.mulf %abs3A_220, %get3A_119 : vector<16xf32>
        %bitcast_convert_type3A_222 = tpu.bitcast %mul3A_221 : vector<16xf32> -> vector<16xi32>
        %abs3A_223 = math.absf %get3A_177 : vector<16xf32>
        %mul3A_224 = arith.mulf %abs3A_223, %get3A_119 : vector<16xf32>
        %bitcast_convert_type3A_225 = tpu.bitcast %mul3A_224 : vector<16xf32> -> vector<16xi32>
        %abs3A_226 = math.absf %get3A_181 : vector<16xf32>
        %mul3A_227 = arith.mulf %abs3A_226, %get3A_121 : vector<16xf32>
        %bitcast_convert_type3A_228 = tpu.bitcast %mul3A_227 : vector<16xf32> -> vector<16xi32>
        %abs3A_229 = math.absf %get3A_185 : vector<16xf32>
        %mul3A_230 = arith.mulf %abs3A_229, %get3A_121 : vector<16xf32>
        %bitcast_convert_type3A_231 = tpu.bitcast %mul3A_230 : vector<16xf32> -> vector<16xi32>
        %shift_right_logical3A = arith.constant 20 : i32
        %shift_right_logical3A_232 = vector.broadcast %shift_right_logical3A : i32 to vector<16xi32>
        %shift_right_logical3A_233 = arith.shrui %bitcast_convert_type3A, %shift_right_logical3A_232 : vector<16xi32>
        %or3A = arith.ori %shift_right_logical3A_233, %mul3A_10 : vector<16xi32>
        %shift_right_logical3A_234 = arith.constant 20 : i32
        %shift_right_logical3A_235 = vector.broadcast %shift_right_logical3A_234 : i32 to vector<16xi32>
        %shift_right_logical3A_236 = arith.shrui %bitcast_convert_type3A_189, %shift_right_logical3A_235 : vector<16xi32>
        %or3A_237 = arith.ori %shift_right_logical3A_236, %mul3A_10 : vector<16xi32>
        %shift_right_logical3A_238 = arith.constant 20 : i32
        %shift_right_logical3A_239 = vector.broadcast %shift_right_logical3A_238 : i32 to vector<16xi32>
        %shift_right_logical3A_240 = arith.shrui %bitcast_convert_type3A_192, %shift_right_logical3A_239 : vector<16xi32>
        %or3A_241 = arith.ori %shift_right_logical3A_240, %mul3A_10 : vector<16xi32>
        %shift_right_logical3A_242 = arith.constant 20 : i32
        %shift_right_logical3A_243 = vector.broadcast %shift_right_logical3A_242 : i32 to vector<16xi32>
        %shift_right_logical3A_244 = arith.shrui %bitcast_convert_type3A_195, %shift_right_logical3A_243 : vector<16xi32>
        %or3A_245 = arith.ori %shift_right_logical3A_244, %mul3A_10 : vector<16xi32>
        %shift_right_logical3A_246 = arith.constant 20 : i32
        %shift_right_logical3A_247 = vector.broadcast %shift_right_logical3A_246 : i32 to vector<16xi32>
        %shift_right_logical3A_248 = arith.shrui %bitcast_convert_type3A_198, %shift_right_logical3A_247 : vector<16xi32>
        %or3A_249 = arith.ori %shift_right_logical3A_248, %mul3A_10 : vector<16xi32>
        %shift_right_logical3A_250 = arith.constant 20 : i32
        %shift_right_logical3A_251 = vector.broadcast %shift_right_logical3A_250 : i32 to vector<16xi32>
        %shift_right_logical3A_252 = arith.shrui %bitcast_convert_type3A_201, %shift_right_logical3A_251 : vector<16xi32>
        %or3A_253 = arith.ori %shift_right_logical3A_252, %mul3A_10 : vector<16xi32>
        %shift_right_logical3A_254 = arith.constant 20 : i32
        %shift_right_logical3A_255 = vector.broadcast %shift_right_logical3A_254 : i32 to vector<16xi32>
        %shift_right_logical3A_256 = arith.shrui %bitcast_convert_type3A_204, %shift_right_logical3A_255 : vector<16xi32>
        %or3A_257 = arith.ori %shift_right_logical3A_256, %mul3A_10 : vector<16xi32>
        %shift_right_logical3A_258 = arith.constant 20 : i32
        %shift_right_logical3A_259 = vector.broadcast %shift_right_logical3A_258 : i32 to vector<16xi32>
        %shift_right_logical3A_260 = arith.shrui %bitcast_convert_type3A_207, %shift_right_logical3A_259 : vector<16xi32>
        %or3A_261 = arith.ori %shift_right_logical3A_260, %mul3A_10 : vector<16xi32>
        %shift_right_logical3A_262 = arith.constant 20 : i32
        %shift_right_logical3A_263 = vector.broadcast %shift_right_logical3A_262 : i32 to vector<16xi32>
        %shift_right_logical3A_264 = arith.shrui %bitcast_convert_type3A_210, %shift_right_logical3A_263 : vector<16xi32>
        %or3A_265 = arith.ori %shift_right_logical3A_264, %mul3A_10 : vector<16xi32>
        %shift_right_logical3A_266 = arith.constant 20 : i32
        %shift_right_logical3A_267 = vector.broadcast %shift_right_logical3A_266 : i32 to vector<16xi32>
        %shift_right_logical3A_268 = arith.shrui %bitcast_convert_type3A_213, %shift_right_logical3A_267 : vector<16xi32>
        %or3A_269 = arith.ori %shift_right_logical3A_268, %mul3A_10 : vector<16xi32>
        %shift_right_logical3A_270 = arith.constant 20 : i32
        %shift_right_logical3A_271 = vector.broadcast %shift_right_logical3A_270 : i32 to vector<16xi32>
        %shift_right_logical3A_272 = arith.shrui %bitcast_convert_type3A_216, %shift_right_logical3A_271 : vector<16xi32>
        %or3A_273 = arith.ori %shift_right_logical3A_272, %mul3A_10 : vector<16xi32>
        %shift_right_logical3A_274 = arith.constant 20 : i32
        %shift_right_logical3A_275 = vector.broadcast %shift_right_logical3A_274 : i32 to vector<16xi32>
        %shift_right_logical3A_276 = arith.shrui %bitcast_convert_type3A_219, %shift_right_logical3A_275 : vector<16xi32>
        %or3A_277 = arith.ori %shift_right_logical3A_276, %mul3A_10 : vector<16xi32>
        %shift_right_logical3A_278 = arith.constant 20 : i32
        %shift_right_logical3A_279 = vector.broadcast %shift_right_logical3A_278 : i32 to vector<16xi32>
        %shift_right_logical3A_280 = arith.shrui %bitcast_convert_type3A_222, %shift_right_logical3A_279 : vector<16xi32>
        %or3A_281 = arith.ori %shift_right_logical3A_280, %mul3A_10 : vector<16xi32>
        %shift_right_logical3A_282 = arith.constant 20 : i32
        %shift_right_logical3A_283 = vector.broadcast %shift_right_logical3A_282 : i32 to vector<16xi32>
        %shift_right_logical3A_284 = arith.shrui %bitcast_convert_type3A_225, %shift_right_logical3A_283 : vector<16xi32>
        %or3A_285 = arith.ori %shift_right_logical3A_284, %mul3A_10 : vector<16xi32>
        %shift_right_logical3A_286 = arith.constant 20 : i32
        %shift_right_logical3A_287 = vector.broadcast %shift_right_logical3A_286 : i32 to vector<16xi32>
        %shift_right_logical3A_288 = arith.shrui %bitcast_convert_type3A_228, %shift_right_logical3A_287 : vector<16xi32>
        %or3A_289 = arith.ori %shift_right_logical3A_288, %mul3A_10 : vector<16xi32>
        %shift_right_logical3A_290 = arith.constant 20 : i32
        %shift_right_logical3A_291 = vector.broadcast %shift_right_logical3A_290 : i32 to vector<16xi32>
        %shift_right_logical3A_292 = arith.shrui %bitcast_convert_type3A_231, %shift_right_logical3A_291 : vector<16xi32>
        %or3A_293 = arith.ori %shift_right_logical3A_292, %mul3A_10 : vector<16xi32>
        tpu.vector_store_idx %arg8[%or3A], %broadcast_in_dim3A_11 {add = true} : memref<32768xi32, #tpu.memory_space<vmem>>[vector<16xi32>], vector<16xi32>,
        tpu.vector_store_idx %arg8[%or3A_237], %broadcast_in_dim3A_11 {add = true} : memref<32768xi32, #tpu.memory_space<vmem>>[vector<16xi32>], vector<16xi32>,
        tpu.vector_store_idx %arg8[%or3A_241], %broadcast_in_dim3A_11 {add = true} : memref<32768xi32, #tpu.memory_space<vmem>>[vector<16xi32>], vector<16xi32>,
        tpu.vector_store_idx %arg8[%or3A_245], %broadcast_in_dim3A_11 {add = true} : memref<32768xi32, #tpu.memory_space<vmem>>[vector<16xi32>], vector<16xi32>,
        tpu.vector_store_idx %arg8[%or3A_249], %broadcast_in_dim3A_11 {add = true} : memref<32768xi32, #tpu.memory_space<vmem>>[vector<16xi32>], vector<16xi32>,
        tpu.vector_store_idx %arg8[%or3A_253], %broadcast_in_dim3A_11 {add = true} : memref<32768xi32, #tpu.memory_space<vmem>>[vector<16xi32>], vector<16xi32>,
        tpu.vector_store_idx %arg8[%or3A_257], %broadcast_in_dim3A_11 {add = true} : memref<32768xi32, #tpu.memory_space<vmem>>[vector<16xi32>], vector<16xi32>,
        tpu.vector_store_idx %arg8[%or3A_261], %broadcast_in_dim3A_11 {add = true} : memref<32768xi32, #tpu.memory_space<vmem>>[vector<16xi32>], vector<16xi32>,
        tpu.vector_store_idx %arg8[%or3A_265], %broadcast_in_dim3A_11 {add = true} : memref<32768xi32, #tpu.memory_space<vmem>>[vector<16xi32>], vector<16xi32>,
        tpu.vector_store_idx %arg8[%or3A_269], %broadcast_in_dim3A_11 {add = true} : memref<32768xi32, #tpu.memory_space<vmem>>[vector<16xi32>], vector<16xi32>,
        tpu.vector_store_idx %arg8[%or3A_273], %broadcast_in_dim3A_11 {add = true} : memref<32768xi32, #tpu.memory_space<vmem>>[vector<16xi32>], vector<16xi32>,
        tpu.vector_store_idx %arg8[%or3A_277], %broadcast_in_dim3A_11 {add = true} : memref<32768xi32, #tpu.memory_space<vmem>>[vector<16xi32>], vector<16xi32>,
        tpu.vector_store_idx %arg8[%or3A_281], %broadcast_in_dim3A_11 {add = true} : memref<32768xi32, #tpu.memory_space<vmem>>[vector<16xi32>], vector<16xi32>,
        tpu.vector_store_idx %arg8[%or3A_285], %broadcast_in_dim3A_11 {add = true} : memref<32768xi32, #tpu.memory_space<vmem>>[vector<16xi32>], vector<16xi32>,
        tpu.vector_store_idx %arg8[%or3A_289], %broadcast_in_dim3A_11 {add = true} : memref<32768xi32, #tpu.memory_space<vmem>>[vector<16xi32>], vector<16xi32>,
        tpu.vector_store_idx %arg8[%or3A_293], %broadcast_in_dim3A_11 {add = true} : memref<32768xi32, #tpu.memory_space<vmem>>[vector<16xi32>], vector<16xi32>,
      }
      %scan3A_44 = arith.constant 16 : i32
      %add3A_45 = arith.constant 2 : i32
      %add3A_46 = arith.addi %add3A_35, %add3A_45 : i32
      %lt3A = arith.constant 32 : i32
      %lt3A_47 = arith.cmpi slt, %add3A_46, %lt3A : i32
      %convert_element_type3A = arith.extui %lt3A_47 : i1 to i32
      %cond3A = arith.constant 0 : i32
      %cond3A_48 = arith.cmpi ne, %convert_element_type3A, %cond3A : i32
      scf.if %cond3A_48 {
        %add3A_70 = arith.constant 2 : i32
        %add3A_71 = arith.addi %add3A_35, %add3A_70 : i32
        %mul3A_72 = arith.constant 4096 : i32
        %mul3A_73 = arith.muli %add3A_71, %mul3A_72 : i32
        %add3A_74 = arith.addi %mul3A_2, %mul3A_73 : i32
        %dma_start3A_75 = tpu.memref_slice %arg2[%add3A_74] : memref<4194304xf32, #tpu.memory_space<hbm>> -> memref<4096xf32, #tpu.memory_space<hbm>>
        %dma_start3A_76 = tpu.memref_slice %arg2[%add3A_74] : memref<4194304xf32, #tpu.memory_space<hbm>> -> memref<4096xf32, #tpu.memory_space<hbm>>
        tpu.enqueue_dma source(%dma_start3A_76 : memref<4096xf32, #tpu.memory_space<hbm>>) target(%arg6 : memref<4096xf32, #tpu.memory_space<vmem>>) target_semaphore(%arg10 : memref<!tpu.dma_semaphore, #tpu.memory_space<semaphore_mem>>)
      } else {
      }
      %mul3A_49 = arith.constant 2 : i32
      %mul3A_50 = arith.muli %add3A_31, %mul3A_49 : i32
      %add3A_51 = arith.constant 1 : i32
      %add3A_52 = arith.addi %mul3A_50, %add3A_51 : i32
      %mul3A_53 = arith.constant 4096 : i32
      %mul3A_54 = arith.muli %add3A_52, %mul3A_53 : i32
      %add3A_55 = arith.addi %mul3A_2, %mul3A_54 : i32
      %dma_wait3A_56 = tpu.memref_slice %arg2[%add3A_55] : memref<4194304xf32, #tpu.memory_space<hbm>> -> memref<4096xf32, #tpu.memory_space<hbm>>
      %dma_wait3A_57 = tpu.memref_slice %arg2[%add3A_55] : memref<4194304xf32, #tpu.memory_space<hbm>> -> memref<4096xf32, #tpu.memory_space<hbm>>
      tpu.wait_dma2 semaphore(%arg11 : memref<!tpu.dma_semaphore, #tpu.memory_space<semaphore_mem>>) src(%dma_wait3A_57 : memref<4096xf32, #tpu.memory_space<hbm>>) dst(%arg7 : memref<4096xf32, #tpu.memory_space<vmem>>)
      %scan3A_58 = arith.constant 0 : i32
      %scan3A_59 = arith.constant 16 : i32
      %scan3A_60 = arith.addi %scan3A_58, %scan3A_59 : i32
      %scan3A_61 = arith.constant 1 : i32
      scf.for %scan3A_70 = %scan3A_58 to %scan3A_60 step %scan3A_61  : i32 {
        %mul3A_71 = arith.constant 8 : i32
        %mul3A_72 = arith.muli %scan3A_70, %mul3A_71 : i32
        %add3A_73 = arith.constant 0 : i32
        %add3A_74 = arith.addi %add3A_73, %mul3A_72 : i32
        %add3A_75 = arith.constant 0 : i32
        %add3A_76 = arith.addi %add3A_74, %add3A_75 : i32
        %mul3A_77 = arith.constant 16 : i32
        %mul3A_78 = arith.muli %add3A_76, %mul3A_77 : i32
        %add3A_79 = arith.constant 1 : i32
        %add3A_80 = arith.addi %add3A_74, %add3A_79 : i32
        %mul3A_81 = arith.constant 16 : i32
        %mul3A_82 = arith.muli %add3A_80, %mul3A_81 : i32
        %add3A_83 = arith.constant 2 : i32
        %add3A_84 = arith.addi %add3A_74, %add3A_83 : i32
        %mul3A_85 = arith.constant 16 : i32
        %mul3A_86 = arith.muli %add3A_84, %mul3A_85 : i32
        %add3A_87 = arith.constant 3 : i32
        %add3A_88 = arith.addi %add3A_74, %add3A_87 : i32
        %mul3A_89 = arith.constant 16 : i32
        %mul3A_90 = arith.muli %add3A_88, %mul3A_89 : i32
        %add3A_91 = arith.constant 4 : i32
        %add3A_92 = arith.addi %add3A_74, %add3A_91 : i32
        %mul3A_93 = arith.constant 16 : i32
        %mul3A_94 = arith.muli %add3A_92, %mul3A_93 : i32
        %add3A_95 = arith.constant 5 : i32
        %add3A_96 = arith.addi %add3A_74, %add3A_95 : i32
        %mul3A_97 = arith.constant 16 : i32
        %mul3A_98 = arith.muli %add3A_96, %mul3A_97 : i32
        %add3A_99 = arith.constant 6 : i32
        %add3A_100 = arith.addi %add3A_74, %add3A_99 : i32
        %mul3A_101 = arith.constant 16 : i32
        %mul3A_102 = arith.muli %add3A_100, %mul3A_101 : i32
        %add3A_103 = arith.constant 7 : i32
        %add3A_104 = arith.addi %add3A_74, %add3A_103 : i32
        %mul3A_105 = arith.constant 16 : i32
        %mul3A_106 = arith.muli %add3A_104, %mul3A_105 : i32
        %get3A = arith.index_cast %mul3A_78 : i32 to index
        %get3A_107 = tpu.vector_load %arg5[%get3A] {strides = array<i32>} : memref<2048xf32, #tpu.memory_space<vmem>>, vector<16xf32>,
        %get3A_108 = arith.index_cast %mul3A_82 : i32 to index
        %get3A_109 = tpu.vector_load %arg5[%get3A_108] {strides = array<i32>} : memref<2048xf32, #tpu.memory_space<vmem>>, vector<16xf32>,
        %get3A_110 = arith.index_cast %mul3A_86 : i32 to index
        %get3A_111 = tpu.vector_load %arg5[%get3A_110] {strides = array<i32>} : memref<2048xf32, #tpu.memory_space<vmem>>, vector<16xf32>,
        %get3A_112 = arith.index_cast %mul3A_90 : i32 to index
        %get3A_113 = tpu.vector_load %arg5[%get3A_112] {strides = array<i32>} : memref<2048xf32, #tpu.memory_space<vmem>>, vector<16xf32>,
        %get3A_114 = arith.index_cast %mul3A_94 : i32 to index
        %get3A_115 = tpu.vector_load %arg5[%get3A_114] {strides = array<i32>} : memref<2048xf32, #tpu.memory_space<vmem>>, vector<16xf32>,
        %get3A_116 = arith.index_cast %mul3A_98 : i32 to index
        %get3A_117 = tpu.vector_load %arg5[%get3A_116] {strides = array<i32>} : memref<2048xf32, #tpu.memory_space<vmem>>, vector<16xf32>,
        %get3A_118 = arith.index_cast %mul3A_102 : i32 to index
        %get3A_119 = tpu.vector_load %arg5[%get3A_118] {strides = array<i32>} : memref<2048xf32, #tpu.memory_space<vmem>>, vector<16xf32>,
        %get3A_120 = arith.index_cast %mul3A_106 : i32 to index
        %get3A_121 = tpu.vector_load %arg5[%get3A_120] {strides = array<i32>} : memref<2048xf32, #tpu.memory_space<vmem>>, vector<16xf32>,
        %add3A_122 = arith.constant 0 : i32
        %add3A_123 = arith.addi %add3A_122, %mul3A_78 : i32
        %get3A_124 = arith.index_cast %add3A_123 : i32 to index
        %get3A_125 = tpu.vector_load %arg7[%get3A_124] {strides = array<i32>} : memref<4096xf32, #tpu.memory_space<vmem>>, vector<16xf32>,
        %add3A_126 = arith.constant 2048 : i32
        %add3A_127 = arith.addi %add3A_126, %mul3A_78 : i32
        %get3A_128 = arith.index_cast %add3A_127 : i32 to index
        %get3A_129 = tpu.vector_load %arg7[%get3A_128] {strides = array<i32>} : memref<4096xf32, #tpu.memory_space<vmem>>, vector<16xf32>,
        %add3A_130 = arith.constant 0 : i32
        %add3A_131 = arith.addi %add3A_130, %mul3A_82 : i32
        %get3A_132 = arith.index_cast %add3A_131 : i32 to index
        %get3A_133 = tpu.vector_load %arg7[%get3A_132] {strides = array<i32>} : memref<4096xf32, #tpu.memory_space<vmem>>, vector<16xf32>,
        %add3A_134 = arith.constant 2048 : i32
        %add3A_135 = arith.addi %add3A_134, %mul3A_82 : i32
        %get3A_136 = arith.index_cast %add3A_135 : i32 to index
        %get3A_137 = tpu.vector_load %arg7[%get3A_136] {strides = array<i32>} : memref<4096xf32, #tpu.memory_space<vmem>>, vector<16xf32>,
        %add3A_138 = arith.constant 0 : i32
        %add3A_139 = arith.addi %add3A_138, %mul3A_86 : i32
        %get3A_140 = arith.index_cast %add3A_139 : i32 to index
        %get3A_141 = tpu.vector_load %arg7[%get3A_140] {strides = array<i32>} : memref<4096xf32, #tpu.memory_space<vmem>>, vector<16xf32>,
        %add3A_142 = arith.constant 2048 : i32
        %add3A_143 = arith.addi %add3A_142, %mul3A_86 : i32
        %get3A_144 = arith.index_cast %add3A_143 : i32 to index
        %get3A_145 = tpu.vector_load %arg7[%get3A_144] {strides = array<i32>} : memref<4096xf32, #tpu.memory_space<vmem>>, vector<16xf32>,
        %add3A_146 = arith.constant 0 : i32
        %add3A_147 = arith.addi %add3A_146, %mul3A_90 : i32
        %get3A_148 = arith.index_cast %add3A_147 : i32 to index
        %get3A_149 = tpu.vector_load %arg7[%get3A_148] {strides = array<i32>} : memref<4096xf32, #tpu.memory_space<vmem>>, vector<16xf32>,
        %add3A_150 = arith.constant 2048 : i32
        %add3A_151 = arith.addi %add3A_150, %mul3A_90 : i32
        %get3A_152 = arith.index_cast %add3A_151 : i32 to index
        %get3A_153 = tpu.vector_load %arg7[%get3A_152] {strides = array<i32>} : memref<4096xf32, #tpu.memory_space<vmem>>, vector<16xf32>,
        %add3A_154 = arith.constant 0 : i32
        %add3A_155 = arith.addi %add3A_154, %mul3A_94 : i32
        %get3A_156 = arith.index_cast %add3A_155 : i32 to index
        %get3A_157 = tpu.vector_load %arg7[%get3A_156] {strides = array<i32>} : memref<4096xf32, #tpu.memory_space<vmem>>, vector<16xf32>,
        %add3A_158 = arith.constant 2048 : i32
        %add3A_159 = arith.addi %add3A_158, %mul3A_94 : i32
        %get3A_160 = arith.index_cast %add3A_159 : i32 to index
        %get3A_161 = tpu.vector_load %arg7[%get3A_160] {strides = array<i32>} : memref<4096xf32, #tpu.memory_space<vmem>>, vector<16xf32>,
        %add3A_162 = arith.constant 0 : i32
        %add3A_163 = arith.addi %add3A_162, %mul3A_98 : i32
        %get3A_164 = arith.index_cast %add3A_163 : i32 to index
        %get3A_165 = tpu.vector_load %arg7[%get3A_164] {strides = array<i32>} : memref<4096xf32, #tpu.memory_space<vmem>>, vector<16xf32>,
        %add3A_166 = arith.constant 2048 : i32
        %add3A_167 = arith.addi %add3A_166, %mul3A_98 : i32
        %get3A_168 = arith.index_cast %add3A_167 : i32 to index
        %get3A_169 = tpu.vector_load %arg7[%get3A_168] {strides = array<i32>} : memref<4096xf32, #tpu.memory_space<vmem>>, vector<16xf32>,
        %add3A_170 = arith.constant 0 : i32
        %add3A_171 = arith.addi %add3A_170, %mul3A_102 : i32
        %get3A_172 = arith.index_cast %add3A_171 : i32 to index
        %get3A_173 = tpu.vector_load %arg7[%get3A_172] {strides = array<i32>} : memref<4096xf32, #tpu.memory_space<vmem>>, vector<16xf32>,
        %add3A_174 = arith.constant 2048 : i32
        %add3A_175 = arith.addi %add3A_174, %mul3A_102 : i32
        %get3A_176 = arith.index_cast %add3A_175 : i32 to index
        %get3A_177 = tpu.vector_load %arg7[%get3A_176] {strides = array<i32>} : memref<4096xf32, #tpu.memory_space<vmem>>, vector<16xf32>,
        %add3A_178 = arith.constant 0 : i32
        %add3A_179 = arith.addi %add3A_178, %mul3A_106 : i32
        %get3A_180 = arith.index_cast %add3A_179 : i32 to index
        %get3A_181 = tpu.vector_load %arg7[%get3A_180] {strides = array<i32>} : memref<4096xf32, #tpu.memory_space<vmem>>, vector<16xf32>,
        %add3A_182 = arith.constant 2048 : i32
        %add3A_183 = arith.addi %add3A_182, %mul3A_106 : i32
        %get3A_184 = arith.index_cast %add3A_183 : i32 to index
        %get3A_185 = tpu.vector_load %arg7[%get3A_184] {strides = array<i32>} : memref<4096xf32, #tpu.memory_space<vmem>>, vector<16xf32>,
        %abs3A = math.absf %get3A_125 : vector<16xf32>
        %mul3A_186 = arith.mulf %abs3A, %get3A_107 : vector<16xf32>
        %bitcast_convert_type3A = tpu.bitcast %mul3A_186 : vector<16xf32> -> vector<16xi32>
        %abs3A_187 = math.absf %get3A_129 : vector<16xf32>
        %mul3A_188 = arith.mulf %abs3A_187, %get3A_107 : vector<16xf32>
        %bitcast_convert_type3A_189 = tpu.bitcast %mul3A_188 : vector<16xf32> -> vector<16xi32>
        %abs3A_190 = math.absf %get3A_133 : vector<16xf32>
        %mul3A_191 = arith.mulf %abs3A_190, %get3A_109 : vector<16xf32>
        %bitcast_convert_type3A_192 = tpu.bitcast %mul3A_191 : vector<16xf32> -> vector<16xi32>
        %abs3A_193 = math.absf %get3A_137 : vector<16xf32>
        %mul3A_194 = arith.mulf %abs3A_193, %get3A_109 : vector<16xf32>
        %bitcast_convert_type3A_195 = tpu.bitcast %mul3A_194 : vector<16xf32> -> vector<16xi32>
        %abs3A_196 = math.absf %get3A_141 : vector<16xf32>
        %mul3A_197 = arith.mulf %abs3A_196, %get3A_111 : vector<16xf32>
        %bitcast_convert_type3A_198 = tpu.bitcast %mul3A_197 : vector<16xf32> -> vector<16xi32>
        %abs3A_199 = math.absf %get3A_145 : vector<16xf32>
        %mul3A_200 = arith.mulf %abs3A_199, %get3A_111 : vector<16xf32>
        %bitcast_convert_type3A_201 = tpu.bitcast %mul3A_200 : vector<16xf32> -> vector<16xi32>
        %abs3A_202 = math.absf %get3A_149 : vector<16xf32>
        %mul3A_203 = arith.mulf %abs3A_202, %get3A_113 : vector<16xf32>
        %bitcast_convert_type3A_204 = tpu.bitcast %mul3A_203 : vector<16xf32> -> vector<16xi32>
        %abs3A_205 = math.absf %get3A_153 : vector<16xf32>
        %mul3A_206 = arith.mulf %abs3A_205, %get3A_113 : vector<16xf32>
        %bitcast_convert_type3A_207 = tpu.bitcast %mul3A_206 : vector<16xf32> -> vector<16xi32>
        %abs3A_208 = math.absf %get3A_157 : vector<16xf32>
        %mul3A_209 = arith.mulf %abs3A_208, %get3A_115 : vector<16xf32>
        %bitcast_convert_type3A_210 = tpu.bitcast %mul3A_209 : vector<16xf32> -> vector<16xi32>
        %abs3A_211 = math.absf %get3A_161 : vector<16xf32>
        %mul3A_212 = arith.mulf %abs3A_211, %get3A_115 : vector<16xf32>
        %bitcast_convert_type3A_213 = tpu.bitcast %mul3A_212 : vector<16xf32> -> vector<16xi32>
        %abs3A_214 = math.absf %get3A_165 : vector<16xf32>
        %mul3A_215 = arith.mulf %abs3A_214, %get3A_117 : vector<16xf32>
        %bitcast_convert_type3A_216 = tpu.bitcast %mul3A_215 : vector<16xf32> -> vector<16xi32>
        %abs3A_217 = math.absf %get3A_169 : vector<16xf32>
        %mul3A_218 = arith.mulf %abs3A_217, %get3A_117 : vector<16xf32>
        %bitcast_convert_type3A_219 = tpu.bitcast %mul3A_218 : vector<16xf32> -> vector<16xi32>
        %abs3A_220 = math.absf %get3A_173 : vector<16xf32>
        %mul3A_221 = arith.mulf %abs3A_220, %get3A_119 : vector<16xf32>
        %bitcast_convert_type3A_222 = tpu.bitcast %mul3A_221 : vector<16xf32> -> vector<16xi32>
        %abs3A_223 = math.absf %get3A_177 : vector<16xf32>
        %mul3A_224 = arith.mulf %abs3A_223, %get3A_119 : vector<16xf32>
        %bitcast_convert_type3A_225 = tpu.bitcast %mul3A_224 : vector<16xf32> -> vector<16xi32>
        %abs3A_226 = math.absf %get3A_181 : vector<16xf32>
        %mul3A_227 = arith.mulf %abs3A_226, %get3A_121 : vector<16xf32>
        %bitcast_convert_type3A_228 = tpu.bitcast %mul3A_227 : vector<16xf32> -> vector<16xi32>
        %abs3A_229 = math.absf %get3A_185 : vector<16xf32>
        %mul3A_230 = arith.mulf %abs3A_229, %get3A_121 : vector<16xf32>
        %bitcast_convert_type3A_231 = tpu.bitcast %mul3A_230 : vector<16xf32> -> vector<16xi32>
        %shift_right_logical3A = arith.constant 20 : i32
        %shift_right_logical3A_232 = vector.broadcast %shift_right_logical3A : i32 to vector<16xi32>
        %shift_right_logical3A_233 = arith.shrui %bitcast_convert_type3A, %shift_right_logical3A_232 : vector<16xi32>
        %or3A = arith.ori %shift_right_logical3A_233, %mul3A_10 : vector<16xi32>
        %shift_right_logical3A_234 = arith.constant 20 : i32
        %shift_right_logical3A_235 = vector.broadcast %shift_right_logical3A_234 : i32 to vector<16xi32>
        %shift_right_logical3A_236 = arith.shrui %bitcast_convert_type3A_189, %shift_right_logical3A_235 : vector<16xi32>
        %or3A_237 = arith.ori %shift_right_logical3A_236, %mul3A_10 : vector<16xi32>
        %shift_right_logical3A_238 = arith.constant 20 : i32
        %shift_right_logical3A_239 = vector.broadcast %shift_right_logical3A_238 : i32 to vector<16xi32>
        %shift_right_logical3A_240 = arith.shrui %bitcast_convert_type3A_192, %shift_right_logical3A_239 : vector<16xi32>
        %or3A_241 = arith.ori %shift_right_logical3A_240, %mul3A_10 : vector<16xi32>
        %shift_right_logical3A_242 = arith.constant 20 : i32
        %shift_right_logical3A_243 = vector.broadcast %shift_right_logical3A_242 : i32 to vector<16xi32>
        %shift_right_logical3A_244 = arith.shrui %bitcast_convert_type3A_195, %shift_right_logical3A_243 : vector<16xi32>
        %or3A_245 = arith.ori %shift_right_logical3A_244, %mul3A_10 : vector<16xi32>
        %shift_right_logical3A_246 = arith.constant 20 : i32
        %shift_right_logical3A_247 = vector.broadcast %shift_right_logical3A_246 : i32 to vector<16xi32>
        %shift_right_logical3A_248 = arith.shrui %bitcast_convert_type3A_198, %shift_right_logical3A_247 : vector<16xi32>
        %or3A_249 = arith.ori %shift_right_logical3A_248, %mul3A_10 : vector<16xi32>
        %shift_right_logical3A_250 = arith.constant 20 : i32
        %shift_right_logical3A_251 = vector.broadcast %shift_right_logical3A_250 : i32 to vector<16xi32>
        %shift_right_logical3A_252 = arith.shrui %bitcast_convert_type3A_201, %shift_right_logical3A_251 : vector<16xi32>
        %or3A_253 = arith.ori %shift_right_logical3A_252, %mul3A_10 : vector<16xi32>
        %shift_right_logical3A_254 = arith.constant 20 : i32
        %shift_right_logical3A_255 = vector.broadcast %shift_right_logical3A_254 : i32 to vector<16xi32>
        %shift_right_logical3A_256 = arith.shrui %bitcast_convert_type3A_204, %shift_right_logical3A_255 : vector<16xi32>
        %or3A_257 = arith.ori %shift_right_logical3A_256, %mul3A_10 : vector<16xi32>
        %shift_right_logical3A_258 = arith.constant 20 : i32
        %shift_right_logical3A_259 = vector.broadcast %shift_right_logical3A_258 : i32 to vector<16xi32>
        %shift_right_logical3A_260 = arith.shrui %bitcast_convert_type3A_207, %shift_right_logical3A_259 : vector<16xi32>
        %or3A_261 = arith.ori %shift_right_logical3A_260, %mul3A_10 : vector<16xi32>
        %shift_right_logical3A_262 = arith.constant 20 : i32
        %shift_right_logical3A_263 = vector.broadcast %shift_right_logical3A_262 : i32 to vector<16xi32>
        %shift_right_logical3A_264 = arith.shrui %bitcast_convert_type3A_210, %shift_right_logical3A_263 : vector<16xi32>
        %or3A_265 = arith.ori %shift_right_logical3A_264, %mul3A_10 : vector<16xi32>
        %shift_right_logical3A_266 = arith.constant 20 : i32
        %shift_right_logical3A_267 = vector.broadcast %shift_right_logical3A_266 : i32 to vector<16xi32>
        %shift_right_logical3A_268 = arith.shrui %bitcast_convert_type3A_213, %shift_right_logical3A_267 : vector<16xi32>
        %or3A_269 = arith.ori %shift_right_logical3A_268, %mul3A_10 : vector<16xi32>
        %shift_right_logical3A_270 = arith.constant 20 : i32
        %shift_right_logical3A_271 = vector.broadcast %shift_right_logical3A_270 : i32 to vector<16xi32>
        %shift_right_logical3A_272 = arith.shrui %bitcast_convert_type3A_216, %shift_right_logical3A_271 : vector<16xi32>
        %or3A_273 = arith.ori %shift_right_logical3A_272, %mul3A_10 : vector<16xi32>
        %shift_right_logical3A_274 = arith.constant 20 : i32
        %shift_right_logical3A_275 = vector.broadcast %shift_right_logical3A_274 : i32 to vector<16xi32>
        %shift_right_logical3A_276 = arith.shrui %bitcast_convert_type3A_219, %shift_right_logical3A_275 : vector<16xi32>
        %or3A_277 = arith.ori %shift_right_logical3A_276, %mul3A_10 : vector<16xi32>
        %shift_right_logical3A_278 = arith.constant 20 : i32
        %shift_right_logical3A_279 = vector.broadcast %shift_right_logical3A_278 : i32 to vector<16xi32>
        %shift_right_logical3A_280 = arith.shrui %bitcast_convert_type3A_222, %shift_right_logical3A_279 : vector<16xi32>
        %or3A_281 = arith.ori %shift_right_logical3A_280, %mul3A_10 : vector<16xi32>
        %shift_right_logical3A_282 = arith.constant 20 : i32
        %shift_right_logical3A_283 = vector.broadcast %shift_right_logical3A_282 : i32 to vector<16xi32>
        %shift_right_logical3A_284 = arith.shrui %bitcast_convert_type3A_225, %shift_right_logical3A_283 : vector<16xi32>
        %or3A_285 = arith.ori %shift_right_logical3A_284, %mul3A_10 : vector<16xi32>
        %shift_right_logical3A_286 = arith.constant 20 : i32
        %shift_right_logical3A_287 = vector.broadcast %shift_right_logical3A_286 : i32 to vector<16xi32>
        %shift_right_logical3A_288 = arith.shrui %bitcast_convert_type3A_228, %shift_right_logical3A_287 : vector<16xi32>
        %or3A_289 = arith.ori %shift_right_logical3A_288, %mul3A_10 : vector<16xi32>
        %shift_right_logical3A_290 = arith.constant 20 : i32
        %shift_right_logical3A_291 = vector.broadcast %shift_right_logical3A_290 : i32 to vector<16xi32>
        %shift_right_logical3A_292 = arith.shrui %bitcast_convert_type3A_231, %shift_right_logical3A_291 : vector<16xi32>
        %or3A_293 = arith.ori %shift_right_logical3A_292, %mul3A_10 : vector<16xi32>
        tpu.vector_store_idx %arg8[%or3A], %broadcast_in_dim3A_11 {add = true} : memref<32768xi32, #tpu.memory_space<vmem>>[vector<16xi32>], vector<16xi32>,
        tpu.vector_store_idx %arg8[%or3A_237], %broadcast_in_dim3A_11 {add = true} : memref<32768xi32, #tpu.memory_space<vmem>>[vector<16xi32>], vector<16xi32>,
        tpu.vector_store_idx %arg8[%or3A_241], %broadcast_in_dim3A_11 {add = true} : memref<32768xi32, #tpu.memory_space<vmem>>[vector<16xi32>], vector<16xi32>,
        tpu.vector_store_idx %arg8[%or3A_245], %broadcast_in_dim3A_11 {add = true} : memref<32768xi32, #tpu.memory_space<vmem>>[vector<16xi32>], vector<16xi32>,
        tpu.vector_store_idx %arg8[%or3A_249], %broadcast_in_dim3A_11 {add = true} : memref<32768xi32, #tpu.memory_space<vmem>>[vector<16xi32>], vector<16xi32>,
        tpu.vector_store_idx %arg8[%or3A_253], %broadcast_in_dim3A_11 {add = true} : memref<32768xi32, #tpu.memory_space<vmem>>[vector<16xi32>], vector<16xi32>,
        tpu.vector_store_idx %arg8[%or3A_257], %broadcast_in_dim3A_11 {add = true} : memref<32768xi32, #tpu.memory_space<vmem>>[vector<16xi32>], vector<16xi32>,
        tpu.vector_store_idx %arg8[%or3A_261], %broadcast_in_dim3A_11 {add = true} : memref<32768xi32, #tpu.memory_space<vmem>>[vector<16xi32>], vector<16xi32>,
        tpu.vector_store_idx %arg8[%or3A_265], %broadcast_in_dim3A_11 {add = true} : memref<32768xi32, #tpu.memory_space<vmem>>[vector<16xi32>], vector<16xi32>,
        tpu.vector_store_idx %arg8[%or3A_269], %broadcast_in_dim3A_11 {add = true} : memref<32768xi32, #tpu.memory_space<vmem>>[vector<16xi32>], vector<16xi32>,
        tpu.vector_store_idx %arg8[%or3A_273], %broadcast_in_dim3A_11 {add = true} : memref<32768xi32, #tpu.memory_space<vmem>>[vector<16xi32>], vector<16xi32>,
        tpu.vector_store_idx %arg8[%or3A_277], %broadcast_in_dim3A_11 {add = true} : memref<32768xi32, #tpu.memory_space<vmem>>[vector<16xi32>], vector<16xi32>,
        tpu.vector_store_idx %arg8[%or3A_281], %broadcast_in_dim3A_11 {add = true} : memref<32768xi32, #tpu.memory_space<vmem>>[vector<16xi32>], vector<16xi32>,
        tpu.vector_store_idx %arg8[%or3A_285], %broadcast_in_dim3A_11 {add = true} : memref<32768xi32, #tpu.memory_space<vmem>>[vector<16xi32>], vector<16xi32>,
        tpu.vector_store_idx %arg8[%or3A_289], %broadcast_in_dim3A_11 {add = true} : memref<32768xi32, #tpu.memory_space<vmem>>[vector<16xi32>], vector<16xi32>,
        tpu.vector_store_idx %arg8[%or3A_293], %broadcast_in_dim3A_11 {add = true} : memref<32768xi32, #tpu.memory_space<vmem>>[vector<16xi32>], vector<16xi32>,
      }
      %scan3A_62 = arith.constant 16 : i32
      %add3A_63 = arith.constant 2 : i32
      %add3A_64 = arith.addi %add3A_52, %add3A_63 : i32
      %lt3A_65 = arith.constant 32 : i32
      %lt3A_66 = arith.cmpi slt, %add3A_64, %lt3A_65 : i32
      %convert_element_type3A_67 = arith.extui %lt3A_66 : i1 to i32
      %cond3A_68 = arith.constant 0 : i32
      %cond3A_69 = arith.cmpi ne, %convert_element_type3A_67, %cond3A_68 : i32
      scf.if %cond3A_69 {
        %add3A_70 = arith.constant 2 : i32
        %add3A_71 = arith.addi %add3A_52, %add3A_70 : i32
        %mul3A_72 = arith.constant 4096 : i32
        %mul3A_73 = arith.muli %add3A_71, %mul3A_72 : i32
        %add3A_74 = arith.addi %mul3A_2, %mul3A_73 : i32
        %dma_start3A_75 = tpu.memref_slice %arg2[%add3A_74] : memref<4194304xf32, #tpu.memory_space<hbm>> -> memref<4096xf32, #tpu.memory_space<hbm>>
        %dma_start3A_76 = tpu.memref_slice %arg2[%add3A_74] : memref<4194304xf32, #tpu.memory_space<hbm>> -> memref<4096xf32, #tpu.memory_space<hbm>>
        tpu.enqueue_dma source(%dma_start3A_76 : memref<4096xf32, #tpu.memory_space<hbm>>) target(%arg7 : memref<4096xf32, #tpu.memory_space<vmem>>) target_semaphore(%arg11 : memref<!tpu.dma_semaphore, #tpu.memory_space<semaphore_mem>>)
      } else {
      }
    }
    %scan3A_21 = arith.constant 16 : i32
    %scan3A_22 = arith.constant 0 : i32
    %scan3A_23 = arith.constant 64 : i32
    %scan3A_24 = arith.addi %scan3A_22, %scan3A_23 : i32
    %scan3A_25 = arith.constant 1 : i32
    scf.for %scan3A_27 = %scan3A_22 to %scan3A_24 step %scan3A_25  : i32 {
      %mul3A_28 = arith.constant 2 : i32
      %mul3A_29 = arith.muli %scan3A_27, %mul3A_28 : i32
      %add3A_30 = arith.constant 0 : i32
      %add3A_31 = arith.addi %add3A_30, %mul3A_29 : i32
      %add3A_32 = arith.constant 1 : i32
      %add3A_33 = arith.addi %add3A_31, %add3A_32 : i32
      %mul3A_34 = arith.constant 16 : i32
      %mul3A_35 = arith.muli %add3A_31, %mul3A_34 : i32
      %add3A_36 = arith.constant 0 : i32
      %add3A_37 = arith.addi %add3A_36, %mul3A_35 : i32
      %get3A = arith.index_cast %add3A_37 : i32 to index
      %get3A_38 = tpu.vector_load %arg8[%get3A] {strides = array<i32>} : memref<32768xi32, #tpu.memory_space<vmem>>, vector<16xi32>,
      %mul3A_39 = arith.constant 16 : i32
      %mul3A_40 = arith.muli %add3A_31, %mul3A_39 : i32
      %add3A_41 = arith.constant 2048 : i32
      %add3A_42 = arith.addi %add3A_41, %mul3A_40 : i32
      %get3A_43 = arith.index_cast %add3A_42 : i32 to index
      %get3A_44 = tpu.vector_load %arg8[%get3A_43] {strides = array<i32>} : memref<32768xi32, #tpu.memory_space<vmem>>, vector<16xi32>,
      %mul3A_45 = arith.constant 16 : i32
      %mul3A_46 = arith.muli %add3A_31, %mul3A_45 : i32
      %add3A_47 = arith.constant 4096 : i32
      %add3A_48 = arith.addi %add3A_47, %mul3A_46 : i32
      %get3A_49 = arith.index_cast %add3A_48 : i32 to index
      %get3A_50 = tpu.vector_load %arg8[%get3A_49] {strides = array<i32>} : memref<32768xi32, #tpu.memory_space<vmem>>, vector<16xi32>,
      %mul3A_51 = arith.constant 16 : i32
      %mul3A_52 = arith.muli %add3A_31, %mul3A_51 : i32
      %add3A_53 = arith.constant 6144 : i32
      %add3A_54 = arith.addi %add3A_53, %mul3A_52 : i32
      %get3A_55 = arith.index_cast %add3A_54 : i32 to index
      %get3A_56 = tpu.vector_load %arg8[%get3A_55] {strides = array<i32>} : memref<32768xi32, #tpu.memory_space<vmem>>, vector<16xi32>,
      %mul3A_57 = arith.constant 16 : i32
      %mul3A_58 = arith.muli %add3A_31, %mul3A_57 : i32
      %add3A_59 = arith.constant 8192 : i32
      %add3A_60 = arith.addi %add3A_59, %mul3A_58 : i32
      %get3A_61 = arith.index_cast %add3A_60 : i32 to index
      %get3A_62 = tpu.vector_load %arg8[%get3A_61] {strides = array<i32>} : memref<32768xi32, #tpu.memory_space<vmem>>, vector<16xi32>,
      %mul3A_63 = arith.constant 16 : i32
      %mul3A_64 = arith.muli %add3A_31, %mul3A_63 : i32
      %add3A_65 = arith.constant 10240 : i32
      %add3A_66 = arith.addi %add3A_65, %mul3A_64 : i32
      %get3A_67 = arith.index_cast %add3A_66 : i32 to index
      %get3A_68 = tpu.vector_load %arg8[%get3A_67] {strides = array<i32>} : memref<32768xi32, #tpu.memory_space<vmem>>, vector<16xi32>,
      %mul3A_69 = arith.constant 16 : i32
      %mul3A_70 = arith.muli %add3A_31, %mul3A_69 : i32
      %add3A_71 = arith.constant 12288 : i32
      %add3A_72 = arith.addi %add3A_71, %mul3A_70 : i32
      %get3A_73 = arith.index_cast %add3A_72 : i32 to index
      %get3A_74 = tpu.vector_load %arg8[%get3A_73] {strides = array<i32>} : memref<32768xi32, #tpu.memory_space<vmem>>, vector<16xi32>,
      %mul3A_75 = arith.constant 16 : i32
      %mul3A_76 = arith.muli %add3A_31, %mul3A_75 : i32
      %add3A_77 = arith.constant 14336 : i32
      %add3A_78 = arith.addi %add3A_77, %mul3A_76 : i32
      %get3A_79 = arith.index_cast %add3A_78 : i32 to index
      %get3A_80 = tpu.vector_load %arg8[%get3A_79] {strides = array<i32>} : memref<32768xi32, #tpu.memory_space<vmem>>, vector<16xi32>,
      %mul3A_81 = arith.constant 16 : i32
      %mul3A_82 = arith.muli %add3A_31, %mul3A_81 : i32
      %add3A_83 = arith.constant 16384 : i32
      %add3A_84 = arith.addi %add3A_83, %mul3A_82 : i32
      %get3A_85 = arith.index_cast %add3A_84 : i32 to index
      %get3A_86 = tpu.vector_load %arg8[%get3A_85] {strides = array<i32>} : memref<32768xi32, #tpu.memory_space<vmem>>, vector<16xi32>,
      %mul3A_87 = arith.constant 16 : i32
      %mul3A_88 = arith.muli %add3A_31, %mul3A_87 : i32
      %add3A_89 = arith.constant 18432 : i32
      %add3A_90 = arith.addi %add3A_89, %mul3A_88 : i32
      %get3A_91 = arith.index_cast %add3A_90 : i32 to index
      %get3A_92 = tpu.vector_load %arg8[%get3A_91] {strides = array<i32>} : memref<32768xi32, #tpu.memory_space<vmem>>, vector<16xi32>,
      %mul3A_93 = arith.constant 16 : i32
      %mul3A_94 = arith.muli %add3A_31, %mul3A_93 : i32
      %add3A_95 = arith.constant 20480 : i32
      %add3A_96 = arith.addi %add3A_95, %mul3A_94 : i32
      %get3A_97 = arith.index_cast %add3A_96 : i32 to index
      %get3A_98 = tpu.vector_load %arg8[%get3A_97] {strides = array<i32>} : memref<32768xi32, #tpu.memory_space<vmem>>, vector<16xi32>,
      %mul3A_99 = arith.constant 16 : i32
      %mul3A_100 = arith.muli %add3A_31, %mul3A_99 : i32
      %add3A_101 = arith.constant 22528 : i32
      %add3A_102 = arith.addi %add3A_101, %mul3A_100 : i32
      %get3A_103 = arith.index_cast %add3A_102 : i32 to index
      %get3A_104 = tpu.vector_load %arg8[%get3A_103] {strides = array<i32>} : memref<32768xi32, #tpu.memory_space<vmem>>, vector<16xi32>,
      %mul3A_105 = arith.constant 16 : i32
      %mul3A_106 = arith.muli %add3A_31, %mul3A_105 : i32
      %add3A_107 = arith.constant 24576 : i32
      %add3A_108 = arith.addi %add3A_107, %mul3A_106 : i32
      %get3A_109 = arith.index_cast %add3A_108 : i32 to index
      %get3A_110 = tpu.vector_load %arg8[%get3A_109] {strides = array<i32>} : memref<32768xi32, #tpu.memory_space<vmem>>, vector<16xi32>,
      %mul3A_111 = arith.constant 16 : i32
      %mul3A_112 = arith.muli %add3A_31, %mul3A_111 : i32
      %add3A_113 = arith.constant 26624 : i32
      %add3A_114 = arith.addi %add3A_113, %mul3A_112 : i32
      %get3A_115 = arith.index_cast %add3A_114 : i32 to index
      %get3A_116 = tpu.vector_load %arg8[%get3A_115] {strides = array<i32>} : memref<32768xi32, #tpu.memory_space<vmem>>, vector<16xi32>,
      %mul3A_117 = arith.constant 16 : i32
      %mul3A_118 = arith.muli %add3A_31, %mul3A_117 : i32
      %add3A_119 = arith.constant 28672 : i32
      %add3A_120 = arith.addi %add3A_119, %mul3A_118 : i32
      %get3A_121 = arith.index_cast %add3A_120 : i32 to index
      %get3A_122 = tpu.vector_load %arg8[%get3A_121] {strides = array<i32>} : memref<32768xi32, #tpu.memory_space<vmem>>, vector<16xi32>,
      %mul3A_123 = arith.constant 16 : i32
      %mul3A_124 = arith.muli %add3A_31, %mul3A_123 : i32
      %add3A_125 = arith.constant 30720 : i32
      %add3A_126 = arith.addi %add3A_125, %mul3A_124 : i32
      %get3A_127 = arith.index_cast %add3A_126 : i32 to index
      %get3A_128 = tpu.vector_load %arg8[%get3A_127] {strides = array<i32>} : memref<32768xi32, #tpu.memory_space<vmem>>, vector<16xi32>,
      %add3A_129 = arith.addi %get3A_38, %get3A_44 : vector<16xi32>
      %add3A_130 = arith.addi %get3A_50, %get3A_56 : vector<16xi32>
      %add3A_131 = arith.addi %get3A_62, %get3A_68 : vector<16xi32>
      %add3A_132 = arith.addi %get3A_74, %get3A_80 : vector<16xi32>
      %add3A_133 = arith.addi %get3A_86, %get3A_92 : vector<16xi32>
      %add3A_134 = arith.addi %get3A_98, %get3A_104 : vector<16xi32>
      %add3A_135 = arith.addi %get3A_110, %get3A_116 : vector<16xi32>
      %add3A_136 = arith.addi %get3A_122, %get3A_128 : vector<16xi32>
      %add3A_137 = arith.addi %add3A_129, %add3A_130 : vector<16xi32>
      %add3A_138 = arith.addi %add3A_131, %add3A_132 : vector<16xi32>
      %add3A_139 = arith.addi %add3A_133, %add3A_134 : vector<16xi32>
      %add3A_140 = arith.addi %add3A_135, %add3A_136 : vector<16xi32>
      %add3A_141 = arith.addi %add3A_137, %add3A_138 : vector<16xi32>
      %add3A_142 = arith.addi %add3A_139, %add3A_140 : vector<16xi32>
      %add3A_143 = arith.addi %add3A_141, %add3A_142 : vector<16xi32>
      %mul3A_144 = arith.constant 16 : i32
      %mul3A_145 = arith.muli %add3A_31, %mul3A_144 : i32
      %swap3A = arith.index_cast %mul3A_145 : i32 to index
      %swap3A_146 = tpu.vector_load %arg9[%swap3A] {strides = array<i32>} : memref<2048xi32, #tpu.memory_space<vmem>>, vector<16xi32>,
      tpu.vector_store %arg9[%swap3A], %add3A_143 {strides = array<i32>} : memref<2048xi32, #tpu.memory_space<vmem>>, vector<16xi32>,
      %mul3A_147 = arith.constant 16 : i32
      %mul3A_148 = arith.muli %add3A_33, %mul3A_147 : i32
      %add3A_149 = arith.constant 0 : i32
      %add3A_150 = arith.addi %add3A_149, %mul3A_148 : i32
      %get3A_151 = arith.index_cast %add3A_150 : i32 to index
      %get3A_152 = tpu.vector_load %arg8[%get3A_151] {strides = array<i32>} : memref<32768xi32, #tpu.memory_space<vmem>>, vector<16xi32>,
      %mul3A_153 = arith.constant 16 : i32
      %mul3A_154 = arith.muli %add3A_33, %mul3A_153 : i32
      %add3A_155 = arith.constant 2048 : i32
      %add3A_156 = arith.addi %add3A_155, %mul3A_154 : i32
      %get3A_157 = arith.index_cast %add3A_156 : i32 to index
      %get3A_158 = tpu.vector_load %arg8[%get3A_157] {strides = array<i32>} : memref<32768xi32, #tpu.memory_space<vmem>>, vector<16xi32>,
      %mul3A_159 = arith.constant 16 : i32
      %mul3A_160 = arith.muli %add3A_33, %mul3A_159 : i32
      %add3A_161 = arith.constant 4096 : i32
      %add3A_162 = arith.addi %add3A_161, %mul3A_160 : i32
      %get3A_163 = arith.index_cast %add3A_162 : i32 to index
      %get3A_164 = tpu.vector_load %arg8[%get3A_163] {strides = array<i32>} : memref<32768xi32, #tpu.memory_space<vmem>>, vector<16xi32>,
      %mul3A_165 = arith.constant 16 : i32
      %mul3A_166 = arith.muli %add3A_33, %mul3A_165 : i32
      %add3A_167 = arith.constant 6144 : i32
      %add3A_168 = arith.addi %add3A_167, %mul3A_166 : i32
      %get3A_169 = arith.index_cast %add3A_168 : i32 to index
      %get3A_170 = tpu.vector_load %arg8[%get3A_169] {strides = array<i32>} : memref<32768xi32, #tpu.memory_space<vmem>>, vector<16xi32>,
      %mul3A_171 = arith.constant 16 : i32
      %mul3A_172 = arith.muli %add3A_33, %mul3A_171 : i32
      %add3A_173 = arith.constant 8192 : i32
      %add3A_174 = arith.addi %add3A_173, %mul3A_172 : i32
      %get3A_175 = arith.index_cast %add3A_174 : i32 to index
      %get3A_176 = tpu.vector_load %arg8[%get3A_175] {strides = array<i32>} : memref<32768xi32, #tpu.memory_space<vmem>>, vector<16xi32>,
      %mul3A_177 = arith.constant 16 : i32
      %mul3A_178 = arith.muli %add3A_33, %mul3A_177 : i32
      %add3A_179 = arith.constant 10240 : i32
      %add3A_180 = arith.addi %add3A_179, %mul3A_178 : i32
      %get3A_181 = arith.index_cast %add3A_180 : i32 to index
      %get3A_182 = tpu.vector_load %arg8[%get3A_181] {strides = array<i32>} : memref<32768xi32, #tpu.memory_space<vmem>>, vector<16xi32>,
      %mul3A_183 = arith.constant 16 : i32
      %mul3A_184 = arith.muli %add3A_33, %mul3A_183 : i32
      %add3A_185 = arith.constant 12288 : i32
      %add3A_186 = arith.addi %add3A_185, %mul3A_184 : i32
      %get3A_187 = arith.index_cast %add3A_186 : i32 to index
      %get3A_188 = tpu.vector_load %arg8[%get3A_187] {strides = array<i32>} : memref<32768xi32, #tpu.memory_space<vmem>>, vector<16xi32>,
      %mul3A_189 = arith.constant 16 : i32
      %mul3A_190 = arith.muli %add3A_33, %mul3A_189 : i32
      %add3A_191 = arith.constant 14336 : i32
      %add3A_192 = arith.addi %add3A_191, %mul3A_190 : i32
      %get3A_193 = arith.index_cast %add3A_192 : i32 to index
      %get3A_194 = tpu.vector_load %arg8[%get3A_193] {strides = array<i32>} : memref<32768xi32, #tpu.memory_space<vmem>>, vector<16xi32>,
      %mul3A_195 = arith.constant 16 : i32
      %mul3A_196 = arith.muli %add3A_33, %mul3A_195 : i32
      %add3A_197 = arith.constant 16384 : i32
      %add3A_198 = arith.addi %add3A_197, %mul3A_196 : i32
      %get3A_199 = arith.index_cast %add3A_198 : i32 to index
      %get3A_200 = tpu.vector_load %arg8[%get3A_199] {strides = array<i32>} : memref<32768xi32, #tpu.memory_space<vmem>>, vector<16xi32>,
      %mul3A_201 = arith.constant 16 : i32
      %mul3A_202 = arith.muli %add3A_33, %mul3A_201 : i32
      %add3A_203 = arith.constant 18432 : i32
      %add3A_204 = arith.addi %add3A_203, %mul3A_202 : i32
      %get3A_205 = arith.index_cast %add3A_204 : i32 to index
      %get3A_206 = tpu.vector_load %arg8[%get3A_205] {strides = array<i32>} : memref<32768xi32, #tpu.memory_space<vmem>>, vector<16xi32>,
      %mul3A_207 = arith.constant 16 : i32
      %mul3A_208 = arith.muli %add3A_33, %mul3A_207 : i32
      %add3A_209 = arith.constant 20480 : i32
      %add3A_210 = arith.addi %add3A_209, %mul3A_208 : i32
      %get3A_211 = arith.index_cast %add3A_210 : i32 to index
      %get3A_212 = tpu.vector_load %arg8[%get3A_211] {strides = array<i32>} : memref<32768xi32, #tpu.memory_space<vmem>>, vector<16xi32>,
      %mul3A_213 = arith.constant 16 : i32
      %mul3A_214 = arith.muli %add3A_33, %mul3A_213 : i32
      %add3A_215 = arith.constant 22528 : i32
      %add3A_216 = arith.addi %add3A_215, %mul3A_214 : i32
      %get3A_217 = arith.index_cast %add3A_216 : i32 to index
      %get3A_218 = tpu.vector_load %arg8[%get3A_217] {strides = array<i32>} : memref<32768xi32, #tpu.memory_space<vmem>>, vector<16xi32>,
      %mul3A_219 = arith.constant 16 : i32
      %mul3A_220 = arith.muli %add3A_33, %mul3A_219 : i32
      %add3A_221 = arith.constant 24576 : i32
      %add3A_222 = arith.addi %add3A_221, %mul3A_220 : i32
      %get3A_223 = arith.index_cast %add3A_222 : i32 to index
      %get3A_224 = tpu.vector_load %arg8[%get3A_223] {strides = array<i32>} : memref<32768xi32, #tpu.memory_space<vmem>>, vector<16xi32>,
      %mul3A_225 = arith.constant 16 : i32
      %mul3A_226 = arith.muli %add3A_33, %mul3A_225 : i32
      %add3A_227 = arith.constant 26624 : i32
      %add3A_228 = arith.addi %add3A_227, %mul3A_226 : i32
      %get3A_229 = arith.index_cast %add3A_228 : i32 to index
      %get3A_230 = tpu.vector_load %arg8[%get3A_229] {strides = array<i32>} : memref<32768xi32, #tpu.memory_space<vmem>>, vector<16xi32>,
      %mul3A_231 = arith.constant 16 : i32
      %mul3A_232 = arith.muli %add3A_33, %mul3A_231 : i32
      %add3A_233 = arith.constant 28672 : i32
      %add3A_234 = arith.addi %add3A_233, %mul3A_232 : i32
      %get3A_235 = arith.index_cast %add3A_234 : i32 to index
      %get3A_236 = tpu.vector_load %arg8[%get3A_235] {strides = array<i32>} : memref<32768xi32, #tpu.memory_space<vmem>>, vector<16xi32>,
      %mul3A_237 = arith.constant 16 : i32
      %mul3A_238 = arith.muli %add3A_33, %mul3A_237 : i32
      %add3A_239 = arith.constant 30720 : i32
      %add3A_240 = arith.addi %add3A_239, %mul3A_238 : i32
      %get3A_241 = arith.index_cast %add3A_240 : i32 to index
      %get3A_242 = tpu.vector_load %arg8[%get3A_241] {strides = array<i32>} : memref<32768xi32, #tpu.memory_space<vmem>>, vector<16xi32>,
      %add3A_243 = arith.addi %get3A_152, %get3A_158 : vector<16xi32>
      %add3A_244 = arith.addi %get3A_164, %get3A_170 : vector<16xi32>
      %add3A_245 = arith.addi %get3A_176, %get3A_182 : vector<16xi32>
      %add3A_246 = arith.addi %get3A_188, %get3A_194 : vector<16xi32>
      %add3A_247 = arith.addi %get3A_200, %get3A_206 : vector<16xi32>
      %add3A_248 = arith.addi %get3A_212, %get3A_218 : vector<16xi32>
      %add3A_249 = arith.addi %get3A_224, %get3A_230 : vector<16xi32>
      %add3A_250 = arith.addi %get3A_236, %get3A_242 : vector<16xi32>
      %add3A_251 = arith.addi %add3A_243, %add3A_244 : vector<16xi32>
      %add3A_252 = arith.addi %add3A_245, %add3A_246 : vector<16xi32>
      %add3A_253 = arith.addi %add3A_247, %add3A_248 : vector<16xi32>
      %add3A_254 = arith.addi %add3A_249, %add3A_250 : vector<16xi32>
      %add3A_255 = arith.addi %add3A_251, %add3A_252 : vector<16xi32>
      %add3A_256 = arith.addi %add3A_253, %add3A_254 : vector<16xi32>
      %add3A_257 = arith.addi %add3A_255, %add3A_256 : vector<16xi32>
      %mul3A_258 = arith.constant 16 : i32
      %mul3A_259 = arith.muli %add3A_33, %mul3A_258 : i32
      %swap3A_260 = arith.index_cast %mul3A_259 : i32 to index
      %swap3A_261 = tpu.vector_load %arg9[%swap3A_260] {strides = array<i32>} : memref<2048xi32, #tpu.memory_space<vmem>>, vector<16xi32>,
      tpu.vector_store %arg9[%swap3A_260], %add3A_257 {strides = array<i32>} : memref<2048xi32, #tpu.memory_space<vmem>>, vector<16xi32>,
    }
    %scan3A_26 = arith.constant 64 : i32
    "tpu.region"() ({
      %run_scoped3A = tpu.sem_alloc : memref<!tpu.dma_semaphore, #tpu.memory_space<semaphore_mem>>
      %dma_start3A_27 = arith.constant 0 : i32
      %dma_start3A_28 = tpu.memref_slice %arg4[%arg0, %arg1, %dma_start3A_27] : memref<2x16x2048xi32, #tpu.memory_space<hbm>> -> memref<1x1x2048xi32, #tpu.memory_space<hbm>>
      %dma_start3A_29 = tpu.memref_squeeze %dma_start3A_28 : memref<1x1x2048xi32, #tpu.memory_space<hbm>> -> memref<2048xi32, #tpu.memory_space<hbm>>
      %dma_start3A_30 = arith.constant 0 : i32
      %dma_start3A_31 = tpu.memref_slice %arg4[%arg0, %arg1, %dma_start3A_30] : memref<2x16x2048xi32, #tpu.memory_space<hbm>> -> memref<1x1x2048xi32, #tpu.memory_space<hbm>>
      %dma_start3A_32 = tpu.memref_squeeze %dma_start3A_31 : memref<1x1x2048xi32, #tpu.memory_space<hbm>> -> memref<2048xi32, #tpu.memory_space<hbm>>
      tpu.enqueue_dma source(%arg9 : memref<2048xi32, #tpu.memory_space<vmem>>) target(%dma_start3A_32 : memref<2048xi32, #tpu.memory_space<hbm>>) target_semaphore(%run_scoped3A : memref<!tpu.dma_semaphore, #tpu.memory_space<semaphore_mem>>)
      %dma_wait3A = arith.constant 0 : i32
      %dma_wait3A_33 = tpu.memref_slice %arg4[%arg0, %arg1, %dma_wait3A] : memref<2x16x2048xi32, #tpu.memory_space<hbm>> -> memref<1x1x2048xi32, #tpu.memory_space<hbm>>
      %dma_wait3A_34 = tpu.memref_squeeze %dma_wait3A_33 : memref<1x1x2048xi32, #tpu.memory_space<hbm>> -> memref<2048xi32, #tpu.memory_space<hbm>>
      %dma_wait3A_35 = arith.constant 0 : i32
      %dma_wait3A_36 = tpu.memref_slice %arg4[%arg0, %arg1, %dma_wait3A_35] : memref<2x16x2048xi32, #tpu.memory_space<hbm>> -> memref<1x1x2048xi32, #tpu.memory_space<hbm>>
      %dma_wait3A_37 = tpu.memref_squeeze %dma_wait3A_36 : memref<1x1x2048xi32, #tpu.memory_space<hbm>> -> memref<2048xi32, #tpu.memory_space<hbm>>
      tpu.wait_dma2 semaphore(%run_scoped3A : memref<!tpu.dma_semaphore, #tpu.memory_space<semaphore_mem>>) src(%arg9 : memref<2048xi32, #tpu.memory_space<vmem>>) dst(%dma_wait3A_37 : memref<2048xi32, #tpu.memory_space<hbm>>)
      tpu.yield
    }) : () -> ()
    return
  }
}

module attributes {stable_mosaic.version = 14 : i64} {
  func.func @_norm_body(%arg0: i32, %arg1: memref<256x2048xf32, #tpu.memory_space<vmem>>, %arg2: memref<1x2048xf32, #tpu.memory_space<vmem>>) attributes {dimension_semantics = [#tpu.dimension_semantics<arbitrary>], iteration_bounds = array<i64: 8>, scalar_prefetch = 0 : i64, scratch_operands = 0 : i64, tpu.core_type = #tpu.core_type<tc>, window_params = [{transform_indices = @transform_0, window_bounds = array<i64: 256, 2048>}, {pipeline_mode = #tpu.pipeline_mode<synchronous>, transform_indices = @transform_1, window_bounds = array<i64: 1, 2048>}]} {
    %eq3A = arith.constant 0 : i32
    %eq3A_0 = arith.cmpi eq, %arg0, %eq3A : i32
    %convert_element_type3A = arith.extui %eq3A_0 : i1 to i32
    %cond3A = arith.constant 0 : i32
    %cond3A_1 = arith.cmpi ne, %convert_element_type3A, %cond3A : i32
    scf.if %cond3A_1 {
      %broadcast_in_dim3A_15 = arith.constant 0.000000e+00 : f32
      %broadcast_in_dim3A_16 = vector.broadcast %broadcast_in_dim3A_15 : f32 to vector<1x2048xf32>
      %swap3A_17 = arith.constant 0 : index
      %swap3A_18 = arith.constant 0 : index
      %swap3A_19 = vector.load %arg2[%swap3A_17, %swap3A_18] : memref<1x2048xf32, #tpu.memory_space<vmem>>, vector<1x2048xf32>
      tpu.vector_store %arg2[%swap3A_17, %swap3A_18], %broadcast_in_dim3A_16 {strides = array<i32>} : memref<1x2048xf32, #tpu.memory_space<vmem>>, vector<1x2048xf32>,
    } else {
    }
    %get3A = arith.constant 0 : index
    %get3A_2 = arith.constant 0 : index
    %get3A_3 = vector.load %arg1[%get3A, %get3A_2] : memref<256x2048xf32, #tpu.memory_space<vmem>>, vector<256x2048xf32>
    %get3A_4 = arith.constant 0 : index
    %get3A_5 = arith.constant 0 : index
    %get3A_6 = vector.load %arg2[%get3A_4, %get3A_5] : memref<1x2048xf32, #tpu.memory_space<vmem>>, vector<1x2048xf32>
    %mul3A = arith.mulf %get3A_3, %get3A_3 : vector<256x2048xf32>
    %reduce_sum3A = arith.constant dense<0.000000e+00> : vector<2048xf32>
    %reduce_sum3A_7 = vector.multi_reduction <add>, %mul3A, %reduce_sum3A [0] : vector<256x2048xf32> to vector<2048xf32>
    %broadcast_in_dim3A = vector.shape_cast %reduce_sum3A_7 : vector<2048xf32> to vector<1x2048xf32>
    %add3A = arith.addf %get3A_6, %broadcast_in_dim3A : vector<1x2048xf32>
    %swap3A = arith.constant 0 : index
    %swap3A_8 = arith.constant 0 : index
    %swap3A_9 = vector.load %arg2[%swap3A, %swap3A_8] : memref<1x2048xf32, #tpu.memory_space<vmem>>, vector<1x2048xf32>
    tpu.vector_store %arg2[%swap3A, %swap3A_8], %add3A {strides = array<i32>} : memref<1x2048xf32, #tpu.memory_space<vmem>>, vector<1x2048xf32>,
    %eq3A_10 = arith.constant 7 : i32
    %eq3A_11 = arith.cmpi eq, %arg0, %eq3A_10 : i32
    %convert_element_type3A_12 = arith.extui %eq3A_11 : i1 to i32
    %cond3A_13 = arith.constant 0 : i32
    %cond3A_14 = arith.cmpi ne, %convert_element_type3A_12, %cond3A_13 : i32
    scf.if %cond3A_14 {
      %get3A_15 = arith.constant 0 : index
      %get3A_16 = arith.constant 0 : index
      %get3A_17 = vector.load %arg2[%get3A_15, %get3A_16] : memref<1x2048xf32, #tpu.memory_space<vmem>>, vector<1x2048xf32>
      %sqrt3A = math.sqrt %get3A_17 : vector<1x2048xf32>
      %swap3A_18 = arith.constant 0 : index
      %swap3A_19 = arith.constant 0 : index
      %swap3A_20 = vector.load %arg2[%swap3A_18, %swap3A_19] : memref<1x2048xf32, #tpu.memory_space<vmem>>, vector<1x2048xf32>
      tpu.vector_store %arg2[%swap3A_18, %swap3A_19], %sqrt3A {strides = array<i32>} : memref<1x2048xf32, #tpu.memory_space<vmem>>, vector<1x2048xf32>,
    } else {
    }
    return
  }
  func.func @transform_0(%arg0: i32) -> (i32, i32) {
    %c0_i32 = arith.constant 0 : i32
    %c0_i32_0 = arith.constant 0 : i32
    return %arg0, %c0_i32 : i32, i32
  }
  func.func @transform_1(%arg0: i32) -> (i32, i32) {
    %c0_i32 = arith.constant 0 : i32
    %c0_i32_0 = arith.constant 0 : i32
    %c0_i32_1 = arith.constant 0 : i32
    return %c0_i32, %c0_i32_0 : i32, i32
  }
}

module attributes {stable_mosaic.version = 14 : i64} {
  func.func @_mask_body(%arg0: i32, %arg1: memref<256x2048xf32, #tpu.memory_space<vmem>>, %arg2: memref<1x2048xf32, #tpu.memory_space<vmem>>, %arg3: memref<32x2048xi32, #tpu.memory_space<vmem>>, %arg4: memref<32x2048xi32, #tpu.memory_space<vmem>>, %arg5: memref<32x512xi32, #tpu.memory_space<vmem>>, %arg6: memref<256x2048xf32, #tpu.memory_space<vmem>>, %arg7: memref<1xi32, #tpu.memory_space<smem>>) attributes {dimension_semantics = [#tpu.dimension_semantics<arbitrary>], iteration_bounds = array<i64: 8>, scalar_prefetch = 0 : i64, scratch_operands = 1 : i64, tpu.core_type = #tpu.core_type<tc>, window_params = [{transform_indices = @transform_0, window_bounds = array<i64: 256, 2048>}, {pipeline_mode = #tpu.pipeline_mode<synchronous>, transform_indices = @transform_1, window_bounds = array<i64: 1, 2048>}, {pipeline_mode = #tpu.pipeline_mode<synchronous>, transform_indices = @transform_2, window_bounds = array<i64: 32, 2048>}, {pipeline_mode = #tpu.pipeline_mode<synchronous>, transform_indices = @transform_3, window_bounds = array<i64: 32, 2048>}, {pipeline_mode = #tpu.pipeline_mode<synchronous>, transform_indices = @transform_4, window_bounds = array<i64: 32, 512>}, {transform_indices = @transform_5, window_bounds = array<i64: 256, 2048>}]} {
    %eq3A = arith.constant 0 : i32
    %eq3A_0 = arith.cmpi eq, %arg0, %eq3A : i32
    %convert_element_type3A = arith.extui %eq3A_0 : i1 to i32
    %cond3A = arith.constant 0 : i32
    %cond3A_1 = arith.cmpi ne, %convert_element_type3A, %cond3A : i32
    scf.if %cond3A_1 {
      %get3A_16 = arith.constant 0 : index
      %get3A_17 = arith.constant 0 : index
      %get3A_18 = vector.load %arg3[%get3A_16, %get3A_17] : memref<32x2048xi32, #tpu.memory_space<vmem>>, vector<32x2048xi32>
      %reduce_sum3A = arith.constant dense<0> : vector<2048xi32>
      %reduce_sum3A_19 = vector.multi_reduction <add>, %get3A_18, %reduce_sum3A [0] : vector<32x2048xi32> to vector<2048xi32>
      %broadcast_in_dim3A_20 = vector.shape_cast %reduce_sum3A_19 : vector<2048xi32> to vector<1x2048xi32>
      %get3A_21 = arith.constant 0 : index
      %get3A_22 = arith.constant 0 : index
      %get3A_23 = vector.load %arg4[%get3A_21, %get3A_22] : memref<32x2048xi32, #tpu.memory_space<vmem>>, vector<32x2048xi32>
      %reduce_sum3A_24 = arith.constant dense<0> : vector<2048xi32>
      %reduce_sum3A_25 = vector.multi_reduction <add>, %get3A_23, %reduce_sum3A_24 [0] : vector<32x2048xi32> to vector<2048xi32>
      %broadcast_in_dim3A_26 = vector.shape_cast %reduce_sum3A_25 : vector<2048xi32> to vector<1x2048xi32>
      %get3A_27 = arith.constant 0 : index
      %get3A_28 = arith.constant 0 : index
      %get3A_29 = vector.load %arg5[%get3A_27, %get3A_28] : memref<32x512xi32, #tpu.memory_space<vmem>>, vector<32x512xi32>
      %reduce_sum3A_30 = arith.constant dense<0> : vector<512xi32>
      %reduce_sum3A_31 = vector.multi_reduction <add>, %get3A_29, %reduce_sum3A_30 [0] : vector<32x512xi32> to vector<512xi32>
      %broadcast_in_dim3A_32 = vector.shape_cast %reduce_sum3A_31 : vector<512xi32> to vector<1x512xi32>
      %iota3A = tpu.iota {dimensions = array<i32: 1>} : vector<1x2048xi32>
      %scan3A = arith.constant 2097152 : i32
      %scan3A_33 = arith.constant 0 : i32
      %scan3A_34 = arith.constant 2047 : i32
      %scan3A_35 = arith.constant 0 : i32
      %scan3A_36 = arith.constant 11 : i32
      %scan3A_37 = arith.addi %scan3A_35, %scan3A_36 : i32
      %scan3A_38 = arith.constant 1 : i32
      %scan3A_39:2 = scf.for %scan3A_107 = %scan3A_35 to %scan3A_37 step %scan3A_38 iter_args(%scan3A_108 = %scan3A_33, %scan3A_109 = %scan3A_34) -> (i32, i32)  : i32 {
        %sub3A_110 = arith.subi %scan3A_109, %scan3A_108 : i32
        %jit3A_111 = arith.constant 2 : i32
        %div3A = arith.divsi %sub3A_110, %jit3A_111 : i32
        %sign3A = arith.constant 0 : i32
        %sign3A_112 = arith.cmpi sgt, %sub3A_110, %sign3A : i32
        %sign3A_113 = arith.extui %sign3A_112 : i1 to i32
        %sign3A_114 = arith.constant 0 : i32
        %sign3A_115 = arith.cmpi slt, %sub3A_110, %sign3A_114 : i32
        %sign3A_116 = arith.extui %sign3A_115 : i1 to i32
        %sign3A_117 = arith.subi %sign3A_113, %sign3A_116 : i32
        %sign3A_118 = arith.constant 0 : i32
        %sign3A_119 = arith.cmpi sgt, %jit3A_111, %sign3A_118 : i32
        %sign3A_120 = arith.extui %sign3A_119 : i1 to i32
        %sign3A_121 = arith.constant 0 : i32
        %sign3A_122 = arith.cmpi slt, %jit3A_111, %sign3A_121 : i32
        %sign3A_123 = arith.extui %sign3A_122 : i1 to i32
        %sign3A_124 = arith.subi %sign3A_120, %sign3A_123 : i32
        %ne3A = arith.cmpi ne, %sign3A_117, %sign3A_124 : i32
        %rem3A = arith.remsi %sub3A_110, %jit3A_111 : i32
        %ne3A_125 = arith.constant 0 : i32
        %ne3A_126 = arith.cmpi ne, %rem3A, %ne3A_125 : i32
        %and3A = arith.andi %ne3A, %ne3A_126 : i1
        %sub3A_127 = arith.constant 1 : i32
        %sub3A_128 = arith.subi %div3A, %sub3A_127 : i32
        %select_n3A_129 = arith.select %and3A, %sub3A_128, %div3A : i32
        %sub3A_130 = arith.subi %scan3A_109, %select_n3A_129 : i32
        %ge3A_131 = vector.broadcast %sub3A_130 : i32 to vector<1x2048xi32>
        %ge3A_132 = arith.cmpi sge, %iota3A, %ge3A_131 : vector<1x2048xi32>
        %jit3A_133 = arith.constant 0 : i32
        %broadcast_in_dim3A_134 = vector.broadcast %jit3A_133 : i32 to vector<1x2048xi32>
        %select_n3A_135 = arith.select %ge3A_132, %broadcast_in_dim3A_20, %broadcast_in_dim3A_134 : vector<1x2048xi1>, vector<1x2048xi32>
        %reduce_sum3A_136 = vector.shape_cast %select_n3A_135 : vector<1x2048xi32> to vector<1x1x2048xi32>
        %reduce_sum3A_137 = arith.constant dense<0> : vector<1xi32>
        %reduce_sum3A_138 = vector.multi_reduction <add>, %reduce_sum3A_136, %reduce_sum3A_137 [1, 2] : vector<1x1x2048xi32> to vector<1xi32>
        %reduce_sum3A_139 = vector.shape_cast %reduce_sum3A_138 : vector<1xi32> to vector<1x1x1xi32>
        %reduce_sum3A_140 = vector.extract %reduce_sum3A_139[0, 0, 0] : i32 from vector<1x1x1xi32>
        %ge3A_141 = arith.cmpi sge, %reduce_sum3A_140, %scan3A : i32
        %select_n3A_142 = arith.select %ge3A_141, %sub3A_130, %scan3A_108 : i32
        %sub3A_143 = arith.constant 1 : i32
        %sub3A_144 = arith.subi %sub3A_130, %sub3A_143 : i32
        %select_n3A_145 = arith.select %ge3A_141, %scan3A_109, %sub3A_144 : i32
        scf.yield %select_n3A_142, %select_n3A_145 : i32, i32
      }
      %eq3A_40 = vector.broadcast %scan3A_39#0 : i32 to vector<1x2048xi32>
      %eq3A_41 = arith.cmpi eq, %iota3A, %eq3A_40 : vector<1x2048xi32>
      %jit3A_42 = arith.constant 0 : i32
      %broadcast_in_dim3A_43 = vector.broadcast %jit3A_42 : i32 to vector<1x2048xi32>
      %select_n3A_44 = arith.select %eq3A_41, %broadcast_in_dim3A_20, %broadcast_in_dim3A_43 : vector<1x2048xi1>, vector<1x2048xi32>
      %reduce_sum3A_45 = vector.shape_cast %select_n3A_44 : vector<1x2048xi32> to vector<1x1x2048xi32>
      %reduce_sum3A_46 = arith.constant dense<0> : vector<1xi32>
      %reduce_sum3A_47 = vector.multi_reduction <add>, %reduce_sum3A_45, %reduce_sum3A_46 [1, 2] : vector<1x1x2048xi32> to vector<1xi32>
      %reduce_sum3A_48 = vector.shape_cast %reduce_sum3A_47 : vector<1xi32> to vector<1x1x1xi32>
      %reduce_sum3A_49 = vector.extract %reduce_sum3A_48[0, 0, 0] : i32 from vector<1x1x1xi32>
      %ge3A_50 = vector.broadcast %scan3A_39#0 : i32 to vector<1x2048xi32>
      %ge3A_51 = arith.cmpi sge, %iota3A, %ge3A_50 : vector<1x2048xi32>
      %jit3A_52 = arith.constant 0 : i32
      %broadcast_in_dim3A_53 = vector.broadcast %jit3A_52 : i32 to vector<1x2048xi32>
      %select_n3A_54 = arith.select %ge3A_51, %broadcast_in_dim3A_20, %broadcast_in_dim3A_53 : vector<1x2048xi1>, vector<1x2048xi32>
      %reduce_sum3A_55 = vector.shape_cast %select_n3A_54 : vector<1x2048xi32> to vector<1x1x2048xi32>
      %reduce_sum3A_56 = arith.constant dense<0> : vector<1xi32>
      %reduce_sum3A_57 = vector.multi_reduction <add>, %reduce_sum3A_55, %reduce_sum3A_56 [1, 2] : vector<1x1x2048xi32> to vector<1xi32>
      %reduce_sum3A_58 = vector.shape_cast %reduce_sum3A_57 : vector<1xi32> to vector<1x1x1xi32>
      %reduce_sum3A_59 = vector.extract %reduce_sum3A_58[0, 0, 0] : i32 from vector<1x1x1xi32>
      %sub3A = arith.subi %reduce_sum3A_59, %reduce_sum3A_49 : i32
      %sub3A_60 = arith.constant 2097152 : i32
      %sub3A_61 = arith.subi %sub3A_60, %sub3A : i32
      %iota3A_62 = tpu.iota {dimensions = array<i32: 1>} : vector<1x2048xi32>
      %scan3A_63 = arith.constant 0 : i32
      %scan3A_64 = arith.constant 2047 : i32
      %scan3A_65 = arith.constant 0 : i32
      %scan3A_66 = arith.constant 11 : i32
      %scan3A_67 = arith.addi %scan3A_65, %scan3A_66 : i32
      %scan3A_68 = arith.constant 1 : i32
      %scan3A_69:2 = scf.for %scan3A_107 = %scan3A_65 to %scan3A_67 step %scan3A_68 iter_args(%scan3A_108 = %scan3A_63, %scan3A_109 = %scan3A_64) -> (i32, i32)  : i32 {
        %sub3A_110 = arith.subi %scan3A_109, %scan3A_108 : i32
        %jit3A_111 = arith.constant 2 : i32
        %div3A = arith.divsi %sub3A_110, %jit3A_111 : i32
        %sign3A = arith.constant 0 : i32
        %sign3A_112 = arith.cmpi sgt, %sub3A_110, %sign3A : i32
        %sign3A_113 = arith.extui %sign3A_112 : i1 to i32
        %sign3A_114 = arith.constant 0 : i32
        %sign3A_115 = arith.cmpi slt, %sub3A_110, %sign3A_114 : i32
        %sign3A_116 = arith.extui %sign3A_115 : i1 to i32
        %sign3A_117 = arith.subi %sign3A_113, %sign3A_116 : i32
        %sign3A_118 = arith.constant 0 : i32
        %sign3A_119 = arith.cmpi sgt, %jit3A_111, %sign3A_118 : i32
        %sign3A_120 = arith.extui %sign3A_119 : i1 to i32
        %sign3A_121 = arith.constant 0 : i32
        %sign3A_122 = arith.cmpi slt, %jit3A_111, %sign3A_121 : i32
        %sign3A_123 = arith.extui %sign3A_122 : i1 to i32
        %sign3A_124 = arith.subi %sign3A_120, %sign3A_123 : i32
        %ne3A = arith.cmpi ne, %sign3A_117, %sign3A_124 : i32
        %rem3A = arith.remsi %sub3A_110, %jit3A_111 : i32
        %ne3A_125 = arith.constant 0 : i32
        %ne3A_126 = arith.cmpi ne, %rem3A, %ne3A_125 : i32
        %and3A = arith.andi %ne3A, %ne3A_126 : i1
        %sub3A_127 = arith.constant 1 : i32
        %sub3A_128 = arith.subi %div3A, %sub3A_127 : i32
        %select_n3A_129 = arith.select %and3A, %sub3A_128, %div3A : i32
        %sub3A_130 = arith.subi %scan3A_109, %select_n3A_129 : i32
        %ge3A_131 = vector.broadcast %sub3A_130 : i32 to vector<1x2048xi32>
        %ge3A_132 = arith.cmpi sge, %iota3A_62, %ge3A_131 : vector<1x2048xi32>
        %jit3A_133 = arith.constant 0 : i32
        %broadcast_in_dim3A_134 = vector.broadcast %jit3A_133 : i32 to vector<1x2048xi32>
        %select_n3A_135 = arith.select %ge3A_132, %broadcast_in_dim3A_26, %broadcast_in_dim3A_134 : vector<1x2048xi1>, vector<1x2048xi32>
        %reduce_sum3A_136 = vector.shape_cast %select_n3A_135 : vector<1x2048xi32> to vector<1x1x2048xi32>
        %reduce_sum3A_137 = arith.constant dense<0> : vector<1xi32>
        %reduce_sum3A_138 = vector.multi_reduction <add>, %reduce_sum3A_136, %reduce_sum3A_137 [1, 2] : vector<1x1x2048xi32> to vector<1xi32>
        %reduce_sum3A_139 = vector.shape_cast %reduce_sum3A_138 : vector<1xi32> to vector<1x1x1xi32>
        %reduce_sum3A_140 = vector.extract %reduce_sum3A_139[0, 0, 0] : i32 from vector<1x1x1xi32>
        %ge3A_141 = arith.cmpi sge, %reduce_sum3A_140, %sub3A_61 : i32
        %select_n3A_142 = arith.select %ge3A_141, %sub3A_130, %scan3A_108 : i32
        %sub3A_143 = arith.constant 1 : i32
        %sub3A_144 = arith.subi %sub3A_130, %sub3A_143 : i32
        %select_n3A_145 = arith.select %ge3A_141, %scan3A_109, %sub3A_144 : i32
        scf.yield %select_n3A_142, %select_n3A_145 : i32, i32
      }
      %eq3A_70 = vector.broadcast %scan3A_69#0 : i32 to vector<1x2048xi32>
      %eq3A_71 = arith.cmpi eq, %iota3A_62, %eq3A_70 : vector<1x2048xi32>
      %jit3A_72 = arith.constant 0 : i32
      %broadcast_in_dim3A_73 = vector.broadcast %jit3A_72 : i32 to vector<1x2048xi32>
      %select_n3A_74 = arith.select %eq3A_71, %broadcast_in_dim3A_26, %broadcast_in_dim3A_73 : vector<1x2048xi1>, vector<1x2048xi32>
      %reduce_sum3A_75 = vector.shape_cast %select_n3A_74 : vector<1x2048xi32> to vector<1x1x2048xi32>
      %reduce_sum3A_76 = arith.constant dense<0> : vector<1xi32>
      %reduce_sum3A_77 = vector.multi_reduction <add>, %reduce_sum3A_75, %reduce_sum3A_76 [1, 2] : vector<1x1x2048xi32> to vector<1xi32>
      %reduce_sum3A_78 = vector.shape_cast %reduce_sum3A_77 : vector<1xi32> to vector<1x1x1xi32>
      %reduce_sum3A_79 = vector.extract %reduce_sum3A_78[0, 0, 0] : i32 from vector<1x1x1xi32>
      %ge3A_80 = vector.broadcast %scan3A_69#0 : i32 to vector<1x2048xi32>
      %ge3A_81 = arith.cmpi sge, %iota3A_62, %ge3A_80 : vector<1x2048xi32>
      %jit3A_82 = arith.constant 0 : i32
      %broadcast_in_dim3A_83 = vector.broadcast %jit3A_82 : i32 to vector<1x2048xi32>
      %select_n3A_84 = arith.select %ge3A_81, %broadcast_in_dim3A_26, %broadcast_in_dim3A_83 : vector<1x2048xi1>, vector<1x2048xi32>
      %reduce_sum3A_85 = vector.shape_cast %select_n3A_84 : vector<1x2048xi32> to vector<1x1x2048xi32>
      %reduce_sum3A_86 = arith.constant dense<0> : vector<1xi32>
      %reduce_sum3A_87 = vector.multi_reduction <add>, %reduce_sum3A_85, %reduce_sum3A_86 [1, 2] : vector<1x1x2048xi32> to vector<1xi32>
      %reduce_sum3A_88 = vector.shape_cast %reduce_sum3A_87 : vector<1xi32> to vector<1x1x1xi32>
      %reduce_sum3A_89 = vector.extract %reduce_sum3A_88[0, 0, 0] : i32 from vector<1x1x1xi32>
      %sub3A_90 = arith.subi %reduce_sum3A_89, %reduce_sum3A_79 : i32
      %sub3A_91 = arith.subi %sub3A_61, %sub3A_90 : i32
      %iota3A_92 = tpu.iota {dimensions = array<i32: 1>} : vector<1x512xi32>
      %scan3A_93 = arith.constant 0 : i32
      %scan3A_94 = arith.constant 511 : i32
      %scan3A_95 = arith.constant 0 : i32
      %scan3A_96 = arith.constant 9 : i32
      %scan3A_97 = arith.addi %scan3A_95, %scan3A_96 : i32
      %scan3A_98 = arith.constant 1 : i32
      %scan3A_99:2 = scf.for %scan3A_107 = %scan3A_95 to %scan3A_97 step %scan3A_98 iter_args(%scan3A_108 = %scan3A_93, %scan3A_109 = %scan3A_94) -> (i32, i32)  : i32 {
        %sub3A_110 = arith.subi %scan3A_109, %scan3A_108 : i32
        %jit3A_111 = arith.constant 2 : i32
        %div3A = arith.divsi %sub3A_110, %jit3A_111 : i32
        %sign3A = arith.constant 0 : i32
        %sign3A_112 = arith.cmpi sgt, %sub3A_110, %sign3A : i32
        %sign3A_113 = arith.extui %sign3A_112 : i1 to i32
        %sign3A_114 = arith.constant 0 : i32
        %sign3A_115 = arith.cmpi slt, %sub3A_110, %sign3A_114 : i32
        %sign3A_116 = arith.extui %sign3A_115 : i1 to i32
        %sign3A_117 = arith.subi %sign3A_113, %sign3A_116 : i32
        %sign3A_118 = arith.constant 0 : i32
        %sign3A_119 = arith.cmpi sgt, %jit3A_111, %sign3A_118 : i32
        %sign3A_120 = arith.extui %sign3A_119 : i1 to i32
        %sign3A_121 = arith.constant 0 : i32
        %sign3A_122 = arith.cmpi slt, %jit3A_111, %sign3A_121 : i32
        %sign3A_123 = arith.extui %sign3A_122 : i1 to i32
        %sign3A_124 = arith.subi %sign3A_120, %sign3A_123 : i32
        %ne3A = arith.cmpi ne, %sign3A_117, %sign3A_124 : i32
        %rem3A = arith.remsi %sub3A_110, %jit3A_111 : i32
        %ne3A_125 = arith.constant 0 : i32
        %ne3A_126 = arith.cmpi ne, %rem3A, %ne3A_125 : i32
        %and3A = arith.andi %ne3A, %ne3A_126 : i1
        %sub3A_127 = arith.constant 1 : i32
        %sub3A_128 = arith.subi %div3A, %sub3A_127 : i32
        %select_n3A_129 = arith.select %and3A, %sub3A_128, %div3A : i32
        %sub3A_130 = arith.subi %scan3A_109, %select_n3A_129 : i32
        %ge3A_131 = vector.broadcast %sub3A_130 : i32 to vector<1x512xi32>
        %ge3A_132 = arith.cmpi sge, %iota3A_92, %ge3A_131 : vector<1x512xi32>
        %jit3A_133 = arith.constant 0 : i32
        %broadcast_in_dim3A_134 = vector.broadcast %jit3A_133 : i32 to vector<1x512xi32>
        %select_n3A_135 = arith.select %ge3A_132, %broadcast_in_dim3A_32, %broadcast_in_dim3A_134 : vector<1x512xi1>, vector<1x512xi32>
        %reduce_sum3A_136 = vector.shape_cast %select_n3A_135 : vector<1x512xi32> to vector<1x1x512xi32>
        %reduce_sum3A_137 = arith.constant dense<0> : vector<1xi32>
        %reduce_sum3A_138 = vector.multi_reduction <add>, %reduce_sum3A_136, %reduce_sum3A_137 [1, 2] : vector<1x1x512xi32> to vector<1xi32>
        %reduce_sum3A_139 = vector.shape_cast %reduce_sum3A_138 : vector<1xi32> to vector<1x1x1xi32>
        %reduce_sum3A_140 = vector.extract %reduce_sum3A_139[0, 0, 0] : i32 from vector<1x1x1xi32>
        %ge3A_141 = arith.cmpi sge, %reduce_sum3A_140, %sub3A_91 : i32
        %select_n3A_142 = arith.select %ge3A_141, %sub3A_130, %scan3A_108 : i32
        %sub3A_143 = arith.constant 1 : i32
        %sub3A_144 = arith.subi %sub3A_130, %sub3A_143 : i32
        %select_n3A_145 = arith.select %ge3A_141, %scan3A_109, %sub3A_144 : i32
        scf.yield %select_n3A_142, %select_n3A_145 : i32, i32
      }
      %mul3A_100 = arith.constant 1048576 : i32
      %mul3A_101 = arith.muli %scan3A_39#0, %mul3A_100 : i32
      %mul3A_102 = arith.constant 512 : i32
      %mul3A_103 = arith.muli %scan3A_69#0, %mul3A_102 : i32
      %add3A = arith.addi %mul3A_101, %mul3A_103 : i32
      %add3A_104 = arith.addi %add3A, %scan3A_99#0 : i32
      %swap3A_105 = arith.constant 0 : index
      %swap3A_106 = memref.load %arg7[%swap3A_105] : memref<1xi32, #tpu.memory_space<smem>>
      memref.store %add3A_104, %arg7[%swap3A_105] : memref<1xi32, #tpu.memory_space<smem>>
    } else {
    }
    %get3A = arith.constant 0 : index
    %get3A_2 = memref.load %arg7[%get3A] : memref<1xi32, #tpu.memory_space<smem>>
    %get3A_3 = arith.constant 0 : index
    %get3A_4 = arith.constant 0 : index
    %get3A_5 = vector.load %arg1[%get3A_3, %get3A_4] : memref<256x2048xf32, #tpu.memory_space<vmem>>, vector<256x2048xf32>
    %abs3A = math.absf %get3A_5 : vector<256x2048xf32>
    %get3A_6 = arith.constant 0 : index
    %get3A_7 = arith.constant 0 : index
    %get3A_8 = vector.load %arg2[%get3A_6, %get3A_7] : memref<1x2048xf32, #tpu.memory_space<vmem>>, vector<1x2048xf32>
    %mul3A = vector.broadcast %get3A_8 : vector<1x2048xf32> to vector<256x2048xf32>
    %mul3A_9 = arith.mulf %abs3A, %mul3A : vector<256x2048xf32>
    %bitcast_convert_type3A = tpu.bitcast %mul3A_9 : vector<256x2048xf32> -> vector<256x2048xi32>
    %ge3A = vector.broadcast %get3A_2 : i32 to vector<256x2048xi32>
    %ge3A_10 = arith.cmpi sge, %bitcast_convert_type3A, %ge3A : vector<256x2048xi32>
    %get3A_11 = arith.constant 0 : index
    %get3A_12 = arith.constant 0 : index
    %get3A_13 = vector.load %arg1[%get3A_11, %get3A_12] : memref<256x2048xf32, #tpu.memory_space<vmem>>, vector<256x2048xf32>
    %jit3A = arith.constant 0.000000e+00 : f32
    %broadcast_in_dim3A = vector.broadcast %jit3A : f32 to vector<256x2048xf32>
    %select_n3A = arith.select %ge3A_10, %get3A_13, %broadcast_in_dim3A : vector<256x2048xi1>, vector<256x2048xf32>
    %swap3A = arith.constant 0 : index
    %swap3A_14 = arith.constant 0 : index
    %swap3A_15 = vector.load %arg6[%swap3A, %swap3A_14] : memref<256x2048xf32, #tpu.memory_space<vmem>>, vector<256x2048xf32>
    tpu.vector_store %arg6[%swap3A, %swap3A_14], %select_n3A {strides = array<i32>} : memref<256x2048xf32, #tpu.memory_space<vmem>>, vector<256x2048xf32>,
    return
  }
  func.func @transform_0(%arg0: i32) -> (i32, i32) {
    %c0_i32 = arith.constant 0 : i32
    %c0_i32_0 = arith.constant 0 : i32
    return %arg0, %c0_i32 : i32, i32
  }
  func.func @transform_1(%arg0: i32) -> (i32, i32) {
    %c0_i32 = arith.constant 0 : i32
    %c0_i32_0 = arith.constant 0 : i32
    %c0_i32_1 = arith.constant 0 : i32
    return %c0_i32, %c0_i32_0 : i32, i32
  }
  func.func @transform_2(%arg0: i32) -> (i32, i32) {
    %c0_i32 = arith.constant 0 : i32
    %c0_i32_0 = arith.constant 0 : i32
    %c0_i32_1 = arith.constant 0 : i32
    return %c0_i32, %c0_i32_0 : i32, i32
  }
  func.func @transform_3(%arg0: i32) -> (i32, i32) {
    %c0_i32 = arith.constant 0 : i32
    %c0_i32_0 = arith.constant 0 : i32
    %c0_i32_1 = arith.constant 0 : i32
    return %c0_i32, %c0_i32_0 : i32, i32
  }
  func.func @transform_4(%arg0: i32) -> (i32, i32) {
    %c0_i32 = arith.constant 0 : i32
    %c0_i32_0 = arith.constant 0 : i32
    %c0_i32_1 = arith.constant 0 : i32
    return %c0_i32, %c0_i32_0 : i32, i32
  }
  func.func @transform_5(%arg0: i32) -> (i32, i32) {
    %c0_i32 = arith.constant 0 : i32
    %c0_i32_0 = arith.constant 0 : i32
    return %arg0, %c0_i32 : i32, i32
  }
}

</mosaic_0001>

<sc_bundles>
// kernel: kernel.10.cloned.1.call-start
scs
__scs_entry_jumppad:
0x0: {  	(pc) =	sbr.rel $0x88, $3  }
0x1: {  	(tag) =	ssettag $0x0;
	lr =	simm.s32 $0x1  }
0x2: {  	[smem:$0x3F9F] =	sst lr;
	_ =	strace $0xD0000000  }
0x3: {  	_ = 	snop  }
0x4: {  	_ = 	snop  }
0x5: {  	_ = 	snop  }
0x6: {  	_ = 	snop  }
0x7: {  	_ = 	snop  }
__scs_overlays_trampoline_lowered:
0x8: {  	[smem:$0x3FAE] =	sst s0  }
0x9: {  	[smem:$0x3FAF] =	sst s1  }
0xa: {  	[smem:$0x3FB0] =	sst s2  }
0xb: {  	[smem:$0x3FB1] =	sst s3  }
0xc: {  	[smem:$0x3FB2] =	sst s4  }
0xd: {  	[smem:$0x3FB3] =	sst s5  }
0xe: {  	[smem:$0x3FB4] =	sst s6  }
0xf: {  	[smem:$0x3FB5] =	sst s7  }
0x10: {  	[smem:$0x3FB6] =	sst s8  }
0x11: {  	[smem:$0x3FB7] =	sst s9;
	s0 =	simm.s32 @!p0 $0x0  }
0x12: {  	s1 =	sld [smem:$0x3F9D];
	s0 =	simm.s32 @p0 $0x1  }
0x13: {  	[smem:$0x3FB8] =	sst s0;
	s0 =	simm.s32 @!p1 $0x0  }
0x14: {  	s2 =	sld [smem:$0x3F9C];
	s0 =	simm.s32 @p1 $0x1  }
0x15: {  	[smem:$0x3FB9] =	sst s0;
	s0 =	simm.s32 @!p2 $0x0  }
0x16: {  	s3 =	sld [smem:$0x3FDB];
	s0 =	simm.s32 @p2 $0x1  }
0x17: {  	s4 =	simm.s32 $0x1BF5;
	[smem:$0x3FBB] =	sst s0  }
0x18: {  	s0 =	sld [smem:$0x3F9E];
	_ =	swait.ge [sflag:s4], $0x0  }
0x19: {  	s7 =	sld [smem:$0x3F9F]  }
0x1a: {  	s8 =	sadd.s32 $0xFFFFE003, lr  }
0x1b: {  	s9 =	sadd.s32 $0xFFFFFEF7, lr;
	s5 =	simm.s32 $0xFFFFFFFF;
	p2 =	slt.u32 s8, $0xFFFFF086  }
0x1c: {  	p1 =	slt.u32 s9, $0xF7A;
	s5 =	simm.s32 @!p2 $0x0  }
0x1d: {  	s5 =	simm.s32 @p1 $0x1;
	p0 =	seq.s32 s7, s2  }
0x1e: {  	s7 =	smul.u32 @!p0 $0xF7A, s2;
	p2 =	seq.s32 @!p0 s5, $0x0  }
0x1f: {  	s9 =	smul.u32 $0xF7A, s1;
	s8 =	simm.s32 @!p0 $0x1BF5;
	p2 =	por !p2, p0  }
0x20: {  	[sflag:s8] =	ssyncset.s32 @!p0 $0xFFFFF086;
	s6 =	sadd.s32 @!p0 s3, s7;
	s7 =	simm.s32 @!p0 $0x108  }
0x21: {  	s3 =	sadd.s32 s3, s9;
	s6 =	sadd.s32 @!p0 $0x88, s6;
	s7 =	simm.s32 @p2 $0x1082  }
0x22: {  	[simem:s7], [sflag:s8] =	dma.local @!p0 [hbm:s6], $0xF7A  }
0x23: {  	s9 =	sor.u32 $0xD0000000, s2;
	s6 =	simm.s32 $0x108;
	_ =	swait.ge @!p0 [sflag:s8], $0x0  }
0x24: {  	s3 =	sadd.s32 $0x88, s3;
	s6 =	simm.s32 @!p1 $0x1082;
	[sflag:s4] =	ssyncset.s32 $0xFFFFF086  }
0x25: {  	[simem:s6], [sflag:s4] =	dma.local [hbm:s3], $0xF7A  }
0x26: {  	[smem:$0x3F9F] =	sst s1;
	(tag) =	ssettag s2;
	_ =	strace s9  }
0x27: {  	s1 =	sld [smem:$0x3FAF]  }
0x28: {  	s2 =	sld [smem:$0x3FB0]  }
0x29: {  	s4 =	sld [smem:$0x3FB2]  }
0x2a: {  	p0 =	seq.s32 s5, $0x0;
	s5 =	sld [smem:$0x3FB3]  }
0x2b: {  	s6 =	sld [smem:$0x3FB4]  }
0x2c: {  	s7 =	sld [smem:$0x3FB5]  }
0x2d: {  	s3 =	simm.s32 $0x108;
	s8 =	sld [smem:$0x3FB6]  }
0x2e: {  	s3 =	simm.s32 @!p0 $0x1082;
	s9 =	sld [smem:$0x3FB7]  }
0x2f: {  	lr =	sadd.s32 s0, s3;
	s0 =	sld [smem:$0x3FAE]  }
0x30: {  	s3 =	sld [smem:$0x3FB1]  }
0x31: {  	[smem:$0x3FBA] =	sst s10  }
0x32: {  	s10 =	sld [smem:$0x3FB8];
	_ =	sdelay $0x3  }
0x33: {  	p0 =	seq.s32 s10, $0x1;
	s10 =	sld [smem:$0x3FBA];
	_ =	sdelay $0x3  }
0x34: {  	[smem:$0x3FBA] =	sst s10  }
0x35: {  	s10 =	sld [smem:$0x3FB9];
	_ =	sdelay $0x3  }
0x36: {  	p1 =	seq.s32 s10, $0x1;
	s10 =	sld [smem:$0x3FBA];
	_ =	sdelay $0x3  }
0x37: {  	[smem:$0x3FBA] =	sst s10  }
0x38: {  	s10 =	sld [smem:$0x3FBB]  }
0x39: {  	_ = 	snop;
	(pc) =	sbr.ind lr, $3  }
0x3a: {  	_ = 	snop  }
0x3b: {  	_ = 	snop  }
0x3c: {  	p2 =	seq.s32 s10, $0x1;
	s10 =	sld [smem:$0x3FBA]  }
0x3d: {  	_ =	shalt  }
0x3e: {  	_ =	shalt  }
0x3f: {  	_ =	shalt  }
0x40: {  	_ =	shalt  }
0x41: {  	_ =	shalt  }
0x42: {  	_ =	shalt  }
0x43: {  	_ =	shalt  }
0x44: {  	_ =	shalt  }
0x45: {  	_ =	shalt  }
0x46: {  	_ =	shalt  }
0x47: {  	_ =	shalt  }
0x48: {  	_ =	shalt  }
0x49: {  	_ =	shalt  }
0x4a: {  	_ =	shalt  }
0x4b: {  	_ =	shalt  }
0x4c: {  	_ =	shalt  }
0x4d: {  	_ =	shalt  }
0x4e: {  	_ =	shalt  }
0x4f: {  	_ =	shalt  }
0x50: {  	_ =	shalt  }
0x51: {  	_ =	shalt  }
0x52: {  	_ =	shalt  }
0x53: {  	_ =	shalt  }
0x54: {  	_ =	shalt  }
0x55: {  	_ =	shalt  }
0x56: {  	_ =	shalt  }
0x57: {  	_ =	shalt  }
0x58: {  	_ =	shalt  }
0x59: {  	_ =	shalt  }
0x5a: {  	_ =	shalt  }
0x5b: {  	_ =	shalt  }
0x5c: {  	_ =	shalt  }
0x5d: {  	_ =	shalt  }
0x5e: {  	_ =	shalt  }
0x5f: {  	_ =	shalt  }
0x60: {  	_ =	shalt  }
0x61: {  	_ =	shalt  }
0x62: {  	_ =	shalt  }
0x63: {  	_ =	shalt  }
0x64: {  	_ =	shalt  }
0x65: {  	_ =	shalt  }
0x66: {  	_ =	shalt  }
0x67: {  	_ =	shalt  }
0x68: {  	_ =	shalt  }
0x69: {  	_ =	shalt  }
0x6a: {  	_ =	shalt  }
0x6b: {  	_ =	shalt  }
0x6c: {  	_ =	shalt  }
0x6d: {  	_ =	shalt  }
0x6e: {  	_ =	shalt  }
0x6f: {  	_ =	shalt  }
0x70: {  	_ =	shalt  }
0x71: {  	_ =	shalt  }
0x72: {  	_ =	shalt  }
0x73: {  	_ =	shalt  }
0x74: {  	_ =	shalt  }
0x75: {  	_ =	shalt  }
0x76: {  	_ =	shalt  }
0x77: {  	_ =	shalt  }
0x78: {  	_ =	shalt  }
0x79: {  	_ =	shalt  }
0x7a: {  	_ =	shalt  }
0x7b: {  	_ =	shalt  }
0x7c: {  	_ =	shalt  }
0x7d: {  	_ =	shalt  }
0x7e: {  	_ =	shalt  }
0x7f: {  	_ =	shalt  }
0x80: {  	_ =	shalt  }
0x81: {  	_ =	shalt  }
0x82: {  	_ =	shalt  }
0x83: {  	_ =	shalt  }
0x84: {  	_ =	shalt  }
0x85: {  	_ =	shalt  }
0x86: {  	_ =	shalt  }
0x87: {  	_ =	shalt  }
.Lfunc_end0:
.L_simem_size_0:
called_computation.1_lowered:
.L_overlay_start_0:
0x88: {  	s2 =	sld [smem:$0x3FD9]  }
0x89: {  	s3 =	sld [smem:$0x3FFE];
	_ =	sdelay $0x1  }
0x8a: {  	s1 =	srdreg.scid  }
0x8b: {  	s0 =	sand.u32 $0x1, s1  }
0x8c: {  	s17 =	sshll.u32 s0, $0xA;
	s2 =	sadd.s32 s3, s2  }
0x8d: {  	s2 =	sadd.s32 s2, s17  }
0x8e: {  	[smem:$0x3FC6] =	sst s2  }
0x8f: {  	_ = 	snop  }
0x90: {  	s2 =	sld [smem:$0x3FD0];
	(tm) =	ssettm $0x1  }
0x91: {  	s18 =	sld [smem:$0x3FFB];
	_ =	sdelay $0x3  }
0x92: {  	_ =	strace s18  }
0x93: {  	s3 =	sld [smem:$0x3FFC];
	_ =	sdelay $0x3  }
0x94: {  	_ =	strace s3  }
0x95: {  	s3 =	sld [smem:$0x3FFD];
	_ =	sdelay $0x3  }
0x96: {  	_ =	strace s3  }
0x97: {  	_ =	strace $0x8FFFFFFF  }
0x98: {  	s19 =	sld [smem:$0x3FDB];
	_ =	sdelay $0x1  }
0x99: {  	s4 =	simm.s32 $_scs_section_size  }
0x9a: {  	s5 =	simm.s32 $_size__tile_overlayer_lowered;
	s6 =	simm.s32 $_tile_overlayer_lowered  }
0x9b: {  	s22 =	simm.s32 $0x1BFF;
	s21 =	sshll.u32 s6, $0x1;
	s3 =	sadd.s32 s4, s19  }
0x9c: {  	s7 =	simm.s32 $0x0;
	s20 =	sshll.u32 s5, $0x1;
	s5 =	sadd.s32 s21, s3  }
0x9d: {  	[timem:s7], [sflag:s22] =	dma.local [hbm:s5], s20  }
0x9e: {  	_ =	swait.ge [sflag:s22], s20  }
0x9f: {  	s4 =	ssub.s32 $0x0, s20;
	[sflag:s22] =	ssyncset.done $0x0  }
0xa0: {  	[sflag:s22] =	ssyncadd.s32 s4;
	_ =	sdelay $0x1  }
0xa1: {  	s23 =	simm.s32 $0x1B8B  }
0xa2: {  	_ =	swait.ge [sflag:s23], $0x1  }
0xa3: {  	[sflag:s23] =	ssyncset.done $0x0  }
0xa4: {  	s25 =	simm.s32 $0x1B8E;
	s24 =	sld [smem:$0x3FFE];
	[sflag:s23] =	ssyncadd.s32 $0xFFFFFFFF  }
0xa5: {  	s26 =	simm.s32 $execute0_lowered;
	[smem:$0x3FD2] =	sst s25  }
0xa6: {  	s5 =	sshll.u32 s26, $0x1;
	_ =	strace $0x80000049;
	[dreg:$0x1] =	wrdreg $0xFFFFFFFF  }
0xa7: {  	s28 =	simm.s32 $_size_execute0_lowered;
	s3 =	sadd.s32 s3, s5;
	[dreg:$0x0] =	wrdreg $0x0  }
0xa8: {  	s5 =	sshll.u32 s28, $0x1;
	[dreg:$0x2] =	wrdreg s3  }
0xa9: {  	[dreg:$0x3] =	wrdreg s5  }
0xaa: {  	[dreg:$0x4] =	wrdreg $0xC0  }
0xab: {  	_ =	task [dreg:s7], $0x5FFFF  }
0xac: {  	[dreg:$0x1] =	wrdreg $0xFFFFFFFF  }
0xad: {  	[dreg:$0x0] =	wrdreg $0x60  }
0xae: {  	[dreg:$0x2] =	wrdreg s2  }
0xaf: {  	[dreg:$0x3] =	wrdreg s24  }
0xb0: {  	[dreg:$0x4] =	wrdreg $0x9  }
0xb1: {  	_ =	task.clear_ibuf [dreg:s7], $0x5FFFF;
	_ =	strace $0x90000049  }
0xb2: {  	s29 =	simm.s32 $0x9;
	_ =	strace $0x8000004B  }
0xb3: {  	_ =	swait.ge [sflag:s29], $0x1  }
0xb4: {  	[sflag:s29] =	ssyncadd.s32 $0xFFFFFFFF  }
0xb5: {  	_ =	strace $0x9000004B  }
0xb6: {  	_ =	sfence  }
0xb7: {  	s30 =	sld [smem:$0x0];
	_ =	sdelay $0x2  }
0xb8: {  	s31 =	sshll.u32 s1, $0xD;
	s1 =	sshrl.u32 s1, $0x2  }
0xb9: {  	s3 =	sand.u32 $0x4000, s31;
	s1 =	sadd.s32 s1, s30  }
0xba: {  	s0 =	sor.u32 s3, s0;
	s1 =	sshll.u32 s1, $0x11  }
0xbb: {  	s0 =	sor.u32 s1, s0  }
0xbc: {  	s0 =	sadd.s32 $0x8F2B, s0  }
0xbd: {  	[sflag:s0] =	ssyncadd.remote.s32 $0x1  }
0xbe: {  	_ =	sfence.sel $0xFFFF  }
0xbf: {  	[dreg:$0x0] =	wrdreg $0xFFFFFFFF;
	(pc) =	sbr.abs _section_cstart, $3  }
0xc0: {  	[dreg:$0x1] =	wrdreg $0xFFFFFFFF  }
0xc1: {  	_ =	task.clear_ibuf [dreg:s7], $0x2FFFF;
	_ =	strace $0x9FFFFFFF  }
0xc2: {  	(tm) =	ssettm $0x7FFFFFFF  }
0xc3: {  	_ =	shalt  }
tec
execute0_lowered:
.L_overlay_start_1:
0x0: {  	(tag) =	ssettag $0x1  }
0x1: {  	s1 =	rddreg [dreg:$0x0]  }
0x2: {  	s3 =	rddreg [dreg:$0x1];
	s2 =	simm.s32 $0x0  }
0x3: {  	s4 =	srdreg.scid;
	s0 =	stileid.u32;
	s15 =	simm.s32 $0x1800  }
0x4: {  	s16 =	simm.s32 $0x1;
	s17 =	simm.s32 $0x2800;
	s18 =	simm.s32 $0x2  }
0x5: {  	s20 =	simm.s32 $0x400;
	s21 =	simm.s32 $0xA800;
	s22 =	simm.s32 $0x0  }
0x6: {  	[smem:$0x7FF] =	sst s2;
	s8 =	sand.u32 $0x1, s4;
	s4 =	sadd.s32 $0x2C00, s3  }
0x7: {  	s5 =	sadd.s32 $0x4E00, s3;
	s12 =	sshll.u32 s0, $0x11;
	s28 =	sshll.u32 s0, $0x8  }
0x8: {  	s14 =	sshll.u32 s0, $0x4;
	_ =	strace $0x8000004A;
	s6 =	sshll.u32 s8, $0xC  }
0x9: {  	s7 =	ssub.s32 $0x2, s8;
	s11 =	sshll.u32 s8, $0x15;
	s29 =	sand.u32 $0x800, s28  }
0xa: {  	s30 =	sand.u32 $0x70, s14;
	s31 =	sor.u32 s0, s8;
	s9 =	sadd.s32 s6, s3  }
0xb: {  	s6 =	sadd.s32 $0x6E00, s3;
	s10 =	sshrl.u32 s7, $0x1;
	s26 =	sor.u32 s12, s11  }
0xc: {  	v2 =	vlaneseq.u32;
	p0 =	sne.s32 s31, $0x0;
	s13 =	ssub.s32 s7, s10;
	s11 =	sshrl.u32 s26, $0x3  }
0xd: {  	v0 =	vmul.u32 $0xFFFFFFFF, v2;
	s9 =	sadd.s32 s29, s9;
	s10 =	sor.u32 $0x3000, s26;
	s7 =	sadd.s32 s1, s11  }
0xe: {  	v1 =	vimm.s32 $0x0;
	vm0 =	vcmask $0x300;
	vm1 =	vcmask $0x704;
	s11 =	sadd.s32 s30, s9;
	s9 =	sor.u32 $0x2000, s26;
	s12 =	smax.u32 s13, $0x1  }
0xf: {  	v3 =	vimm.s32 $0x1;
	v2 =	vmul.u32 $0x800, v2;
	v0 =	vadd.s32 $0xF, v0;
	s13 =	simm.s32 $0x3;
	s8 =	sadd.s32 $0x200, s7;
	s11 =	sadd.s32 $0x7000, s11  }
.LBB2_1:
0x10: {  	[tilespmem:s2], [sflag:$0x3] =	stream.linear.gather [hbm4b:s4+s2], $0x800, $0x38;
	[tilespmem:$0x1B880] =	vst v63  }
0x11: {  	_ =	swait.ge [sflag:s13], $0x800  }
0x12: {  	[sflag:s13] =	ssyncset.done $0x0  }
0x13: {  	s23 =	simm.s32 $0xB000;
	[sflag:s13] =	ssyncadd.s32 $0xFFFFF800  }
0x14: {  	[tilespmem:s23], [sflag:$0x3] =	stream.linear.gather [hbm4b:s5+s2], $0x10000, $0x38;
	[tilespmem:$0x1B880] =	vst v63  }
0x15: {  	_ =	swait.ge [sflag:s13], $0x10000  }
0x16: {  	[sflag:s13] =	ssyncset.done $0x0  }
0x17: {  	s24 =	sand.u32 $0x7F0, s2;
	[sflag:s13] =	ssyncadd.s32 $0xFFFF0000  }
0x18: {  	v4 =	vld [tilespmem:s24+$0xB800]  }
0x19: {  	v5 =	vld [tilespmem:s23+$0x0]  }
0x1a: {  	v6 =	vld [tilespmem:s24+$0xC000]  }
0x1b: {  	v7 =	vld [tilespmem:s24+$0xC800]  }
0x1c: {  	v8 =	vld [tilespmem:s24+$0xD000]  }
0x1d: {  	v9 =	vld [tilespmem:s24+$0xD800]  }
0x1e: {  	v10 =	vld [tilespmem:s24+$0xE000];
	v4 =	vadd.s32 v5, v4  }
0x1f: {  	v5 =	vld [tilespmem:s24+$0xE800];
	v4 =	vadd.s32 v6, v4  }
0x20: {  	v6 =	vld [tilespmem:s24+$0xF000];
	v4 =	vadd.s32 v7, v4  }
0x21: {  	v7 =	vld [tilespmem:s24+$0xF800];
	v4 =	vadd.s32 v8, v4  }
0x22: {  	v52 =	vld [tilespmem:s24+$0x10000];
	v4 =	vadd.s32 v9, v4  }
0x23: {  	v53 =	vld [tilespmem:s24+$0x10800];
	v4 =	vadd.s32 v10, v4  }
0x24: {  	v54 =	vld [tilespmem:s24+$0x11000];
	v4 =	vadd.s32 v5, v4  }
0x25: {  	v5 =	vld [tilespmem:s24+$0x11800];
	v4 =	vadd.s32 v6, v4  }
0x26: {  	v6 =	vld [tilespmem:s24+$0x12000];
	v4 =	vadd.s32 v7, v4  }
0x27: {  	v7 =	vld [tilespmem:s24+$0x12800];
	v4 =	vadd.s32 v52, v4  }
0x28: {  	v55 =	vld [tilespmem:s24+$0x13000];
	v4 =	vadd.s32 v53, v4  }
0x29: {  	v56 =	vld [tilespmem:s24+$0x13800];
	v4 =	vadd.s32 v54, v4  }
0x2a: {  	v57 =	vld [tilespmem:s24+$0x14000];
	v4 =	vadd.s32 v5, v4  }
0x2b: {  	v5 =	vld [tilespmem:s24+$0x14800];
	v4 =	vadd.s32 v6, v4  }
0x2c: {  	v6 =	vld [tilespmem:s24+$0x15000];
	v4 =	vadd.s32 v7, v4  }
0x2d: {  	v7 =	vld [tilespmem:s24+$0x15800];
	v4 =	vadd.s32 v55, v4  }
0x2e: {  	v58 =	vld [tilespmem:s24+$0x16000];
	v4 =	vadd.s32 v56, v4  }
0x2f: {  	v59 =	vld [tilespmem:s24+$0x16800];
	v4 =	vadd.s32 v57, v4  }
0x30: {  	v60 =	vld [tilespmem:s24+$0x17000];
	v4 =	vadd.s32 v5, v4  }
0x31: {  	v5 =	vld [tilespmem:s24+$0x17800];
	v4 =	vadd.s32 v6, v4  }
0x32: {  	v6 =	vld [tilespmem:s24+$0x18000];
	v4 =	vadd.s32 v7, v4  }
0x33: {  	v7 =	vld [tilespmem:s24+$0x18800];
	v4 =	vadd.s32 v58, v4  }
0x34: {  	v61 =	vld [tilespmem:s24+$0x19000];
	v4 =	vadd.s32 v59, v4  }
0x35: {  	v62 =	vld [tilespmem:s24+$0x19800];
	v4 =	vadd.s32 v60, v4  }
0x36: {  	v63 =	vld [tilespmem:s24+$0x1A000];
	v4 =	vadd.s32 v5, v4  }
0x37: {  	v5 =	vld [tilespmem:s24+$0x1A800];
	v4 =	vadd.s32 v6, v4  }
0x38: {  	v4 =	vadd.s32 v7, v4  }
0x39: {  	v4 =	vadd.s32 v61, v4  }
0x3a: {  	v4 =	vadd.s32 v62, v4  }
0x3b: {  	v4 =	vadd.s32 v63, v4  }
0x3c: {  	s31 =	simm.s32 $0x10;
	s23 =	simm.s32 $0x1B000;
	v4 =	vadd.s32 v5, v4  }
0x3d: {  	s24 =	sand.u32 $0x7F0, s31;
	[tilespmem:s23+$0x0] =	vst v4  }
0x3e: {  	s26 =	simm.s32 $0x20;
	s25 =	simm.s32 $0xB010;
	v4 =	vld [tilespmem:s24+$0xB800]  }
.LBB2_2:
0x3f: {  	p1 =	sne.s32 s26, $0x7F0;
	v5 =	vld [tilespmem:s25+$0x0]  }
0x40: {  	v6 =	vld [tilespmem:s24+$0xC000]  }
0x41: {  	v7 =	vld [tilespmem:s24+$0xC800]  }
0x42: {  	v8 =	vld [tilespmem:s24+$0xD000]  }
0x43: {  	v9 =	vld [tilespmem:s24+$0xD800]  }
0x44: {  	v10 =	vld [tilespmem:s24+$0xE000];
	v4 =	vadd.s32 v5, v4  }
0x45: {  	v5 =	vld [tilespmem:s24+$0xE800];
	v4 =	vadd.s32 v6, v4  }
0x46: {  	v6 =	vld [tilespmem:s24+$0xF000];
	v4 =	vadd.s32 v7, v4  }
0x47: {  	v7 =	vld [tilespmem:s24+$0xF800];
	v4 =	vadd.s32 v8, v4  }
0x48: {  	v8 =	vld [tilespmem:s24+$0x10000];
	v4 =	vadd.s32 v9, v4  }
0x49: {  	v9 =	vld [tilespmem:s24+$0x10800];
	v4 =	vadd.s32 v10, v4  }
0x4a: {  	v10 =	vld [tilespmem:s24+$0x11000];
	v4 =	vadd.s32 v5, v4  }
0x4b: {  	v5 =	vld [tilespmem:s24+$0x11800];
	v4 =	vadd.s32 v6, v4  }
0x4c: {  	v6 =	vld [tilespmem:s24+$0x12000];
	v4 =	vadd.s32 v7, v4  }
0x4d: {  	v7 =	vld [tilespmem:s24+$0x12800];
	v4 =	vadd.s32 v8, v4  }
0x4e: {  	v8 =	vld [tilespmem:s24+$0x13000];
	v4 =	vadd.s32 v9, v4  }
0x4f: {  	v9 =	vld [tilespmem:s24+$0x13800];
	v4 =	vadd.s32 v10, v4  }
0x50: {  	v10 =	vld [tilespmem:s24+$0x14000];
	v4 =	vadd.s32 v5, v4  }
0x51: {  	v5 =	vld [tilespmem:s24+$0x14800];
	v4 =	vadd.s32 v6, v4  }
0x52: {  	v6 =	vld [tilespmem:s24+$0x15000];
	v4 =	vadd.s32 v7, v4  }
0x53: {  	v7 =	vld [tilespmem:s24+$0x15800];
	v4 =	vadd.s32 v8, v4  }
0x54: {  	v8 =	vld [tilespmem:s24+$0x16000];
	v4 =	vadd.s32 v9, v4  }
0x55: {  	v9 =	vld [tilespmem:s24+$0x16800];
	v4 =	vadd.s32 v10, v4  }
0x56: {  	v10 =	vld [tilespmem:s24+$0x17000];
	v4 =	vadd.s32 v5, v4  }
0x57: {  	v5 =	vld [tilespmem:s24+$0x17800];
	v4 =	vadd.s32 v6, v4  }
0x58: {  	v6 =	vld [tilespmem:s24+$0x18000];
	v4 =	vadd.s32 v7, v4  }
0x59: {  	v7 =	vld [tilespmem:s24+$0x18800];
	v4 =	vadd.s32 v8, v4  }
0x5a: {  	v8 =	vld [tilespmem:s24+$0x19000];
	v4 =	vadd.s32 v9, v4  }
0x5b: {  	v9 =	vld [tilespmem:s24+$0x19800];
	v4 =	vadd.s32 v10, v4  }
0x5c: {  	v10 =	vld [tilespmem:s24+$0x1A000];
	v4 =	vadd.s32 v5, v4  }
0x5d: {  	v5 =	vld [tilespmem:s24+$0x1A800];
	v4 =	vadd.s32 v6, v4  }
0x5e: {  	v4 =	vadd.s32 v7, v4  }
0x5f: {  	v4 =	vadd.s32 v8, v4  }
.Ltmp0:
0x60: {  	v4 =	vadd.s32 v9, v4;
	(pc) =	sbr.rel @p1 .LBB2_2-.Ltmp0, $4  }
0x61: {  	v4 =	vadd.s32 v10, v4  }
0x62: {  	s23 =	sadd.s32 $0x10, s23;
	v4 =	vadd.s32 v5, v4  }
0x63: {  	s24 =	sand.u32 $0x7F0, s26;
	[tilespmem:s23+$0x0] =	vst v4  }
0x64: {  	s25 =	sadd.s32 $0x10, s25;
	s26 =	sadd.s32 $0x10, s26;
	v4 =	vld [tilespmem:s24+$0xB800]  }
0x65: {  	v5 =	vld [tilespmem:s25+$0x0]  }
0x66: {  	v6 =	vld [tilespmem:s24+$0xC000]  }
0x67: {  	v7 =	vld [tilespmem:s24+$0xC800]  }
0x68: {  	v8 =	vld [tilespmem:s24+$0xD000]  }
0x69: {  	v9 =	vld [tilespmem:s24+$0xD800]  }
0x6a: {  	v10 =	vld [tilespmem:s24+$0xE000];
	v4 =	vadd.s32 v5, v4  }
0x6b: {  	v5 =	vld [tilespmem:s24+$0xE800];
	v4 =	vadd.s32 v6, v4  }
0x6c: {  	v6 =	vld [tilespmem:s24+$0xF000];
	v4 =	vadd.s32 v7, v4  }
0x6d: {  	v7 =	vld [tilespmem:s24+$0xF800];
	v4 =	vadd.s32 v8, v4  }
0x6e: {  	v8 =	vld [tilespmem:s24+$0x10000];
	v4 =	vadd.s32 v9, v4  }
0x6f: {  	v9 =	vld [tilespmem:s24+$0x10800];
	v4 =	vadd.s32 v10, v4  }
0x70: {  	v10 =	vld [tilespmem:s24+$0x11000];
	v4 =	vadd.s32 v5, v4  }
0x71: {  	v5 =	vld [tilespmem:s24+$0x11800];
	v4 =	vadd.s32 v6, v4  }
0x72: {  	v6 =	vld [tilespmem:s24+$0x12000];
	v4 =	vadd.s32 v7, v4  }
0x73: {  	v7 =	vld [tilespmem:s24+$0x12800];
	v4 =	vadd.s32 v8, v4  }
0x74: {  	v8 =	vld [tilespmem:s24+$0x13000];
	v4 =	vadd.s32 v9, v4  }
0x75: {  	v9 =	vld [tilespmem:s24+$0x13800];
	v4 =	vadd.s32 v10, v4  }
0x76: {  	v10 =	vld [tilespmem:s24+$0x14000];
	v4 =	vadd.s32 v5, v4  }
0x77: {  	v5 =	vld [tilespmem:s24+$0x14800];
	v4 =	vadd.s32 v6, v4  }
0x78: {  	v6 =	vld [tilespmem:s24+$0x15000];
	v4 =	vadd.s32 v7, v4  }
0x79: {  	v7 =	vld [tilespmem:s24+$0x15800];
	v4 =	vadd.s32 v8, v4  }
0x7a: {  	v8 =	vld [tilespmem:s24+$0x16000];
	v4 =	vadd.s32 v9, v4  }
0x7b: {  	v9 =	vld [tilespmem:s24+$0x16800];
	v4 =	vadd.s32 v10, v4  }
0x7c: {  	v10 =	vld [tilespmem:s24+$0x17000];
	v4 =	vadd.s32 v5, v4  }
0x7d: {  	v5 =	vld [tilespmem:s24+$0x17800];
	v4 =	vadd.s32 v6, v4  }
0x7e: {  	v6 =	vld [tilespmem:s24+$0x18000];
	v4 =	vadd.s32 v7, v4  }
0x7f: {  	v7 =	vld [tilespmem:s24+$0x18800];
	v4 =	vadd.s32 v8, v4  }
0x80: {  	v8 =	vld [tilespmem:s24+$0x19000];
	v4 =	vadd.s32 v9, v4  }
0x81: {  	v9 =	vld [tilespmem:s24+$0x19800];
	v4 =	vadd.s32 v10, v4  }
0x82: {  	v10 =	vld [tilespmem:s24+$0x1A000];
	v4 =	vadd.s32 v5, v4  }
0x83: {  	v5 =	vld [tilespmem:s24+$0x1A800];
	v4 =	vadd.s32 v6, v4  }
0x84: {  	v4 =	vadd.s32 v7, v4  }
0x85: {  	v4 =	vadd.s32 v8, v4  }
0x86: {  	v4 =	vadd.s32 v9, v4  }
0x87: {  	v4 =	vadd.s32 v10, v4  }
0x88: {  	s23 =	sadd.s32 $0x10, s23;
	v4 =	vadd.s32 v5, v4  }
0x89: {  	s25 =	simm.s32 $0x7F0;
	[tilespmem:s23+$0x0] =	vst v4  }
0x8a: {  	v4 =	vld [tilespmem:s25+$0x1B000];
	_ =	sdelay $0x2  }
0x8b: {  	s26 =	simm.s32 $0x7E0  }
0x8c: {  	v7 =	vld [tilespmem:s26+$0x1B000]  }
0x8d: {  	(xrf0) =	vadd.scan.msk.s32 $0xffff, v4;
	_ =	sdelay $0x3  }
0x8e: {  	v5 =	vperm.xlane v4, v0;
	(xrf0) =	vadd.scan.msk.s32 $0xffff, v7;
	_ =	sdelay $0x1  }
0x8f: {  	s29 =	simm.s32 $0x7D0;
	(xrf0) =	vadd.scan.msk.s32 $0xffff, v5;
	v6, _, _ =	vpop (xrf0)  }
0x90: {  	v8 =	vld [tilespmem:s29+$0x1B000];
	(v2sf) =	vpush v6, $0xF;
	_ =	sdelay $0x2  }
0x91: {  	v5, _, _ =	vpop (xrf0)  }
0x92: {  	(v2sf) =	vpush v5, $0xF  }
0x93: {  	s30 =	simm.s32 $0x7C0;
	(xrf0) =	vadd.scan.msk.s32 $0xffff, v8;
	v6, _, _ =	vpop (xrf0)  }
0x94: {  	v9 =	vld [tilespmem:s30+$0x1B000];
	v5 =	vperm.xlane v7, v0;
	v6 =	vperm.xlane v6, v0  }
0x95: {  	s23 =	simm.s32 $0x0  }
0x96: {  	(xrf0) =	vadd.scan.msk.s32 $0xffff, v5;
	v6 =	vadd.s32 s23, v6;
	_ =	sdelay $0x1  }
0x97: {  	v5 =	vperm.xlane v8, v0  }
0x98: {  	(xrf0) =	vadd.scan.msk.s32 $0xffff, v9;
	vm2 =	vgt.s32 v6, $0x1FFFFF;
	v6, _, _ =	vpop (xrf0)  }
0x99: {  	s31 =	simm.s32 $0x7B0;
	(xrf0) =	vadd.scan.msk.s32 $0xffff, v5;
	v5 =	vsel vm2, $0x1, v1;
	(v2sf) =	vpush v6, $0xF  }
0x9a: {  	(xrf0) =	vadd.scan.msk.s32 $0xffff, v5;
	v5 =	vld [tilespmem:s31+$0x1B000]  }
0x9b: {  	v6, _, _ =	vpop (xrf0)  }
0x9c: {  	v6 =	vperm.xlane v6, v0;
	s0 =	spop (v2sf)  }
0x9d: {  	v4 =	vsel vm2, $0x0, v4;
	s24 =	sadd.s32 $0x0, s0  }
0x9e: {  	v11 =	vperm.xlane v9, v0;
	(xrf0) =	vadd.scan.msk.s32 $0xffff, v4;
	v10, _, _ =	vpop (xrf0);
	v4 =	vadd.s32 s24, v6  }
0x9f: {  	s3 =	simm.s32 $0x7A0;
	(v2sf) =	vpush v10, $0xF;
	v10, _, _ =	vpop (xrf0);
	(xrf0) =	vadd.scan.msk.s32 $0xffff, v5;
	vm2 =	vgt.s32 v4, $0x1FFFFF  }
0xa0: {  	v10 =	vperm.xlane v10, v0;
	(xrf0) =	vadd.scan.msk.s32 $0xffff, v11;
	s14 =	spop (v2sf);
	v6 =	vld [tilespmem:s3+$0x1B000];
	v4 =	vsel vm2, $0x1, v1  }
0xa1: {  	v12, _, _ =	vpop (xrf0);
	s24 =	sadd.s32 s24, s14;
	v7 =	vsel vm2, $0x0, v7;
	(xrf0) =	vadd.scan.msk.s32 $0xffff, v4  }
0xa2: {  	v11 =	vperm.xlane v5, v0;
	(xrf0) =	vadd.scan.msk.s32 $0xffff, v7;
	v7 =	vadd.s32 s24, v10  }
0xa3: {  	vm2 =	vgt.s32 v7, $0x1FFFFF  }
0xa4: {  	s19 =	simm.s32 $0x790;
	v10 =	vsel vm2, $0x1, v1  }
0xa5: {  	v4 =	vld [tilespmem:s19+$0x1B000];
	(xrf0) =	vadd.scan.msk.s32 $0xffff, v6;
	v7, _, _ =	vpop (xrf0)  }
0xa6: {  	(xrf0) =	vadd.scan.msk.s32 $0xffff, v11;
	v11, _, _ =	vpop (xrf0)  }
0xa7: {  	(v2sf) =	vpush v12, $0xF;
	v8 =	vsel vm2, $0x0, v8;
	(xrf0) =	vadd.scan.msk.s32 $0xffff, v10;
	v10, _, _ =	vpop (xrf0)  }
0xa8: {  	s26 =	spop (v2sf);
	(v2sf) =	vpush v7, $0xF;
	(xrf0) =	vadd.scan.msk.s32 $0xffff, v8;
	v8 =	vperm.xlane v10, v0  }
0xa9: {  	s24 =	sadd.s32 s24, s26;
	(v2sf) =	vpush v11, $0xF;
	v11 =	vperm.xlane v6, v0;
	v7, _, _ =	vpop (xrf0)  }
0xaa: {  	(xrf0) =	vadd.scan.msk.s32 $0xffff, v4;
	v10, _, _ =	vpop (xrf0);
	(v2sf) =	vpush v7, $0xF;
	v62 =	vadd.s32 s24, v8  }
0xab: {  	v7, _, _ =	vpop (xrf0);
	(v2sf) =	vpush v10, $0xF;
	vm2 =	vgt.s32 v62, $0x1FFFFF  }
0xac: {  	v10, _, _ =	vpop (xrf0);
	(v2sf) =	vpush v7, $0xF;
	v7 =	vsel vm2, $0x1, v1  }
0xad: {  	(xrf0) =	vadd.scan.msk.s32 $0xffff, v11;
	v11, _, _ =	vpop (xrf0)  }
0xae: {  	(v2sf) =	vpush v11, $0xF  }
0xaf: {  	(xrf0) =	vadd.scan.msk.s32 $0xffff, v7;
	v7, _, _ =	vpop (xrf0)  }
0xb0: {  	s30 =	spop (v2sf);
	(v2sf) =	vpush v7, $0xF;
	v11, _, _ =	vpop (xrf0)  }
0xb1: {  	(v2sf) =	vpush v11, $0xF;
	_ =	sdelay $0x1  }
0xb2: {  	s29 =	simm.s32 $0x780  }
0xb3: {  	v8 =	vld [tilespmem:s29+$0x1B000];
	_ =	sdelay $0x1  }
0xb4: {  	v10 =	vperm.xlane v10, v0;
	v12 =	vsel vm2, $0x0, v9  }
0xb5: {  	s26 =	sadd.s32 s24, s30;
	(xrf0) =	vadd.scan.msk.s32 $0xffff, v12  }
0xb6: {  	s31 =	simm.s32 $0x770;
	v9 =	vperm.xlane v4, v0;
	v63 =	vadd.s32 s26, v10  }
0xb7: {  	s28 =	simm.s32 $0x1D80;
	s25 =	spop (v2sf);
	s24 =	simm.s32 $0x0;
	v10 =	vperm.xlane v8, v0;
	vm2 =	vgt.s32 v63, $0x1FFFFF;
	(xrf0) =	vadd.scan.msk.s32 $0xffff, v8;
	v7 =	vld [tilespmem:s31+$0x1B000]  }
.LBB2_4:
0xb8: {  	(xrf0) =	vadd.scan.msk.s32 $0xffff, v9;
	v11, _, _ =	vpop (xrf0);
	v12 =	vsel vm2, $0x1, v1;
	s23 =	sadd.s32 s23, s25;
	s25 =	spop (v2sf)  }
0xb9: {  	v13 =	vsel vm2, $0x0, v5;
	v9 =	vmovc v10;
	v5 =	vmovc v6;
	v6 =	vmov v4;
	v4 =	vmov v8;
	s29 =	smov.u32 s28;
	s30 =	sadd.s32 $0xFFFFFFC0, s28;
	p1 =	sne.s32 s28, $0x0  }
.Ltmp1:
0xba: {  	(xrf0) =	vadd.scan.msk.s32 $0xffff, v12;
	v8, _, _ =	vpop (xrf0);
	s24 =	sadd.s32 s24, s25;
	(pc) =	sbr.rel @p1 .LBB2_4-.Ltmp1, $4  }
0xbb: {  	v11 =	vperm.xlane v11, v0;
	(xrf0) =	vadd.scan.msk.s32 $0xffff, v13;
	s25 =	spop (v2sf);
	(v2sf) =	vpush v8, $0xF;
	v8, _, _ =	vpop (xrf0)  }
0xbc: {  	s26 =	sadd.s32 s26, s25;
	(v2sf) =	vpush v8, $0xF  }
0xbd: {  	s25 =	sshra.s32 s29, $0x2;
	v10 =	vperm.xlane v7, v0;
	(xrf0) =	vadd.scan.msk.s32 $0xffff, v7;
	v12, _, _ =	vpop (xrf0);
	v11 =	vadd.s32 s26, v11;
	v8 =	vmov v7  }
0xbe: {  	s28 =	smov.u32 s30;
	v7 =	vld [tilespmem:s25+$0x1B000];
	(v2sf) =	vpush v12, $0xF;
	vm2 =	vgt.s32 v11, $0x1FFFFF;
	s25 =	spop (v2sf)  }
0xbf: {  	_ = 	snop  }
0xc0: {  	v11, _, _ =	vpop (xrf0)  }
0xc1: {  	v12, _, _ =	vpop (xrf0)  }
0xc2: {  	(v2sf) =	vpush v12, $0xF;
	v56, _, _ =	vpop (xrf0)  }
0xc3: {  	s28 =	spop (v2sf);
	(v2sf) =	vpush v56, $0xF;
	v57, _, _ =	vpop (xrf0)  }
0xc4: {  	(xrf0) =	vadd.scan.msk.s32 $0xffff, v9;
	v58 =	vsel vm2, $0x1, v1;
	v11 =	vperm.xlane v11, v0;
	s29 =	spop (v2sf);
	(v2sf) =	vpush v57, $0xF  }
0xc5: {  	v5 =	vsel vm2, $0x0, v5;
	(xrf0) =	vadd.scan.msk.s32 $0xffff, v58;
	s30 =	sadd.s32 s26, s29  }
0xc6: {  	(xrf0) =	vadd.scan.msk.s32 $0xffff, v5;
	v5 =	vadd.s32 s30, v11  }
0xc7: {  	vm2 =	vgt.s32 v5, $0x1FFFFF  }
0xc8: {  	(xrf0) =	vadd.scan.msk.s32 $0xffff, v7;
	v5 =	vsel vm2, $0x1, v1  }
0xc9: {  	(xrf0) =	vadd.scan.msk.s32 $0xffff, v10;
	v6 =	vsel vm2, $0x0, v6  }
0xca: {  	v59 =	vperm.xlane v7, v0;
	(xrf0) =	vadd.scan.msk.s32 $0xffff, v5  }
0xcb: {  	s29 =	spop (v2sf);
	v5, _, _ =	vpop (xrf0);
	(xrf0) =	vadd.scan.msk.s32 $0xffff, v6  }
0xcc: {  	s26 =	spop (v2sf);
	v6, _, _ =	vpop (xrf0);
	(xrf0) =	vadd.scan.msk.s32 $0xffff, v59  }
0xcd: {  	s31 =	spop (v2sf);
	v5 =	vperm.xlane v5, v0;
	v60, _, _ =	vpop (xrf0)  }
0xce: {  	s30 =	sadd.s32 s30, s31;
	v61, _, _ =	vpop (xrf0);
	s0 =	spop (v2sf)  }
0xcf: {  	v5 =	vadd.s32 s30, v5;
	v62, _, _ =	vpop (xrf0);
	s3 =	spop (v2sf)  }
0xd0: {  	v63, _, _ =	vpop (xrf0);
	s19 =	spop (v2sf)  }
0xd1: {  	v11 =	vperm.xlane v62, v0;
	v13, _, _ =	vpop (xrf0);
	s14 =	spop (v2sf)  }
0xd2: {  	vm2 =	vgt.s32 v5, $0x1FFFFF;
	s30 =	sadd.s32 s30, s19;
	v5, _, _ =	vpop (xrf0);
	s31 =	spop (v2sf)  }
0xd3: {  	v14 =	vsel vm2, $0x1, v1;
	v11 =	vadd.s32 s30, v11;
	v5 =	vperm.xlane v5, v0;
	s19 =	spop (v2sf)  }
0xd4: {  	v4 =	vsel vm2, $0x0, v4;
	(xrf0) =	vadd.scan.msk.s32 $0xffff, v14;
	vm2 =	vgt.s32 v11, $0x1FFFFF;
	s19 =	sadd.s32 s30, s19  }
0xd5: {  	(xrf0) =	vadd.scan.msk.s32 $0xffff, v4;
	v4 =	vsel vm2, $0x1, v1;
	v5 =	vadd.s32 s19, v5  }
0xd6: {  	(v2sf) =	vpush v6, $0xF;
	v6 =	vsel vm2, $0x0, v8;
	(xrf0) =	vadd.scan.msk.s32 $0xffff, v4;
	vm2 =	vgt.s32 v5, $0x1FFFFF  }
0xd7: {  	(v2sf) =	vpush v60, $0xF;
	(xrf0) =	vadd.scan.msk.s32 $0xffff, v6;
	v4 =	vsel vm2, $0x1, v1  }
0xd8: {  	(v2sf) =	vpush v61, $0xF;
	(xrf0) =	vadd.scan.msk.s32 $0xffff, v4;
	v4 =	vsel vm2, $0x0, v7  }
0xd9: {  	(v2sf) =	vpush v63, $0xF  }
0xda: {  	(v2sf) =	vpush v13, $0xF;
	v5, _, _ =	vpop (xrf0);
	(xrf0) =	vadd.scan.msk.s32 $0xffff, v4  }
0xdb: {  	(v2sf) =	vpush v5, $0xF;
	v4, _, _ =	vpop (xrf0)  }
0xdc: {  	(v2sf) =	vpush v4, $0xF;
	v4, _, _ =	vpop (xrf0)  }
0xdd: {  	(v2sf) =	vpush v4, $0xF;
	v4, _, _ =	vpop (xrf0)  }
0xde: {  	(v2sf) =	vpush v4, $0xF;
	v4, _, _ =	vpop (xrf0)  }
0xdf: {  	(v2sf) =	vpush v4, $0xF  }
0xe0: {  	v4, _, _ =	vpop (xrf0)  }
0xe1: {  	(v2sf) =	vpush v4, $0xF;
	_ =	sdelay $0x3  }
0xe2: {  	s19 =	spop (v2sf)  }
0xe3: {  	s30 =	spop (v2sf)  }
0xe4: {  	s23 =	sadd.s32 s23, s25;
	s25 =	spop (v2sf)  }
0xe5: {  	s23 =	sadd.s32 s23, s29;
	s25 =	spop (v2sf)  }
0xe6: {  	s24 =	sadd.s32 s24, s28;
	s0 =	sadd.s32 s23, s0;
	s23 =	spop (v2sf)  }
0xe7: {  	s24 =	sadd.s32 s24, s26;
	s0 =	sadd.s32 s0, s14;
	s29 =	spop (v2sf)  }
0xe8: {  	s3 =	sadd.s32 s24, s3;
	s0 =	sadd.s32 s0, s19;
	s19 =	spop (v2sf)  }
0xe9: {  	s3 =	sadd.s32 s3, s31;
	s0 =	sadd.s32 s0, s25;
	s26 =	spop (v2sf)  }
0xea: {  	s3 =	sadd.s32 s3, s30;
	s0 =	sadd.s32 s0, s29;
	s28 =	spop (v2sf)  }
0xeb: {  	s3 =	sadd.s32 s3, s23;
	s0 =	sadd.s32 s0, s26;
	s29 =	spop (v2sf)  }
0xec: {  	s3 =	sadd.s32 s3, s19;
	s0 =	sadd.s32 s0, s29  }
0xed: {  	s3 =	sadd.s32 s3, s28;
	s30 =	spop (v2sf);
	s0 =	sadd.s32 $0xFFFFFFFF, s0  }
0xee: {  	s3 =	sadd.s32 s3, s30;
	v4 =	vmov s0  }
0xef: {  	s31 =	ssub.s32 $0x200000, s3;
	v5 =	vnsel vm0, $0x0, v4  }
0xf0: {  	v5 =	vsel vm1, s31, v5  }
0xf1: {  	s0 =	simm.s32 @!p0 $0x0;
	s3 =	simm.s32 @!p0 $0x1B800;
	[tilespmem:$0x1B800] =	vst v5  }
0xf2: {  	[hbm4b:s6+s0] =	stream.linear.scatter @!p0 [tilespmem:s3], [sflag:$0x3], $0x80, $0x38;
	[tilespmem:$0x1B880] =	vst v63  }
0xf3: {  	s0 =	simm.s32 @!p0 $0x3  }
0xf4: {  	_ =	swait.ge @!p0 [sflag:s0], $0x80  }
0xf5: {  	[sflag:s0] =	ssyncset.done @!p0 $0x0  }
0xf6: {  	s24 =	simm.s32 $0x200;
	s23 =	simm.s32 $0x0;
	[sflag:s0] =	ssyncadd.s32 @!p0 $0xFFFFFF80  }
.LBB2_6:
0xf7: {  	p1 =	sne.s32 s24, $0x1FE00;
	[tilespmem:s23+$0x2870] =	vst v1  }
0xf8: {  	[tilespmem:s23+$0x2800] =	vst v1  }
0xf9: {  	[tilespmem:s23+$0x2810] =	vst v1  }
.Ltmp2:
0xfa: {  	[tilespmem:s23+$0x2820] =	vst v1;
	(pc) =	sbr.rel @p1 .LBB2_6-.Ltmp2, $4  }
0xfb: {  	[tilespmem:s23+$0x2830] =	vst v1  }
0xfc: {  	[tilespmem:s23+$0x2840] =	vst v1  }
0xfd: {  	[tilespmem:s23+$0x2850] =	vst v1  }
0xfe: {  	[tilespmem:s23+$0x2860] =	vst v1;
	s23 =	sshra.s32 s24, $0x2;
	s24 =	sadd.s32 $0x200, s24  }
0xff: {  	[tilespmem:s23+$0x2870] =	vst v1  }
0x100: {  	[tilespmem:s23+$0x2800] =	vst v1  }
0x101: {  	[tilespmem:s23+$0x2810] =	vst v1  }
0x102: {  	[tilespmem:s23+$0x2820] =	vst v1  }
0x103: {  	[tilespmem:s23+$0x2830] =	vst v1  }
0x104: {  	[tilespmem:s23+$0x2840] =	vst v1  }
0x105: {  	[tilespmem:s23+$0x2850] =	vst v1  }
0x106: {  	[tilespmem:s23+$0x2860] =	vst v1;
	s23 =	simm.s32 $0x0;
	s0 =	simm.s32 $0x800  }
0x107: {  	[tilespmem:s0], [sflag:$0x1] =	stream.linear.gather [hbm4b:s7+s23], $0x1000, $0x38;
	[tilespmem:$0x1B880] =	vst v63  }
0x108: {  	_ = 	snop  }
0x109: {  	[tilespmem:s15], [sflag:$0x2] =	stream.linear.gather [hbm4b:s8+s23], $0x1000, $0x38;
	[tilespmem:$0x1B880] =	vst v63  }
.LBB2_8:
0x10a: {  	_ =	swait.ge [sflag:s16], $0x1000  }
0x10b: {  	[sflag:s16] =	ssyncset.done $0x0  }
0x10c: {  	s24 =	simm.s32 $0x0;
	[sflag:s16] =	ssyncadd.s32 $0xFFFFF000  }
0x10d: {  	v5 =	vld [tilespmem:s24+$0x860]  }
0x10e: {  	v7 =	vld [tilespmem:s24+$0x820]  }
0x10f: {  	v8 =	vld [tilespmem:s24+$0x1010]  }
0x110: {  	v9 =	vld [tilespmem:s24+$0x10]  }
0x111: {  	v6 =	vld [tilespmem:s24+$0x810]  }
0x112: {  	v10 =	vld [tilespmem:s24+$0x1040]  }
0x113: {  	v11 =	vld [tilespmem:s24+$0x0]  }
0x114: {  	v12 =	vld [tilespmem:s24+$0x800]  }
0x115: {  	v13 =	vld [tilespmem:s24+$0x1000]  }
0x116: {  	v20 =	vld [tilespmem:s24+$0x830]  }
0x117: {  	v14 =	vld [tilespmem:s24+$0x1020]  }
0x118: {  	v15 =	vld [tilespmem:s24+$0x20];
	v6 =	vand.u32 $0x7FFFFFFF, v6  }
0x119: {  	v8 =	vand.u32 $0x7FFFFFFF, v8;
	v17 =	vand.u32 $0x7FFFFFFF, v10;
	v10 =	vand.u32 $0x7FFFFFFF, v12  }
0x11a: {  	v7 =	vand.u32 $0x7FFFFFFF, v7;
	v12 =	vand.u32 $0x7FFFFFFF, v5;
	v13 =	vand.u32 $0x7FFFFFFF, v13  }
0x11b: {  	v19 =	vld [tilespmem:s24+$0x1030];
	v20 =	vand.u32 $0x7FFFFFFF, v20;
	v16 =	vmul.f32 v6, v9;
	v18 =	vmul.f32 v10, v11  }
0x11c: {  	v6 =	vld [tilespmem:s24+$0x60];
	v11 =	vmul.f32 v13, v11;
	v13 =	vand.u32 $0x7FFFFFFF, v14;
	v14 =	vmul.f32 v8, v9  }
0x11d: {  	v22 =	vld [tilespmem:s24+$0x840];
	v7 =	vmul.f32 v7, v15;
	v5 =	vshrl.u32 v16, $0x14;
	v10 =	vshrl.u32 v16, $0x9  }
0x11e: {  	v21 =	vshrl.u32 v18, $0x9;
	v23 =	vshrl.u32 v11, $0x14;
	v11 =	vshrl.u32 v11, $0x9  }
0x11f: {  	v9 =	vld [tilespmem:s24+$0x30];
	vm2 =	veq.s32 v5, v4;
	v5 =	vand.u32 $0x7FF, v10;
	v10 =	vshrl.u32 v18, $0x14  }
0x120: {  	v16 =	vld [tilespmem:s24+$0x40];
	v18 =	vmul.f32 v13, v15;
	v13 =	vand.u32 $0x7FFFFFFF, v19;
	v15 =	vshrl.u32 v7, $0x14  }
0x121: {  	v7 =	vshrl.u32 v7, $0x9;
	v19 =	vshrl.u32 v14, $0x9;
	v8 =	vmul.f32 v12, v6;
	v12 =	vld [tilespmem:s24+$0x1060]  }
0x122: {  	v24 =	vand.u32 $0x7FF, v11;
	v11 =	vand.u32 $0x7FFFFFFF, v22;
	vm6 =	veq.s32 v23, v4  }
0x123: {  	v5 =	vor.u32 v2, v5;
	vm3 =	veq.s32 v15, v4;
	v7 =	vand.u32 $0x7FF, v7  }
0x124: {  	v25 =	vld [tilespmem:s24+$0x850];
	v15 =	vand.u32 $0x7FF, v21;
	v7 =	vor.u32 v2, v7;
	v27 =	vmul.f32 v20, v9  }
0x125: {  	v26 =	vshrl.u32 v18, $0x9;
	v22 =	vmul.f32 v17, v16;
	v16 =	vmul.f32 v11, v16  }
0x126: {  	v23 =	vshrl.u32 v27, $0x14;
	v17 =	vand.u32 $0x7FFFFFFF, v12;
	v12 =	vor.u32 v2, v15;
	v15 =	vld [tilespmem:s24+$0x50]  }
0x127: {  	v26 =	vand.u32 $0x7FF, v26;
	v11 =	vand.u32 $0x7FF, v19;
	vm5 =	veq.s32 v23, v4;
	v23 =	vld [tilespmem:s24+$0x1050]  }
0x128: {  	v11 =	vor.u32 v2, v11;
	v19 =	vshrl.u32 v16, $0x14;
	v21 =	vshrl.u32 v22, $0x9  }
0x129: {  	v20 =	vshrl.u32 v22, $0x14;
	v16 =	vshrl.u32 v16, $0x9;
	v22 =	vand.u32 $0x7FFFFFFF, v25  }
0x12a: {  	v25 =	vshrl.u32 v27, $0x9;
	vm4 =	veq.s32 v19, v4;
	v19 =	vor.u32 v2, v24  }
0x12b: {  	s25 =	simm.s32 $0x200;
	v24 =	vand.u32 $0x7FF, v16;
	v16 =	vor.u32 v2, v26;
	v22 =	vmul.f32 v22, v15  }
.LBB2_9:
0x12c: {  	p1 =	sne.s32 s25, $0x1E00;
	v23 =	vand.u32 $0x7FFFFFFF, v23;
	v14 =	vshrl.u32 v14, $0x14;
	v18 =	vshrl.u32 v18, $0x14;
	s26 =	smov.u32 s25;
	s25 =	sadd.s32 $0x200, s25  }
0x12d: {  	v24 =	vor.u32 v2, v24;
	vm10 =	veq.s32 v14, v4;
	v14 =	vand.u32 $0x7FF, v25  }
0x12e: {  	v21 =	vand.u32 $0x7FF, v21;
	vm9 =	veq.s32 v18, v4;
	v18 =	vshrl.u32 v22, $0x14  }
0x12f: {  	vm11 =	veq.s32 v10, v4;
	v15 =	vmul.f32 v23, v15;
	vm7 =	veq.s32 v18, v4  }
0x130: {  	v9 =	vmul.f32 v13, v9;
	v10 =	vshrl.u32 v22, $0x9  }
0x131: {  	v18 =	vshrl.u32 v8, $0x9;
	v14 =	vor.u32 v2, v14;
	v13 =	vshrl.u32 v15, $0x14  }
0x132: {  	v6 =	vmul.f32 v17, v6;
	v8 =	vshrl.u32 v8, $0x14;
	v15 =	vshrl.u32 v15, $0x9;
	v22 =	vld [tilespmem:s24+$0x1070]  }
0x133: {  	vm8 =	veq.s32 v20, v4;
	v20 =	vshrl.u32 v9, $0x9;
	v18 =	vand.u32 $0x7FF, v18;
	v17 =	vld [tilespmem:s24+$0x870]  }
0x134: {  	v21 =	vor.u32 v2, v21;
	v10 =	vand.u32 $0x7FF, v10;
	v20 =	vand.u32 $0x7FF, v20;
	v23 =	vld [tilespmem:s24+$0x70]  }
0x135: {  	v25 =	vshrl.u32 v6, $0x14;
	v10 =	vor.u32 v2, v10;
	[tilespmem:v12+s17+$0x0] =	vst.idx.add.s32.msk vm11, v3;
	v12 =	vand.u32 $0x7FF, v15  }
0x136: {  	v9 =	vshrl.u32 v9, $0x14;
	v6 =	vshrl.u32 v6, $0x9;
	v15 =	vor.u32 v2, v20;
	[tilespmem:v19+s17+$0x0] =	vst.idx.add.s32.msk vm6, v3  }
0x137: {  	vm6 =	veq.s32 v9, v4;
	[tilespmem:v5+s17+$0x0] =	vst.idx.add.s32.msk vm2, v3;
	v5 =	vand.u32 $0x7FF, v6  }
0x138: {  	v9 =	vand.u32 $0x7FFFFFFF, v22;
	v6 =	vand.u32 $0x7FFFFFFF, v17;
	[tilespmem:v11+s17+$0x0] =	vst.idx.add.s32.msk vm10, v3  }
0x139: {  	v6 =	vmul.f32 v6, v23;
	v9 =	vmul.f32 v9, v23;
	[tilespmem:v7+s17+$0x0] =	vst.idx.add.s32.msk vm3, v3  }
0x13a: {  	v7 =	vor.u32 v2, v18;
	[tilespmem:v16+s17+$0x0] =	vst.idx.add.s32.msk vm9, v3  }
0x13b: {  	vm2 =	veq.s32 v13, v4;
	v11 =	vshrl.u32 v9, $0x14;
	v13 =	vshrl.u32 v6, $0x9;
	[tilespmem:v14+s17+$0x0] =	vst.idx.add.s32.msk vm5, v3  }
0x13c: {  	vm3 =	veq.s32 v8, v4;
	v8 =	vor.u32 v2, v12;
	v12 =	vand.u32 $0x7FF, v13  }
0x13d: {  	vm5 =	veq.s32 v25, v4;
	v6 =	vshrl.u32 v6, $0x14;
	v9 =	vshrl.u32 v9, $0x9;
	[tilespmem:v15+s17+$0x0] =	vst.idx.add.s32.msk vm6, v3  }
0x13e: {  	v5 =	vor.u32 v2, v5;
	vm6 =	veq.s32 v6, v4;
	v6 =	vand.u32 $0x7FF, v9;
	[tilespmem:v24+s17+$0x0] =	vst.idx.add.s32.msk vm4, v3  }
0x13f: {  	v9 =	vor.u32 v2, v12;
	vm4 =	veq.s32 v11, v4;
	[tilespmem:v21+s17+$0x0] =	vst.idx.add.s32.msk vm8, v3  }
0x140: {  	v6 =	vor.u32 v2, v6;
	[tilespmem:v10+s17+$0x0] =	vst.idx.add.s32.msk vm7, v3  }
0x141: {  	[tilespmem:v8+s17+$0x0] =	vst.idx.add.s32.msk vm2, v3  }
0x142: {  	[tilespmem:v7+s17+$0x0] =	vst.idx.add.s32.msk vm3, v3  }
0x143: {  	[tilespmem:v5+s17+$0x0] =	vst.idx.add.s32.msk vm5, v3  }
0x144: {  	[tilespmem:v9+s17+$0x0] =	vst.idx.add.s32.msk vm6, v3  }
0x145: {  	s24 =	sshra.s32 s26, $0x2;
	[tilespmem:v6+s17+$0x0] =	vst.idx.add.s32.msk vm4, v3  }
0x146: {  	v5 =	vld [tilespmem:s24+$0x860]  }
0x147: {  	v7 =	vld [tilespmem:s24+$0x820]  }
0x148: {  	v8 =	vld [tilespmem:s24+$0x1010]  }
0x149: {  	v10 =	vld [tilespmem:s24+$0x10]  }
0x14a: {  	v6 =	vld [tilespmem:s24+$0x810]  }
0x14b: {  	v9 =	vld [tilespmem:s24+$0x1040]  }
0x14c: {  	v11 =	vld [tilespmem:s24+$0x0]  }
0x14d: {  	v12 =	vld [tilespmem:s24+$0x800]  }
0x14e: {  	v13 =	vld [tilespmem:s24+$0x1000]  }
0x14f: {  	v14 =	vld [tilespmem:s24+$0x1020];
	v6 =	vand.u32 $0x7FFFFFFF, v6  }
0x150: {  	v16 =	vld [tilespmem:s24+$0x20];
	v15 =	vmul.f32 v6, v10  }
0x151: {  	v8 =	vand.u32 $0x7FFFFFFF, v8;
	v17 =	vand.u32 $0x7FFFFFFF, v9;
	v6 =	vld [tilespmem:s24+$0x60]  }
0x152: {  	v7 =	vand.u32 $0x7FFFFFFF, v7;
	v19 =	vld [tilespmem:s24+$0x1030];
	v9 =	vand.u32 $0x7FFFFFFF, v12;
	v12 =	vand.u32 $0x7FFFFFFF, v5  }
0x153: {  	v5 =	vshrl.u32 v15, $0x14;
	v15 =	vshrl.u32 v15, $0x9;
	v20 =	vld [tilespmem:s24+$0x830];
	v18 =	vmul.f32 v9, v11  }
0x154: {  	v13 =	vand.u32 $0x7FFFFFFF, v13;
	vm2 =	veq.s32 v5, v4;
	v5 =	vand.u32 $0x7FF, v15;
	v9 =	vld [tilespmem:s24+$0x30]  }
0x155: {  	v11 =	vmul.f32 v13, v11;
	v13 =	vand.u32 $0x7FFFFFFF, v14;
	v5 =	vor.u32 v2, v5;
	v15 =	vld [tilespmem:s24+$0x50]  }
0x156: {  	v14 =	vmul.f32 v8, v10;
	v10 =	vshrl.u32 v18, $0x14;
	v22 =	vshrl.u32 v18, $0x9;
	v21 =	vld [tilespmem:s24+$0x40]  }
0x157: {  	v7 =	vmul.f32 v7, v16;
	v8 =	vmul.f32 v12, v6;
	v24 =	vshrl.u32 v11, $0x14;
	v23 =	vld [tilespmem:s24+$0x840]  }
0x158: {  	v18 =	vmul.f32 v13, v16;
	v13 =	vand.u32 $0x7FFFFFFF, v19;
	v12 =	vld [tilespmem:s24+$0x1060];
	v16 =	vand.u32 $0x7FFFFFFF, v20  }
0x159: {  	v11 =	vshrl.u32 v11, $0x9;
	v19 =	vshrl.u32 v7, $0x14;
	v7 =	vshrl.u32 v7, $0x9  }
0x15a: {  	vm3 =	veq.s32 v19, v4;
	v19 =	vshrl.u32 v14, $0x9;
	v7 =	vand.u32 $0x7FF, v7;
	v25 =	vld [tilespmem:s24+$0x850]  }
0x15b: {  	v20 =	vand.u32 $0x7FF, v22;
	v22 =	vand.u32 $0x7FF, v11;
	v7 =	vor.u32 v2, v7  }
0x15c: {  	v27 =	vshrl.u32 v18, $0x9;
	v26 =	vmul.f32 v17, v21;
	v11 =	vand.u32 $0x7FFFFFFF, v23  }
0x15d: {  	v28 =	vmul.f32 v11, v21;
	v17 =	vand.u32 $0x7FFFFFFF, v12;
	v12 =	vor.u32 v2, v20  }
0x15e: {  	vm6 =	veq.s32 v24, v4;
	v16 =	vmul.f32 v16, v9;
	v11 =	vand.u32 $0x7FF, v19;
	v23 =	vld [tilespmem:s24+$0x1050]  }
.Ltmp3:
0x15f: {  	v21 =	vshrl.u32 v26, $0x9;
	v11 =	vor.u32 v2, v11;
	v19 =	vshrl.u32 v28, $0x14;
	(pc) =	sbr.rel @p1 .LBB2_9-.Ltmp3, $4  }
0x160: {  	v24 =	vshrl.u32 v16, $0x14;
	v20 =	vshrl.u32 v26, $0x14;
	v26 =	vshrl.u32 v28, $0x9  }
0x161: {  	vm5 =	veq.s32 v24, v4;
	v25 =	vand.u32 $0x7FFFFFFF, v25;
	vm4 =	veq.s32 v19, v4  }
0x162: {  	v27 =	vand.u32 $0x7FF, v27;
	v19 =	vor.u32 v2, v22;
	v24 =	vand.u32 $0x7FF, v26  }
0x163: {  	v22 =	vmul.f32 v25, v15;
	v25 =	vshrl.u32 v16, $0x9;
	v16 =	vor.u32 v2, v27  }
0x164: {  	v23 =	vand.u32 $0x7FFFFFFF, v23;
	v14 =	vshrl.u32 v14, $0x14  }
0x165: {  	v18 =	vshrl.u32 v18, $0x14;
	v24 =	vor.u32 v2, v24;
	vm11 =	veq.s32 v10, v4  }
0x166: {  	v9 =	vmul.f32 v13, v9;
	v6 =	vmul.f32 v17, v6;
	vm8 =	veq.s32 v20, v4  }
0x167: {  	vm10 =	veq.s32 v14, v4;
	v14 =	vand.u32 $0x7FF, v25;
	vm9 =	veq.s32 v18, v4  }
0x168: {  	v10 =	vshrl.u32 v22, $0x14;
	v18 =	vand.u32 $0x7FF, v21;
	v15 =	vmul.f32 v23, v15  }
0x169: {  	v13 =	vld [tilespmem:s24+$0x1070];
	vm7 =	veq.s32 v10, v4;
	v10 =	vshrl.u32 v22, $0x9;
	v22 =	vshrl.u32 v8, $0x9  }
0x16a: {  	v17 =	vld [tilespmem:s24+$0x70];
	v14 =	vor.u32 v2, v14;
	v8 =	vshrl.u32 v8, $0x14;
	v20 =	vshrl.u32 v9, $0x9  }
0x16b: {  	v23 =	vld [tilespmem:s24+$0x870];
	v18 =	vor.u32 v2, v18;
	v9 =	vshrl.u32 v9, $0x14;
	v21 =	vshrl.u32 v15, $0x14  }
0x16c: {  	v15 =	vshrl.u32 v15, $0x9;
	v22 =	vand.u32 $0x7FF, v22;
	v20 =	vand.u32 $0x7FF, v20;
	[tilespmem:v12+s17+$0x0] =	vst.idx.add.s32.msk vm11, v3  }
0x16d: {  	v10 =	vand.u32 $0x7FF, v10;
	v12 =	vshrl.u32 v6, $0x14;
	[tilespmem:v19+s17+$0x0] =	vst.idx.add.s32.msk vm6, v3;
	vm6 =	veq.s32 v9, v4  }
0x16e: {  	v6 =	vshrl.u32 v6, $0x9;
	v9 =	vor.u32 v2, v10;
	v10 =	vor.u32 v2, v20;
	[tilespmem:v5+s17+$0x0] =	vst.idx.add.s32.msk vm2, v3  }
0x16f: {  	v6 =	vand.u32 $0x7FF, v6;
	v5 =	vand.u32 $0x7FFFFFFF, v13;
	vm2 =	veq.s32 v21, v4;
	[tilespmem:v11+s17+$0x0] =	vst.idx.add.s32.msk vm10, v3  }
0x170: {  	v13 =	vand.u32 $0x7FFFFFFF, v23;
	v6 =	vor.u32 v2, v6;
	v5 =	vmul.f32 v5, v17;
	[tilespmem:v7+s17+$0x0] =	vst.idx.add.s32.msk vm3, v3  }
0x171: {  	v11 =	vand.u32 $0x7FF, v15;
	v13 =	vmul.f32 v13, v17;
	v7 =	vor.u32 v2, v22;
	[tilespmem:v16+s17+$0x0] =	vst.idx.add.s32.msk vm9, v3  }
0x172: {  	vm3 =	veq.s32 v8, v4;
	v8 =	vor.u32 v2, v11;
	v15 =	vshrl.u32 v5, $0x14;
	[tilespmem:v14+s17+$0x0] =	vst.idx.add.s32.msk vm5, v3  }
0x173: {  	v16 =	vshrl.u32 v13, $0x9;
	vm5 =	veq.s32 v12, v4;
	v12 =	vshrl.u32 v13, $0x14;
	[tilespmem:v10+s17+$0x0] =	vst.idx.add.s32.msk vm6, v3  }
0x174: {  	v5 =	vshrl.u32 v5, $0x9;
	v11 =	vand.u32 $0x7FF, v16;
	vm6 =	veq.s32 v12, v4;
	[tilespmem:v24+s17+$0x0] =	vst.idx.add.s32.msk vm4, v3  }
0x175: {  	v5 =	vand.u32 $0x7FF, v5;
	v10 =	vor.u32 v2, v11;
	vm4 =	veq.s32 v15, v4;
	[tilespmem:v18+s17+$0x0] =	vst.idx.add.s32.msk vm8, v3  }
0x176: {  	v5 =	vor.u32 v2, v5;
	[tilespmem:v9+s17+$0x0] =	vst.idx.add.s32.msk vm7, v3  }
0x177: {  	[tilespmem:v8+s17+$0x0] =	vst.idx.add.s32.msk vm2, v3  }
0x178: {  	p1 =	seq.s32 s23, $0xF;
	s24 =	sshll.u32 s23, $0xD;
	[tilespmem:v7+s17+$0x0] =	vst.idx.add.s32.msk vm3, v3  }
0x179: {  	s0 =	sadd.s32 @!p1 s24, s9;
	[tilespmem:v6+s17+$0x0] =	vst.idx.add.s32.msk vm5, v3  }
0x17a: {  	s0 =	sshrl.u32 @!p1 s0, $0x3;
	[tilespmem:v10+s17+$0x0] =	vst.idx.add.s32.msk vm6, v3  }
0x17b: {  	s3 =	simm.s32 @!p1 $0x0;
	s14 =	simm.s32 @!p1 $0x800;
	s0 =	sadd.s32 @!p1 s1, s0;
	[tilespmem:v5+s17+$0x0] =	vst.idx.add.s32.msk vm4, v3  }
0x17c: {  	[tilespmem:s14], [sflag:$0x1] =	stream.linear.gather @!p1 [hbm4b:s0+s3], $0x1000, $0x38;
	[tilespmem:$0x1B880] =	vst v63  }
0x17d: {  	_ =	swait.ge [sflag:s18], $0x1000  }
0x17e: {  	[sflag:s18] =	ssyncset.done $0x0  }
0x17f: {  	s25 =	simm.s32 $0x0;
	[sflag:s18] =	ssyncadd.s32 $0xFFFFF000  }
0x180: {  	v5 =	vld [tilespmem:s25+$0x1860]  }
0x181: {  	v7 =	vld [tilespmem:s25+$0x1820]  }
0x182: {  	v8 =	vld [tilespmem:s25+$0x2010]  }
0x183: {  	v9 =	vld [tilespmem:s25+$0x10]  }
0x184: {  	v6 =	vld [tilespmem:s25+$0x1810]  }
0x185: {  	v10 =	vld [tilespmem:s25+$0x2040]  }
0x186: {  	v11 =	vld [tilespmem:s25+$0x0]  }
0x187: {  	v12 =	vld [tilespmem:s25+$0x1800]  }
0x188: {  	v13 =	vld [tilespmem:s25+$0x2000]  }
0x189: {  	v20 =	vld [tilespmem:s25+$0x1830]  }
0x18a: {  	v14 =	vld [tilespmem:s25+$0x2020]  }
0x18b: {  	v15 =	vld [tilespmem:s25+$0x20];
	v6 =	vand.u32 $0x7FFFFFFF, v6  }
0x18c: {  	v8 =	vand.u32 $0x7FFFFFFF, v8;
	v17 =	vand.u32 $0x7FFFFFFF, v10;
	v10 =	vand.u32 $0x7FFFFFFF, v12  }
0x18d: {  	v7 =	vand.u32 $0x7FFFFFFF, v7;
	v12 =	vand.u32 $0x7FFFFFFF, v5;
	v13 =	vand.u32 $0x7FFFFFFF, v13  }
0x18e: {  	v19 =	vld [tilespmem:s25+$0x2030];
	v20 =	vand.u32 $0x7FFFFFFF, v20;
	v16 =	vmul.f32 v6, v9;
	v18 =	vmul.f32 v10, v11  }
0x18f: {  	v6 =	vld [tilespmem:s25+$0x60];
	v11 =	vmul.f32 v13, v11;
	v13 =	vand.u32 $0x7FFFFFFF, v14;
	v14 =	vmul.f32 v8, v9  }
0x190: {  	v22 =	vld [tilespmem:s25+$0x1840];
	v7 =	vmul.f32 v7, v15;
	v5 =	vshrl.u32 v16, $0x14;
	v10 =	vshrl.u32 v16, $0x9  }
0x191: {  	v21 =	vshrl.u32 v18, $0x9;
	v23 =	vshrl.u32 v11, $0x14;
	v11 =	vshrl.u32 v11, $0x9  }
0x192: {  	v9 =	vld [tilespmem:s25+$0x30];
	vm2 =	veq.s32 v5, v4;
	v5 =	vand.u32 $0x7FF, v10;
	v10 =	vshrl.u32 v18, $0x14  }
0x193: {  	v16 =	vld [tilespmem:s25+$0x40];
	v18 =	vmul.f32 v13, v15;
	v13 =	vand.u32 $0x7FFFFFFF, v19;
	v15 =	vshrl.u32 v7, $0x14  }
0x194: {  	v7 =	vshrl.u32 v7, $0x9;
	v19 =	vshrl.u32 v14, $0x9;
	v8 =	vmul.f32 v12, v6;
	v12 =	vld [tilespmem:s25+$0x2060]  }
0x195: {  	v24 =	vand.u32 $0x7FF, v11;
	v11 =	vand.u32 $0x7FFFFFFF, v22;
	vm6 =	veq.s32 v23, v4  }
0x196: {  	v5 =	vor.u32 v2, v5;
	vm3 =	veq.s32 v15, v4;
	v7 =	vand.u32 $0x7FF, v7  }
0x197: {  	v25 =	vld [tilespmem:s25+$0x1850];
	v15 =	vand.u32 $0x7FF, v21;
	v7 =	vor.u32 v2, v7;
	v27 =	vmul.f32 v20, v9  }
0x198: {  	v26 =	vshrl.u32 v18, $0x9;
	v22 =	vmul.f32 v17, v16;
	v16 =	vmul.f32 v11, v16  }
0x199: {  	v23 =	vshrl.u32 v27, $0x14;
	v17 =	vand.u32 $0x7FFFFFFF, v12;
	v12 =	vor.u32 v2, v15;
	v15 =	vld [tilespmem:s25+$0x50]  }
0x19a: {  	v26 =	vand.u32 $0x7FF, v26;
	v11 =	vand.u32 $0x7FF, v19;
	vm5 =	veq.s32 v23, v4;
	v23 =	vld [tilespmem:s25+$0x2050]  }
0x19b: {  	v11 =	vor.u32 v2, v11;
	v19 =	vshrl.u32 v16, $0x14;
	v21 =	vshrl.u32 v22, $0x9  }
0x19c: {  	v20 =	vshrl.u32 v22, $0x14;
	v16 =	vshrl.u32 v16, $0x9;
	v22 =	vand.u32 $0x7FFFFFFF, v25  }
0x19d: {  	v25 =	vshrl.u32 v27, $0x9;
	vm4 =	veq.s32 v19, v4;
	v19 =	vor.u32 v2, v24  }
0x19e: {  	s26 =	simm.s32 $0x200;
	v24 =	vand.u32 $0x7FF, v16;
	v16 =	vor.u32 v2, v26;
	v22 =	vmul.f32 v22, v15  }
.LBB2_11:
0x19f: {  	p2 =	sne.s32 s26, $0x1E00;
	v23 =	vand.u32 $0x7FFFFFFF, v23;
	v14 =	vshrl.u32 v14, $0x14;
	v18 =	vshrl.u32 v18, $0x14;
	s28 =	smov.u32 s26;
	s26 =	sadd.s32 $0x200, s26  }
0x1a0: {  	v24 =	vor.u32 v2, v24;
	vm10 =	veq.s32 v14, v4;
	v14 =	vand.u32 $0x7FF, v25  }
0x1a1: {  	v21 =	vand.u32 $0x7FF, v21;
	vm9 =	veq.s32 v18, v4;
	v18 =	vshrl.u32 v22, $0x14  }
0x1a2: {  	vm11 =	veq.s32 v10, v4;
	v15 =	vmul.f32 v23, v15;
	vm7 =	veq.s32 v18, v4  }
0x1a3: {  	v9 =	vmul.f32 v13, v9;
	v10 =	vshrl.u32 v22, $0x9  }
0x1a4: {  	v18 =	vshrl.u32 v8, $0x9;
	v14 =	vor.u32 v2, v14;
	v13 =	vshrl.u32 v15, $0x14  }
0x1a5: {  	v6 =	vmul.f32 v17, v6;
	v8 =	vshrl.u32 v8, $0x14;
	v15 =	vshrl.u32 v15, $0x9;
	v22 =	vld [tilespmem:s25+$0x2070]  }
0x1a6: {  	vm8 =	veq.s32 v20, v4;
	v20 =	vshrl.u32 v9, $0x9;
	v18 =	vand.u32 $0x7FF, v18;
	v17 =	vld [tilespmem:s25+$0x1870]  }
0x1a7: {  	v21 =	vor.u32 v2, v21;
	v10 =	vand.u32 $0x7FF, v10;
	v20 =	vand.u32 $0x7FF, v20;
	v23 =	vld [tilespmem:s25+$0x70]  }
0x1a8: {  	v25 =	vshrl.u32 v6, $0x14;
	v10 =	vor.u32 v2, v10;
	[tilespmem:v12+s17+$0x0] =	vst.idx.add.s32.msk vm11, v3;
	v12 =	vand.u32 $0x7FF, v15  }
0x1a9: {  	v9 =	vshrl.u32 v9, $0x14;
	v6 =	vshrl.u32 v6, $0x9;
	v15 =	vor.u32 v2, v20;
	[tilespmem:v19+s17+$0x0] =	vst.idx.add.s32.msk vm6, v3  }
0x1aa: {  	vm6 =	veq.s32 v9, v4;
	[tilespmem:v5+s17+$0x0] =	vst.idx.add.s32.msk vm2, v3;
	v5 =	vand.u32 $0x7FF, v6  }
0x1ab: {  	v9 =	vand.u32 $0x7FFFFFFF, v22;
	v6 =	vand.u32 $0x7FFFFFFF, v17;
	[tilespmem:v11+s17+$0x0] =	vst.idx.add.s32.msk vm10, v3  }
0x1ac: {  	v6 =	vmul.f32 v6, v23;
	v9 =	vmul.f32 v9, v23;
	[tilespmem:v7+s17+$0x0] =	vst.idx.add.s32.msk vm3, v3  }
0x1ad: {  	v7 =	vor.u32 v2, v18;
	[tilespmem:v16+s17+$0x0] =	vst.idx.add.s32.msk vm9, v3  }
0x1ae: {  	vm2 =	veq.s32 v13, v4;
	v11 =	vshrl.u32 v9, $0x14;
	v13 =	vshrl.u32 v6, $0x9;
	[tilespmem:v14+s17+$0x0] =	vst.idx.add.s32.msk vm5, v3  }
0x1af: {  	vm3 =	veq.s32 v8, v4;
	v8 =	vor.u32 v2, v12;
	v12 =	vand.u32 $0x7FF, v13  }
0x1b0: {  	vm5 =	veq.s32 v25, v4;
	v6 =	vshrl.u32 v6, $0x14;
	v9 =	vshrl.u32 v9, $0x9;
	[tilespmem:v15+s17+$0x0] =	vst.idx.add.s32.msk vm6, v3  }
0x1b1: {  	v5 =	vor.u32 v2, v5;
	vm6 =	veq.s32 v6, v4;
	v6 =	vand.u32 $0x7FF, v9;
	[tilespmem:v24+s17+$0x0] =	vst.idx.add.s32.msk vm4, v3  }
0x1b2: {  	v9 =	vor.u32 v2, v12;
	vm4 =	veq.s32 v11, v4;
	[tilespmem:v21+s17+$0x0] =	vst.idx.add.s32.msk vm8, v3  }
0x1b3: {  	v6 =	vor.u32 v2, v6;
	[tilespmem:v10+s17+$0x0] =	vst.idx.add.s32.msk vm7, v3  }
0x1b4: {  	[tilespmem:v8+s17+$0x0] =	vst.idx.add.s32.msk vm2, v3  }
0x1b5: {  	[tilespmem:v7+s17+$0x0] =	vst.idx.add.s32.msk vm3, v3  }
0x1b6: {  	[tilespmem:v5+s17+$0x0] =	vst.idx.add.s32.msk vm5, v3  }
0x1b7: {  	[tilespmem:v9+s17+$0x0] =	vst.idx.add.s32.msk vm6, v3  }
0x1b8: {  	s25 =	sshra.s32 s28, $0x2;
	[tilespmem:v6+s17+$0x0] =	vst.idx.add.s32.msk vm4, v3  }
0x1b9: {  	v5 =	vld [tilespmem:s25+$0x1860]  }
0x1ba: {  	v7 =	vld [tilespmem:s25+$0x1820]  }
0x1bb: {  	v8 =	vld [tilespmem:s25+$0x2010]  }
0x1bc: {  	v10 =	vld [tilespmem:s25+$0x10]  }
0x1bd: {  	v6 =	vld [tilespmem:s25+$0x1810]  }
0x1be: {  	v9 =	vld [tilespmem:s25+$0x2040]  }
0x1bf: {  	v11 =	vld [tilespmem:s25+$0x0]  }
0x1c0: {  	v12 =	vld [tilespmem:s25+$0x1800]  }
0x1c1: {  	v13 =	vld [tilespmem:s25+$0x2000]  }
0x1c2: {  	v14 =	vld [tilespmem:s25+$0x2020];
	v6 =	vand.u32 $0x7FFFFFFF, v6  }
0x1c3: {  	v16 =	vld [tilespmem:s25+$0x20];
	v15 =	vmul.f32 v6, v10  }
0x1c4: {  	v8 =	vand.u32 $0x7FFFFFFF, v8;
	v17 =	vand.u32 $0x7FFFFFFF, v9;
	v6 =	vld [tilespmem:s25+$0x60]  }
0x1c5: {  	v7 =	vand.u32 $0x7FFFFFFF, v7;
	v19 =	vld [tilespmem:s25+$0x2030];
	v9 =	vand.u32 $0x7FFFFFFF, v12;
	v12 =	vand.u32 $0x7FFFFFFF, v5  }
0x1c6: {  	v5 =	vshrl.u32 v15, $0x14;
	v15 =	vshrl.u32 v15, $0x9;
	v20 =	vld [tilespmem:s25+$0x1830];
	v18 =	vmul.f32 v9, v11  }
0x1c7: {  	v13 =	vand.u32 $0x7FFFFFFF, v13;
	vm2 =	veq.s32 v5, v4;
	v5 =	vand.u32 $0x7FF, v15;
	v9 =	vld [tilespmem:s25+$0x30]  }
0x1c8: {  	v11 =	vmul.f32 v13, v11;
	v13 =	vand.u32 $0x7FFFFFFF, v14;
	v5 =	vor.u32 v2, v5;
	v15 =	vld [tilespmem:s25+$0x50]  }
0x1c9: {  	v14 =	vmul.f32 v8, v10;
	v10 =	vshrl.u32 v18, $0x14;
	v22 =	vshrl.u32 v18, $0x9;
	v21 =	vld [tilespmem:s25+$0x40]  }
0x1ca: {  	v7 =	vmul.f32 v7, v16;
	v8 =	vmul.f32 v12, v6;
	v24 =	vshrl.u32 v11, $0x14;
	v23 =	vld [tilespmem:s25+$0x1840]  }
0x1cb: {  	v18 =	vmul.f32 v13, v16;
	v13 =	vand.u32 $0x7FFFFFFF, v19;
	v12 =	vld [tilespmem:s25+$0x2060];
	v16 =	vand.u32 $0x7FFFFFFF, v20  }
0x1cc: {  	v11 =	vshrl.u32 v11, $0x9;
	v19 =	vshrl.u32 v7, $0x14;
	v7 =	vshrl.u32 v7, $0x9  }
0x1cd: {  	vm3 =	veq.s32 v19, v4;
	v19 =	vshrl.u32 v14, $0x9;
	v7 =	vand.u32 $0x7FF, v7;
	v25 =	vld [tilespmem:s25+$0x1850]  }
0x1ce: {  	v20 =	vand.u32 $0x7FF, v22;
	v22 =	vand.u32 $0x7FF, v11;
	v7 =	vor.u32 v2, v7  }
0x1cf: {  	v27 =	vshrl.u32 v18, $0x9;
	v26 =	vmul.f32 v17, v21;
	v11 =	vand.u32 $0x7FFFFFFF, v23  }
0x1d0: {  	v28 =	vmul.f32 v11, v21;
	v17 =	vand.u32 $0x7FFFFFFF, v12;
	v12 =	vor.u32 v2, v20  }
0x1d1: {  	vm6 =	veq.s32 v24, v4;
	v16 =	vmul.f32 v16, v9;
	v11 =	vand.u32 $0x7FF, v19;
	v23 =	vld [tilespmem:s25+$0x2050]  }
.Ltmp4:
0x1d2: {  	v21 =	vshrl.u32 v26, $0x9;
	v11 =	vor.u32 v2, v11;
	v19 =	vshrl.u32 v28, $0x14;
	(pc) =	sbr.rel @p2 .LBB2_11-.Ltmp4, $4  }
0x1d3: {  	v24 =	vshrl.u32 v16, $0x14;
	v20 =	vshrl.u32 v26, $0x14;
	v26 =	vshrl.u32 v28, $0x9  }
0x1d4: {  	vm5 =	veq.s32 v24, v4;
	v25 =	vand.u32 $0x7FFFFFFF, v25;
	vm4 =	veq.s32 v19, v4  }
0x1d5: {  	v27 =	vand.u32 $0x7FF, v27;
	v19 =	vor.u32 v2, v22;
	v24 =	vand.u32 $0x7FF, v26  }
0x1d6: {  	v22 =	vmul.f32 v25, v15;
	v25 =	vshrl.u32 v16, $0x9;
	v16 =	vor.u32 v2, v27  }
0x1d7: {  	v23 =	vand.u32 $0x7FFFFFFF, v23;
	v14 =	vshrl.u32 v14, $0x14  }
0x1d8: {  	v18 =	vshrl.u32 v18, $0x14;
	v42 =	vand.u32 $0x7FF, v25;
	v24 =	vor.u32 v2, v24  }
0x1d9: {  	vm11 =	veq.s32 v10, v4;
	v44 =	vand.u32 $0x7FF, v21;
	v9 =	vmul.f32 v13, v9  }
0x1da: {  	v48 =	vshrl.u32 v8, $0x9;
	v6 =	vmul.f32 v17, v6;
	v50 =	vshrl.u32 v8, $0x14  }
0x1db: {  	vm8 =	veq.s32 v20, v4;
	vm10 =	veq.s32 v14, v4;
	vm9 =	veq.s32 v18, v4  }
0x1dc: {  	v46 =	vld [tilespmem:s25+$0x2070];
	v43 =	vshrl.u32 v22, $0x14;
	v15 =	vmul.f32 v23, v15;
	v45 =	vshrl.u32 v22, $0x9  }
0x1dd: {  	v49 =	vld [tilespmem:s25+$0x1870];
	v14 =	vor.u32 v2, v42;
	v22 =	vand.u32 $0x7FF, v48;
	v18 =	vor.u32 v2, v44  }
0x1de: {  	v51 =	vld [tilespmem:s25+$0x70];
	vm7 =	veq.s32 v43, v4;
	v52 =	vshrl.u32 v9, $0x9;
	v9 =	vshrl.u32 v9, $0x14  }
0x1df: {  	v10 =	vand.u32 $0x7FF, v45;
	v53 =	vshrl.u32 v6, $0x14;
	v6 =	vshrl.u32 v6, $0x9;
	[tilespmem:v12+s17+$0x0] =	vst.idx.add.s32.msk vm11, v3  }
0x1e0: {  	v47 =	vshrl.u32 v15, $0x14;
	v20 =	vand.u32 $0x7FF, v52;
	vm12 =	veq.s32 v9, v4;
	[tilespmem:v19+s17+$0x0] =	vst.idx.add.s32.msk vm6, v3  }
0x1e1: {  	v15 =	vshrl.u32 v15, $0x9;
	v54 =	vor.u32 v2, v10;
	v55 =	vor.u32 v2, v20;
	[tilespmem:v5+s17+$0x0] =	vst.idx.add.s32.msk vm2, v3  }
0x1e2: {  	v6 =	vand.u32 $0x7FF, v6;
	vm13 =	veq.s32 v53, v4;
	v56 =	vand.u32 $0x7FFFFFFF, v49;
	[tilespmem:v11+s17+$0x0] =	vst.idx.add.s32.msk vm10, v3  }
0x1e3: {  	v57 =	vand.u32 $0x7FF, v15;
	v6 =	vor.u32 v2, v6;
	v13 =	vmul.f32 v56, v51;
	[tilespmem:v7+s17+$0x0] =	vst.idx.add.s32.msk vm3, v3  }
0x1e4: {  	v60 =	vor.u32 v2, v57;
	v5 =	vand.u32 $0x7FFFFFFF, v46;
	vm2 =	veq.s32 v47, v4;
	[tilespmem:v16+s17+$0x0] =	vst.idx.add.s32.msk vm9, v3  }
0x1e5: {  	v59 =	vshrl.u32 v13, $0x9;
	v5 =	vmul.f32 v5, v51;
	vm3 =	veq.s32 v50, v4;
	[tilespmem:v14+s17+$0x0] =	vst.idx.add.s32.msk vm5, v3  }
0x1e6: {  	v62 =	vshrl.u32 v13, $0x14;
	v61 =	vand.u32 $0x7FF, v59;
	v7 =	vor.u32 v2, v22;
	[tilespmem:v55+s17+$0x0] =	vst.idx.add.s32.msk vm12, v3  }
0x1e7: {  	vm14 =	veq.s32 v62, v4;
	v58 =	vshrl.u32 v5, $0x14;
	v5 =	vshrl.u32 v5, $0x9;
	[tilespmem:v24+s17+$0x0] =	vst.idx.add.s32.msk vm4, v3  }
0x1e8: {  	v63 =	vor.u32 v2, v61;
	v5 =	vand.u32 $0x7FF, v5;
	vm15 =	veq.s32 v58, v4;
	[tilespmem:v18+s17+$0x0] =	vst.idx.add.s32.msk vm8, v3  }
0x1e9: {  	v5 =	vor.u32 v2, v5;
	[tilespmem:v54+s17+$0x0] =	vst.idx.add.s32.msk vm7, v3  }
.Ltmp5:
0x1ea: {  	[tilespmem:v60+s17+$0x0] =	vst.idx.add.s32.msk vm2, v3;
	(pc) =	sbr.rel @p1 .LBB2_13-.Ltmp5, $4  }
0x1eb: {  	[tilespmem:v7+s17+$0x0] =	vst.idx.add.s32.msk vm3, v3  }
0x1ec: {  	[tilespmem:v6+s17+$0x0] =	vst.idx.add.s32.msk vm13, v3  }
0x1ed: {  	[tilespmem:v63+s17+$0x0] =	vst.idx.add.s32.msk vm14, v3  }
0x1ee: {  	[tilespmem:v5+s17+$0x0] =	vst.idx.add.s32.msk vm15, v3  }
.Ltmp6:
0x1ef: {  	(pc) =	sbr.rel .LBB2_8-.Ltmp6, $4  }
0x1f0: {  	s0 =	sadd.s32 s24, s10  }
0x1f1: {  	s0 =	sshrl.u32 s0, $0x3  }
0x1f2: {  	s23 =	sadd.s32 $0x1, s23;
	s0 =	sadd.s32 s1, s0  }
0x1f3: {  	[tilespmem:s15], [sflag:$0x2] =	stream.linear.gather [hbm4b:s0+s2], $0x1000, $0x38;
	[tilespmem:$0x1B880] =	vst v63  }
.LBB2_13:
0x1f4: {  	s23 =	simm.s32 $0x0  }
0x1f5: {  	v17 =	vld [tilespmem:s23+$0x7010]  }
0x1f6: {  	v4 =	vld [tilespmem:s23+$0x8010]  }
0x1f7: {  	v13 =	vld [tilespmem:s23+$0x5810]  }
0x1f8: {  	v11 =	vld [tilespmem:s23+$0x4810]  }
0x1f9: {  	v10 =	vld [tilespmem:s23+$0x4010]  }
0x1fa: {  	v12 =	vld [tilespmem:s23+$0x5010]  }
0x1fb: {  	v9 =	vld [tilespmem:s23+$0x3810]  }
0x1fc: {  	v14 =	vld [tilespmem:s23+$0x6810]  }
0x1fd: {  	v22 =	vld [tilespmem:s23+$0x6010]  }
0x1fe: {  	v6 =	vld [tilespmem:s23+$0x3010]  }
0x1ff: {  	v23 =	vld [tilespmem:s23+$0x2800]  }
0x200: {  	s24 =	simm.s32 $0x0;
	v24 =	vld [tilespmem:s23+$0x2810]  }
0x201: {  	s25 =	sand.u32 $0x7E0, s24;
	v8 =	vld [tilespmem:s23+$0x7810]  }
0x202: {  	v15 =	vld [tilespmem:s25+$0x6000]  }
0x203: {  	v16 =	vld [tilespmem:s25+$0x5800]  }
0x204: {  	v18 =	vld [tilespmem:s25+$0x4000]  }
0x205: {  	v19 =	vld [tilespmem:s25+$0x3800]  }
0x206: {  	v20 =	vld [tilespmem:s25+$0x5000]  }
0x207: {  	v25 =	vld [tilespmem:s25+$0x3000]  }
0x208: {  	v21 =	vld [tilespmem:s25+$0x4800]  }
0x209: {  	v26 =	vld [tilespmem:s25+$0x6800]  }
0x20a: {  	v7 =	vld [tilespmem:s25+$0x7000]  }
0x20b: {  	v5 =	vld [tilespmem:s25+$0x7800];
	v24 =	vadd.s32 v24, v6  }
0x20c: {  	v6 =	vld [tilespmem:s23+$0x8810];
	v23 =	vadd.s32 v23, v25;
	v24 =	vadd.s32 v9, v24  }
0x20d: {  	v9 =	vld [tilespmem:s25+$0x8000];
	v19 =	vadd.s32 v19, v23;
	v63 =	vadd.s32 v10, v24  }
0x20e: {  	v10 =	vld [tilespmem:s25+$0x8800];
	v18 =	vadd.s32 v18, v19;
	v19 =	vadd.s32 v11, v63  }
0x20f: {  	v11 =	vld [tilespmem:s23+$0x9810];
	v18 =	vadd.s32 v21, v18;
	v19 =	vadd.s32 v12, v19  }
0x210: {  	v12 =	vld [tilespmem:s25+$0x9000];
	v18 =	vadd.s32 v20, v18;
	v19 =	vadd.s32 v13, v19  }
0x211: {  	v13 =	vld [tilespmem:s23+$0xA010];
	v16 =	vadd.s32 v16, v18;
	v18 =	vadd.s32 v22, v19  }
0x212: {  	v16 =	vadd.s32 v15, v16;
	v15 =	vld [tilespmem:s23+$0x9010];
	v18 =	vadd.s32 v14, v18  }
0x213: {  	s28 =	simm.s32 $0x80;
	v14 =	vld [tilespmem:s25+$0xA000];
	v16 =	vadd.s32 v26, v16;
	v17 =	vadd.s32 v17, v18  }
.LBB2_14:
0x214: {  	s0 =	sshra.s32 s28, $0x2  }
0x215: {  	v18 =	vld [tilespmem:s25+$0x9800];
	s24 =	sadd.s32 $0x20, s24;
	s3 =	smov.u32 s28;
	s26 =	sadd.s32 $0x80, s28  }
0x216: {  	p1 =	sne.s32 s28, $0x1F80;
	v7 =	vadd.s32 v7, v16;
	v8 =	vadd.s32 v8, v17;
	s25 =	sand.u32 $0x7E0, s24;
	v19 =	vld [tilespmem:s0+$0x7010]  }
0x217: {  	v5 =	vadd.s32 v5, v7;
	v7 =	vadd.s32 v4, v8;
	v4 =	vld [tilespmem:s0+$0x8010]  }
0x218: {  	v5 =	vadd.s32 v9, v5;
	v6 =	vadd.s32 v6, v7;
	v16 =	vld [tilespmem:s0+$0x5810]  }
0x219: {  	v5 =	vadd.s32 v10, v5;
	v6 =	vadd.s32 v15, v6;
	v17 =	vld [tilespmem:s0+$0x4810]  }
0x21a: {  	v5 =	vadd.s32 v12, v5;
	v6 =	vadd.s32 v11, v6;
	v10 =	vld [tilespmem:s0+$0x4010]  }
0x21b: {  	v5 =	vadd.s32 v18, v5;
	v6 =	vadd.s32 v13, v6;
	v12 =	vld [tilespmem:s0+$0x5010]  }
0x21c: {  	v5 =	vadd.s32 v14, v5;
	v9 =	vld [tilespmem:s0+$0x3810];
	[tilespmem:s23+$0xA810] =	vst v6  }
0x21d: {  	v14 =	vld [tilespmem:s0+$0x6810];
	[tilespmem:s23+$0xA800] =	vst v5;
	s23 =	smov.u32 s0  }
0x21e: {  	v15 =	vld [tilespmem:s25+$0x6000]  }
0x21f: {  	v13 =	vld [tilespmem:s25+$0x5800]  }
0x220: {  	v11 =	vld [tilespmem:s25+$0x4000]  }
0x221: {  	v18 =	vld [tilespmem:s25+$0x3800]  }
0x222: {  	v20 =	vld [tilespmem:s25+$0x5000]  }
0x223: {  	v21 =	vld [tilespmem:s25+$0x4800]  }
0x224: {  	v22 =	vld [tilespmem:s23+$0x6010]  }
0x225: {  	v6 =	vld [tilespmem:s23+$0x3010]  }
0x226: {  	v23 =	vld [tilespmem:s23+$0x2800]  }
0x227: {  	v24 =	vld [tilespmem:s23+$0x2810]  }
0x228: {  	v25 =	vld [tilespmem:s25+$0x3000]  }
0x229: {  	v26 =	vld [tilespmem:s25+$0x6800]  }
0x22a: {  	v7 =	vld [tilespmem:s25+$0x7000]  }
0x22b: {  	v5 =	vld [tilespmem:s25+$0x7800]  }
0x22c: {  	v8 =	vld [tilespmem:s23+$0x7810];
	v24 =	vadd.s32 v24, v6  }
0x22d: {  	v23 =	vadd.s32 v23, v25;
	v6 =	vld [tilespmem:s23+$0x8810];
	v24 =	vadd.s32 v9, v24  }
0x22e: {  	v9 =	vld [tilespmem:s25+$0x8000];
	v18 =	vadd.s32 v18, v23;
	v23 =	vadd.s32 v10, v24  }
0x22f: {  	v10 =	vld [tilespmem:s25+$0x8800];
	v11 =	vadd.s32 v11, v18;
	v17 =	vadd.s32 v17, v23  }
.Ltmp7:
0x230: {  	v18 =	vadd.s32 v21, v11;
	v11 =	vld [tilespmem:s23+$0x9810];
	v17 =	vadd.s32 v12, v17;
	(pc) =	sbr.rel @p1 .LBB2_14-.Ltmp7, $4  }
0x231: {  	v12 =	vld [tilespmem:s25+$0x9000];
	v18 =	vadd.s32 v20, v18;
	v16 =	vadd.s32 v16, v17  }
0x232: {  	v17 =	vadd.s32 v13, v18;
	v13 =	vld [tilespmem:s23+$0xA010];
	v16 =	vadd.s32 v22, v16  }
0x233: {  	v17 =	vadd.s32 v15, v17;
	v15 =	vld [tilespmem:s23+$0x9010];
	v18 =	vadd.s32 v14, v16  }
0x234: {  	s28 =	smov.u32 s26;
	v14 =	vld [tilespmem:s25+$0xA000];
	v16 =	vadd.s32 v26, v17;
	v17 =	vadd.s32 v19, v18  }
0x235: {  	v18 =	vld [tilespmem:s25+$0x9800];
	v7 =	vadd.s32 v7, v16;
	v8 =	vadd.s32 v8, v17  }
0x236: {  	v5 =	vadd.s32 v5, v7;
	v4 =	vadd.s32 v4, v8  }
0x237: {  	v5 =	vadd.s32 v9, v5;
	v4 =	vadd.s32 v6, v4  }
0x238: {  	v5 =	vadd.s32 v10, v5;
	v4 =	vadd.s32 v15, v4  }
0x239: {  	v5 =	vadd.s32 v12, v5;
	v4 =	vadd.s32 v11, v4  }
0x23a: {  	s22 =	sadd.s32 $0x1, s22;
	v5 =	vadd.s32 v18, v5;
	v4 =	vadd.s32 v13, v4  }
0x23b: {  	p1 =	sne.s32 s22, s12;
	v5 =	vadd.s32 v14, v5;
	[tilespmem:s23+$0xA810] =	vst v4  }
.Ltmp8:
0x23c: {  	s0 =	simm.s32 $0x80;
	[tilespmem:s23+$0xA800] =	vst v5;
	(pc) =	sbr.rel @p1 .LBB2_1-.Ltmp8, $4  }
0x23d: {  	[hbm4b:s11+s0] =	stream.strided.scatter [tilespmem:s21], [sflag:$0x3], $0x800, s20, s0, $0x38;
	[tilespmem:$0x1B880] =	vst v63  }
0x23e: {  	_ =	swait.ge [sflag:s13], $0x800  }
0x23f: {  	[sflag:s13] =	ssyncset.done $0x0  }
0x240: {  	[sflag:s13] =	ssyncadd.s32 $0xFFFFF800  }
0x241: {  	_ =	sfence.sel $0x180000  }
0x242: {  	[bflag:$0x0] =	sbarrier.arrive $0xFFFF  }
0x243: {  	_ =	strace $0x9000004A  }
0x244: {  	s0 =	stileid.u32;
	[bflag:$0x2] =	sbarrier.arrive $0xFFFF  }
0x245: {  	p0 =	sne.s32 s0, $0x0;
	s0 =	rddreg [dreg:$0x2]  }
0x246: {  	s0 =	sadd.s32 @!p0 $0x100000, s0  }
0x247: {  	[sflag:s0] =	ssyncadd.tile.s32 @!p0 $0x1;
	_ =	shalt  }
.Lfunc_end2:
_tile_overlayer_lowered:
.L_overlay_start_2:
0x248: {  	(tag) =	ssettag $0x2  }
0x249: {  	s0 =	rddreg [dreg:$0x0];
	s2 =	stileid.u32  }
0x24a: {  	s1 =	rddreg [dreg:$0x1];
	p0 =	sne.s32 s2, $0x0  }
0x24b: {  	s3 =	rddreg [dreg:$0x2];
	[bflag:$0x3] =	sbarrier.arrive $0xFFFF;
	s2 =	simm.s32 @!p0 $0x1C03  }
0x24c: {  	[timem:s3], [sflag:s2] =	dma.local @!p0 [hbm:s0], s1  }
0x24d: {  	s0 =	simm.s32 @!p0 $0x3  }
0x24e: {  	_ =	swait.ge @!p0 [sflag:s0], s1  }
0x24f: {  	s1 =	ssub.s32 @!p0 $0x0, s1;
	[sflag:s0] =	ssyncset.done @!p0 $0x0  }
0x250: {  	[sflag:s0] =	ssyncadd.s32 @!p0 s1  }
0x251: {  	[bflag:$0x3] =	sbarrier.arrive $0xFFFF  }
0x252: {  	_ =	shalt  }

// kernel: kernel.13.cloned.1.call-start
scs
__scs_entry_jumppad:
0x0: {  	(pc) =	sbr.rel $0x88, $3  }
0x1: {  	(tag) =	ssettag $0x0;
	lr =	simm.s32 $0x1  }
0x2: {  	[smem:$0x3F9F] =	sst lr;
	_ =	strace $0xD0000000  }
0x3: {  	_ = 	snop  }
0x4: {  	_ = 	snop  }
0x5: {  	_ = 	snop  }
0x6: {  	_ = 	snop  }
0x7: {  	_ = 	snop  }
__scs_overlays_trampoline_lowered:
0x8: {  	[smem:$0x3FAE] =	sst s0  }
0x9: {  	[smem:$0x3FAF] =	sst s1  }
0xa: {  	[smem:$0x3FB0] =	sst s2  }
0xb: {  	[smem:$0x3FB1] =	sst s3  }
0xc: {  	[smem:$0x3FB2] =	sst s4  }
0xd: {  	[smem:$0x3FB3] =	sst s5  }
0xe: {  	[smem:$0x3FB4] =	sst s6  }
0xf: {  	[smem:$0x3FB5] =	sst s7  }
0x10: {  	[smem:$0x3FB6] =	sst s8  }
0x11: {  	[smem:$0x3FB7] =	sst s9;
	s0 =	simm.s32 @!p0 $0x0  }
0x12: {  	s1 =	sld [smem:$0x3F9D];
	s0 =	simm.s32 @p0 $0x1  }
0x13: {  	[smem:$0x3FB8] =	sst s0;
	s0 =	simm.s32 @!p1 $0x0  }
0x14: {  	s2 =	sld [smem:$0x3F9C];
	s0 =	simm.s32 @p1 $0x1  }
0x15: {  	[smem:$0x3FB9] =	sst s0;
	s0 =	simm.s32 @!p2 $0x0  }
0x16: {  	s3 =	sld [smem:$0x3FDB];
	s0 =	simm.s32 @p2 $0x1  }
0x17: {  	s4 =	simm.s32 $0x1BF5;
	[smem:$0x3FBB] =	sst s0  }
0x18: {  	s0 =	sld [smem:$0x3F9E];
	_ =	swait.ge [sflag:s4], $0x0  }
0x19: {  	s7 =	sld [smem:$0x3F9F]  }
0x1a: {  	s8 =	sadd.s32 $0xFFFFE003, lr  }
0x1b: {  	s9 =	sadd.s32 $0xFFFFFEF7, lr;
	s5 =	simm.s32 $0xFFFFFFFF;
	p2 =	slt.u32 s8, $0xFFFFF086  }
0x1c: {  	p1 =	slt.u32 s9, $0xF7A;
	s5 =	simm.s32 @!p2 $0x0  }
0x1d: {  	s5 =	simm.s32 @p1 $0x1;
	p0 =	seq.s32 s7, s2  }
0x1e: {  	s7 =	smul.u32 @!p0 $0xF7A, s2;
	p2 =	seq.s32 @!p0 s5, $0x0  }
0x1f: {  	s9 =	smul.u32 $0xF7A, s1;
	s8 =	simm.s32 @!p0 $0x1BF5;
	p2 =	por !p2, p0  }
0x20: {  	[sflag:s8] =	ssyncset.s32 @!p0 $0xFFFFF086;
	s6 =	sadd.s32 @!p0 s3, s7;
	s7 =	simm.s32 @!p0 $0x108  }
0x21: {  	s3 =	sadd.s32 s3, s9;
	s6 =	sadd.s32 @!p0 $0x88, s6;
	s7 =	simm.s32 @p2 $0x1082  }
0x22: {  	[simem:s7], [sflag:s8] =	dma.local @!p0 [hbm:s6], $0xF7A  }
0x23: {  	s9 =	sor.u32 $0xD0000000, s2;
	s6 =	simm.s32 $0x108;
	_ =	swait.ge @!p0 [sflag:s8], $0x0  }
0x24: {  	s3 =	sadd.s32 $0x88, s3;
	s6 =	simm.s32 @!p1 $0x1082;
	[sflag:s4] =	ssyncset.s32 $0xFFFFF086  }
0x25: {  	[simem:s6], [sflag:s4] =	dma.local [hbm:s3], $0xF7A  }
0x26: {  	[smem:$0x3F9F] =	sst s1;
	(tag) =	ssettag s2;
	_ =	strace s9  }
0x27: {  	s1 =	sld [smem:$0x3FAF]  }
0x28: {  	s2 =	sld [smem:$0x3FB0]  }
0x29: {  	s4 =	sld [smem:$0x3FB2]  }
0x2a: {  	p0 =	seq.s32 s5, $0x0;
	s5 =	sld [smem:$0x3FB3]  }
0x2b: {  	s6 =	sld [smem:$0x3FB4]  }
0x2c: {  	s7 =	sld [smem:$0x3FB5]  }
0x2d: {  	s3 =	simm.s32 $0x108;
	s8 =	sld [smem:$0x3FB6]  }
0x2e: {  	s3 =	simm.s32 @!p0 $0x1082;
	s9 =	sld [smem:$0x3FB7]  }
0x2f: {  	lr =	sadd.s32 s0, s3;
	s0 =	sld [smem:$0x3FAE]  }
0x30: {  	s3 =	sld [smem:$0x3FB1]  }
0x31: {  	[smem:$0x3FBA] =	sst s10  }
0x32: {  	s10 =	sld [smem:$0x3FB8];
	_ =	sdelay $0x3  }
0x33: {  	p0 =	seq.s32 s10, $0x1;
	s10 =	sld [smem:$0x3FBA];
	_ =	sdelay $0x3  }
0x34: {  	[smem:$0x3FBA] =	sst s10  }
0x35: {  	s10 =	sld [smem:$0x3FB9];
	_ =	sdelay $0x3  }
0x36: {  	p1 =	seq.s32 s10, $0x1;
	s10 =	sld [smem:$0x3FBA];
	_ =	sdelay $0x3  }
0x37: {  	[smem:$0x3FBA] =	sst s10  }
0x38: {  	s10 =	sld [smem:$0x3FBB]  }
0x39: {  	_ = 	snop;
	(pc) =	sbr.ind lr, $3  }
0x3a: {  	_ = 	snop  }
0x3b: {  	_ = 	snop  }
0x3c: {  	p2 =	seq.s32 s10, $0x1;
	s10 =	sld [smem:$0x3FBA]  }
0x3d: {  	_ =	shalt  }
0x3e: {  	_ =	shalt  }
0x3f: {  	_ =	shalt  }
0x40: {  	_ =	shalt  }
0x41: {  	_ =	shalt  }
0x42: {  	_ =	shalt  }
0x43: {  	_ =	shalt  }
0x44: {  	_ =	shalt  }
0x45: {  	_ =	shalt  }
0x46: {  	_ =	shalt  }
0x47: {  	_ =	shalt  }
0x48: {  	_ =	shalt  }
0x49: {  	_ =	shalt  }
0x4a: {  	_ =	shalt  }
0x4b: {  	_ =	shalt  }
0x4c: {  	_ =	shalt  }
0x4d: {  	_ =	shalt  }
0x4e: {  	_ =	shalt  }
0x4f: {  	_ =	shalt  }
0x50: {  	_ =	shalt  }
0x51: {  	_ =	shalt  }
0x52: {  	_ =	shalt  }
0x53: {  	_ =	shalt  }
0x54: {  	_ =	shalt  }
0x55: {  	_ =	shalt  }
0x56: {  	_ =	shalt  }
0x57: {  	_ =	shalt  }
0x58: {  	_ =	shalt  }
0x59: {  	_ =	shalt  }
0x5a: {  	_ =	shalt  }
0x5b: {  	_ =	shalt  }
0x5c: {  	_ =	shalt  }
0x5d: {  	_ =	shalt  }
0x5e: {  	_ =	shalt  }
0x5f: {  	_ =	shalt  }
0x60: {  	_ =	shalt  }
0x61: {  	_ =	shalt  }
0x62: {  	_ =	shalt  }
0x63: {  	_ =	shalt  }
0x64: {  	_ =	shalt  }
0x65: {  	_ =	shalt  }
0x66: {  	_ =	shalt  }
0x67: {  	_ =	shalt  }
0x68: {  	_ =	shalt  }
0x69: {  	_ =	shalt  }
0x6a: {  	_ =	shalt  }
0x6b: {  	_ =	shalt  }
0x6c: {  	_ =	shalt  }
0x6d: {  	_ =	shalt  }
0x6e: {  	_ =	shalt  }
0x6f: {  	_ =	shalt  }
0x70: {  	_ =	shalt  }
0x71: {  	_ =	shalt  }
0x72: {  	_ =	shalt  }
0x73: {  	_ =	shalt  }
0x74: {  	_ =	shalt  }
0x75: {  	_ =	shalt  }
0x76: {  	_ =	shalt  }
0x77: {  	_ =	shalt  }
0x78: {  	_ =	shalt  }
0x79: {  	_ =	shalt  }
0x7a: {  	_ =	shalt  }
0x7b: {  	_ =	shalt  }
0x7c: {  	_ =	shalt  }
0x7d: {  	_ =	shalt  }
0x7e: {  	_ =	shalt  }
0x7f: {  	_ =	shalt  }
0x80: {  	_ =	shalt  }
0x81: {  	_ =	shalt  }
0x82: {  	_ =	shalt  }
0x83: {  	_ =	shalt  }
0x84: {  	_ =	shalt  }
0x85: {  	_ =	shalt  }
0x86: {  	_ =	shalt  }
0x87: {  	_ =	shalt  }
.Lfunc_end0:
.L_simem_size_0:
called_computation.2_lowered:
.L_overlay_start_0:
0x88: {  	s2 =	sld [smem:$0x3FD9]  }
0x89: {  	s3 =	sld [smem:$0x3FFE];
	_ =	sdelay $0x1  }
0x8a: {  	s1 =	srdreg.scid  }
0x8b: {  	s0 =	sand.u32 $0x1, s1  }
0x8c: {  	s17 =	sshll.u32 s0, $0xA;
	s2 =	sadd.s32 s3, s2  }
0x8d: {  	s2 =	sadd.s32 s2, s17  }
0x8e: {  	[smem:$0x3FC6] =	sst s2  }
0x8f: {  	_ = 	snop  }
0x90: {  	s2 =	sld [smem:$0x3FD0];
	(tm) =	ssettm $0x1  }
0x91: {  	s18 =	sld [smem:$0x3FFB];
	_ =	sdelay $0x3  }
0x92: {  	_ =	strace s18  }
0x93: {  	s3 =	sld [smem:$0x3FFC];
	_ =	sdelay $0x3  }
0x94: {  	_ =	strace s3  }
0x95: {  	s3 =	sld [smem:$0x3FFD];
	_ =	sdelay $0x3  }
0x96: {  	_ =	strace s3  }
0x97: {  	_ =	strace $0x8FFFFFFF  }
0x98: {  	s19 =	sld [smem:$0x3FDB];
	_ =	sdelay $0x1  }
0x99: {  	s4 =	simm.s32 $_scs_section_size  }
0x9a: {  	s5 =	simm.s32 $_size__tile_overlayer_lowered;
	s6 =	simm.s32 $_tile_overlayer_lowered  }
0x9b: {  	s22 =	simm.s32 $0x1BFF;
	s21 =	sshll.u32 s6, $0x1;
	s3 =	sadd.s32 s4, s19  }
0x9c: {  	s7 =	simm.s32 $0x0;
	s20 =	sshll.u32 s5, $0x1;
	s5 =	sadd.s32 s21, s3  }
0x9d: {  	[timem:s7], [sflag:s22] =	dma.local [hbm:s5], s20  }
0x9e: {  	_ =	swait.ge [sflag:s22], s20  }
0x9f: {  	s4 =	ssub.s32 $0x0, s20;
	[sflag:s22] =	ssyncset.done $0x0  }
0xa0: {  	[sflag:s22] =	ssyncadd.s32 s4;
	_ =	sdelay $0x1  }
0xa1: {  	s23 =	simm.s32 $0x1B8B  }
0xa2: {  	_ =	swait.ge [sflag:s23], $0x1  }
0xa3: {  	[sflag:s23] =	ssyncset.done $0x0  }
0xa4: {  	s25 =	simm.s32 $0x1B8E;
	s24 =	sld [smem:$0x3FFE];
	[sflag:s23] =	ssyncadd.s32 $0xFFFFFFFF  }
0xa5: {  	s26 =	simm.s32 $execute0_lowered;
	[smem:$0x3FD2] =	sst s25  }
0xa6: {  	s5 =	sshll.u32 s26, $0x1;
	_ =	strace $0x8000004C;
	[dreg:$0x1] =	wrdreg $0xFFFFFFFF  }
0xa7: {  	s28 =	simm.s32 $_size_execute0_lowered;
	s3 =	sadd.s32 s3, s5;
	[dreg:$0x0] =	wrdreg $0x0  }
0xa8: {  	s5 =	sshll.u32 s28, $0x1;
	[dreg:$0x2] =	wrdreg s3  }
0xa9: {  	[dreg:$0x3] =	wrdreg s5  }
0xaa: {  	[dreg:$0x4] =	wrdreg $0xC0  }
0xab: {  	_ =	task [dreg:s7], $0x5FFFF  }
0xac: {  	[dreg:$0x1] =	wrdreg $0xFFFFFFFF  }
0xad: {  	[dreg:$0x0] =	wrdreg $0x60  }
0xae: {  	[dreg:$0x2] =	wrdreg s2  }
0xaf: {  	[dreg:$0x3] =	wrdreg s24  }
0xb0: {  	[dreg:$0x4] =	wrdreg $0x9  }
0xb1: {  	_ =	task.clear_ibuf [dreg:s7], $0x5FFFF;
	_ =	strace $0x9000004C  }
0xb2: {  	s29 =	simm.s32 $0x9;
	_ =	strace $0x8000004E  }
0xb3: {  	_ =	swait.ge [sflag:s29], $0x1  }
0xb4: {  	[sflag:s29] =	ssyncadd.s32 $0xFFFFFFFF  }
0xb5: {  	_ =	strace $0x9000004E  }
0xb6: {  	_ =	sfence  }
0xb7: {  	s30 =	sld [smem:$0x0];
	_ =	sdelay $0x2  }
0xb8: {  	s31 =	sshll.u32 s1, $0xD;
	s1 =	sshrl.u32 s1, $0x2  }
0xb9: {  	s3 =	sand.u32 $0x4000, s31;
	s1 =	sadd.s32 s1, s30  }
0xba: {  	s0 =	sor.u32 s3, s0;
	s1 =	sshll.u32 s1, $0x11  }
0xbb: {  	s0 =	sor.u32 s1, s0  }
0xbc: {  	s0 =	sadd.s32 $0x8F2B, s0  }
0xbd: {  	[sflag:s0] =	ssyncadd.remote.s32 $0x1  }
0xbe: {  	_ =	sfence.sel $0xFFFF  }
0xbf: {  	[dreg:$0x0] =	wrdreg $0xFFFFFFFF;
	(pc) =	sbr.abs _section_cstart, $3  }
0xc0: {  	[dreg:$0x1] =	wrdreg $0xFFFFFFFF  }
0xc1: {  	_ =	task.clear_ibuf [dreg:s7], $0x2FFFF;
	_ =	strace $0x9FFFFFFF  }
0xc2: {  	(tm) =	ssettm $0x7FFFFFFF  }
0xc3: {  	_ =	shalt  }
tec
execute0_lowered:
.L_overlay_start_1:
0x0: {  	(tag) =	ssettag $0x1  }
0x1: {  	s1 =	rddreg [dreg:$0x0]  }
0x2: {  	s4 =	rddreg [dreg:$0x1]  }
0x3: {  	s0 =	rddreg [dreg:$0x2];
	s2 =	simm.s32 $0x0;
	s3 =	srdreg.scid  }
0x4: {  	s15 =	simm.s32 $0x800;
	s16 =	simm.s32 $0x1800;
	s17 =	simm.s32 $0x1  }
0x5: {  	s18 =	simm.s32 $0x2800;
	s19 =	simm.s32 $0x2;
	s20 =	simm.s32 $0x80  }
0x6: {  	s21 =	simm.s32 $0x400;
	s22 =	simm.s32 $0x4800;
	s23 =	simm.s32 $0x0  }
0x7: {  	[smem:$0x7FF] =	sst s2;
	s7 =	sand.u32 $0x1, s3;
	s3 =	sadd.s32 $0x2C00, s4  }
0x8: {  	s5 =	sadd.s32 $0x6E00, s4;
	s6 =	sadd.s32 $0x4E00, s4;
	_ =	strace $0x8000004D  }
0x9: {  	s8 =	sshll.u32 s7, $0xA;
	s9 =	ssub.s32 $0x2, s7;
	s7 =	sshll.u32 s7, $0x15  }
0xa: {  	s8 =	sadd.s32 s8, s4;
	s4 =	stileid.u32;
	s11 =	sshrl.u32 s9, $0x1  }
0xb: {  	s10 =	sshll.u32 s4, $0x11;
	s28 =	sshll.u32 s4, $0x6;
	s14 =	sshll.u32 s4, $0x4  }
0xc: {  	s30 =	ssub.s32 s9, s11;
	s10 =	sor.u32 s10, s7;
	s13 =	sand.u32 $0x200, s28  }
0xd: {  	v2 =	vlaneseq.u32;
	s29 =	sand.u32 $0x70, s14;
	s14 =	simm.s32 $0x15200;
	s12 =	sshrl.u32 s10, $0x3  }
0xe: {  	v0 =	vmul.u32 $0xFFFFFFFF, v2;
	s13 =	sadd.s32 s13, s8;
	s9 =	sor.u32 $0x2000, s10;
	s10 =	sor.u32 $0x3000, s10  }
0xf: {  	vm0 =	vcmask $0x308;
	v1 =	vimm.s32 $0x0;
	vm1 =	vmmov $0x1;
	s7 =	sadd.s32 s1, s12;
	s31 =	sadd.s32 s29, s13;
	s12 =	smax.u32 s30, $0x1  }
0x10: {  	v3 =	vimm.s32 $0x1;
	v2 =	vmul.u32 $0x200, v2;
	v0 =	vadd.s32 $0xF, v0;
	s13 =	simm.s32 $0x3;
	s8 =	sadd.s32 $0x200, s7;
	s11 =	sadd.s32 $0x9000, s31  }
.LBB2_1:
0x11: {  	[tilespmem:s2], [sflag:$0x3] =	stream.linear.gather [hbm4b:s3+s2], $0x800, $0x38;
	[tilespmem:$0x15280] =	vst v63  }
0x12: {  	_ =	swait.ge [sflag:s13], $0x800  }
0x13: {  	[sflag:s13] =	ssyncset.done $0x0  }
0x14: {  	[sflag:s13] =	ssyncadd.s32 $0xFFFFF800  }
0x15: {  	[tilespmem:s14], [sflag:$0x3] =	stream.linear.gather [hbm4b:s5+s2], $0x80, $0x38;
	[tilespmem:$0x15280] =	vst v63  }
0x16: {  	_ =	swait.ge [sflag:s13], $0x80  }
0x17: {  	[sflag:s13] =	ssyncset.done $0x0  }
0x18: {  	s25 =	simm.s32 $0x4A00;
	[sflag:s13] =	ssyncadd.s32 $0xFFFFFF80  }
0x19: {  	v4 =	vld [tilespmem:$0x15200];
	[tilespmem:s25], [sflag:$0x3] =	stream.linear.gather [hbm4b:s6+s2], $0x10000, $0x38  }
0x1a: {  	_ =	swait.ge [sflag:s13], $0x10000  }
0x1b: {  	[sflag:s13] =	ssyncset.done $0x0  }
0x1c: {  	s26 =	sand.u32 $0x7F0, s2;
	[sflag:s13] =	ssyncadd.s32 $0xFFFF0000  }
0x1d: {  	v5 =	vld [tilespmem:s26+$0x5200]  }
0x1e: {  	v6 =	vld [tilespmem:s25+$0x0]  }
0x1f: {  	v7 =	vld [tilespmem:s26+$0x5A00]  }
0x20: {  	v8 =	vld [tilespmem:s26+$0x6200]  }
0x21: {  	v9 =	vld [tilespmem:s26+$0x6A00]  }
0x22: {  	v10 =	vld [tilespmem:s26+$0x7200]  }
0x23: {  	v11 =	vld [tilespmem:s26+$0x7A00];
	v5 =	vadd.s32 v6, v5  }
0x24: {  	v6 =	vld [tilespmem:s26+$0x8200];
	v5 =	vadd.s32 v7, v5  }
0x25: {  	v7 =	vld [tilespmem:s26+$0x8A00];
	v5 =	vadd.s32 v8, v5  }
0x26: {  	v48 =	vld [tilespmem:s26+$0x9200];
	v5 =	vadd.s32 v9, v5  }
0x27: {  	v49 =	vld [tilespmem:s26+$0x9A00];
	v5 =	vadd.s32 v10, v5  }
0x28: {  	v50 =	vld [tilespmem:s26+$0xA200];
	v5 =	vadd.s32 v11, v5  }
0x29: {  	v51 =	vld [tilespmem:s26+$0xAA00];
	v5 =	vadd.s32 v6, v5  }
0x2a: {  	v6 =	vld [tilespmem:s26+$0xB200];
	v5 =	vadd.s32 v7, v5  }
0x2b: {  	v7 =	vld [tilespmem:s26+$0xBA00];
	v5 =	vadd.s32 v48, v5  }
0x2c: {  	v52 =	vld [tilespmem:s26+$0xC200];
	v5 =	vadd.s32 v49, v5  }
0x2d: {  	v53 =	vld [tilespmem:s26+$0xCA00];
	v5 =	vadd.s32 v50, v5  }
0x2e: {  	v54 =	vld [tilespmem:s26+$0xD200];
	v5 =	vadd.s32 v51, v5  }
0x2f: {  	v55 =	vld [tilespmem:s26+$0xDA00];
	v5 =	vadd.s32 v6, v5  }
0x30: {  	v6 =	vld [tilespmem:s26+$0xE200];
	v5 =	vadd.s32 v7, v5  }
0x31: {  	v7 =	vld [tilespmem:s26+$0xEA00];
	v5 =	vadd.s32 v52, v5  }
0x32: {  	v56 =	vld [tilespmem:s26+$0xF200];
	v5 =	vadd.s32 v53, v5  }
0x33: {  	v57 =	vld [tilespmem:s26+$0xFA00];
	v5 =	vadd.s32 v54, v5  }
0x34: {  	v58 =	vld [tilespmem:s26+$0x10200];
	v5 =	vadd.s32 v55, v5  }
0x35: {  	v59 =	vld [tilespmem:s26+$0x10A00];
	v5 =	vadd.s32 v6, v5  }
0x36: {  	v6 =	vld [tilespmem:s26+$0x11200];
	v5 =	vadd.s32 v7, v5  }
0x37: {  	v7 =	vld [tilespmem:s26+$0x11A00];
	v5 =	vadd.s32 v56, v5  }
0x38: {  	v60 =	vld [tilespmem:s26+$0x12200];
	v5 =	vadd.s32 v57, v5  }
0x39: {  	v61 =	vld [tilespmem:s26+$0x12A00];
	v5 =	vadd.s32 v58, v5  }
0x3a: {  	v62 =	vld [tilespmem:s26+$0x13200];
	v5 =	vadd.s32 v59, v5  }
0x3b: {  	v63 =	vld [tilespmem:s26+$0x13A00];
	v5 =	vadd.s32 v6, v5  }
0x3c: {  	v6 =	vld [tilespmem:s26+$0x14200];
	v5 =	vadd.s32 v7, v5  }
0x3d: {  	v5 =	vadd.s32 v60, v5  }
0x3e: {  	v5 =	vadd.s32 v61, v5  }
0x3f: {  	v5 =	vadd.s32 v62, v5  }
0x40: {  	v5 =	vadd.s32 v63, v5  }
0x41: {  	s24 =	simm.s32 $0x14A00;
	s31 =	simm.s32 $0x10;
	v5 =	vadd.s32 v6, v5  }
0x42: {  	s25 =	sand.u32 $0x7F0, s31;
	[tilespmem:s24+$0x0] =	vst v5  }
0x43: {  	s28 =	simm.s32 $0x20;
	s26 =	simm.s32 $0x4A10;
	v5 =	vld [tilespmem:s25+$0x5200]  }
.LBB2_2:
0x44: {  	p0 =	seq.s32 s28, $0x7F0;
	v6 =	vld [tilespmem:s26+$0x0]  }
0x45: {  	v7 =	vld [tilespmem:s25+$0x5A00]  }
0x46: {  	v8 =	vld [tilespmem:s25+$0x6200]  }
0x47: {  	v9 =	vld [tilespmem:s25+$0x6A00]  }
0x48: {  	v10 =	vld [tilespmem:s25+$0x7200]  }
0x49: {  	v11 =	vld [tilespmem:s25+$0x7A00];
	v5 =	vadd.s32 v6, v5  }
0x4a: {  	v6 =	vld [tilespmem:s25+$0x8200];
	v5 =	vadd.s32 v7, v5  }
0x4b: {  	v7 =	vld [tilespmem:s25+$0x8A00];
	v5 =	vadd.s32 v8, v5  }
0x4c: {  	v8 =	vld [tilespmem:s25+$0x9200];
	v5 =	vadd.s32 v9, v5  }
0x4d: {  	v9 =	vld [tilespmem:s25+$0x9A00];
	v5 =	vadd.s32 v10, v5  }
0x4e: {  	v10 =	vld [tilespmem:s25+$0xA200];
	v5 =	vadd.s32 v11, v5  }
0x4f: {  	v11 =	vld [tilespmem:s25+$0xAA00];
	v5 =	vadd.s32 v6, v5  }
0x50: {  	v6 =	vld [tilespmem:s25+$0xB200];
	v5 =	vadd.s32 v7, v5  }
0x51: {  	v7 =	vld [tilespmem:s25+$0xBA00];
	v5 =	vadd.s32 v8, v5  }
0x52: {  	v8 =	vld [tilespmem:s25+$0xC200];
	v5 =	vadd.s32 v9, v5  }
0x53: {  	v9 =	vld [tilespmem:s25+$0xCA00];
	v5 =	vadd.s32 v10, v5  }
0x54: {  	v10 =	vld [tilespmem:s25+$0xD200];
	v5 =	vadd.s32 v11, v5  }
0x55: {  	v11 =	vld [tilespmem:s25+$0xDA00];
	v5 =	vadd.s32 v6, v5  }
0x56: {  	v6 =	vld [tilespmem:s25+$0xE200];
	v5 =	vadd.s32 v7, v5  }
0x57: {  	v7 =	vld [tilespmem:s25+$0xEA00];
	v5 =	vadd.s32 v8, v5  }
0x58: {  	v8 =	vld [tilespmem:s25+$0xF200];
	v5 =	vadd.s32 v9, v5  }
0x59: {  	v9 =	vld [tilespmem:s25+$0xFA00];
	v5 =	vadd.s32 v10, v5  }
0x5a: {  	v10 =	vld [tilespmem:s25+$0x10200];
	v5 =	vadd.s32 v11, v5  }
0x5b: {  	v11 =	vld [tilespmem:s25+$0x10A00];
	v5 =	vadd.s32 v6, v5  }
0x5c: {  	v6 =	vld [tilespmem:s25+$0x11200];
	v5 =	vadd.s32 v7, v5  }
0x5d: {  	v7 =	vld [tilespmem:s25+$0x11A00];
	v5 =	vadd.s32 v8, v5  }
0x5e: {  	v8 =	vld [tilespmem:s25+$0x12200];
	v5 =	vadd.s32 v9, v5  }
0x5f: {  	v9 =	vld [tilespmem:s25+$0x12A00];
	v5 =	vadd.s32 v10, v5  }
0x60: {  	v10 =	vld [tilespmem:s25+$0x13200];
	v5 =	vadd.s32 v11, v5  }
0x61: {  	v11 =	vld [tilespmem:s25+$0x13A00];
	v5 =	vadd.s32 v6, v5  }
0x62: {  	v6 =	vld [tilespmem:s25+$0x14200];
	v5 =	vadd.s32 v7, v5  }
0x63: {  	v5 =	vadd.s32 v8, v5  }
0x64: {  	v5 =	vadd.s32 v9, v5  }
.Ltmp0:
0x65: {  	v5 =	vadd.s32 v10, v5;
	(pc) =	sbr.rel @!p0 .LBB2_2-.Ltmp0, $4  }
0x66: {  	v5 =	vadd.s32 v11, v5  }
0x67: {  	s24 =	sadd.s32 $0x10, s24;
	v5 =	vadd.s32 v6, v5  }
0x68: {  	s25 =	sand.u32 $0x7F0, s28;
	[tilespmem:s24+$0x0] =	vst v5  }
0x69: {  	s26 =	sadd.s32 $0x10, s26;
	s28 =	sadd.s32 $0x10, s28;
	v5 =	vld [tilespmem:s25+$0x5200]  }
0x6a: {  	v6 =	vld [tilespmem:s26+$0x0]  }
0x6b: {  	v7 =	vld [tilespmem:s25+$0x5A00]  }
0x6c: {  	v8 =	vld [tilespmem:s25+$0x6200]  }
0x6d: {  	v9 =	vld [tilespmem:s25+$0x6A00]  }
0x6e: {  	v10 =	vld [tilespmem:s25+$0x7200]  }
0x6f: {  	v11 =	vld [tilespmem:s25+$0x7A00];
	v5 =	vadd.s32 v6, v5  }
0x70: {  	v6 =	vld [tilespmem:s25+$0x8200];
	v5 =	vadd.s32 v7, v5  }
0x71: {  	v7 =	vld [tilespmem:s25+$0x8A00];
	v5 =	vadd.s32 v8, v5  }
0x72: {  	v8 =	vld [tilespmem:s25+$0x9200];
	v5 =	vadd.s32 v9, v5  }
0x73: {  	v9 =	vld [tilespmem:s25+$0x9A00];
	v5 =	vadd.s32 v10, v5  }
0x74: {  	v10 =	vld [tilespmem:s25+$0xA200];
	v5 =	vadd.s32 v11, v5  }
0x75: {  	v11 =	vld [tilespmem:s25+$0xAA00];
	v5 =	vadd.s32 v6, v5  }
0x76: {  	v6 =	vld [tilespmem:s25+$0xB200];
	v5 =	vadd.s32 v7, v5  }
0x77: {  	v7 =	vld [tilespmem:s25+$0xBA00];
	v5 =	vadd.s32 v8, v5  }
0x78: {  	v8 =	vld [tilespmem:s25+$0xC200];
	v5 =	vadd.s32 v9, v5  }
0x79: {  	v9 =	vld [tilespmem:s25+$0xCA00];
	v5 =	vadd.s32 v10, v5  }
0x7a: {  	v10 =	vld [tilespmem:s25+$0xD200];
	v5 =	vadd.s32 v11, v5  }
0x7b: {  	v11 =	vld [tilespmem:s25+$0xDA00];
	v5 =	vadd.s32 v6, v5  }
0x7c: {  	v6 =	vld [tilespmem:s25+$0xE200];
	v5 =	vadd.s32 v7, v5  }
0x7d: {  	v7 =	vld [tilespmem:s25+$0xEA00];
	v5 =	vadd.s32 v8, v5  }
0x7e: {  	v8 =	vld [tilespmem:s25+$0xF200];
	v5 =	vadd.s32 v9, v5  }
0x7f: {  	v9 =	vld [tilespmem:s25+$0xFA00];
	v5 =	vadd.s32 v10, v5  }
0x80: {  	v10 =	vld [tilespmem:s25+$0x10200];
	v5 =	vadd.s32 v11, v5  }
0x81: {  	v11 =	vld [tilespmem:s25+$0x10A00];
	v5 =	vadd.s32 v6, v5  }
0x82: {  	v6 =	vld [tilespmem:s25+$0x11200];
	v5 =	vadd.s32 v7, v5  }
0x83: {  	v7 =	vld [tilespmem:s25+$0x11A00];
	v5 =	vadd.s32 v8, v5  }
0x84: {  	v8 =	vld [tilespmem:s25+$0x12200];
	v5 =	vadd.s32 v9, v5  }
0x85: {  	v9 =	vld [tilespmem:s25+$0x12A00];
	v5 =	vadd.s32 v10, v5  }
0x86: {  	v10 =	vld [tilespmem:s25+$0x13200];
	v5 =	vadd.s32 v11, v5  }
0x87: {  	v11 =	vld [tilespmem:s25+$0x13A00];
	v5 =	vadd.s32 v6, v5  }
0x88: {  	v6 =	vld [tilespmem:s25+$0x14200];
	v5 =	vadd.s32 v7, v5  }
0x89: {  	v5 =	vadd.s32 v8, v5  }
0x8a: {  	v5 =	vadd.s32 v9, v5  }
0x8b: {  	v5 =	vadd.s32 v10, v5  }
0x8c: {  	v5 =	vadd.s32 v11, v5  }
0x8d: {  	s24 =	sadd.s32 $0x10, s24;
	v5 =	vadd.s32 v6, v5  }
0x8e: {  	s26 =	simm.s32 $0x7F0;
	[tilespmem:s24+$0x0] =	vst v5  }
0x8f: {  	v6 =	vld [tilespmem:s26+$0x14A00];
	_ =	sdelay $0x1  }
0x90: {  	s29 =	simm.s32 $0x7E0  }
0x91: {  	v5 =	vsel vm0, $0x0, v4;
	v7 =	vld [tilespmem:s29+$0x14A00]  }
0x92: {  	(xrf0) =	vadd.scan.msk.s32 $0xffff, v5  }
0x93: {  	(xrf0) =	vadd.scan.msk.s32 $0xffff, v6;
	_ =	sdelay $0x1  }
0x94: {  	v6 =	vperm.xlane v6, v0  }
0x95: {  	(xrf0) =	vadd.scan.msk.s32 $0xffff, v7;
	_ =	sdelay $0x1  }
0x96: {  	v5, _, _ =	vpop (xrf0)  }
0x97: {  	s30 =	simm.s32 $0x7D0;
	(xrf0) =	vadd.scan.msk.s32 $0xffff, v6;
	v6, _, _ =	vpop (xrf0)  }
0x98: {  	v8 =	vld [tilespmem:s30+$0x14A00];
	(v2sf) =	vpush v6, $0xF;
	_ =	sdelay $0x1  }
0x99: {  	s31 =	simm.s32 $0x7C0;
	v9, _, _ =	vpop (xrf0)  }
0x9a: {  	v6 =	vld [tilespmem:s31+$0x14A00];
	(v2sf) =	vpush v9, $0xF;
	_ =	sdelay $0x1  }
0x9b: {  	v7 =	vperm.xlane v7, v0;
	(xrf0) =	vadd.scan.msk.s32 $0xffff, v8;
	v9, _, _ =	vpop (xrf0)  }
0x9c: {  	v9 =	vperm.xlane v9, v0  }
0x9d: {  	s24 =	simm.s32 $0x0;
	v5 =	vbroadcast v5, $0xF;
	(xrf0) =	vadd.scan.msk.s32 $0xffff, v7  }
0x9e: {  	v7 =	vperm.xlane v8, v0;
	v8 =	vadd.s32 s24, v9;
	(xrf0) =	vadd.scan.msk.s32 $0xffff, v6  }
0x9f: {  	vm2 =	vge.s32 v8, v5  }
0xa0: {  	(xrf0) =	vadd.scan.msk.s32 $0xffff, v7;
	v7 =	vsel vm2, $0x1, v1  }
0xa1: {  	s26 =	simm.s32 $0x7B0;
	v8, _, _ =	vpop (xrf0)  }
0xa2: {  	(v2sf) =	vpush v8, $0xF;
	v8 =	vld [tilespmem:s26+$0x14A00]  }
0xa3: {  	(xrf0) =	vadd.scan.msk.s32 $0xffff, v7;
	v7, _, _ =	vpop (xrf0)  }
0xa4: {  	v9, _, _ =	vpop (xrf0)  }
0xa5: {  	s30 =	simm.s32 $0x7A0;
	v7 =	vperm.xlane v7, v0;
	(v2sf) =	vpush v9, $0xF;
	s29 =	spop (v2sf)  }
0xa6: {  	v10 =	vld [tilespmem:s30+$0x14A00];
	s25 =	sadd.s32 $0x0, s29  }
0xa7: {  	v6 =	vperm.xlane v6, v0;
	v9, _, _ =	vpop (xrf0);
	(xrf0) =	vadd.scan.msk.s32 $0xffff, v8;
	v7 =	vadd.s32 s25, v7  }
0xa8: {  	s31 =	spop (v2sf);
	vm2 =	vge.s32 v7, v5;
	v7 =	vperm.xlane v9, v0  }
0xa9: {  	v8 =	vperm.xlane v8, v0;
	(xrf0) =	vadd.scan.msk.s32 $0xffff, v6;
	s25 =	sadd.s32 s25, s31;
	v6 =	vsel vm2, $0x1, v1  }
0xaa: {  	s28 =	simm.s32 $0x790;
	(xrf0) =	vadd.scan.msk.s32 $0xffff, v6;
	v7 =	vadd.s32 s25, v7  }
0xab: {  	v6 =	vld [tilespmem:s28+$0x14A00];
	(xrf0) =	vadd.scan.msk.s32 $0xffff, v10;
	vm2 =	vge.s32 v7, v5  }
0xac: {  	v11, _, _ =	vpop (xrf0);
	(xrf0) =	vadd.scan.msk.s32 $0xffff, v8;
	v7 =	vsel vm2, $0x1, v1  }
0xad: {  	v8, _, _ =	vpop (xrf0);
	(xrf0) =	vadd.scan.msk.s32 $0xffff, v7;
	_ =	sdelay $0x1  }
0xae: {  	v7, _, _ =	vpop (xrf0)  }
0xaf: {  	(v2sf) =	vpush v11, $0xF;
	(xrf0) =	vadd.scan.msk.s32 $0xffff, v6;
	v9, _, _ =	vpop (xrf0)  }
0xb0: {  	s29 =	spop (v2sf);
	(v2sf) =	vpush v8, $0xF;
	v11, _, _ =	vpop (xrf0)  }
0xb1: {  	(v2sf) =	vpush v9, $0xF;
	v8, _, _ =	vpop (xrf0)  }
0xb2: {  	(v2sf) =	vpush v11, $0xF;
	v9, _, _ =	vpop (xrf0)  }
0xb3: {  	s30 =	spop (v2sf);
	(v2sf) =	vpush v9, $0xF;
	_ =	sdelay $0x1  }
0xb4: {  	v9, _, _ =	vpop (xrf0)  }
0xb5: {  	v7 =	vperm.xlane v7, v0;
	(v2sf) =	vpush v9, $0xF  }
0xb6: {  	s25 =	sadd.s32 s25, s29  }
0xb7: {  	s28 =	simm.s32 $0x780;
	v10 =	vperm.xlane v10, v0;
	v7 =	vadd.s32 s25, v7  }
0xb8: {  	v12 =	vld [tilespmem:s28+$0x14A00];
	vm2 =	vge.s32 v7, v5  }
0xb9: {  	(xrf0) =	vadd.scan.msk.s32 $0xffff, v10;
	v7 =	vperm.xlane v8, v0;
	v8 =	vsel vm2, $0x1, v1  }
0xba: {  	(xrf0) =	vadd.scan.msk.s32 $0xffff, v8  }
0xbb: {  	s26 =	sadd.s32 s25, s30  }
0xbc: {  	s31 =	simm.s32 $0x770;
	v10 =	vadd.s32 s26, v7  }
0xbd: {  	s28 =	simm.s32 $0x1D80;
	v6 =	vperm.xlane v6, v0;
	s25 =	spop (v2sf);
	v8 =	vperm.xlane v12, v0;
	v7 =	vld [tilespmem:s31+$0x14A00];
	(xrf0) =	vadd.scan.msk.s32 $0xffff, v12;
	vm2 =	vge.s32 v10, v5  }
.LBB2_4:
0xbe: {  	p0 =	sne.s32 s28, $0x0  }
0xbf: {  	(xrf0) =	vadd.scan.msk.s32 $0xffff, v6;
	v9, _, _ =	vpop (xrf0);
	v10 =	vsel vm2, $0x1, v1;
	s24 =	sadd.s32 s24, s25;
	v6 =	vmov v8;
	s25 =	smov.u32 s28;
	s28 =	sadd.s32 $0xFFFFFFC0, s28  }
.Ltmp1:
0xc0: {  	(xrf0) =	vadd.scan.msk.s32 $0xffff, v10;
	v8, _, _ =	vpop (xrf0);
	(pc) =	sbr.rel @p0 .LBB2_4-.Ltmp1, $4  }
0xc1: {  	v9 =	vperm.xlane v9, v0;
	s29 =	spop (v2sf);
	(v2sf) =	vpush v8, $0xF  }
0xc2: {  	s26 =	sadd.s32 s26, s29  }
0xc3: {  	s25 =	sshra.s32 s25, $0x2;
	v8 =	vperm.xlane v7, v0;
	(xrf0) =	vadd.scan.msk.s32 $0xffff, v7;
	v10, _, _ =	vpop (xrf0);
	v9 =	vadd.s32 s26, v9  }
0xc4: {  	v7 =	vld [tilespmem:s25+$0x14A00];
	(v2sf) =	vpush v10, $0xF;
	vm2 =	vge.s32 v9, v5;
	s25 =	spop (v2sf)  }
0xc5: {  	_ =	sdelay $0x1  }
0xc6: {  	v9, _, _ =	vpop (xrf0)  }
0xc7: {  	v10, _, _ =	vpop (xrf0)  }
0xc8: {  	(v2sf) =	vpush v10, $0xF;
	v59, _, _ =	vpop (xrf0)  }
0xc9: {  	(v2sf) =	vpush v59, $0xF;
	_ =	sdelay $0x1  }
0xca: {  	s28 =	spop (v2sf);
	v9 =	vperm.xlane v9, v0  }
0xcb: {  	(xrf0) =	vadd.scan.msk.s32 $0xffff, v6;
	v6 =	vsel vm2, $0x1, v1;
	s26 =	sadd.s32 s26, s28  }
0xcc: {  	(xrf0) =	vadd.scan.msk.s32 $0xffff, v6;
	v6 =	vadd.s32 s26, v9  }
0xcd: {  	(xrf0) =	vadd.scan.msk.s32 $0xffff, v7;
	vm2 =	vge.s32 v6, v5;
	v6 =	vperm.xlane v7, v0  }
0xce: {  	(xrf0) =	vadd.scan.msk.s32 $0xffff, v8;
	v7 =	vsel vm2, $0x1, v1  }
0xcf: {  	(xrf0) =	vadd.scan.msk.s32 $0xffff, v7  }
0xd0: {  	(xrf0) =	vadd.scan.msk.s32 $0xffff, v6  }
0xd1: {  	v6, _, _ =	vpop (xrf0)  }
0xd2: {  	s28 =	spop (v2sf);
	v7, _, _ =	vpop (xrf0)  }
0xd3: {  	s29 =	spop (v2sf);
	v60, _, _ =	vpop (xrf0)  }
0xd4: {  	s30 =	spop (v2sf);
	v61, _, _ =	vpop (xrf0)  }
0xd5: {  	v6 =	vperm.xlane v6, v0;
	v62, _, _ =	vpop (xrf0);
	s31 =	spop (v2sf)  }
0xd6: {  	s26 =	sadd.s32 s26, s29;
	v9 =	vperm.xlane v61, v0;
	v11, _, _ =	vpop (xrf0);
	s29 =	spop (v2sf)  }
0xd7: {  	v6 =	vadd.s32 s26, v6;
	v11 =	vperm.xlane v11, v0;
	s26 =	sadd.s32 s26, s31;
	s31 =	spop (v2sf)  }
0xd8: {  	vm2 =	vge.s32 v6, v5;
	v9 =	vadd.s32 s26, v9;
	s26 =	sadd.s32 s26, s31  }
0xd9: {  	v63 =	vsel vm2, $0x1, v1;
	vm2 =	vge.s32 v9, v5;
	v6 =	vadd.s32 s26, v11  }
0xda: {  	(xrf0) =	vadd.scan.msk.s32 $0xffff, v63;
	v9 =	vsel vm2, $0x1, v1;
	vm2 =	vge.s32 v6, v5  }
0xdb: {  	(xrf0) =	vadd.scan.msk.s32 $0xffff, v9;
	v5 =	vsel vm2, $0x1, v1  }
0xdc: {  	(xrf0) =	vadd.scan.msk.s32 $0xffff, v5;
	_ =	sdelay $0x1  }
0xdd: {  	(v2sf) =	vpush v7, $0xF  }
0xde: {  	(v2sf) =	vpush v60, $0xF  }
0xdf: {  	(v2sf) =	vpush v62, $0xF;
	v5, _, _ =	vpop (xrf0)  }
0xe0: {  	(v2sf) =	vpush v5, $0xF;
	v5, _, _ =	vpop (xrf0)  }
0xe1: {  	(v2sf) =	vpush v5, $0xF;
	v5, _, _ =	vpop (xrf0)  }
0xe2: {  	(v2sf) =	vpush v5, $0xF;
	_ =	sdelay $0x7  }
0xe3: {  	s24 =	sadd.s32 s24, s25  }
0xe4: {  	s24 =	sadd.s32 s24, s28  }
0xe5: {  	s24 =	sadd.s32 s24, s30;
	s30 =	spop (v2sf)  }
0xe6: {  	s24 =	sadd.s32 s24, s29;
	s31 =	spop (v2sf)  }
0xe7: {  	s24 =	sadd.s32 s24, s30;
	s28 =	spop (v2sf)  }
0xe8: {  	s24 =	sadd.s32 s24, s28;
	s29 =	spop (v2sf)  }
0xe9: {  	s24 =	sadd.s32 s24, s29;
	s30 =	spop (v2sf)  }
0xea: {  	s24 =	sadd.s32 s24, s30;
	s31 =	spop (v2sf)  }
0xeb: {  	s26 =	simm.s32 $0x200;
	s25 =	sadd.s32 s24, s31;
	s24 =	simm.s32 $0x0  }
.LBB2_6:
0xec: {  	p0 =	sne.s32 s26, $0x7E00;
	[tilespmem:s24+$0x2870] =	vst v1  }
0xed: {  	[tilespmem:s24+$0x2800] =	vst v1  }
0xee: {  	[tilespmem:s24+$0x2810] =	vst v1  }
.Ltmp2:
0xef: {  	[tilespmem:s24+$0x2820] =	vst v1;
	(pc) =	sbr.rel @p0 .LBB2_6-.Ltmp2, $4  }
0xf0: {  	[tilespmem:s24+$0x2830] =	vst v1  }
0xf1: {  	[tilespmem:s24+$0x2840] =	vst v1  }
0xf2: {  	[tilespmem:s24+$0x2850] =	vst v1  }
0xf3: {  	[tilespmem:s24+$0x2860] =	vst v1;
	s24 =	sshra.s32 s26, $0x2;
	s26 =	sadd.s32 $0x200, s26  }
0xf4: {  	v4 =	vnsel vm1, $0x0, v4  }
0xf5: {  	(xrf0) =	vadd.scan.msk.s32 $0xffff, v4;
	_ =	sdelay $0x5  }
0xf6: {  	v4, _, _ =	vpop (xrf0)  }
0xf7: {  	(v2sf) =	vpush v4, $0xF;
	_ =	sdelay $0x5  }
0xf8: {  	[tilespmem:s24+$0x2870] =	vst v1  }
0xf9: {  	[tilespmem:s24+$0x2800] =	vst v1  }
0xfa: {  	[tilespmem:s24+$0x2810] =	vst v1  }
0xfb: {  	[tilespmem:s24+$0x2820] =	vst v1  }
0xfc: {  	[tilespmem:s24+$0x2830] =	vst v1  }
0xfd: {  	[tilespmem:s24+$0x2840] =	vst v1  }
0xfe: {  	[tilespmem:s24+$0x2850] =	vst v1  }
0xff: {  	[tilespmem:s24+$0x2860] =	vst v1;
	s24 =	simm.s32 $0x0  }
0x100: {  	[tilespmem:s15], [sflag:$0x1] =	stream.linear.gather [hbm4b:s7+s24], $0x1000, $0x38;
	[tilespmem:$0x15280] =	vst v63  }
0x101: {  	s26 =	spop (v2sf)  }
0x102: {  	s26 =	sshll.u32 s26, $0xB  }
0x103: {  	s25 =	sadd.s32 s25, s26  }
0x104: {  	s25 =	sadd.s32 $0xFFFFFFFF, s25  }
0x105: {  	[tilespmem:s16], [sflag:$0x2] =	stream.linear.gather [hbm4b:s8+s24], $0x1000, $0x38;
	v4 =	vmov s25;
	[tilespmem:$0x15280] =	vst v63  }
.LBB2_8:
0x106: {  	_ =	swait.ge [sflag:s17], $0x1000  }
0x107: {  	[sflag:s17] =	ssyncset.done $0x0  }
0x108: {  	s25 =	simm.s32 $0x0;
	[sflag:s17] =	ssyncadd.s32 $0xFFFFF000  }
0x109: {  	v5 =	vld [tilespmem:s25+$0x870]  }
0x10a: {  	v6 =	vld [tilespmem:s25+$0x10]  }
0x10b: {  	v7 =	vld [tilespmem:s25+$0x810]  }
0x10c: {  	v8 =	vld [tilespmem:s25+$0x0]  }
0x10d: {  	v9 =	vld [tilespmem:s25+$0x1010]  }
0x10e: {  	v10 =	vld [tilespmem:s25+$0x800]  }
0x10f: {  	v13 =	vld [tilespmem:s25+$0x860]  }
0x110: {  	v14 =	vld [tilespmem:s25+$0x820]  }
0x111: {  	v15 =	vld [tilespmem:s25+$0x1020]  }
0x112: {  	v21 =	vld [tilespmem:s25+$0x840]  }
0x113: {  	v11 =	vld [tilespmem:s25+$0x1000]  }
0x114: {  	v12 =	vld [tilespmem:s25+$0x1060]  }
0x115: {  	v7 =	vand.u32 $0x7FFFFFFF, v7;
	v9 =	vand.u32 $0x7FFFFFFF, v9;
	v10 =	vand.u32 $0x7FFFFFFF, v10  }
0x116: {  	v16 =	vand.u32 $0x7FFFFFFF, v5;
	v13 =	vand.u32 $0x7FFFFFFF, v13;
	v14 =	vand.u32 $0x7FFFFFFF, v14  }
0x117: {  	v15 =	vand.u32 $0x7FFFFFFF, v15;
	v21 =	vand.u32 $0x7FFFFFFF, v21;
	v7 =	vmul.f32 v7, v6  }
0x118: {  	v19 =	vld [tilespmem:s25+$0x30];
	v6 =	vmul.f32 v9, v6;
	v9 =	vmul.f32 v10, v8;
	v10 =	vand.u32 $0x7FFFFFFF, v11  }
0x119: {  	v5 =	vld [tilespmem:s25+$0x20];
	v8 =	vmul.f32 v10, v8;
	v10 =	vand.u32 $0x7FFFFFFF, v12;
	v11 =	vand.u32 $0x1FF, v7  }
0x11a: {  	v12 =	vld [tilespmem:s25+$0x830];
	v7 =	vshrl.u32 v7, $0x9;
	v17 =	vshrl.u32 v9, $0x9;
	v18 =	vshrl.u32 v6, $0x9  }
0x11b: {  	v22 =	vld [tilespmem:s25+$0x1040];
	v9 =	vand.u32 $0x1FF, v9;
	v6 =	vand.u32 $0x1FF, v6;
	vm4 =	veq.s32 v7, v4  }
0x11c: {  	v23 =	vld [tilespmem:s25+$0x70];
	v11 =	vor.u32 v2, v11;
	vm5 =	veq.s32 v18, v4;
	v18 =	vor.u32 v2, v6  }
0x11d: {  	v7 =	vld [tilespmem:s25+$0x1030];
	v20 =	vshrl.u32 v8, $0x9;
	v8 =	vand.u32 $0x1FF, v8;
	vm6 =	veq.s32 v17, v4  }
0x11e: {  	v6 =	vld [tilespmem:s25+$0x1050];
	v17 =	vor.u32 v2, v8;
	v8 =	vmul.f32 v14, v5;
	v5 =	vmul.f32 v15, v5  }
0x11f: {  	v24 =	vld [tilespmem:s25+$0x60];
	v9 =	vor.u32 v2, v9;
	vm7 =	veq.s32 v20, v4;
	v12 =	vand.u32 $0x7FFFFFFF, v12  }
0x120: {  	v26 =	vld [tilespmem:s25+$0x1070];
	v14 =	vshrl.u32 v5, $0x9;
	v15 =	vand.u32 $0x1FF, v8;
	v8 =	vshrl.u32 v8, $0x9  }
0x121: {  	v20 =	vld [tilespmem:s25+$0x40];
	v5 =	vand.u32 $0x1FF, v5;
	vm2 =	veq.s32 v14, v4;
	v25 =	vor.u32 v2, v15  }
0x122: {  	v14 =	vld [tilespmem:s25+$0x850];
	v5 =	vor.u32 v2, v5;
	vm8 =	veq.s32 v8, v4;
	v7 =	vand.u32 $0x7FFFFFFF, v7  }
0x123: {  	v8 =	vld [tilespmem:s25+$0x50];
	v12 =	vmul.f32 v12, v19;
	v63 =	vand.u32 $0x7FFFFFFF, v6;
	v7 =	vmul.f32 v7, v19  }
0x124: {  	v19 =	vand.u32 $0x7FFFFFFF, v22;
	[tilespmem:v9+s18+$0x0] =	vst.idx.add.s32.msk vm6, v3;
	v9 =	vmul.f32 v10, v24;
	v10 =	vmul.f32 v13, v24  }
0x125: {  	[tilespmem:v17+s18+$0x0] =	vst.idx.add.s32.msk vm7, v3;
	v17 =	vand.u32 $0x1FF, v12;
	v15 =	vshrl.u32 v7, $0x9;
	v7 =	vand.u32 $0x1FF, v7  }
0x126: {  	vm3 =	veq.s32 v15, v4;
	v15 =	vmul.f32 v19, v20;
	v6 =	vor.u32 v2, v7  }
0x127: {  	[tilespmem:v11+s18+$0x0] =	vst.idx.add.s32.msk vm4, v3;
	v7 =	vmul.f32 v16, v23;
	v16 =	vshrl.u32 v12, $0x9;
	v14 =	vand.u32 $0x7FFFFFFF, v14  }
0x128: {  	[tilespmem:v18+s18+$0x0] =	vst.idx.add.s32.msk vm5, v3;
	v19 =	vmul.f32 v21, v20;
	v12 =	vand.u32 $0x7FFFFFFF, v26;
	v13 =	vmul.f32 v63, v8  }
0x129: {  	s25 =	simm.s32 $0x200;
	v12 =	vmul.f32 v12, v23;
	[tilespmem:v25+s18+$0x0] =	vst.idx.add.s32.msk vm8, v3;
	v11 =	vand.u32 $0x1FF, v7;
	v18 =	vshrl.u32 v15, $0x9  }
.LBB2_9:
0x12a: {  	p0 =	sne.s32 s25, $0x1E00;
	v20 =	vshrl.u32 v19, $0x9;
	v21 =	vshrl.u32 v10, $0x9;
	v15 =	vand.u32 $0x1FF, v15;
	s26 =	smov.u32 s25;
	s25 =	sadd.s32 $0x200, s25  }
0x12b: {  	v19 =	vand.u32 $0x1FF, v19;
	vm7 =	veq.s32 v20, v4;
	v15 =	vor.u32 v2, v15  }
0x12c: {  	vm8 =	veq.s32 v16, v4;
	vm4 =	veq.s32 v21, v4;
	v16 =	vor.u32 v2, v19  }
0x12d: {  	v17 =	vor.u32 v2, v17;
	v19 =	vshrl.u32 v13, $0x9;
	v20 =	vshrl.u32 v9, $0x9  }
0x12e: {  	vm9 =	veq.s32 v18, v4;
	v9 =	vand.u32 $0x1FF, v9;
	vm5 =	veq.s32 v20, v4  }
0x12f: {  	v8 =	vmul.f32 v14, v8;
	v14 =	vshrl.u32 v12, $0x9;
	v9 =	vor.u32 v2, v9  }
0x130: {  	vm6 =	veq.s32 v14, v4;
	[tilespmem:v5+s18+$0x0] =	vst.idx.add.s32.msk vm2, v3;
	v5 =	vor.u32 v2, v11;
	v11 =	vand.u32 $0x1FF, v12  }
0x131: {  	v10 =	vand.u32 $0x1FF, v10;
	v12 =	vshrl.u32 v8, $0x9;
	v11 =	vor.u32 v2, v11  }
0x132: {  	v8 =	vand.u32 $0x1FF, v8;
	vm2 =	veq.s32 v12, v4;
	v12 =	vand.u32 $0x1FF, v13;
	[tilespmem:v17+s18+$0x0] =	vst.idx.add.s32.msk vm8, v3  }
0x133: {  	v7 =	vshrl.u32 v7, $0x9;
	vm8 =	veq.s32 v19, v4;
	[tilespmem:v6+s18+$0x0] =	vst.idx.add.s32.msk vm3, v3;
	v6 =	vor.u32 v2, v10  }
0x134: {  	v8 =	vor.u32 v2, v8;
	v10 =	vor.u32 v2, v12;
	[tilespmem:v16+s18+$0x0] =	vst.idx.add.s32.msk vm7, v3  }
0x135: {  	[tilespmem:v15+s18+$0x0] =	vst.idx.add.s32.msk vm9, v3  }
0x136: {  	vm3 =	veq.s32 v7, v4;
	_ =	sdelay $0x2  }
0x137: {  	[tilespmem:v8+s18+$0x0] =	vst.idx.add.s32.msk vm2, v3  }
0x138: {  	[tilespmem:v10+s18+$0x0] =	vst.idx.add.s32.msk vm8, v3  }
0x139: {  	[tilespmem:v6+s18+$0x0] =	vst.idx.add.s32.msk vm4, v3  }
0x13a: {  	[tilespmem:v9+s18+$0x0] =	vst.idx.add.s32.msk vm5, v3  }
0x13b: {  	[tilespmem:v5+s18+$0x0] =	vst.idx.add.s32.msk vm3, v3  }
0x13c: {  	s26 =	sshra.s32 s26, $0x2;
	[tilespmem:v11+s18+$0x0] =	vst.idx.add.s32.msk vm6, v3  }
0x13d: {  	v5 =	vld [tilespmem:s26+$0x870]  }
0x13e: {  	v6 =	vld [tilespmem:s26+$0x10]  }
0x13f: {  	v7 =	vld [tilespmem:s26+$0x810]  }
0x140: {  	v8 =	vld [tilespmem:s26+$0x0]  }
0x141: {  	v9 =	vld [tilespmem:s26+$0x1010]  }
0x142: {  	v10 =	vld [tilespmem:s26+$0x800]  }
0x143: {  	v11 =	vld [tilespmem:s26+$0x1000]  }
0x144: {  	v12 =	vld [tilespmem:s26+$0x1060]  }
0x145: {  	v7 =	vand.u32 $0x7FFFFFFF, v7;
	v13 =	vld [tilespmem:s26+$0x860]  }
0x146: {  	v7 =	vmul.f32 v7, v6;
	v14 =	vld [tilespmem:s26+$0x1050];
	v9 =	vand.u32 $0x7FFFFFFF, v9  }
0x147: {  	v16 =	vand.u32 $0x7FFFFFFF, v5;
	v15 =	vld [tilespmem:s26+$0x820];
	v10 =	vand.u32 $0x7FFFFFFF, v10;
	v6 =	vmul.f32 v9, v6  }
0x148: {  	v5 =	vld [tilespmem:s26+$0x20];
	v9 =	vmul.f32 v10, v8;
	v10 =	vand.u32 $0x7FFFFFFF, v11;
	v11 =	vand.u32 $0x1FF, v7  }
0x149: {  	v7 =	vshrl.u32 v7, $0x9;
	v17 =	vld [tilespmem:s26+$0x1020];
	v8 =	vmul.f32 v10, v8;
	v10 =	vand.u32 $0x7FFFFFFF, v12  }
0x14a: {  	vm4 =	veq.s32 v7, v4;
	v11 =	vor.u32 v2, v11;
	v12 =	vld [tilespmem:s26+$0x830];
	v18 =	vshrl.u32 v9, $0x9  }
0x14b: {  	v19 =	vshrl.u32 v6, $0x9;
	v6 =	vand.u32 $0x1FF, v6;
	v9 =	vand.u32 $0x1FF, v9;
	v7 =	vld [tilespmem:s26+$0x1030]  }
0x14c: {  	v13 =	vand.u32 $0x7FFFFFFF, v13;
	vm5 =	veq.s32 v19, v4;
	v19 =	vor.u32 v2, v6;
	v20 =	vld [tilespmem:s26+$0x30]  }
0x14d: {  	v21 =	vshrl.u32 v8, $0x9;
	v8 =	vand.u32 $0x1FF, v8;
	v15 =	vand.u32 $0x7FFFFFFF, v15;
	v6 =	vld [tilespmem:s26+$0x840]  }
0x14e: {  	vm6 =	veq.s32 v18, v4;
	v18 =	vor.u32 v2, v8;
	v22 =	vld [tilespmem:s26+$0x1040];
	v17 =	vand.u32 $0x7FFFFFFF, v17  }
0x14f: {  	vm7 =	veq.s32 v21, v4;
	v8 =	vmul.f32 v15, v5;
	v23 =	vld [tilespmem:s26+$0x40];
	v5 =	vmul.f32 v17, v5  }
0x150: {  	v9 =	vor.u32 v2, v9;
	v12 =	vand.u32 $0x7FFFFFFF, v12;
	v21 =	vld [tilespmem:s26+$0x70];
	v7 =	vand.u32 $0x7FFFFFFF, v7  }
0x151: {  	v24 =	vand.u32 $0x1FF, v8;
	v17 =	vld [tilespmem:s26+$0x60];
	v7 =	vmul.f32 v7, v20;
	v15 =	vshrl.u32 v5, $0x9  }
0x152: {  	v26 =	vshrl.u32 v8, $0x9;
	v5 =	vand.u32 $0x1FF, v5;
	v25 =	vld [tilespmem:s26+$0x850];
	vm2 =	veq.s32 v15, v4  }
0x153: {  	v24 =	vor.u32 v2, v24;
	v27 =	vand.u32 $0x7FFFFFFF, v6;
	v5 =	vor.u32 v2, v5;
	v8 =	vld [tilespmem:s26+$0x50]  }
0x154: {  	vm8 =	veq.s32 v26, v4;
	v6 =	vshrl.u32 v7, $0x9;
	v7 =	vand.u32 $0x1FF, v7;
	v28 =	vld [tilespmem:s26+$0x1070]  }
0x155: {  	v12 =	vmul.f32 v12, v20;
	v15 =	vand.u32 $0x7FFFFFFF, v22;
	vm3 =	veq.s32 v6, v4;
	[tilespmem:v9+s18+$0x0] =	vst.idx.add.s32.msk vm6, v3  }
.Ltmp3:
0x156: {  	v20 =	vand.u32 $0x7FFFFFFF, v14;
	v15 =	vmul.f32 v15, v23;
	v6 =	vor.u32 v2, v7;
	[tilespmem:v18+s18+$0x0] =	vst.idx.add.s32.msk vm7, v3;
	(pc) =	sbr.rel @p0 .LBB2_9-.Ltmp3, $4  }
0x157: {  	v7 =	vmul.f32 v16, v21;
	v16 =	vshrl.u32 v12, $0x9;
	v9 =	vmul.f32 v10, v17;
	[tilespmem:v11+s18+$0x0] =	vst.idx.add.s32.msk vm4, v3  }
0x158: {  	v10 =	vmul.f32 v13, v17;
	v17 =	vand.u32 $0x1FF, v12;
	v14 =	vand.u32 $0x7FFFFFFF, v25;
	[tilespmem:v19+s18+$0x0] =	vst.idx.add.s32.msk vm5, v3  }
0x159: {  	v11 =	vand.u32 $0x1FF, v7;
	v19 =	vmul.f32 v27, v23;
	v12 =	vand.u32 $0x7FFFFFFF, v28  }
0x15a: {  	v18 =	vshrl.u32 v15, $0x9;
	v13 =	vmul.f32 v20, v8;
	v12 =	vmul.f32 v12, v21;
	[tilespmem:v24+s18+$0x0] =	vst.idx.add.s32.msk vm8, v3  }
0x15b: {  	v20 =	vshrl.u32 v19, $0x9;
	v21 =	vshrl.u32 v10, $0x9  }
0x15c: {  	v15 =	vand.u32 $0x1FF, v15;
	vm5 =	veq.s32 v16, v4;
	v16 =	vand.u32 $0x1FF, v19  }
0x15d: {  	v17 =	vor.u32 v2, v17;
	v8 =	vmul.f32 v14, v8;
	vm7 =	veq.s32 v18, v4  }
0x15e: {  	v19 =	vshrl.u32 v9, $0x9;
	v10 =	vand.u32 $0x1FF, v10;
	vm4 =	veq.s32 v20, v4  }
0x15f: {  	v14 =	vor.u32 v2, v15;
	v15 =	vor.u32 v2, v16;
	v18 =	vshrl.u32 v8, $0x9  }
0x160: {  	v16 =	vshrl.u32 v13, $0x9;
	v8 =	vand.u32 $0x1FF, v8;
	vm8 =	veq.s32 v18, v4  }
0x161: {  	[tilespmem:v5+s18+$0x0] =	vst.idx.add.s32.msk vm2, v3;
	v5 =	vand.u32 $0x1FF, v13;
	vm2 =	veq.s32 v16, v4;
	v8 =	vor.u32 v2, v8  }
0x162: {  	v9 =	vand.u32 $0x1FF, v9;
	vm6 =	veq.s32 v21, v4;
	v5 =	vor.u32 v2, v5;
	[tilespmem:v17+s18+$0x0] =	vst.idx.add.s32.msk vm5, v3  }
0x163: {  	v7 =	vshrl.u32 v7, $0x9;
	vm9 =	veq.s32 v19, v4;
	[tilespmem:v6+s18+$0x0] =	vst.idx.add.s32.msk vm3, v3;
	v6 =	vor.u32 v2, v10  }
0x164: {  	v9 =	vor.u32 v2, v9;
	v10 =	vshrl.u32 v12, $0x9;
	vm3 =	veq.s32 v7, v4;
	[tilespmem:v15+s18+$0x0] =	vst.idx.add.s32.msk vm4, v3  }
0x165: {  	v7 =	vor.u32 v2, v11;
	vm4 =	veq.s32 v10, v4;
	v10 =	vand.u32 $0x1FF, v12;
	[tilespmem:v14+s18+$0x0] =	vst.idx.add.s32.msk vm7, v3  }
0x166: {  	v10 =	vor.u32 v2, v10;
	[tilespmem:v8+s18+$0x0] =	vst.idx.add.s32.msk vm8, v3  }
0x167: {  	[tilespmem:v5+s18+$0x0] =	vst.idx.add.s32.msk vm2, v3  }
0x168: {  	s25 =	sshll.u32 s24, $0xD;
	p0 =	seq.s32 s24, $0xF;
	[tilespmem:v6+s18+$0x0] =	vst.idx.add.s32.msk vm6, v3  }
0x169: {  	s26 =	sadd.s32 @!p0 s25, s9;
	[tilespmem:v9+s18+$0x0] =	vst.idx.add.s32.msk vm9, v3  }
0x16a: {  	s26 =	sshrl.u32 @!p0 s26, $0x3;
	[tilespmem:v7+s18+$0x0] =	vst.idx.add.s32.msk vm3, v3  }
0x16b: {  	s28 =	simm.s32 @!p0 $0x0;
	s29 =	simm.s32 @!p0 $0x800;
	s26 =	sadd.s32 @!p0 s1, s26;
	[tilespmem:v10+s18+$0x0] =	vst.idx.add.s32.msk vm4, v3  }
0x16c: {  	[tilespmem:s29], [sflag:$0x1] =	stream.linear.gather @!p0 [hbm4b:s26+s28], $0x1000, $0x38;
	[tilespmem:$0x15280] =	vst v63  }
0x16d: {  	_ =	swait.ge [sflag:s19], $0x1000  }
0x16e: {  	[sflag:s19] =	ssyncset.done $0x0  }
0x16f: {  	s31 =	simm.s32 $0x0;
	[sflag:s19] =	ssyncadd.s32 $0xFFFFF000  }
0x170: {  	v5 =	vld [tilespmem:s31+$0x1870]  }
0x171: {  	v6 =	vld [tilespmem:s31+$0x10]  }
0x172: {  	v7 =	vld [tilespmem:s31+$0x1810]  }
0x173: {  	v8 =	vld [tilespmem:s31+$0x0]  }
0x174: {  	v9 =	vld [tilespmem:s31+$0x2010]  }
0x175: {  	v10 =	vld [tilespmem:s31+$0x1800]  }
0x176: {  	v13 =	vld [tilespmem:s31+$0x1860]  }
0x177: {  	v14 =	vld [tilespmem:s31+$0x1820]  }
0x178: {  	v15 =	vld [tilespmem:s31+$0x2020]  }
0x179: {  	v62 =	vld [tilespmem:s31+$0x1840]  }
0x17a: {  	v11 =	vld [tilespmem:s31+$0x2000]  }
0x17b: {  	v12 =	vld [tilespmem:s31+$0x2060]  }
0x17c: {  	v7 =	vand.u32 $0x7FFFFFFF, v7;
	v9 =	vand.u32 $0x7FFFFFFF, v9;
	v10 =	vand.u32 $0x7FFFFFFF, v10  }
0x17d: {  	v16 =	vand.u32 $0x7FFFFFFF, v5;
	v13 =	vand.u32 $0x7FFFFFFF, v13;
	v14 =	vand.u32 $0x7FFFFFFF, v14  }
0x17e: {  	v15 =	vand.u32 $0x7FFFFFFF, v15;
	v21 =	vand.u32 $0x7FFFFFFF, v62;
	v7 =	vmul.f32 v7, v6  }
0x17f: {  	v19 =	vld [tilespmem:s31+$0x30];
	v6 =	vmul.f32 v9, v6;
	v9 =	vmul.f32 v10, v8;
	v10 =	vand.u32 $0x7FFFFFFF, v11  }
0x180: {  	v5 =	vld [tilespmem:s31+$0x20];
	v8 =	vmul.f32 v10, v8;
	v10 =	vand.u32 $0x7FFFFFFF, v12;
	v11 =	vand.u32 $0x1FF, v7  }
0x181: {  	v12 =	vld [tilespmem:s31+$0x1830];
	v7 =	vshrl.u32 v7, $0x9;
	v17 =	vshrl.u32 v9, $0x9;
	v18 =	vshrl.u32 v6, $0x9  }
0x182: {  	v22 =	vld [tilespmem:s31+$0x2040];
	v9 =	vand.u32 $0x1FF, v9;
	v6 =	vand.u32 $0x1FF, v6;
	vm4 =	veq.s32 v7, v4  }
0x183: {  	v23 =	vld [tilespmem:s31+$0x70];
	v11 =	vor.u32 v2, v11;
	vm5 =	veq.s32 v18, v4;
	v18 =	vor.u32 v2, v6  }
0x184: {  	v7 =	vld [tilespmem:s31+$0x2030];
	v20 =	vshrl.u32 v8, $0x9;
	v8 =	vand.u32 $0x1FF, v8;
	vm13 =	veq.s32 v17, v4  }
0x185: {  	v6 =	vld [tilespmem:s31+$0x2050];
	v17 =	vor.u32 v2, v8;
	v8 =	vmul.f32 v14, v5;
	v5 =	vmul.f32 v15, v5  }
0x186: {  	v24 =	vld [tilespmem:s31+$0x60];
	v9 =	vor.u32 v2, v9;
	vm14 =	veq.s32 v20, v4;
	v12 =	vand.u32 $0x7FFFFFFF, v12  }
0x187: {  	v26 =	vld [tilespmem:s31+$0x2070];
	v14 =	vshrl.u32 v5, $0x9;
	v15 =	vand.u32 $0x1FF, v8;
	v8 =	vshrl.u32 v8, $0x9  }
0x188: {  	v20 =	vld [tilespmem:s31+$0x40];
	v5 =	vand.u32 $0x1FF, v5;
	vm2 =	veq.s32 v14, v4;
	v25 =	vor.u32 v2, v15  }
0x189: {  	v14 =	vld [tilespmem:s31+$0x1850];
	v5 =	vor.u32 v2, v5;
	vm15 =	veq.s32 v8, v4;
	v7 =	vand.u32 $0x7FFFFFFF, v7  }
0x18a: {  	v8 =	vld [tilespmem:s31+$0x50];
	v12 =	vmul.f32 v12, v19;
	v63 =	vand.u32 $0x7FFFFFFF, v6;
	v7 =	vmul.f32 v7, v19  }
0x18b: {  	v19 =	vand.u32 $0x7FFFFFFF, v22;
	[tilespmem:v9+s18+$0x0] =	vst.idx.add.s32.msk vm13, v3;
	v9 =	vmul.f32 v10, v24;
	v10 =	vmul.f32 v13, v24  }
0x18c: {  	[tilespmem:v17+s18+$0x0] =	vst.idx.add.s32.msk vm14, v3;
	v17 =	vand.u32 $0x1FF, v12;
	v15 =	vshrl.u32 v7, $0x9;
	v7 =	vand.u32 $0x1FF, v7  }
0x18d: {  	vm3 =	veq.s32 v15, v4;
	v15 =	vmul.f32 v19, v20;
	v6 =	vor.u32 v2, v7  }
0x18e: {  	[tilespmem:v11+s18+$0x0] =	vst.idx.add.s32.msk vm4, v3;
	v7 =	vmul.f32 v16, v23;
	v16 =	vshrl.u32 v12, $0x9;
	v14 =	vand.u32 $0x7FFFFFFF, v14  }
0x18f: {  	[tilespmem:v18+s18+$0x0] =	vst.idx.add.s32.msk vm5, v3;
	v19 =	vmul.f32 v21, v20;
	v12 =	vand.u32 $0x7FFFFFFF, v26;
	v13 =	vmul.f32 v63, v8  }
0x190: {  	s26 =	simm.s32 $0x200;
	v12 =	vmul.f32 v12, v23;
	[tilespmem:v25+s18+$0x0] =	vst.idx.add.s32.msk vm15, v3;
	v11 =	vand.u32 $0x1FF, v7;
	v18 =	vshrl.u32 v15, $0x9  }
.LBB2_11:
0x191: {  	p1 =	sne.s32 s26, $0x1E00;
	v20 =	vshrl.u32 v19, $0x9;
	v21 =	vshrl.u32 v10, $0x9;
	v15 =	vand.u32 $0x1FF, v15;
	s28 =	smov.u32 s26;
	s26 =	sadd.s32 $0x200, s26  }
0x192: {  	v19 =	vand.u32 $0x1FF, v19;
	vm7 =	veq.s32 v20, v4;
	v15 =	vor.u32 v2, v15  }
0x193: {  	vm8 =	veq.s32 v16, v4;
	vm4 =	veq.s32 v21, v4;
	v16 =	vor.u32 v2, v19  }
0x194: {  	v17 =	vor.u32 v2, v17;
	v19 =	vshrl.u32 v13, $0x9;
	v20 =	vshrl.u32 v9, $0x9  }
0x195: {  	vm9 =	veq.s32 v18, v4;
	v9 =	vand.u32 $0x1FF, v9;
	vm5 =	veq.s32 v20, v4  }
0x196: {  	v8 =	vmul.f32 v14, v8;
	v14 =	vshrl.u32 v12, $0x9;
	v9 =	vor.u32 v2, v9  }
0x197: {  	vm6 =	veq.s32 v14, v4;
	[tilespmem:v5+s18+$0x0] =	vst.idx.add.s32.msk vm2, v3;
	v5 =	vor.u32 v2, v11;
	v11 =	vand.u32 $0x1FF, v12  }
0x198: {  	v10 =	vand.u32 $0x1FF, v10;
	v12 =	vshrl.u32 v8, $0x9;
	v11 =	vor.u32 v2, v11  }
0x199: {  	v8 =	vand.u32 $0x1FF, v8;
	vm2 =	veq.s32 v12, v4;
	v12 =	vand.u32 $0x1FF, v13;
	[tilespmem:v17+s18+$0x0] =	vst.idx.add.s32.msk vm8, v3  }
0x19a: {  	v7 =	vshrl.u32 v7, $0x9;
	vm8 =	veq.s32 v19, v4;
	[tilespmem:v6+s18+$0x0] =	vst.idx.add.s32.msk vm3, v3;
	v6 =	vor.u32 v2, v10  }
0x19b: {  	v8 =	vor.u32 v2, v8;
	v10 =	vor.u32 v2, v12;
	[tilespmem:v16+s18+$0x0] =	vst.idx.add.s32.msk vm7, v3  }
0x19c: {  	[tilespmem:v15+s18+$0x0] =	vst.idx.add.s32.msk vm9, v3  }
0x19d: {  	vm3 =	veq.s32 v7, v4;
	_ =	sdelay $0x2  }
0x19e: {  	[tilespmem:v8+s18+$0x0] =	vst.idx.add.s32.msk vm2, v3  }
0x19f: {  	[tilespmem:v10+s18+$0x0] =	vst.idx.add.s32.msk vm8, v3  }
0x1a0: {  	[tilespmem:v6+s18+$0x0] =	vst.idx.add.s32.msk vm4, v3  }
0x1a1: {  	[tilespmem:v9+s18+$0x0] =	vst.idx.add.s32.msk vm5, v3  }
0x1a2: {  	[tilespmem:v5+s18+$0x0] =	vst.idx.add.s32.msk vm3, v3  }
0x1a3: {  	s28 =	sshra.s32 s28, $0x2;
	[tilespmem:v11+s18+$0x0] =	vst.idx.add.s32.msk vm6, v3  }
0x1a4: {  	v5 =	vld [tilespmem:s28+$0x1870]  }
0x1a5: {  	v6 =	vld [tilespmem:s28+$0x10]  }
0x1a6: {  	v7 =	vld [tilespmem:s28+$0x1810]  }
0x1a7: {  	v8 =	vld [tilespmem:s28+$0x0]  }
0x1a8: {  	v9 =	vld [tilespmem:s28+$0x2010]  }
0x1a9: {  	v10 =	vld [tilespmem:s28+$0x1800]  }
0x1aa: {  	v11 =	vld [tilespmem:s28+$0x2000]  }
0x1ab: {  	v12 =	vld [tilespmem:s28+$0x2060]  }
0x1ac: {  	v7 =	vand.u32 $0x7FFFFFFF, v7;
	v13 =	vld [tilespmem:s28+$0x1860]  }
0x1ad: {  	v7 =	vmul.f32 v7, v6;
	v14 =	vld [tilespmem:s28+$0x2050];
	v9 =	vand.u32 $0x7FFFFFFF, v9  }
0x1ae: {  	v16 =	vand.u32 $0x7FFFFFFF, v5;
	v15 =	vld [tilespmem:s28+$0x1820];
	v10 =	vand.u32 $0x7FFFFFFF, v10;
	v6 =	vmul.f32 v9, v6  }
0x1af: {  	v5 =	vld [tilespmem:s28+$0x20];
	v9 =	vmul.f32 v10, v8;
	v10 =	vand.u32 $0x7FFFFFFF, v11;
	v11 =	vand.u32 $0x1FF, v7  }
0x1b0: {  	v7 =	vshrl.u32 v7, $0x9;
	v17 =	vld [tilespmem:s28+$0x2020];
	v8 =	vmul.f32 v10, v8;
	v10 =	vand.u32 $0x7FFFFFFF, v12  }
0x1b1: {  	vm4 =	veq.s32 v7, v4;
	v11 =	vor.u32 v2, v11;
	v12 =	vld [tilespmem:s28+$0x1830];
	v18 =	vshrl.u32 v9, $0x9  }
0x1b2: {  	v19 =	vshrl.u32 v6, $0x9;
	v6 =	vand.u32 $0x1FF, v6;
	v9 =	vand.u32 $0x1FF, v9;
	v7 =	vld [tilespmem:s28+$0x2030]  }
0x1b3: {  	v13 =	vand.u32 $0x7FFFFFFF, v13;
	vm5 =	veq.s32 v19, v4;
	v19 =	vor.u32 v2, v6;
	v20 =	vld [tilespmem:s28+$0x30]  }
0x1b4: {  	v21 =	vshrl.u32 v8, $0x9;
	v8 =	vand.u32 $0x1FF, v8;
	v15 =	vand.u32 $0x7FFFFFFF, v15;
	v6 =	vld [tilespmem:s28+$0x1840]  }
0x1b5: {  	vm6 =	veq.s32 v18, v4;
	v18 =	vor.u32 v2, v8;
	v22 =	vld [tilespmem:s28+$0x2040];
	v17 =	vand.u32 $0x7FFFFFFF, v17  }
0x1b6: {  	vm7 =	veq.s32 v21, v4;
	v8 =	vmul.f32 v15, v5;
	v23 =	vld [tilespmem:s28+$0x40];
	v5 =	vmul.f32 v17, v5  }
0x1b7: {  	v9 =	vor.u32 v2, v9;
	v12 =	vand.u32 $0x7FFFFFFF, v12;
	v21 =	vld [tilespmem:s28+$0x70];
	v7 =	vand.u32 $0x7FFFFFFF, v7  }
0x1b8: {  	v24 =	vand.u32 $0x1FF, v8;
	v17 =	vld [tilespmem:s28+$0x60];
	v7 =	vmul.f32 v7, v20;
	v15 =	vshrl.u32 v5, $0x9  }
0x1b9: {  	v26 =	vshrl.u32 v8, $0x9;
	v5 =	vand.u32 $0x1FF, v5;
	v25 =	vld [tilespmem:s28+$0x1850];
	vm2 =	veq.s32 v15, v4  }
0x1ba: {  	v24 =	vor.u32 v2, v24;
	v27 =	vand.u32 $0x7FFFFFFF, v6;
	v5 =	vor.u32 v2, v5;
	v8 =	vld [tilespmem:s28+$0x50]  }
0x1bb: {  	vm8 =	veq.s32 v26, v4;
	v6 =	vshrl.u32 v7, $0x9;
	v7 =	vand.u32 $0x1FF, v7;
	v28 =	vld [tilespmem:s28+$0x2070]  }
0x1bc: {  	v12 =	vmul.f32 v12, v20;
	v15 =	vand.u32 $0x7FFFFFFF, v22;
	vm3 =	veq.s32 v6, v4;
	[tilespmem:v9+s18+$0x0] =	vst.idx.add.s32.msk vm6, v3  }
.Ltmp4:
0x1bd: {  	v20 =	vand.u32 $0x7FFFFFFF, v14;
	v15 =	vmul.f32 v15, v23;
	v6 =	vor.u32 v2, v7;
	[tilespmem:v18+s18+$0x0] =	vst.idx.add.s32.msk vm7, v3;
	(pc) =	sbr.rel @p1 .LBB2_11-.Ltmp4, $4  }
0x1be: {  	v7 =	vmul.f32 v16, v21;
	v16 =	vshrl.u32 v12, $0x9;
	v9 =	vmul.f32 v10, v17;
	[tilespmem:v11+s18+$0x0] =	vst.idx.add.s32.msk vm4, v3  }
0x1bf: {  	v10 =	vmul.f32 v13, v17;
	v17 =	vand.u32 $0x1FF, v12;
	v14 =	vand.u32 $0x7FFFFFFF, v25;
	[tilespmem:v19+s18+$0x0] =	vst.idx.add.s32.msk vm5, v3  }
0x1c0: {  	v11 =	vand.u32 $0x1FF, v7;
	v19 =	vmul.f32 v27, v23;
	v12 =	vand.u32 $0x7FFFFFFF, v28  }
0x1c1: {  	v18 =	vshrl.u32 v15, $0x9;
	v13 =	vmul.f32 v20, v8;
	v12 =	vmul.f32 v12, v21;
	[tilespmem:v24+s18+$0x0] =	vst.idx.add.s32.msk vm8, v3  }
0x1c2: {  	v20 =	vshrl.u32 v19, $0x9;
	v21 =	vshrl.u32 v10, $0x9  }
0x1c3: {  	v15 =	vand.u32 $0x1FF, v15;
	vm5 =	veq.s32 v16, v4;
	v54 =	vand.u32 $0x1FF, v19  }
0x1c4: {  	v17 =	vor.u32 v2, v17;
	v8 =	vmul.f32 v14, v8;
	vm7 =	veq.s32 v18, v4  }
0x1c5: {  	v59 =	vshrl.u32 v9, $0x9;
	v60 =	vand.u32 $0x1FF, v10;
	vm4 =	veq.s32 v20, v4  }
0x1c6: {  	v55 =	vor.u32 v2, v15;
	v56 =	vor.u32 v2, v54;
	v58 =	vshrl.u32 v8, $0x9  }
0x1c7: {  	v57 =	vshrl.u32 v13, $0x9;
	v8 =	vand.u32 $0x1FF, v8;
	vm8 =	veq.s32 v58, v4  }
0x1c8: {  	[tilespmem:v5+s18+$0x0] =	vst.idx.add.s32.msk vm2, v3;
	v5 =	vand.u32 $0x1FF, v13;
	vm2 =	veq.s32 v57, v4;
	v8 =	vor.u32 v2, v8  }
0x1c9: {  	v61 =	vand.u32 $0x1FF, v9;
	vm6 =	veq.s32 v21, v4;
	v5 =	vor.u32 v2, v5;
	[tilespmem:v17+s18+$0x0] =	vst.idx.add.s32.msk vm5, v3  }
0x1ca: {  	v7 =	vshrl.u32 v7, $0x9;
	vm9 =	veq.s32 v59, v4;
	[tilespmem:v6+s18+$0x0] =	vst.idx.add.s32.msk vm3, v3;
	v6 =	vor.u32 v2, v60  }
0x1cb: {  	v62 =	vshrl.u32 v12, $0x9;
	v9 =	vor.u32 v2, v61;
	vm3 =	veq.s32 v7, v4;
	[tilespmem:v56+s18+$0x0] =	vst.idx.add.s32.msk vm4, v3  }
0x1cc: {  	v63 =	vand.u32 $0x1FF, v12;
	vm15 =	veq.s32 v62, v4;
	v7 =	vor.u32 v2, v11;
	[tilespmem:v55+s18+$0x0] =	vst.idx.add.s32.msk vm7, v3  }
0x1cd: {  	v10 =	vor.u32 v2, v63;
	[tilespmem:v8+s18+$0x0] =	vst.idx.add.s32.msk vm8, v3  }
.Ltmp5:
0x1ce: {  	[tilespmem:v5+s18+$0x0] =	vst.idx.add.s32.msk vm2, v3;
	(pc) =	sbr.rel @p0 .LBB2_13-.Ltmp5, $4  }
0x1cf: {  	[tilespmem:v6+s18+$0x0] =	vst.idx.add.s32.msk vm6, v3  }
0x1d0: {  	[tilespmem:v9+s18+$0x0] =	vst.idx.add.s32.msk vm9, v3  }
0x1d1: {  	[tilespmem:v7+s18+$0x0] =	vst.idx.add.s32.msk vm3, v3  }
0x1d2: {  	[tilespmem:v10+s18+$0x0] =	vst.idx.add.s32.msk vm15, v3  }
.Ltmp6:
0x1d3: {  	(pc) =	sbr.rel .LBB2_8-.Ltmp6, $4  }
0x1d4: {  	s25 =	sadd.s32 s25, s10  }
0x1d5: {  	s25 =	sshrl.u32 s25, $0x3  }
0x1d6: {  	s24 =	sadd.s32 $0x1, s24;
	s25 =	sadd.s32 s1, s25  }
0x1d7: {  	[tilespmem:s16], [sflag:$0x2] =	stream.linear.gather [hbm4b:s25+s2], $0x1000, $0x38;
	[tilespmem:$0x15280] =	vst v63  }
.LBB2_13:
0x1d8: {  	s26 =	simm.s32 $0x0;
	s25 =	simm.s32 $0x3810  }
0x1d9: {  	v4 =	vld [tilespmem:s25+$0xFFFFEFF0];
	s26 =	sand.u32 $0x1E0, s26  }
0x1da: {  	v5 =	vld [tilespmem:s26+$0x2A00]  }
0x1db: {  	v6 =	vld [tilespmem:s26+$0x2C00]  }
0x1dc: {  	v7 =	vld [tilespmem:s26+$0x2E00]  }
0x1dd: {  	v8 =	vld [tilespmem:s26+$0x3000]  }
0x1de: {  	v9 =	vld [tilespmem:s26+$0x3200]  }
0x1df: {  	v10 =	vld [tilespmem:s26+$0x3400];
	v4 =	vadd.s32 v4, v5  }
0x1e0: {  	v5 =	vld [tilespmem:s26+$0x3600];
	v4 =	vadd.s32 v6, v4  }
0x1e1: {  	v6 =	vld [tilespmem:s26+$0x3800];
	v4 =	vadd.s32 v7, v4  }
0x1e2: {  	v7 =	vld [tilespmem:s26+$0x3A00];
	v4 =	vadd.s32 v8, v4  }
0x1e3: {  	v8 =	vld [tilespmem:s26+$0x3C00];
	v4 =	vadd.s32 v9, v4  }
0x1e4: {  	v58 =	vld [tilespmem:s26+$0x3E00];
	v4 =	vadd.s32 v10, v4  }
0x1e5: {  	v59 =	vld [tilespmem:s26+$0x4000];
	v4 =	vadd.s32 v5, v4  }
0x1e6: {  	v5 =	vld [tilespmem:s26+$0x4200];
	v4 =	vadd.s32 v6, v4  }
0x1e7: {  	v6 =	vld [tilespmem:s26+$0x4400];
	v4 =	vadd.s32 v7, v4  }
0x1e8: {  	v7 =	vld [tilespmem:s26+$0x4600];
	v4 =	vadd.s32 v8, v4  }
0x1e9: {  	v4 =	vadd.s32 v58, v4  }
0x1ea: {  	v4 =	vadd.s32 v59, v4  }
0x1eb: {  	v4 =	vadd.s32 v5, v4  }
0x1ec: {  	v4 =	vadd.s32 v6, v4  }
0x1ed: {  	s24 =	simm.s32 $0x4810;
	v4 =	vadd.s32 v7, v4  }
0x1ee: {  	[tilespmem:s24+$0xFFFFFFF0] =	vst v4  }
0x1ef: {  	v4 =	vld [tilespmem:s25+$0xFFFFF000]  }
0x1f0: {  	v5 =	vld [tilespmem:s25+$0xFFFFF200]  }
0x1f1: {  	v6 =	vld [tilespmem:s25+$0xFFFFF400]  }
0x1f2: {  	v7 =	vld [tilespmem:s25+$0xFFFFF600]  }
0x1f3: {  	v8 =	vld [tilespmem:s25+$0xFFFFF800]  }
0x1f4: {  	v60 =	vld [tilespmem:s25+$0xFFFFFA00]  }
0x1f5: {  	v61 =	vld [tilespmem:s25+$0xFFFFFC00];
	v4 =	vadd.s32 v4, v5  }
0x1f6: {  	v5 =	vld [tilespmem:s25+$0xFFFFFE00];
	v4 =	vadd.s32 v6, v4  }
0x1f7: {  	v6 =	vld [tilespmem:s25+$0x0];
	v4 =	vadd.s32 v7, v4  }
0x1f8: {  	v7 =	vld [tilespmem:s25+$0x200];
	v4 =	vadd.s32 v8, v4  }
0x1f9: {  	v8 =	vld [tilespmem:s25+$0x400];
	v4 =	vadd.s32 v60, v4  }
0x1fa: {  	v62 =	vld [tilespmem:s25+$0x600];
	v4 =	vadd.s32 v61, v4  }
0x1fb: {  	v63 =	vld [tilespmem:s25+$0x800];
	v4 =	vadd.s32 v5, v4  }
0x1fc: {  	v4 =	vadd.s32 v6, v4  }
0x1fd: {  	v4 =	vadd.s32 v7, v4  }
0x1fe: {  	v11 =	vld [tilespmem:s25+$0xA00];
	v4 =	vadd.s32 v8, v4  }
0x1ff: {  	v5 =	vadd.s32 v62, v4;
	v4 =	vld [tilespmem:s25+$0xC00]  }
0x200: {  	v6 =	vadd.s32 v63, v5;
	v5 =	vld [tilespmem:s25+$0xE00];
	_ =	sdelay $0x2  }
0x201: {  	s28 =	simm.s32 $0x4810;
	s26 =	simm.s32 $0x20;
	v6 =	vadd.s32 v11, v6  }
.LBB2_14:
0x202: {  	p0 =	sne.s32 s26, $0x1E0;
	v4 =	vadd.s32 v4, v6;
	s24 =	sadd.s32 $0x20, s24;
	s25 =	sadd.s32 $0x20, s25  }
0x203: {  	s29 =	smov.u32 s26;
	s26 =	sadd.s32 $0x20, s26;
	v4 =	vadd.s32 v5, v4  }
0x204: {  	[tilespmem:s28+$0x0] =	vst v4;
	s28 =	smov.u32 s24  }
0x205: {  	s29 =	sand.u32 $0x1E0, s29;
	v4 =	vld [tilespmem:s25+$0xFFFFEFF0]  }
0x206: {  	v5 =	vld [tilespmem:s29+$0x2A00]  }
0x207: {  	v6 =	vld [tilespmem:s29+$0x2C00]  }
0x208: {  	v7 =	vld [tilespmem:s29+$0x2E00]  }
0x209: {  	v8 =	vld [tilespmem:s29+$0x3000]  }
0x20a: {  	v9 =	vld [tilespmem:s29+$0x3200]  }
0x20b: {  	v10 =	vld [tilespmem:s29+$0x3400];
	v4 =	vadd.s32 v4, v5  }
0x20c: {  	v5 =	vld [tilespmem:s29+$0x3600];
	v4 =	vadd.s32 v6, v4  }
0x20d: {  	v6 =	vld [tilespmem:s29+$0x3800];
	v4 =	vadd.s32 v7, v4  }
0x20e: {  	v7 =	vld [tilespmem:s29+$0x3A00];
	v4 =	vadd.s32 v8, v4  }
0x20f: {  	v8 =	vld [tilespmem:s29+$0x3C00];
	v4 =	vadd.s32 v9, v4  }
0x210: {  	v9 =	vld [tilespmem:s29+$0x3E00];
	v4 =	vadd.s32 v10, v4  }
0x211: {  	v10 =	vld [tilespmem:s29+$0x4000];
	v4 =	vadd.s32 v5, v4  }
0x212: {  	v5 =	vld [tilespmem:s29+$0x4200];
	v4 =	vadd.s32 v6, v4  }
0x213: {  	v6 =	vld [tilespmem:s29+$0x4400];
	v4 =	vadd.s32 v7, v4  }
0x214: {  	v7 =	vld [tilespmem:s29+$0x4600];
	v4 =	vadd.s32 v8, v4  }
0x215: {  	v4 =	vadd.s32 v9, v4  }
0x216: {  	v4 =	vadd.s32 v10, v4  }
0x217: {  	v4 =	vadd.s32 v5, v4  }
0x218: {  	v4 =	vadd.s32 v6, v4  }
0x219: {  	v4 =	vadd.s32 v7, v4  }
0x21a: {  	[tilespmem:s24+$0xFFFFFFF0] =	vst v4  }
0x21b: {  	v4 =	vld [tilespmem:s25+$0xFFFFF400]  }
0x21c: {  	v5 =	vld [tilespmem:s25+$0xFFFFF000]  }
0x21d: {  	v6 =	vld [tilespmem:s25+$0xFFFFF200]  }
0x21e: {  	v7 =	vld [tilespmem:s25+$0xFFFFF600]  }
0x21f: {  	v8 =	vld [tilespmem:s25+$0xFFFFF800]  }
0x220: {  	v9 =	vld [tilespmem:s25+$0xFFFFFA00]  }
0x221: {  	v10 =	vld [tilespmem:s25+$0xFFFFFC00]  }
0x222: {  	v11 =	vld [tilespmem:s25+$0xFFFFFE00];
	v5 =	vadd.s32 v5, v6  }
0x223: {  	v6 =	vld [tilespmem:s25+$0x0];
	v4 =	vadd.s32 v4, v5  }
0x224: {  	v12 =	vld [tilespmem:s25+$0x200];
	v4 =	vadd.s32 v7, v4  }
0x225: {  	v7 =	vld [tilespmem:s25+$0x400];
	v4 =	vadd.s32 v8, v4  }
0x226: {  	v8 =	vld [tilespmem:s25+$0x600];
	v4 =	vadd.s32 v9, v4  }
0x227: {  	v9 =	vld [tilespmem:s25+$0x800];
	v4 =	vadd.s32 v10, v4  }
0x228: {  	v10 =	vld [tilespmem:s25+$0xA00];
	v5 =	vadd.s32 v11, v4  }
0x229: {  	v4 =	vld [tilespmem:s25+$0xC00];
	v6 =	vadd.s32 v6, v5  }
.Ltmp7:
0x22a: {  	v5 =	vld [tilespmem:s25+$0xE00];
	v6 =	vadd.s32 v12, v6;
	(pc) =	sbr.rel @p0 .LBB2_14-.Ltmp7, $4  }
0x22b: {  	v6 =	vadd.s32 v7, v6  }
0x22c: {  	v6 =	vadd.s32 v8, v6  }
0x22d: {  	v6 =	vadd.s32 v9, v6  }
0x22e: {  	v6 =	vadd.s32 v10, v6  }
0x22f: {  	v4 =	vadd.s32 v4, v6;
	s23 =	sadd.s32 $0x1, s23  }
0x230: {  	v4 =	vadd.s32 v5, v4;
	p0 =	sne.s32 s23, s12  }
.Ltmp8:
0x231: {  	[tilespmem:s28+$0x0] =	vst v4;
	(pc) =	sbr.rel @p0 .LBB2_1-.Ltmp8, $4  }
0x232: {  	[hbm4b:s11+s20] =	stream.strided.scatter [tilespmem:s22], [sflag:$0x3], $0x200, s21, s20, $0x38;
	[tilespmem:$0x15280] =	vst v63  }
0x233: {  	_ =	swait.ge [sflag:s13], $0x200  }
0x234: {  	[sflag:s13] =	ssyncset.done $0x0  }
0x235: {  	[sflag:s13] =	ssyncadd.s32 $0xFFFFFE00  }
0x236: {  	_ =	sfence.sel $0x180000  }
0x237: {  	[bflag:$0x0] =	sbarrier.arrive $0xFFFF  }
0x238: {  	p0 =	sne.s32 s4, $0x0;
	_ =	strace $0x9000004D  }
0x239: {  	s0 =	sadd.s32 @!p0 $0x100000, s0;
	[bflag:$0x2] =	sbarrier.arrive $0xFFFF  }
0x23a: {  	[sflag:s0] =	ssyncadd.tile.s32 @!p0 $0x1;
	_ =	shalt  }
.Lfunc_end2:
_tile_overlayer_lowered:
.L_overlay_start_2:
0x23b: {  	(tag) =	ssettag $0x2  }
0x23c: {  	s0 =	rddreg [dreg:$0x0];
	s2 =	stileid.u32  }
0x23d: {  	s1 =	rddreg [dreg:$0x1];
	p0 =	sne.s32 s2, $0x0  }
0x23e: {  	s3 =	rddreg [dreg:$0x2];
	[bflag:$0x3] =	sbarrier.arrive $0xFFFF;
	s2 =	simm.s32 @!p0 $0x1C03  }
0x23f: {  	[timem:s3], [sflag:s2] =	dma.local @!p0 [hbm:s0], s1  }
0x240: {  	s0 =	simm.s32 @!p0 $0x3  }
0x241: {  	_ =	swait.ge @!p0 [sflag:s0], s1  }
0x242: {  	s1 =	ssub.s32 @!p0 $0x0, s1;
	[sflag:s0] =	ssyncset.done @!p0 $0x0  }
0x243: {  	[sflag:s0] =	ssyncadd.s32 @!p0 s1  }
0x244: {  	[bflag:$0x3] =	sbarrier.arrive $0xFFFF  }
0x245: {  	_ =	shalt  }

// kernel: kernel.7.cloned.1.call-start
scs
__scs_entry_jumppad:
0x0: {  	(pc) =	sbr.rel $0x88, $3  }
0x1: {  	(tag) =	ssettag $0x0;
	lr =	simm.s32 $0x1  }
0x2: {  	[smem:$0x3F9F] =	sst lr;
	_ =	strace $0xD0000000  }
0x3: {  	_ = 	snop  }
0x4: {  	_ = 	snop  }
0x5: {  	_ = 	snop  }
0x6: {  	_ = 	snop  }
0x7: {  	_ = 	snop  }
__scs_overlays_trampoline_lowered:
0x8: {  	[smem:$0x3FAE] =	sst s0  }
0x9: {  	[smem:$0x3FAF] =	sst s1  }
0xa: {  	[smem:$0x3FB0] =	sst s2  }
0xb: {  	[smem:$0x3FB1] =	sst s3  }
0xc: {  	[smem:$0x3FB2] =	sst s4  }
0xd: {  	[smem:$0x3FB3] =	sst s5  }
0xe: {  	[smem:$0x3FB4] =	sst s6  }
0xf: {  	[smem:$0x3FB5] =	sst s7  }
0x10: {  	[smem:$0x3FB6] =	sst s8  }
0x11: {  	[smem:$0x3FB7] =	sst s9;
	s0 =	simm.s32 @!p0 $0x0  }
0x12: {  	s1 =	sld [smem:$0x3F9D];
	s0 =	simm.s32 @p0 $0x1  }
0x13: {  	[smem:$0x3FB8] =	sst s0;
	s0 =	simm.s32 @!p1 $0x0  }
0x14: {  	s2 =	sld [smem:$0x3F9C];
	s0 =	simm.s32 @p1 $0x1  }
0x15: {  	[smem:$0x3FB9] =	sst s0;
	s0 =	simm.s32 @!p2 $0x0  }
0x16: {  	s3 =	sld [smem:$0x3FDB];
	s0 =	simm.s32 @p2 $0x1  }
0x17: {  	s4 =	simm.s32 $0x1BF5;
	[smem:$0x3FBB] =	sst s0  }
0x18: {  	s0 =	sld [smem:$0x3F9E];
	_ =	swait.ge [sflag:s4], $0x0  }
0x19: {  	s7 =	sld [smem:$0x3F9F]  }
0x1a: {  	s8 =	sadd.s32 $0xFFFFE003, lr  }
0x1b: {  	s9 =	sadd.s32 $0xFFFFFEF7, lr;
	s5 =	simm.s32 $0xFFFFFFFF;
	p2 =	slt.u32 s8, $0xFFFFF086  }
0x1c: {  	p1 =	slt.u32 s9, $0xF7A;
	s5 =	simm.s32 @!p2 $0x0  }
0x1d: {  	s5 =	simm.s32 @p1 $0x1;
	p0 =	seq.s32 s7, s2  }
0x1e: {  	s7 =	smul.u32 @!p0 $0xF7A, s2;
	p2 =	seq.s32 @!p0 s5, $0x0  }
0x1f: {  	s9 =	smul.u32 $0xF7A, s1;
	s8 =	simm.s32 @!p0 $0x1BF5;
	p2 =	por !p2, p0  }
0x20: {  	[sflag:s8] =	ssyncset.s32 @!p0 $0xFFFFF086;
	s6 =	sadd.s32 @!p0 s3, s7;
	s7 =	simm.s32 @!p0 $0x108  }
0x21: {  	s3 =	sadd.s32 s3, s9;
	s6 =	sadd.s32 @!p0 $0x88, s6;
	s7 =	simm.s32 @p2 $0x1082  }
0x22: {  	[simem:s7], [sflag:s8] =	dma.local @!p0 [hbm:s6], $0xF7A  }
0x23: {  	s9 =	sor.u32 $0xD0000000, s2;
	s6 =	simm.s32 $0x108;
	_ =	swait.ge @!p0 [sflag:s8], $0x0  }
0x24: {  	s3 =	sadd.s32 $0x88, s3;
	s6 =	simm.s32 @!p1 $0x1082;
	[sflag:s4] =	ssyncset.s32 $0xFFFFF086  }
0x25: {  	[simem:s6], [sflag:s4] =	dma.local [hbm:s3], $0xF7A  }
0x26: {  	[smem:$0x3F9F] =	sst s1;
	(tag) =	ssettag s2;
	_ =	strace s9  }
0x27: {  	s1 =	sld [smem:$0x3FAF]  }
0x28: {  	s2 =	sld [smem:$0x3FB0]  }
0x29: {  	s4 =	sld [smem:$0x3FB2]  }
0x2a: {  	p0 =	seq.s32 s5, $0x0;
	s5 =	sld [smem:$0x3FB3]  }
0x2b: {  	s6 =	sld [smem:$0x3FB4]  }
0x2c: {  	s7 =	sld [smem:$0x3FB5]  }
0x2d: {  	s3 =	simm.s32 $0x108;
	s8 =	sld [smem:$0x3FB6]  }
0x2e: {  	s3 =	simm.s32 @!p0 $0x1082;
	s9 =	sld [smem:$0x3FB7]  }
0x2f: {  	lr =	sadd.s32 s0, s3;
	s0 =	sld [smem:$0x3FAE]  }
0x30: {  	s3 =	sld [smem:$0x3FB1]  }
0x31: {  	[smem:$0x3FBA] =	sst s10  }
0x32: {  	s10 =	sld [smem:$0x3FB8];
	_ =	sdelay $0x3  }
0x33: {  	p0 =	seq.s32 s10, $0x1;
	s10 =	sld [smem:$0x3FBA];
	_ =	sdelay $0x3  }
0x34: {  	[smem:$0x3FBA] =	sst s10  }
0x35: {  	s10 =	sld [smem:$0x3FB9];
	_ =	sdelay $0x3  }
0x36: {  	p1 =	seq.s32 s10, $0x1;
	s10 =	sld [smem:$0x3FBA];
	_ =	sdelay $0x3  }
0x37: {  	[smem:$0x3FBA] =	sst s10  }
0x38: {  	s10 =	sld [smem:$0x3FBB]  }
0x39: {  	_ = 	snop;
	(pc) =	sbr.ind lr, $3  }
0x3a: {  	_ = 	snop  }
0x3b: {  	_ = 	snop  }
0x3c: {  	p2 =	seq.s32 s10, $0x1;
	s10 =	sld [smem:$0x3FBA]  }
0x3d: {  	_ =	shalt  }
0x3e: {  	_ =	shalt  }
0x3f: {  	_ =	shalt  }
0x40: {  	_ =	shalt  }
0x41: {  	_ =	shalt  }
0x42: {  	_ =	shalt  }
0x43: {  	_ =	shalt  }
0x44: {  	_ =	shalt  }
0x45: {  	_ =	shalt  }
0x46: {  	_ =	shalt  }
0x47: {  	_ =	shalt  }
0x48: {  	_ =	shalt  }
0x49: {  	_ =	shalt  }
0x4a: {  	_ =	shalt  }
0x4b: {  	_ =	shalt  }
0x4c: {  	_ =	shalt  }
0x4d: {  	_ =	shalt  }
0x4e: {  	_ =	shalt  }
0x4f: {  	_ =	shalt  }
0x50: {  	_ =	shalt  }
0x51: {  	_ =	shalt  }
0x52: {  	_ =	shalt  }
0x53: {  	_ =	shalt  }
0x54: {  	_ =	shalt  }
0x55: {  	_ =	shalt  }
0x56: {  	_ =	shalt  }
0x57: {  	_ =	shalt  }
0x58: {  	_ =	shalt  }
0x59: {  	_ =	shalt  }
0x5a: {  	_ =	shalt  }
0x5b: {  	_ =	shalt  }
0x5c: {  	_ =	shalt  }
0x5d: {  	_ =	shalt  }
0x5e: {  	_ =	shalt  }
0x5f: {  	_ =	shalt  }
0x60: {  	_ =	shalt  }
0x61: {  	_ =	shalt  }
0x62: {  	_ =	shalt  }
0x63: {  	_ =	shalt  }
0x64: {  	_ =	shalt  }
0x65: {  	_ =	shalt  }
0x66: {  	_ =	shalt  }
0x67: {  	_ =	shalt  }
0x68: {  	_ =	shalt  }
0x69: {  	_ =	shalt  }
0x6a: {  	_ =	shalt  }
0x6b: {  	_ =	shalt  }
0x6c: {  	_ =	shalt  }
0x6d: {  	_ =	shalt  }
0x6e: {  	_ =	shalt  }
0x6f: {  	_ =	shalt  }
0x70: {  	_ =	shalt  }
0x71: {  	_ =	shalt  }
0x72: {  	_ =	shalt  }
0x73: {  	_ =	shalt  }
0x74: {  	_ =	shalt  }
0x75: {  	_ =	shalt  }
0x76: {  	_ =	shalt  }
0x77: {  	_ =	shalt  }
0x78: {  	_ =	shalt  }
0x79: {  	_ =	shalt  }
0x7a: {  	_ =	shalt  }
0x7b: {  	_ =	shalt  }
0x7c: {  	_ =	shalt  }
0x7d: {  	_ =	shalt  }
0x7e: {  	_ =	shalt  }
0x7f: {  	_ =	shalt  }
0x80: {  	_ =	shalt  }
0x81: {  	_ =	shalt  }
0x82: {  	_ =	shalt  }
0x83: {  	_ =	shalt  }
0x84: {  	_ =	shalt  }
0x85: {  	_ =	shalt  }
0x86: {  	_ =	shalt  }
0x87: {  	_ =	shalt  }
.Lfunc_end0:
.L_simem_size_0:
called_computation_lowered:
.L_overlay_start_0:
0x88: {  	s2 =	sld [smem:$0x3FD9]  }
0x89: {  	s3 =	sld [smem:$0x3FFE];
	_ =	sdelay $0x1  }
0x8a: {  	s1 =	srdreg.scid  }
0x8b: {  	s0 =	sand.u32 $0x1, s1  }
0x8c: {  	s17 =	sshll.u32 s0, $0xA;
	s2 =	sadd.s32 s3, s2  }
0x8d: {  	s2 =	sadd.s32 s2, s17  }
0x8e: {  	[smem:$0x3FC6] =	sst s2  }
0x8f: {  	_ = 	snop  }
0x90: {  	s2 =	sld [smem:$0x3FD0];
	(tm) =	ssettm $0x1  }
0x91: {  	s18 =	sld [smem:$0x3FFB];
	_ =	sdelay $0x3  }
0x92: {  	_ =	strace s18  }
0x93: {  	s3 =	sld [smem:$0x3FFC];
	_ =	sdelay $0x3  }
0x94: {  	_ =	strace s3  }
0x95: {  	s3 =	sld [smem:$0x3FFD];
	_ =	sdelay $0x3  }
0x96: {  	_ =	strace s3  }
0x97: {  	_ =	strace $0x8FFFFFFF  }
0x98: {  	s19 =	sld [smem:$0x3FDB];
	_ =	sdelay $0x1  }
0x99: {  	s4 =	simm.s32 $_scs_section_size  }
0x9a: {  	s5 =	simm.s32 $_size__tile_overlayer_lowered;
	s6 =	simm.s32 $_tile_overlayer_lowered  }
0x9b: {  	s22 =	simm.s32 $0x1BFF;
	s21 =	sshll.u32 s6, $0x1;
	s3 =	sadd.s32 s4, s19  }
0x9c: {  	s7 =	simm.s32 $0x0;
	s20 =	sshll.u32 s5, $0x1;
	s5 =	sadd.s32 s21, s3  }
0x9d: {  	[timem:s7], [sflag:s22] =	dma.local [hbm:s5], s20  }
0x9e: {  	_ =	swait.ge [sflag:s22], s20  }
0x9f: {  	s4 =	ssub.s32 $0x0, s20;
	[sflag:s22] =	ssyncset.done $0x0  }
0xa0: {  	[sflag:s22] =	ssyncadd.s32 s4;
	_ =	sdelay $0x1  }
0xa1: {  	s23 =	simm.s32 $0x1B8B  }
0xa2: {  	_ =	swait.ge [sflag:s23], $0x1  }
0xa3: {  	[sflag:s23] =	ssyncset.done $0x0  }
0xa4: {  	s25 =	simm.s32 $0x1B8E;
	s24 =	sld [smem:$0x3FFE];
	[sflag:s23] =	ssyncadd.s32 $0xFFFFFFFF  }
0xa5: {  	s26 =	simm.s32 $execute0_lowered;
	[smem:$0x3FD2] =	sst s25  }
0xa6: {  	s5 =	sshll.u32 s26, $0x1;
	_ =	strace $0x80000046;
	[dreg:$0x1] =	wrdreg $0xFFFFFFFF  }
0xa7: {  	s28 =	simm.s32 $_size_execute0_lowered;
	s3 =	sadd.s32 s3, s5;
	[dreg:$0x0] =	wrdreg $0x0  }
0xa8: {  	s5 =	sshll.u32 s28, $0x1;
	[dreg:$0x2] =	wrdreg s3  }
0xa9: {  	[dreg:$0x3] =	wrdreg s5  }
0xaa: {  	[dreg:$0x4] =	wrdreg $0xC0  }
0xab: {  	_ =	task [dreg:s7], $0x5FFFF  }
0xac: {  	[dreg:$0x1] =	wrdreg $0xFFFFFFFF  }
0xad: {  	[dreg:$0x0] =	wrdreg $0x60  }
0xae: {  	[dreg:$0x2] =	wrdreg s2  }
0xaf: {  	[dreg:$0x3] =	wrdreg s24  }
0xb0: {  	[dreg:$0x4] =	wrdreg $0x9  }
0xb1: {  	_ =	task.clear_ibuf [dreg:s7], $0x5FFFF;
	_ =	strace $0x90000046  }
0xb2: {  	s29 =	simm.s32 $0x9;
	_ =	strace $0x80000048  }
0xb3: {  	_ =	swait.ge [sflag:s29], $0x1  }
0xb4: {  	[sflag:s29] =	ssyncadd.s32 $0xFFFFFFFF  }
0xb5: {  	_ =	strace $0x90000048  }
0xb6: {  	_ =	sfence  }
0xb7: {  	s30 =	sld [smem:$0x0];
	_ =	sdelay $0x2  }
0xb8: {  	s31 =	sshll.u32 s1, $0xD;
	s1 =	sshrl.u32 s1, $0x2  }
0xb9: {  	s3 =	sand.u32 $0x4000, s31;
	s1 =	sadd.s32 s1, s30  }
0xba: {  	s0 =	sor.u32 s3, s0;
	s1 =	sshll.u32 s1, $0x11  }
0xbb: {  	s0 =	sor.u32 s1, s0  }
0xbc: {  	s0 =	sadd.s32 $0x8F2B, s0  }
0xbd: {  	[sflag:s0] =	ssyncadd.remote.s32 $0x1  }
0xbe: {  	_ =	sfence.sel $0xFFFF  }
0xbf: {  	[dreg:$0x0] =	wrdreg $0xFFFFFFFF;
	(pc) =	sbr.abs _section_cstart, $3  }
0xc0: {  	[dreg:$0x1] =	wrdreg $0xFFFFFFFF  }
0xc1: {  	_ =	task.clear_ibuf [dreg:s7], $0x2FFFF;
	_ =	strace $0x9FFFFFFF  }
0xc2: {  	(tm) =	ssettm $0x7FFFFFFF  }
0xc3: {  	_ =	shalt  }
tec
execute0_lowered:
.L_overlay_start_1:
0x0: {  	(tag) =	ssettag $0x1  }
0x1: {  	s1 =	rddreg [dreg:$0x0]  }
0x2: {  	s5 =	rddreg [dreg:$0x1]  }
0x3: {  	s0 =	rddreg [dreg:$0x2];
	s2 =	simm.s32 $0x0;
	s3 =	srdreg.scid  }
0x4: {  	s13 =	simm.s32 $0x1800;
	s14 =	simm.s32 $0x1;
	s15 =	simm.s32 $0x2800  }
0x5: {  	s16 =	simm.s32 $0x2;
	s17 =	simm.s32 $0x80;
	s18 =	simm.s32 $0x400  }
0x6: {  	s19 =	simm.s32 $0xA800;
	s20 =	simm.s32 $0x0;
	[smem:$0x7FF] =	sst s2  }
0x7: {  	s6 =	sand.u32 $0x1, s3;
	s4 =	sadd.s32 $0x2C00, s5;
	s3 =	stileid.u32  }
0x8: {  	_ =	strace $0x80000047;
	s7 =	sshll.u32 s6, $0xC;
	s8 =	ssub.s32 $0x2, s6  }
0x9: {  	s6 =	sshll.u32 s6, $0x15;
	s9 =	sshll.u32 s3, $0x11;
	s29 =	sshll.u32 s3, $0x8  }
0xa: {  	s11 =	sshll.u32 s3, $0x4;
	s7 =	sadd.s32 s7, s5;
	s26 =	sshrl.u32 s8, $0x1  }
0xb: {  	s9 =	sor.u32 s9, s6;
	s30 =	sand.u32 $0x800, s29;
	s11 =	sand.u32 $0x70, s11  }
0xc: {  	s10 =	ssub.s32 s8, s26;
	s28 =	sshrl.u32 s9, $0x3;
	s12 =	sadd.s32 s30, s7  }
0xd: {  	s7 =	sor.u32 $0x2000, s9;
	s8 =	sor.u32 $0x3000, s9;
	s5 =	sadd.s32 s1, s28  }
0xe: {  	v1 =	vlaneseq.u32;
	s31 =	sadd.s32 s11, s12;
	s10 =	smax.u32 s10, $0x1;
	s11 =	simm.s32 $0x3  }
0xf: {  	v0 =	vimm.s32 $0x0;
	v2 =	vimm.s32 $0x1;
	v1 =	vmul.u32 $0x800, v1;
	s12 =	simm.s32 $0x800;
	s6 =	sadd.s32 $0x200, s5;
	s9 =	sadd.s32 $0x2E00, s31  }
.LBB2_1:
0x10: {  	[tilespmem:s2], [sflag:$0x3] =	stream.linear.gather [hbm4b:s4+s2], $0x800, $0x38;
	[tilespmem:$0xB000] =	vst v63  }
0x11: {  	_ =	swait.ge [sflag:s11], $0x800  }
0x12: {  	[sflag:s11] =	ssyncset.done $0x0  }
0x13: {  	s21 =	simm.s32 $0x0;
	s22 =	simm.s32 $0x200;
	[sflag:s11] =	ssyncadd.s32 $0xFFFFF800  }
.LBB2_2:
0x14: {  	p0 =	sne.s32 s22, $0x1FE00;
	[tilespmem:s21+$0x2870] =	vst v0  }
0x15: {  	[tilespmem:s21+$0x2800] =	vst v0  }
0x16: {  	[tilespmem:s21+$0x2810] =	vst v0  }
.Ltmp0:
0x17: {  	[tilespmem:s21+$0x2820] =	vst v0;
	(pc) =	sbr.rel @p0 .LBB2_2-.Ltmp0, $4  }
0x18: {  	[tilespmem:s21+$0x2830] =	vst v0  }
0x19: {  	[tilespmem:s21+$0x2840] =	vst v0  }
0x1a: {  	[tilespmem:s21+$0x2850] =	vst v0  }
0x1b: {  	[tilespmem:s21+$0x2860] =	vst v0;
	s21 =	sshra.s32 s22, $0x2;
	s22 =	sadd.s32 $0x200, s22  }
0x1c: {  	[tilespmem:s21+$0x2870] =	vst v0  }
0x1d: {  	[tilespmem:s21+$0x2800] =	vst v0  }
0x1e: {  	[tilespmem:s21+$0x2810] =	vst v0  }
0x1f: {  	[tilespmem:s21+$0x2820] =	vst v0  }
0x20: {  	[tilespmem:s21+$0x2830] =	vst v0  }
0x21: {  	[tilespmem:s21+$0x2840] =	vst v0  }
0x22: {  	[tilespmem:s21+$0x2850] =	vst v0  }
0x23: {  	[tilespmem:s21+$0x2860] =	vst v0;
	s21 =	simm.s32 $0x0  }
0x24: {  	[tilespmem:s12], [sflag:$0x1] =	stream.linear.gather [hbm4b:s5+s21], $0x1000, $0x38;
	[tilespmem:$0xB000] =	vst v63  }
0x25: {  	_ = 	snop  }
0x26: {  	[tilespmem:s13], [sflag:$0x2] =	stream.linear.gather [hbm4b:s6+s21], $0x1000, $0x38;
	[tilespmem:$0xB000] =	vst v63  }
.LBB2_4:
0x27: {  	_ =	swait.ge [sflag:s14], $0x1000  }
0x28: {  	[sflag:s14] =	ssyncset.done $0x0  }
0x29: {  	s22 =	simm.s32 $0x0;
	[sflag:s14] =	ssyncadd.s32 $0xFFFFF000  }
0x2a: {  	v3 =	vld [tilespmem:s22+$0x1050]  }
0x2b: {  	v4 =	vld [tilespmem:s22+$0x10]  }
0x2c: {  	v5 =	vld [tilespmem:s22+$0x810]  }
0x2d: {  	v6 =	vld [tilespmem:s22+$0x0]  }
0x2e: {  	v7 =	vld [tilespmem:s22+$0x1010]  }
0x2f: {  	v8 =	vld [tilespmem:s22+$0x800]  }
0x30: {  	v9 =	vld [tilespmem:s22+$0x1000]  }
0x31: {  	v10 =	vld [tilespmem:s22+$0x860]  }
0x32: {  	v11 =	vld [tilespmem:s22+$0x1060]  }
0x33: {  	v12 =	vld [tilespmem:s22+$0x1020]  }
0x34: {  	v15 =	vld [tilespmem:s22+$0x830]  }
0x35: {  	v17 =	vld [tilespmem:s22+$0x1040]  }
0x36: {  	v14 =	vld [tilespmem:s22+$0x20];
	v5 =	vand.u32 $0x7FFFFFFF, v5;
	v7 =	vand.u32 $0x7FFFFFFF, v7  }
0x37: {  	v8 =	vand.u32 $0x7FFFFFFF, v8;
	v9 =	vand.u32 $0x7FFFFFFF, v9;
	v13 =	vand.u32 $0x7FFFFFFF, v3  }
0x38: {  	v10 =	vand.u32 $0x7FFFFFFF, v10;
	v11 =	vand.u32 $0x7FFFFFFF, v11;
	v12 =	vand.u32 $0x7FFFFFFF, v12  }
0x39: {  	v15 =	vand.u32 $0x7FFFFFFF, v15;
	v5 =	vmul.f32 v5, v4;
	v8 =	vmul.f32 v8, v6  }
0x3a: {  	v17 =	vand.u32 $0x7FFFFFFF, v17;
	v4 =	vmul.f32 v7, v4;
	v3 =	vmul.f32 v9, v6  }
0x3b: {  	v7 =	vld [tilespmem:s22+$0x820];
	v12 =	vmul.f32 v12, v14;
	v5 =	vshrl.u32 v5, $0x14;
	v8 =	vshrl.u32 v8, $0x14  }
0x3c: {  	v6 =	vld [tilespmem:s22+$0x870];
	v16 =	vshrl.u32 v3, $0x14;
	v4 =	vshrl.u32 v4, $0x14;
	v9 =	vand.u32 $0xF80, v5  }
0x3d: {  	v20 =	vld [tilespmem:s22+$0x60];
	v5 =	vand.u32 $0x7F, v5;
	v18 =	vand.u32 $0xF80, v16;
	v16 =	vand.u32 $0x7F, v16  }
0x3e: {  	v22 =	vld [tilespmem:s22+$0x30];
	v21 =	vand.u32 $0x7F, v4;
	v4 =	vand.u32 $0xF80, v4;
	v3 =	vor.u32 v1, v9  }
0x3f: {  	v24 =	vld [tilespmem:s22+$0x40];
	v9 =	vand.u32 $0x7F, v8;
	v8 =	vand.u32 $0xF80, v8;
	v18 =	vor.u32 v1, v18  }
0x40: {  	v19 =	vor.u32 v5, v3;
	v5 =	vld [tilespmem:s22+$0x1030];
	v8 =	vor.u32 v1, v8;
	v7 =	vand.u32 $0x7FFFFFFF, v7  }
0x41: {  	v3 =	vld [tilespmem:s22+$0x70];
	v23 =	vand.u32 $0x7FFFFFFF, v6;
	v16 =	vor.u32 v16, v18;
	v6 =	vshrl.u32 v12, $0x14  }
0x42: {  	v18 =	vld [tilespmem:s22+$0x840];
	v7 =	vmul.f32 v7, v14;
	v8 =	vor.u32 v9, v8;
	v9 =	vand.u32 $0xF80, v6  }
0x43: {  	v14 =	vor.u32 v1, v4;
	v4 =	vand.u32 $0x7F, v6;
	v9 =	vor.u32 v1, v9  }
0x44: {  	v17 =	vmul.f32 v17, v24;
	v6 =	vmul.f32 v11, v20;
	v4 =	vor.u32 v4, v9;
	v9 =	vld [tilespmem:s22+$0x1070]  }
0x45: {  	v11 =	vmul.f32 v15, v22;
	v21 =	vor.u32 v21, v14;
	v25 =	vshrl.u32 v7, $0x14;
	v7 =	vld [tilespmem:s22+$0x850]  }
0x46: {  	v14 =	vmul.f32 v10, v20;
	v12 =	vand.u32 $0x7FFFFFFF, v5;
	v5 =	vld [tilespmem:s22+$0x50];
	v23 =	vmul.f32 v23, v3  }
0x47: {  	v18 =	vand.u32 $0x7FFFFFFF, v18;
	v15 =	vmul.f32 v12, v22;
	[tilespmem:v8+s15+$0x0] =	vst.idx.add.s32.msk $0xffff, v2;
	v8 =	vshrl.u32 v11, $0x14  }
0x48: {  	v12 =	vand.u32 $0xF80, v25;
	[tilespmem:v16+s15+$0x0] =	vst.idx.add.s32.msk $0xffff, v2;
	v10 =	vand.u32 $0xF80, v8;
	v8 =	vand.u32 $0x7F, v8  }
0x49: {  	v16 =	vshrl.u32 v15, $0x14;
	[tilespmem:v19+s15+$0x0] =	vst.idx.add.s32.msk $0xffff, v2;
	v19 =	vor.u32 v1, v10;
	v15 =	vmul.f32 v18, v24  }
0x4a: {  	v18 =	vand.u32 $0x7F, v25;
	v11 =	vand.u32 $0x7F, v16;
	v8 =	vor.u32 v8, v19  }
0x4b: {  	s22 =	simm.s32 $0x200;
	[tilespmem:v21+s15+$0x0] =	vst.idx.add.s32.msk $0xffff, v2;
	v10 =	vmul.f32 v13, v5;
	v13 =	vand.u32 $0x7FFFFFFF, v7;
	v7 =	vshrl.u32 v23, $0x14  }
.LBB2_5:
0x4c: {  	p0 =	sne.s32 s22, $0x1E00;
	v17 =	vshrl.u32 v17, $0x14;
	v14 =	vshrl.u32 v14, $0x14;
	v16 =	vand.u32 $0xF80, v16;
	s23 =	smov.u32 s22;
	s22 =	sadd.s32 $0x200, s22  }
0x4d: {  	v12 =	vor.u32 v1, v12;
	v19 =	vand.u32 $0xF80, v17;
	v20 =	vand.u32 $0xF80, v14  }
0x4e: {  	v9 =	vand.u32 $0x7FFFFFFF, v9;
	v12 =	vor.u32 v18, v12;
	v18 =	vor.u32 v1, v20  }
0x4f: {  	v15 =	vshrl.u32 v15, $0x14;
	v16 =	vor.u32 v1, v16;
	v17 =	vand.u32 $0x7F, v17  }
0x50: {  	v14 =	vand.u32 $0x7F, v14;
	v11 =	vor.u32 v11, v16;
	v16 =	vor.u32 v1, v19  }
0x51: {  	v5 =	vmul.f32 v13, v5;
	v13 =	vand.u32 $0x7F, v15;
	v14 =	vor.u32 v14, v18  }
0x52: {  	v3 =	vmul.f32 v9, v3;
	v9 =	vand.u32 $0xF80, v15;
	v15 =	vor.u32 v17, v16  }
0x53: {  	v6 =	vshrl.u32 v6, $0x14;
	v5 =	vshrl.u32 v5, $0x14;
	v9 =	vor.u32 v1, v9;
	[tilespmem:v12+s15+$0x0] =	vst.idx.add.s32.msk $0xffff, v2  }
0x54: {  	v10 =	vshrl.u32 v10, $0x14;
	[tilespmem:v4+s15+$0x0] =	vst.idx.add.s32.msk $0xffff, v2;
	v4 =	vor.u32 v13, v9;
	v9 =	vand.u32 $0xF80, v5  }
0x55: {  	v5 =	vand.u32 $0x7F, v5;
	[tilespmem:v8+s15+$0x0] =	vst.idx.add.s32.msk $0xffff, v2;
	v8 =	vor.u32 v1, v9;
	v9 =	vand.u32 $0xF80, v10  }
0x56: {  	v3 =	vshrl.u32 v3, $0x14;
	v10 =	vand.u32 $0x7F, v10;
	[tilespmem:v11+s15+$0x0] =	vst.idx.add.s32.msk $0xffff, v2;
	v11 =	vand.u32 $0xF80, v6  }
0x57: {  	v5 =	vor.u32 v5, v8;
	v6 =	vand.u32 $0x7F, v6;
	v8 =	vor.u32 v1, v11  }
0x58: {  	v11 =	vand.u32 $0xF80, v3;
	v6 =	vor.u32 v6, v8;
	v8 =	vand.u32 $0xF80, v7  }
0x59: {  	[tilespmem:v4+s15+$0x0] =	vst.idx.add.s32.msk $0xffff, v2;
	v4 =	vand.u32 $0x7F, v7;
	v7 =	vor.u32 v1, v8;
	v8 =	vor.u32 v1, v11  }
0x5a: {  	v9 =	vor.u32 v1, v9;
	v3 =	vand.u32 $0x7F, v3;
	[tilespmem:v15+s15+$0x0] =	vst.idx.add.s32.msk $0xffff, v2;
	v4 =	vor.u32 v4, v7  }
0x5b: {  	v7 =	vor.u32 v10, v9;
	v3 =	vor.u32 v3, v8  }
0x5c: {  	[tilespmem:v5+s15+$0x0] =	vst.idx.add.s32.msk $0xffff, v2;
	_ =	sdelay $0x3  }
0x5d: {  	[tilespmem:v7+s15+$0x0] =	vst.idx.add.s32.msk $0xffff, v2  }
0x5e: {  	[tilespmem:v14+s15+$0x0] =	vst.idx.add.s32.msk $0xffff, v2  }
0x5f: {  	[tilespmem:v6+s15+$0x0] =	vst.idx.add.s32.msk $0xffff, v2  }
0x60: {  	[tilespmem:v4+s15+$0x0] =	vst.idx.add.s32.msk $0xffff, v2  }
0x61: {  	s23 =	sshra.s32 s23, $0x2;
	[tilespmem:v3+s15+$0x0] =	vst.idx.add.s32.msk $0xffff, v2  }
0x62: {  	v3 =	vld [tilespmem:s23+$0x1050]  }
0x63: {  	v4 =	vld [tilespmem:s23+$0x10]  }
0x64: {  	v5 =	vld [tilespmem:s23+$0x810]  }
0x65: {  	v6 =	vld [tilespmem:s23+$0x0]  }
0x66: {  	v7 =	vld [tilespmem:s23+$0x1010]  }
0x67: {  	v8 =	vld [tilespmem:s23+$0x800]  }
0x68: {  	v9 =	vld [tilespmem:s23+$0x1000]  }
0x69: {  	v10 =	vld [tilespmem:s23+$0x860]  }
0x6a: {  	v5 =	vand.u32 $0x7FFFFFFF, v5;
	v11 =	vld [tilespmem:s23+$0x1060]  }
0x6b: {  	v5 =	vmul.f32 v5, v4;
	v12 =	vld [tilespmem:s23+$0x1020];
	v7 =	vand.u32 $0x7FFFFFFF, v7  }
0x6c: {  	v13 =	vld [tilespmem:s23+$0x820];
	v8 =	vand.u32 $0x7FFFFFFF, v8;
	v4 =	vmul.f32 v7, v4  }
0x6d: {  	v18 =	vand.u32 $0x7FFFFFFF, v3;
	v7 =	vld [tilespmem:s23+$0x20];
	v8 =	vmul.f32 v8, v6;
	v9 =	vand.u32 $0x7FFFFFFF, v9  }
0x6e: {  	v5 =	vshrl.u32 v5, $0x14;
	v14 =	vld [tilespmem:s23+$0x870];
	v3 =	vmul.f32 v9, v6;
	v10 =	vand.u32 $0x7FFFFFFF, v10  }
0x6f: {  	v9 =	vand.u32 $0xF80, v5;
	v5 =	vand.u32 $0x7F, v5;
	v6 =	vld [tilespmem:s23+$0x830];
	v8 =	vshrl.u32 v8, $0x14  }
0x70: {  	v11 =	vand.u32 $0x7FFFFFFF, v11;
	v9 =	vor.u32 v1, v9;
	v15 =	vld [tilespmem:s23+$0x1040];
	v16 =	vshrl.u32 v3, $0x14  }
0x71: {  	v17 =	vand.u32 $0x7F, v8;
	v20 =	vor.u32 v5, v9;
	v3 =	vld [tilespmem:s23+$0x70];
	v19 =	vand.u32 $0xF80, v16  }
0x72: {  	v5 =	vand.u32 $0x7FFFFFFF, v12;
	v8 =	vand.u32 $0xF80, v8;
	v9 =	vld [tilespmem:s23+$0x1030];
	v12 =	vor.u32 v1, v19  }
0x73: {  	v4 =	vshrl.u32 v4, $0x14;
	v8 =	vor.u32 v1, v8;
	v16 =	vand.u32 $0x7F, v16;
	v19 =	vld [tilespmem:s23+$0x30]  }
0x74: {  	v23 =	vand.u32 $0x7F, v4;
	v13 =	vand.u32 $0x7FFFFFFF, v13;
	v22 =	vmul.f32 v5, v7;
	v21 =	vld [tilespmem:s23+$0x60]  }
0x75: {  	v14 =	vand.u32 $0x7FFFFFFF, v14;
	v12 =	vor.u32 v16, v12;
	v24 =	vand.u32 $0x7FFFFFFF, v6;
	v5 =	vld [tilespmem:s23+$0x50]  }
0x76: {  	v7 =	vmul.f32 v13, v7;
	v8 =	vor.u32 v17, v8;
	v6 =	vshrl.u32 v22, $0x14;
	v16 =	vld [tilespmem:s23+$0x840]  }
0x77: {  	v4 =	vand.u32 $0xF80, v4;
	v13 =	vld [tilespmem:s23+$0x40];
	v17 =	vand.u32 $0x7FFFFFFF, v9;
	v9 =	vand.u32 $0xF80, v6  }
0x78: {  	v22 =	vor.u32 v1, v4;
	v4 =	vand.u32 $0x7F, v6;
	v25 =	vor.u32 v1, v9  }
0x79: {  	v26 =	vmul.f32 v14, v3;
	v9 =	vld [tilespmem:s23+$0x1070];
	v6 =	vmul.f32 v11, v21;
	v4 =	vor.u32 v4, v25  }
0x7a: {  	v22 =	vor.u32 v23, v22;
	v11 =	vmul.f32 v24, v19;
	v24 =	vshrl.u32 v7, $0x14;
	v25 =	vld [tilespmem:s23+$0x850]  }
0x7b: {  	v15 =	vand.u32 $0x7FFFFFFF, v15;
	v7 =	vmul.f32 v17, v19;
	v19 =	vand.u32 $0x7FFFFFFF, v16;
	[tilespmem:v8+s15+$0x0] =	vst.idx.add.s32.msk $0xffff, v2  }
.Ltmp1:
0x7c: {  	v14 =	vmul.f32 v10, v21;
	v8 =	vshrl.u32 v11, $0x14;
	[tilespmem:v12+s15+$0x0] =	vst.idx.add.s32.msk $0xffff, v2;
	v12 =	vand.u32 $0xF80, v24;
	(pc) =	sbr.rel @p0 .LBB2_5-.Ltmp1, $4  }
0x7d: {  	v16 =	vshrl.u32 v7, $0x14;
	v7 =	vand.u32 $0xF80, v8;
	v8 =	vand.u32 $0x7F, v8;
	[tilespmem:v20+s15+$0x0] =	vst.idx.add.s32.msk $0xffff, v2  }
0x7e: {  	v17 =	vmul.f32 v15, v13;
	v11 =	vand.u32 $0x7F, v16;
	v7 =	vor.u32 v1, v7  }
0x7f: {  	v10 =	vmul.f32 v18, v5;
	v15 =	vmul.f32 v19, v13;
	v8 =	vor.u32 v8, v7  }
0x80: {  	v18 =	vand.u32 $0x7F, v24;
	v7 =	vshrl.u32 v26, $0x14;
	v13 =	vand.u32 $0x7FFFFFFF, v25;
	[tilespmem:v22+s15+$0x0] =	vst.idx.add.s32.msk $0xffff, v2  }
0x81: {  	v17 =	vshrl.u32 v17, $0x14  }
0x82: {  	v14 =	vshrl.u32 v14, $0x14;
	v16 =	vand.u32 $0xF80, v16;
	v12 =	vor.u32 v1, v12  }
0x83: {  	v9 =	vand.u32 $0x7FFFFFFF, v9;
	v15 =	vshrl.u32 v15, $0x14;
	v5 =	vmul.f32 v13, v5  }
0x84: {  	v6 =	vshrl.u32 v6, $0x14;
	v10 =	vshrl.u32 v10, $0x14;
	v19 =	vand.u32 $0xF80, v17  }
0x85: {  	v20 =	vand.u32 $0xF80, v14;
	v12 =	vor.u32 v18, v12;
	v16 =	vor.u32 v1, v16  }
0x86: {  	v17 =	vand.u32 $0x7F, v17;
	v14 =	vand.u32 $0x7F, v14;
	v13 =	vand.u32 $0x7F, v15  }
0x87: {  	v3 =	vmul.f32 v9, v3;
	v9 =	vand.u32 $0xF80, v15;
	v18 =	vor.u32 v1, v20  }
0x88: {  	v11 =	vor.u32 v11, v16;
	v16 =	vor.u32 v1, v19;
	v5 =	vshrl.u32 v5, $0x14  }
0x89: {  	v9 =	vor.u32 v1, v9;
	v14 =	vor.u32 v14, v18;
	v15 =	vor.u32 v17, v16  }
0x8a: {  	v9 =	vor.u32 v13, v9;
	v13 =	vand.u32 $0xF80, v5;
	v5 =	vand.u32 $0x7F, v5  }
0x8b: {  	[tilespmem:v12+s15+$0x0] =	vst.idx.add.s32.msk $0xffff, v2;
	v12 =	vor.u32 v1, v13;
	v13 =	vand.u32 $0xF80, v10;
	v10 =	vand.u32 $0x7F, v10  }
0x8c: {  	[tilespmem:v4+s15+$0x0] =	vst.idx.add.s32.msk $0xffff, v2;
	v4 =	vand.u32 $0xF80, v6;
	v5 =	vor.u32 v5, v12;
	v12 =	vor.u32 v1, v13  }
0x8d: {  	v6 =	vand.u32 $0x7F, v6;
	[tilespmem:v8+s15+$0x0] =	vst.idx.add.s32.msk $0xffff, v2;
	v4 =	vor.u32 v1, v4;
	v8 =	vor.u32 v10, v12  }
0x8e: {  	v3 =	vshrl.u32 v3, $0x14;
	[tilespmem:v11+s15+$0x0] =	vst.idx.add.s32.msk $0xffff, v2;
	v4 =	vor.u32 v6, v4;
	v6 =	vand.u32 $0xF80, v7  }
0x8f: {  	v10 =	vand.u32 $0xF80, v3;
	v7 =	vand.u32 $0x7F, v7;
	[tilespmem:v9+s15+$0x0] =	vst.idx.add.s32.msk $0xffff, v2;
	v6 =	vor.u32 v1, v6  }
0x90: {  	v3 =	vand.u32 $0x7F, v3;
	v9 =	vor.u32 v1, v10;
	[tilespmem:v15+s15+$0x0] =	vst.idx.add.s32.msk $0xffff, v2;
	v6 =	vor.u32 v7, v6  }
0x91: {  	v3 =	vor.u32 v3, v9;
	[tilespmem:v5+s15+$0x0] =	vst.idx.add.s32.msk $0xffff, v2  }
0x92: {  	[tilespmem:v8+s15+$0x0] =	vst.idx.add.s32.msk $0xffff, v2  }
0x93: {  	s22 =	sshll.u32 s21, $0xD;
	p0 =	seq.s32 s21, $0xF;
	[tilespmem:v14+s15+$0x0] =	vst.idx.add.s32.msk $0xffff, v2  }
0x94: {  	s23 =	sadd.s32 @!p0 s22, s7;
	[tilespmem:v4+s15+$0x0] =	vst.idx.add.s32.msk $0xffff, v2  }
0x95: {  	s23 =	sshrl.u32 @!p0 s23, $0x3;
	[tilespmem:v6+s15+$0x0] =	vst.idx.add.s32.msk $0xffff, v2  }
0x96: {  	s24 =	simm.s32 @!p0 $0x0;
	s25 =	simm.s32 @!p0 $0x800;
	s23 =	sadd.s32 @!p0 s1, s23;
	[tilespmem:v3+s15+$0x0] =	vst.idx.add.s32.msk $0xffff, v2  }
0x97: {  	[tilespmem:s25], [sflag:$0x1] =	stream.linear.gather @!p0 [hbm4b:s23+s24], $0x1000, $0x38;
	[tilespmem:$0xB000] =	vst v63  }
0x98: {  	_ =	swait.ge [sflag:s16], $0x1000  }
0x99: {  	[sflag:s16] =	ssyncset.done $0x0  }
0x9a: {  	s31 =	simm.s32 $0x0;
	[sflag:s16] =	ssyncadd.s32 $0xFFFFF000  }
0x9b: {  	v3 =	vld [tilespmem:s31+$0x2050]  }
0x9c: {  	v4 =	vld [tilespmem:s31+$0x10]  }
0x9d: {  	v5 =	vld [tilespmem:s31+$0x1810]  }
0x9e: {  	v6 =	vld [tilespmem:s31+$0x0]  }
0x9f: {  	v7 =	vld [tilespmem:s31+$0x2010]  }
0xa0: {  	v8 =	vld [tilespmem:s31+$0x1800]  }
0xa1: {  	v9 =	vld [tilespmem:s31+$0x2000]  }
0xa2: {  	v10 =	vld [tilespmem:s31+$0x1860]  }
0xa3: {  	v11 =	vld [tilespmem:s31+$0x2060]  }
0xa4: {  	v12 =	vld [tilespmem:s31+$0x2020]  }
0xa5: {  	v15 =	vld [tilespmem:s31+$0x1830]  }
0xa6: {  	v17 =	vld [tilespmem:s31+$0x2040]  }
0xa7: {  	v14 =	vld [tilespmem:s31+$0x20];
	v5 =	vand.u32 $0x7FFFFFFF, v5;
	v7 =	vand.u32 $0x7FFFFFFF, v7  }
0xa8: {  	v8 =	vand.u32 $0x7FFFFFFF, v8;
	v9 =	vand.u32 $0x7FFFFFFF, v9;
	v13 =	vand.u32 $0x7FFFFFFF, v3  }
0xa9: {  	v10 =	vand.u32 $0x7FFFFFFF, v10;
	v11 =	vand.u32 $0x7FFFFFFF, v11;
	v12 =	vand.u32 $0x7FFFFFFF, v12  }
0xaa: {  	v15 =	vand.u32 $0x7FFFFFFF, v15;
	v5 =	vmul.f32 v5, v4;
	v8 =	vmul.f32 v8, v6  }
0xab: {  	v17 =	vand.u32 $0x7FFFFFFF, v17;
	v4 =	vmul.f32 v7, v4;
	v3 =	vmul.f32 v9, v6  }
0xac: {  	v7 =	vld [tilespmem:s31+$0x1820];
	v12 =	vmul.f32 v12, v14;
	v5 =	vshrl.u32 v5, $0x14;
	v8 =	vshrl.u32 v8, $0x14  }
0xad: {  	v6 =	vld [tilespmem:s31+$0x1870];
	v16 =	vshrl.u32 v3, $0x14;
	v4 =	vshrl.u32 v4, $0x14;
	v9 =	vand.u32 $0xF80, v5  }
0xae: {  	v20 =	vld [tilespmem:s31+$0x60];
	v5 =	vand.u32 $0x7F, v5;
	v18 =	vand.u32 $0xF80, v16;
	v16 =	vand.u32 $0x7F, v16  }
0xaf: {  	v22 =	vld [tilespmem:s31+$0x30];
	v21 =	vand.u32 $0x7F, v4;
	v4 =	vand.u32 $0xF80, v4;
	v3 =	vor.u32 v1, v9  }
0xb0: {  	v24 =	vld [tilespmem:s31+$0x40];
	v9 =	vand.u32 $0x7F, v8;
	v8 =	vand.u32 $0xF80, v8;
	v18 =	vor.u32 v1, v18  }
0xb1: {  	v19 =	vor.u32 v5, v3;
	v5 =	vld [tilespmem:s31+$0x2030];
	v8 =	vor.u32 v1, v8;
	v7 =	vand.u32 $0x7FFFFFFF, v7  }
0xb2: {  	v3 =	vld [tilespmem:s31+$0x70];
	v23 =	vand.u32 $0x7FFFFFFF, v6;
	v16 =	vor.u32 v16, v18;
	v6 =	vshrl.u32 v12, $0x14  }
0xb3: {  	v18 =	vld [tilespmem:s31+$0x1840];
	v7 =	vmul.f32 v7, v14;
	v8 =	vor.u32 v9, v8;
	v9 =	vand.u32 $0xF80, v6  }
0xb4: {  	v14 =	vor.u32 v1, v4;
	v4 =	vand.u32 $0x7F, v6;
	v9 =	vor.u32 v1, v9  }
0xb5: {  	v17 =	vmul.f32 v17, v24;
	v6 =	vmul.f32 v11, v20;
	v4 =	vor.u32 v4, v9;
	v9 =	vld [tilespmem:s31+$0x2070]  }
0xb6: {  	v11 =	vmul.f32 v15, v22;
	v21 =	vor.u32 v21, v14;
	v25 =	vshrl.u32 v7, $0x14;
	v7 =	vld [tilespmem:s31+$0x1850]  }
0xb7: {  	v14 =	vmul.f32 v10, v20;
	v12 =	vand.u32 $0x7FFFFFFF, v5;
	v5 =	vld [tilespmem:s31+$0x50];
	v23 =	vmul.f32 v23, v3  }
0xb8: {  	v18 =	vand.u32 $0x7FFFFFFF, v18;
	v15 =	vmul.f32 v12, v22;
	[tilespmem:v8+s15+$0x0] =	vst.idx.add.s32.msk $0xffff, v2;
	v8 =	vshrl.u32 v11, $0x14  }
0xb9: {  	v12 =	vand.u32 $0xF80, v25;
	[tilespmem:v16+s15+$0x0] =	vst.idx.add.s32.msk $0xffff, v2;
	v10 =	vand.u32 $0xF80, v8;
	v8 =	vand.u32 $0x7F, v8  }
0xba: {  	v16 =	vshrl.u32 v15, $0x14;
	[tilespmem:v19+s15+$0x0] =	vst.idx.add.s32.msk $0xffff, v2;
	v19 =	vor.u32 v1, v10;
	v15 =	vmul.f32 v18, v24  }
0xbb: {  	v18 =	vand.u32 $0x7F, v25;
	v11 =	vand.u32 $0x7F, v16;
	v8 =	vor.u32 v8, v19  }
0xbc: {  	s23 =	simm.s32 $0x200;
	[tilespmem:v21+s15+$0x0] =	vst.idx.add.s32.msk $0xffff, v2;
	v10 =	vmul.f32 v13, v5;
	v13 =	vand.u32 $0x7FFFFFFF, v7;
	v7 =	vshrl.u32 v23, $0x14  }
.LBB2_7:
0xbd: {  	p1 =	sne.s32 s23, $0x1E00;
	v17 =	vshrl.u32 v17, $0x14;
	v14 =	vshrl.u32 v14, $0x14;
	v16 =	vand.u32 $0xF80, v16;
	s24 =	smov.u32 s23;
	s23 =	sadd.s32 $0x200, s23  }
0xbe: {  	v12 =	vor.u32 v1, v12;
	v19 =	vand.u32 $0xF80, v17;
	v20 =	vand.u32 $0xF80, v14  }
0xbf: {  	v9 =	vand.u32 $0x7FFFFFFF, v9;
	v12 =	vor.u32 v18, v12;
	v18 =	vor.u32 v1, v20  }
0xc0: {  	v15 =	vshrl.u32 v15, $0x14;
	v16 =	vor.u32 v1, v16;
	v17 =	vand.u32 $0x7F, v17  }
0xc1: {  	v14 =	vand.u32 $0x7F, v14;
	v11 =	vor.u32 v11, v16;
	v16 =	vor.u32 v1, v19  }
0xc2: {  	v5 =	vmul.f32 v13, v5;
	v13 =	vand.u32 $0x7F, v15;
	v14 =	vor.u32 v14, v18  }
0xc3: {  	v3 =	vmul.f32 v9, v3;
	v9 =	vand.u32 $0xF80, v15;
	v15 =	vor.u32 v17, v16  }
0xc4: {  	v6 =	vshrl.u32 v6, $0x14;
	v5 =	vshrl.u32 v5, $0x14;
	v9 =	vor.u32 v1, v9;
	[tilespmem:v12+s15+$0x0] =	vst.idx.add.s32.msk $0xffff, v2  }
0xc5: {  	v10 =	vshrl.u32 v10, $0x14;
	[tilespmem:v4+s15+$0x0] =	vst.idx.add.s32.msk $0xffff, v2;
	v4 =	vor.u32 v13, v9;
	v9 =	vand.u32 $0xF80, v5  }
0xc6: {  	v5 =	vand.u32 $0x7F, v5;
	[tilespmem:v8+s15+$0x0] =	vst.idx.add.s32.msk $0xffff, v2;
	v8 =	vor.u32 v1, v9;
	v9 =	vand.u32 $0xF80, v10  }
0xc7: {  	v3 =	vshrl.u32 v3, $0x14;
	v10 =	vand.u32 $0x7F, v10;
	[tilespmem:v11+s15+$0x0] =	vst.idx.add.s32.msk $0xffff, v2;
	v11 =	vand.u32 $0xF80, v6  }
0xc8: {  	v5 =	vor.u32 v5, v8;
	v6 =	vand.u32 $0x7F, v6;
	v8 =	vor.u32 v1, v11  }
0xc9: {  	v11 =	vand.u32 $0xF80, v3;
	v6 =	vor.u32 v6, v8;
	v8 =	vand.u32 $0xF80, v7  }
0xca: {  	[tilespmem:v4+s15+$0x0] =	vst.idx.add.s32.msk $0xffff, v2;
	v4 =	vand.u32 $0x7F, v7;
	v7 =	vor.u32 v1, v8;
	v8 =	vor.u32 v1, v11  }
0xcb: {  	v9 =	vor.u32 v1, v9;
	v3 =	vand.u32 $0x7F, v3;
	[tilespmem:v15+s15+$0x0] =	vst.idx.add.s32.msk $0xffff, v2;
	v4 =	vor.u32 v4, v7  }
0xcc: {  	v7 =	vor.u32 v10, v9;
	v3 =	vor.u32 v3, v8  }
0xcd: {  	[tilespmem:v5+s15+$0x0] =	vst.idx.add.s32.msk $0xffff, v2;
	_ =	sdelay $0x3  }
0xce: {  	[tilespmem:v7+s15+$0x0] =	vst.idx.add.s32.msk $0xffff, v2  }
0xcf: {  	[tilespmem:v14+s15+$0x0] =	vst.idx.add.s32.msk $0xffff, v2  }
0xd0: {  	[tilespmem:v6+s15+$0x0] =	vst.idx.add.s32.msk $0xffff, v2  }
0xd1: {  	[tilespmem:v4+s15+$0x0] =	vst.idx.add.s32.msk $0xffff, v2  }
0xd2: {  	s24 =	sshra.s32 s24, $0x2;
	[tilespmem:v3+s15+$0x0] =	vst.idx.add.s32.msk $0xffff, v2  }
0xd3: {  	v3 =	vld [tilespmem:s24+$0x2050]  }
0xd4: {  	v4 =	vld [tilespmem:s24+$0x10]  }
0xd5: {  	v5 =	vld [tilespmem:s24+$0x1810]  }
0xd6: {  	v6 =	vld [tilespmem:s24+$0x0]  }
0xd7: {  	v7 =	vld [tilespmem:s24+$0x2010]  }
0xd8: {  	v8 =	vld [tilespmem:s24+$0x1800]  }
0xd9: {  	v9 =	vld [tilespmem:s24+$0x2000]  }
0xda: {  	v10 =	vld [tilespmem:s24+$0x1860]  }
0xdb: {  	v5 =	vand.u32 $0x7FFFFFFF, v5;
	v11 =	vld [tilespmem:s24+$0x2060]  }
0xdc: {  	v5 =	vmul.f32 v5, v4;
	v12 =	vld [tilespmem:s24+$0x2020];
	v7 =	vand.u32 $0x7FFFFFFF, v7  }
0xdd: {  	v13 =	vld [tilespmem:s24+$0x1820];
	v8 =	vand.u32 $0x7FFFFFFF, v8;
	v4 =	vmul.f32 v7, v4  }
0xde: {  	v18 =	vand.u32 $0x7FFFFFFF, v3;
	v7 =	vld [tilespmem:s24+$0x20];
	v8 =	vmul.f32 v8, v6;
	v9 =	vand.u32 $0x7FFFFFFF, v9  }
0xdf: {  	v5 =	vshrl.u32 v5, $0x14;
	v14 =	vld [tilespmem:s24+$0x1870];
	v3 =	vmul.f32 v9, v6;
	v10 =	vand.u32 $0x7FFFFFFF, v10  }
0xe0: {  	v9 =	vand.u32 $0xF80, v5;
	v5 =	vand.u32 $0x7F, v5;
	v6 =	vld [tilespmem:s24+$0x1830];
	v8 =	vshrl.u32 v8, $0x14  }
0xe1: {  	v11 =	vand.u32 $0x7FFFFFFF, v11;
	v9 =	vor.u32 v1, v9;
	v15 =	vld [tilespmem:s24+$0x2040];
	v16 =	vshrl.u32 v3, $0x14  }
0xe2: {  	v17 =	vand.u32 $0x7F, v8;
	v20 =	vor.u32 v5, v9;
	v3 =	vld [tilespmem:s24+$0x70];
	v19 =	vand.u32 $0xF80, v16  }
0xe3: {  	v5 =	vand.u32 $0x7FFFFFFF, v12;
	v8 =	vand.u32 $0xF80, v8;
	v9 =	vld [tilespmem:s24+$0x2030];
	v12 =	vor.u32 v1, v19  }
0xe4: {  	v4 =	vshrl.u32 v4, $0x14;
	v8 =	vor.u32 v1, v8;
	v16 =	vand.u32 $0x7F, v16;
	v19 =	vld [tilespmem:s24+$0x30]  }
0xe5: {  	v23 =	vand.u32 $0x7F, v4;
	v13 =	vand.u32 $0x7FFFFFFF, v13;
	v22 =	vmul.f32 v5, v7;
	v21 =	vld [tilespmem:s24+$0x60]  }
0xe6: {  	v14 =	vand.u32 $0x7FFFFFFF, v14;
	v12 =	vor.u32 v16, v12;
	v24 =	vand.u32 $0x7FFFFFFF, v6;
	v5 =	vld [tilespmem:s24+$0x50]  }
0xe7: {  	v7 =	vmul.f32 v13, v7;
	v8 =	vor.u32 v17, v8;
	v6 =	vshrl.u32 v22, $0x14;
	v16 =	vld [tilespmem:s24+$0x1840]  }
0xe8: {  	v4 =	vand.u32 $0xF80, v4;
	v13 =	vld [tilespmem:s24+$0x40];
	v17 =	vand.u32 $0x7FFFFFFF, v9;
	v9 =	vand.u32 $0xF80, v6  }
0xe9: {  	v22 =	vor.u32 v1, v4;
	v4 =	vand.u32 $0x7F, v6;
	v25 =	vor.u32 v1, v9  }
0xea: {  	v26 =	vmul.f32 v14, v3;
	v9 =	vld [tilespmem:s24+$0x2070];
	v6 =	vmul.f32 v11, v21;
	v4 =	vor.u32 v4, v25  }
0xeb: {  	v22 =	vor.u32 v23, v22;
	v11 =	vmul.f32 v24, v19;
	v24 =	vshrl.u32 v7, $0x14;
	v25 =	vld [tilespmem:s24+$0x1850]  }
0xec: {  	v15 =	vand.u32 $0x7FFFFFFF, v15;
	v7 =	vmul.f32 v17, v19;
	v19 =	vand.u32 $0x7FFFFFFF, v16;
	[tilespmem:v8+s15+$0x0] =	vst.idx.add.s32.msk $0xffff, v2  }
.Ltmp2:
0xed: {  	v14 =	vmul.f32 v10, v21;
	v8 =	vshrl.u32 v11, $0x14;
	[tilespmem:v12+s15+$0x0] =	vst.idx.add.s32.msk $0xffff, v2;
	v12 =	vand.u32 $0xF80, v24;
	(pc) =	sbr.rel @p1 .LBB2_7-.Ltmp2, $4  }
0xee: {  	v16 =	vshrl.u32 v7, $0x14;
	v7 =	vand.u32 $0xF80, v8;
	v8 =	vand.u32 $0x7F, v8;
	[tilespmem:v20+s15+$0x0] =	vst.idx.add.s32.msk $0xffff, v2  }
0xef: {  	v17 =	vmul.f32 v15, v13;
	v11 =	vand.u32 $0x7F, v16;
	v7 =	vor.u32 v1, v7  }
0xf0: {  	v10 =	vmul.f32 v18, v5;
	v15 =	vmul.f32 v19, v13;
	v8 =	vor.u32 v8, v7  }
0xf1: {  	v18 =	vand.u32 $0x7F, v24;
	v7 =	vshrl.u32 v26, $0x14;
	v13 =	vand.u32 $0x7FFFFFFF, v25;
	[tilespmem:v22+s15+$0x0] =	vst.idx.add.s32.msk $0xffff, v2  }
0xf2: {  	v17 =	vshrl.u32 v17, $0x14  }
0xf3: {  	v14 =	vshrl.u32 v14, $0x14;
	v16 =	vand.u32 $0xF80, v16;
	v12 =	vor.u32 v1, v12  }
0xf4: {  	v9 =	vand.u32 $0x7FFFFFFF, v9;
	v15 =	vshrl.u32 v15, $0x14;
	v5 =	vmul.f32 v13, v5  }
0xf5: {  	v6 =	vshrl.u32 v6, $0x14;
	v10 =	vshrl.u32 v10, $0x14;
	v60 =	vand.u32 $0xF80, v7  }
0xf6: {  	v62 =	vand.u32 $0x7F, v7;
	v19 =	vand.u32 $0xF80, v17;
	v20 =	vand.u32 $0xF80, v14  }
0xf7: {  	v12 =	vor.u32 v18, v12;
	v16 =	vor.u32 v1, v16;
	v17 =	vand.u32 $0x7F, v17  }
0xf8: {  	v14 =	vand.u32 $0x7F, v14;
	v51 =	vand.u32 $0x7F, v15;
	v3 =	vmul.f32 v9, v3  }
0xf9: {  	v52 =	vand.u32 $0xF80, v15;
	v56 =	vand.u32 $0xF80, v10;
	v10 =	vand.u32 $0x7F, v10  }
0xfa: {  	v11 =	vor.u32 v11, v16;
	v5 =	vshrl.u32 v5, $0x14;
	v9 =	vor.u32 v1, v52  }
0xfb: {  	v50 =	vor.u32 v1, v19;
	v9 =	vor.u32 v51, v9;
	v54 =	vand.u32 $0xF80, v5  }
0xfc: {  	v53 =	vor.u32 v17, v50;
	v5 =	vand.u32 $0x7F, v5;
	v55 =	vor.u32 v1, v54;
	[tilespmem:v12+s15+$0x0] =	vst.idx.add.s32.msk $0xffff, v2  }
0xfd: {  	v57 =	vand.u32 $0xF80, v6;
	v58 =	vor.u32 v1, v56;
	v5 =	vor.u32 v5, v55;
	[tilespmem:v4+s15+$0x0] =	vst.idx.add.s32.msk $0xffff, v2  }
0xfe: {  	v6 =	vand.u32 $0x7F, v6;
	v49 =	vor.u32 v1, v20;
	v59 =	vor.u32 v10, v58;
	[tilespmem:v8+s15+$0x0] =	vst.idx.add.s32.msk $0xffff, v2  }
0xff: {  	v14 =	vor.u32 v14, v49;
	v3 =	vshrl.u32 v3, $0x14;
	v4 =	vor.u32 v1, v57;
	[tilespmem:v11+s15+$0x0] =	vst.idx.add.s32.msk $0xffff, v2  }
0x100: {  	v61 =	vand.u32 $0xF80, v3;
	v4 =	vor.u32 v6, v4;
	v6 =	vor.u32 v1, v60;
	[tilespmem:v9+s15+$0x0] =	vst.idx.add.s32.msk $0xffff, v2  }
0x101: {  	v3 =	vand.u32 $0x7F, v3;
	v63 =	vor.u32 v1, v61;
	v6 =	vor.u32 v62, v6;
	[tilespmem:v53+s15+$0x0] =	vst.idx.add.s32.msk $0xffff, v2  }
0x102: {  	v3 =	vor.u32 v3, v63;
	[tilespmem:v5+s15+$0x0] =	vst.idx.add.s32.msk $0xffff, v2  }
.Ltmp3:
0x103: {  	[tilespmem:v59+s15+$0x0] =	vst.idx.add.s32.msk $0xffff, v2;
	(pc) =	sbr.rel @p0 .LBB2_9-.Ltmp3, $4  }
0x104: {  	[tilespmem:v14+s15+$0x0] =	vst.idx.add.s32.msk $0xffff, v2  }
0x105: {  	[tilespmem:v4+s15+$0x0] =	vst.idx.add.s32.msk $0xffff, v2  }
0x106: {  	[tilespmem:v6+s15+$0x0] =	vst.idx.add.s32.msk $0xffff, v2  }
0x107: {  	[tilespmem:v3+s15+$0x0] =	vst.idx.add.s32.msk $0xffff, v2  }
.Ltmp4:
0x108: {  	(pc) =	sbr.rel .LBB2_4-.Ltmp4, $4  }
0x109: {  	s22 =	sadd.s32 s22, s8  }
0x10a: {  	s22 =	sshrl.u32 s22, $0x3  }
0x10b: {  	s21 =	sadd.s32 $0x1, s21;
	s22 =	sadd.s32 s1, s22  }
0x10c: {  	[tilespmem:s13], [sflag:$0x2] =	stream.linear.gather [hbm4b:s22+s2], $0x1000, $0x38;
	[tilespmem:$0xB000] =	vst v63  }
.LBB2_9:
0x10d: {  	s21 =	simm.s32 $0x0  }
0x10e: {  	v16 =	vld [tilespmem:s21+$0x7010]  }
0x10f: {  	v3 =	vld [tilespmem:s21+$0x8010]  }
0x110: {  	v12 =	vld [tilespmem:s21+$0x5810]  }
0x111: {  	v10 =	vld [tilespmem:s21+$0x4810]  }
0x112: {  	v9 =	vld [tilespmem:s21+$0x4010]  }
0x113: {  	v11 =	vld [tilespmem:s21+$0x5010]  }
0x114: {  	v8 =	vld [tilespmem:s21+$0x3810]  }
0x115: {  	v13 =	vld [tilespmem:s21+$0x6810]  }
0x116: {  	v21 =	vld [tilespmem:s21+$0x6010]  }
0x117: {  	v5 =	vld [tilespmem:s21+$0x3010]  }
0x118: {  	v22 =	vld [tilespmem:s21+$0x2800]  }
0x119: {  	s22 =	simm.s32 $0x0;
	v23 =	vld [tilespmem:s21+$0x2810]  }
0x11a: {  	s23 =	sand.u32 $0x7E0, s22;
	v7 =	vld [tilespmem:s21+$0x7810]  }
0x11b: {  	v14 =	vld [tilespmem:s23+$0x6000]  }
0x11c: {  	v15 =	vld [tilespmem:s23+$0x5800]  }
0x11d: {  	v17 =	vld [tilespmem:s23+$0x4000]  }
0x11e: {  	v18 =	vld [tilespmem:s23+$0x3800]  }
0x11f: {  	v19 =	vld [tilespmem:s23+$0x5000]  }
0x120: {  	v24 =	vld [tilespmem:s23+$0x3000]  }
0x121: {  	v20 =	vld [tilespmem:s23+$0x4800]  }
0x122: {  	v25 =	vld [tilespmem:s23+$0x6800]  }
0x123: {  	v6 =	vld [tilespmem:s23+$0x7000]  }
0x124: {  	v4 =	vld [tilespmem:s23+$0x7800];
	v23 =	vadd.s32 v23, v5  }
0x125: {  	v5 =	vld [tilespmem:s21+$0x8810];
	v22 =	vadd.s32 v22, v24;
	v23 =	vadd.s32 v8, v23  }
0x126: {  	v8 =	vld [tilespmem:s23+$0x8000];
	v18 =	vadd.s32 v18, v22;
	v63 =	vadd.s32 v9, v23  }
0x127: {  	v9 =	vld [tilespmem:s23+$0x8800];
	v17 =	vadd.s32 v17, v18;
	v18 =	vadd.s32 v10, v63  }
0x128: {  	v10 =	vld [tilespmem:s21+$0x9810];
	v17 =	vadd.s32 v20, v17;
	v18 =	vadd.s32 v11, v18  }
0x129: {  	v11 =	vld [tilespmem:s23+$0x9000];
	v17 =	vadd.s32 v19, v17;
	v18 =	vadd.s32 v12, v18  }
0x12a: {  	v12 =	vld [tilespmem:s21+$0xA010];
	v15 =	vadd.s32 v15, v17;
	v17 =	vadd.s32 v21, v18  }
0x12b: {  	v15 =	vadd.s32 v14, v15;
	v14 =	vld [tilespmem:s21+$0x9010];
	v17 =	vadd.s32 v13, v17  }
0x12c: {  	s25 =	simm.s32 $0x80;
	v13 =	vld [tilespmem:s23+$0xA000];
	v15 =	vadd.s32 v25, v15;
	v16 =	vadd.s32 v16, v17  }
.LBB2_10:
0x12d: {  	s26 =	sshra.s32 s25, $0x2  }
0x12e: {  	v17 =	vld [tilespmem:s23+$0x9800];
	s22 =	sadd.s32 $0x20, s22;
	s23 =	smov.u32 s25;
	s24 =	sadd.s32 $0x80, s25  }
0x12f: {  	p0 =	sne.s32 s25, $0x1F80;
	v6 =	vadd.s32 v6, v15;
	v7 =	vadd.s32 v7, v16;
	s23 =	sand.u32 $0x7E0, s22;
	v18 =	vld [tilespmem:s26+$0x7010]  }
0x130: {  	v4 =	vadd.s32 v4, v6;
	v6 =	vadd.s32 v3, v7;
	v3 =	vld [tilespmem:s26+$0x8010]  }
0x131: {  	v4 =	vadd.s32 v8, v4;
	v5 =	vadd.s32 v5, v6;
	v15 =	vld [tilespmem:s26+$0x5810]  }
0x132: {  	v4 =	vadd.s32 v9, v4;
	v5 =	vadd.s32 v14, v5;
	v16 =	vld [tilespmem:s26+$0x4810]  }
0x133: {  	v4 =	vadd.s32 v11, v4;
	v5 =	vadd.s32 v10, v5;
	v9 =	vld [tilespmem:s26+$0x4010]  }
0x134: {  	v4 =	vadd.s32 v17, v4;
	v5 =	vadd.s32 v12, v5;
	v11 =	vld [tilespmem:s26+$0x5010]  }
0x135: {  	v4 =	vadd.s32 v13, v4;
	v8 =	vld [tilespmem:s26+$0x3810];
	[tilespmem:s21+$0xA810] =	vst v5  }
0x136: {  	v13 =	vld [tilespmem:s26+$0x6810];
	[tilespmem:s21+$0xA800] =	vst v4;
	s21 =	smov.u32 s26  }
0x137: {  	v14 =	vld [tilespmem:s23+$0x6000]  }
0x138: {  	v12 =	vld [tilespmem:s23+$0x5800]  }
0x139: {  	v10 =	vld [tilespmem:s23+$0x4000]  }
0x13a: {  	v17 =	vld [tilespmem:s23+$0x3800]  }
0x13b: {  	v19 =	vld [tilespmem:s23+$0x5000]  }
0x13c: {  	v20 =	vld [tilespmem:s23+$0x4800]  }
0x13d: {  	v21 =	vld [tilespmem:s21+$0x6010]  }
0x13e: {  	v5 =	vld [tilespmem:s21+$0x3010]  }
0x13f: {  	v22 =	vld [tilespmem:s21+$0x2800]  }
0x140: {  	v23 =	vld [tilespmem:s21+$0x2810]  }
0x141: {  	v24 =	vld [tilespmem:s23+$0x3000]  }
0x142: {  	v25 =	vld [tilespmem:s23+$0x6800]  }
0x143: {  	v6 =	vld [tilespmem:s23+$0x7000]  }
0x144: {  	v4 =	vld [tilespmem:s23+$0x7800]  }
0x145: {  	v7 =	vld [tilespmem:s21+$0x7810];
	v23 =	vadd.s32 v23, v5  }
0x146: {  	v22 =	vadd.s32 v22, v24;
	v5 =	vld [tilespmem:s21+$0x8810];
	v23 =	vadd.s32 v8, v23  }
0x147: {  	v8 =	vld [tilespmem:s23+$0x8000];
	v17 =	vadd.s32 v17, v22;
	v22 =	vadd.s32 v9, v23  }
0x148: {  	v9 =	vld [tilespmem:s23+$0x8800];
	v10 =	vadd.s32 v10, v17;
	v16 =	vadd.s32 v16, v22  }
.Ltmp5:
0x149: {  	v17 =	vadd.s32 v20, v10;
	v10 =	vld [tilespmem:s21+$0x9810];
	v16 =	vadd.s32 v11, v16;
	(pc) =	sbr.rel @p0 .LBB2_10-.Ltmp5, $4  }
0x14a: {  	v11 =	vld [tilespmem:s23+$0x9000];
	v17 =	vadd.s32 v19, v17;
	v15 =	vadd.s32 v15, v16  }
0x14b: {  	v16 =	vadd.s32 v12, v17;
	v12 =	vld [tilespmem:s21+$0xA010];
	v15 =	vadd.s32 v21, v15  }
0x14c: {  	v16 =	vadd.s32 v14, v16;
	v14 =	vld [tilespmem:s21+$0x9010];
	v17 =	vadd.s32 v13, v15  }
0x14d: {  	s25 =	smov.u32 s24;
	v13 =	vld [tilespmem:s23+$0xA000];
	v15 =	vadd.s32 v25, v16;
	v16 =	vadd.s32 v18, v17  }
0x14e: {  	v17 =	vld [tilespmem:s23+$0x9800];
	v6 =	vadd.s32 v6, v15;
	v7 =	vadd.s32 v7, v16  }
0x14f: {  	v4 =	vadd.s32 v4, v6;
	v3 =	vadd.s32 v3, v7  }
0x150: {  	v4 =	vadd.s32 v8, v4;
	v3 =	vadd.s32 v5, v3  }
0x151: {  	v4 =	vadd.s32 v9, v4;
	v3 =	vadd.s32 v14, v3  }
0x152: {  	v4 =	vadd.s32 v11, v4;
	v3 =	vadd.s32 v10, v3  }
0x153: {  	s20 =	sadd.s32 $0x1, s20;
	v4 =	vadd.s32 v17, v4;
	v3 =	vadd.s32 v12, v3  }
0x154: {  	p0 =	sne.s32 s20, s10;
	v4 =	vadd.s32 v13, v4;
	[tilespmem:s21+$0xA810] =	vst v3  }
.Ltmp6:
0x155: {  	[tilespmem:s21+$0xA800] =	vst v4;
	(pc) =	sbr.rel @p0 .LBB2_1-.Ltmp6, $4  }
0x156: {  	[hbm4b:s9+s17] =	stream.strided.scatter [tilespmem:s19], [sflag:$0x3], $0x800, s18, s17, $0x38;
	[tilespmem:$0xB000] =	vst v63  }
0x157: {  	_ =	swait.ge [sflag:s11], $0x800  }
0x158: {  	[sflag:s11] =	ssyncset.done $0x0  }
0x159: {  	[sflag:s11] =	ssyncadd.s32 $0xFFFFF800  }
0x15a: {  	_ =	sfence.sel $0x180000  }
0x15b: {  	[bflag:$0x0] =	sbarrier.arrive $0xFFFF  }
0x15c: {  	p0 =	sne.s32 s3, $0x0;
	_ =	strace $0x90000047  }
0x15d: {  	s0 =	sadd.s32 @!p0 $0x100000, s0;
	[bflag:$0x2] =	sbarrier.arrive $0xFFFF  }
0x15e: {  	[sflag:s0] =	ssyncadd.tile.s32 @!p0 $0x1;
	_ =	shalt  }
.Lfunc_end2:
_tile_overlayer_lowered:
.L_overlay_start_2:
0x15f: {  	(tag) =	ssettag $0x2  }
0x160: {  	s0 =	rddreg [dreg:$0x0];
	s2 =	stileid.u32  }
0x161: {  	s1 =	rddreg [dreg:$0x1];
	p0 =	sne.s32 s2, $0x0  }
0x162: {  	s3 =	rddreg [dreg:$0x2];
	[bflag:$0x3] =	sbarrier.arrive $0xFFFF;
	s2 =	simm.s32 @!p0 $0x1C03  }
0x163: {  	[timem:s3], [sflag:s2] =	dma.local @!p0 [hbm:s0], s1  }
0x164: {  	s0 =	simm.s32 @!p0 $0x3  }
0x165: {  	_ =	swait.ge @!p0 [sflag:s0], s1  }
0x166: {  	s1 =	ssub.s32 @!p0 $0x0, s1;
	[sflag:s0] =	ssyncset.done @!p0 $0x0  }
0x167: {  	[sflag:s0] =	ssyncadd.s32 @!p0 s1  }
0x168: {  	[bflag:$0x3] =	sbarrier.arrive $0xFFFF  }
0x169: {  	_ =	shalt  }

</sc_bundles>
